<compile_context>
chip_gen: v7x
topology: tpu7x:2x2x1
jax: 0.10.2.dev20260603
libtpu: 0.0.44.dev20260713+nightly
codegen_flags: <defaults>
</compile_context>

<pallas_src>
import functools

import jax
import jax.numpy as jnp
from jax import lax
from jax.experimental import pallas as pl
from jax.experimental.pallas import tpu as pltpu
from jax.experimental.pallas import tpu_sc as plsc

BATCH = 16384
DIM = 64
NBUF = 32


@functools.lru_cache(maxsize=None)
def _build():
    info = plsc.get_sparse_core_info()
    nc, ns = info.num_cores, info.num_subcores
    nw = nc * ns
    b_per_w = BATCH // nw

    mesh = plsc.VectorSubcoreMesh(core_axis_name="c", subcore_axis_name="s")

    @functools.partial(
        pl.kernel,
        mesh=mesh,
        out_type=jax.ShapeDtypeStruct((BATCH, DIM), jnp.float32),
        scratch_types=[
            pltpu.VMEM((b_per_w,), jnp.int32),
            pltpu.VMEM((NBUF, 8, DIM), jnp.float32),
            pltpu.VMEM((b_per_w, DIM), jnp.float32),
            pltpu.SemaphoreType.DMA,
        ],
        compiler_params=pltpu.CompilerParams(
            use_tc_tiling_on_sc=True, needs_layout_passes=False
        ),
    )
    def gather_kernel(ids_hbm, table_hbm, out_hbm, idx_v, ring, rows_v, sem):
        wid = lax.axis_index("s") * nc + lax.axis_index("c")
        base = wid * b_per_w
        lanes = lax.iota(jnp.int32, 16)

        def id_at(k):
            vec = idx_v[pl.ds((k >> 4) << 4, 16)]
            return jnp.max(jnp.where(lanes == (k & 15), vec, -1))

        pltpu.sync_copy(ids_hbm.at[pl.ds(base, b_per_w)], idx_v)

        def fire(k, slot):
            pltpu.async_copy(table_hbm.at[id_at(k) >> 3], ring.at[slot], sem)

        for k in range(NBUF):
            fire(k, k)

        def body(k, carry):
            pltpu.make_async_copy(table_hbm.at[0], ring.at[0], sem).wait()
            slot = lax.rem(k, NBUF)
            r = id_at(k) & 7
            for q in range(DIM // 16):
                rows_v[k, pl.ds(q * 16, 16)] = ring[slot, r, pl.ds(q * 16, 16)]

            @pl.when(k + NBUF < b_per_w)
            def _():
                fire(k + NBUF, slot)

            return carry

        lax.fori_loop(0, b_per_w, body, 0)
        pltpu.sync_copy(rows_v, out_hbm.at[pl.ds(base, b_per_w)])

    return gather_kernel


def kernel(user_ids, item_ids, emb_user, emb_item):
    gather_kernel = _build()
    up3 = emb_user.reshape(emb_user.shape[0] // 8, 8, DIM)
    ip3 = emb_item.reshape(emb_item.shape[0] // 8, 8, DIM)
    item_emb = gather_kernel(item_ids, ip3)
    user_emb = gather_kernel(user_ids, up3)
    return (user_emb, item_emb)

# --- scband reference (transcript-rebuilt; emitter-appended) ---
"""Pipeline reference for scband-embedding-encoder-48275432407740 (READ-ONLY COPY).

The authoritative reference and input builder live on the scoring server;
editing this copy changes nothing except your own understanding.
"""

import jax, jax.numpy as jnp
import numpy as np

NUM_USER = 1000000
NUM_ITEM = 100000
INPUT_DIM = 64
BATCH = 16384

def setup_inputs(seed: int = 0) -> dict:
    key = jax.random.key(seed)
    k1, k2, k3, k4 = jax.random.split(key, 4)
    user_ids = jax.random.randint(k1, (BATCH,), 0, NUM_USER, dtype=jnp.int64 if jax.config.read('jax_enable_x64') else jnp.int32).astype(jnp.int32)
    item_ids = jax.random.randint(k2, (BATCH,), 0, NUM_ITEM).astype(jnp.int32)
    # learned embedding tables, one per node type, init std=0.01 as in the module
    emb_user = jax.random.normal(k3, (NUM_USER, INPUT_DIM), dtype=jnp.float32) * 0.01
    emb_item = jax.random.normal(k4, (NUM_ITEM, INPUT_DIM), dtype=jnp.float32) * 0.01
    return {"user_ids": user_ids, "item_ids": item_ids, "emb_user": emb_user, "emb_item": emb_item}

def reference(user_ids, item_ids, emb_user, emb_item):
    # Faithful translation: per-node-type embedding lookup (dict of type -> gathered rows).
    # Returned as a tuple in fixed type order (user, item).
    user_emb = jnp.take(emb_user, user_ids, axis=0)
    item_emb = jnp.take(emb_item, item_ids, axis=0)
    return (user_emb, item_emb)

if __name__ == "__main__":
    import jax
    _d = setup_inputs()
    print(jax.jit(kernel)(*tuple(_d.values())))

</pallas_src>

<mosaic_0001>
#map = affine_map<(d0, d1) -> (0)>
#map1 = affine_map<(d0, d1) -> (0, 0, 0)>
#map2 = affine_map<(d0, d1) -> (0, 0)>
module attributes {stable_mosaic.version = 14 : i64} {
  func.func @gather_kernel(%arg0: i32, %arg1: i32, %arg2: memref<16384xi32, #tpu.memory_space<hbm>>, %arg3: memref<125000x8x64xf32, #tpu.memory_space<hbm>>, %arg4: memref<16384x64xf32, #tpu.memory_space<hbm>>, %arg5: memref<512xi32, #tpu.memory_space<vmem>>, %arg6: memref<32x8x64xf32, #tpu.memory_space<vmem>>, %arg7: memref<512x64xf32, #tpu.memory_space<vmem>>, %arg8: memref<!tpu.dma_semaphore, #tpu.memory_space<semaphore_mem>>) attributes {dimension_semantics = [#tpu.dimension_semantics<core_parallel>, #tpu.dimension_semantics<subcore_parallel>], iteration_bounds = array<i64: 2, 16>, scalar_prefetch = 0 : i64, scratch_operands = 4 : i64, tpu.core_type = #tpu.core_type<sc_vector_subcore>, window_params = [{transform_indices = #map}, {transform_indices = #map1}, {transform_indices = #map2}]} {
    %mul3A = arith.constant 2 : i32
    %mul3A_0 = arith.muli %arg1, %mul3A : i32
    %add3A = arith.addi %mul3A_0, %arg0 : i32
    %mul3A_1 = arith.constant 512 : i32
    %mul3A_2 = arith.muli %add3A, %mul3A_1 : i32
    %iota3A = tpu.iota {dimensions = array<i32: 0>} : vector<16xi32>
    "tpu.region"() ({
      %run_scoped3A = tpu.sem_alloc : memref<!tpu.dma_semaphore, #tpu.memory_space<semaphore_mem>>
      %dma_start3A_1120 = tpu.memref_slice %arg2[%mul3A_2] : memref<16384xi32, #tpu.memory_space<hbm>> -> memref<512xi32, #tpu.memory_space<hbm>>
      %dma_start3A_1121 = tpu.memref_slice %arg2[%mul3A_2] : memref<16384xi32, #tpu.memory_space<hbm>> -> memref<512xi32, #tpu.memory_space<hbm>>
      tpu.enqueue_dma source(%dma_start3A_1121 : memref<512xi32, #tpu.memory_space<hbm>>) target(%arg5 : memref<512xi32, #tpu.memory_space<vmem>>) target_semaphore(%run_scoped3A : memref<!tpu.dma_semaphore, #tpu.memory_space<semaphore_mem>>)
      %dma_wait3A = tpu.memref_slice %arg2[%mul3A_2] : memref<16384xi32, #tpu.memory_space<hbm>> -> memref<512xi32, #tpu.memory_space<hbm>>
      %dma_wait3A_1122 = tpu.memref_slice %arg2[%mul3A_2] : memref<16384xi32, #tpu.memory_space<hbm>> -> memref<512xi32, #tpu.memory_space<hbm>>
      tpu.wait_dma2 semaphore(%run_scoped3A : memref<!tpu.dma_semaphore, #tpu.memory_space<semaphore_mem>>) src(%dma_wait3A_1122 : memref<512xi32, #tpu.memory_space<hbm>>) dst(%arg5 : memref<512xi32, #tpu.memory_space<vmem>>)
      tpu.yield
    }) : () -> ()
    %get3A = arith.constant 0 : index
    %get3A_3 = tpu.vector_load %arg5[%get3A] {strides = array<i32>} : memref<512xi32, #tpu.memory_space<vmem>>, vector<16xi32>,
    %eq3A = arith.constant 0 : i32
    %eq3A_4 = vector.broadcast %eq3A : i32 to vector<16xi32>
    %eq3A_5 = arith.cmpi eq, %iota3A, %eq3A_4 : vector<16xi32>
    %jit3A = arith.constant -1 : i32
    %broadcast_in_dim3A = vector.broadcast %jit3A : i32 to vector<16xi32>
    %select_n3A = arith.select %eq3A_5, %get3A_3, %broadcast_in_dim3A : vector<16xi1>, vector<16xi32>
    %reduce_max3A = arith.constant true
    %reduce_max3A_6 = vector.broadcast %reduce_max3A : i1 to vector<16xi1>
    %reduce_max3A_7 = arith.constant -2147483648 : i32
    %reduce_max3A_8 = vector.broadcast %reduce_max3A_7 : i32 to vector<16xi32>
    %reduce_max3A_9 = arith.xori %select_n3A, %reduce_max3A_8 : vector<16xi32>
    %reduce_max3A_10 = tpu.scan <max>, %reduce_max3A_9 masked %reduce_max3A_6 : vector<16xi32>, vector<16xi1> -> vector<16xi32>
    %reduce_max3A_11 = arith.xori %reduce_max3A_10, %reduce_max3A_8 : vector<16xi32>
    %reduce_max3A_12 = vector.extract %reduce_max3A_11[15] : i32 from vector<16xi32>
    %shift_right_arithmetic3A = arith.constant 3 : i32
    %shift_right_arithmetic3A_13 = arith.shrsi %reduce_max3A_12, %shift_right_arithmetic3A : i32
    %dma_start3A = arith.constant 0 : i32
    %dma_start3A_14 = arith.constant 0 : i32
    %dma_start3A_15 = arith.constant 0 : i32
    %dma_start3A_16 = tpu.memref_slice %arg6[%dma_start3A, %dma_start3A_14, %dma_start3A_15] : memref<32x8x64xf32, #tpu.memory_space<vmem>> -> memref<1x8x64xf32, #tpu.memory_space<vmem>>
    %dma_start3A_17 = tpu.memref_squeeze %dma_start3A_16 : memref<1x8x64xf32, #tpu.memory_space<vmem>> -> memref<8x64xf32, #tpu.memory_space<vmem>>
    %dma_start3A_18 = arith.constant 0 : i32
    %dma_start3A_19 = arith.constant 0 : i32
    %dma_start3A_20 = tpu.memref_slice %arg3[%shift_right_arithmetic3A_13, %dma_start3A_18, %dma_start3A_19] : memref<125000x8x64xf32, #tpu.memory_space<hbm>> -> memref<1x8x64xf32, #tpu.memory_space<hbm>>
    %dma_start3A_21 = tpu.memref_squeeze %dma_start3A_20 : memref<1x8x64xf32, #tpu.memory_space<hbm>> -> memref<8x64xf32, #tpu.memory_space<hbm>>
    %dma_start3A_22 = arith.constant 0 : i32
    %dma_start3A_23 = arith.constant 0 : i32
    %dma_start3A_24 = tpu.memref_slice %arg6[%dma_start3A, %dma_start3A_22, %dma_start3A_23] : memref<32x8x64xf32, #tpu.memory_space<vmem>> -> memref<1x8x64xf32, #tpu.memory_space<vmem>>
    %dma_start3A_25 = tpu.memref_squeeze %dma_start3A_24 : memref<1x8x64xf32, #tpu.memory_space<vmem>> -> memref<8x64xf32, #tpu.memory_space<vmem>>
    %dma_start3A_26 = arith.constant 0 : i32
    %dma_start3A_27 = arith.constant 0 : i32
    %dma_start3A_28 = tpu.memref_slice %arg3[%shift_right_arithmetic3A_13, %dma_start3A_26, %dma_start3A_27] : memref<125000x8x64xf32, #tpu.memory_space<hbm>> -> memref<1x8x64xf32, #tpu.memory_space<hbm>>
    %dma_start3A_29 = tpu.memref_squeeze %dma_start3A_28 : memref<1x8x64xf32, #tpu.memory_space<hbm>> -> memref<8x64xf32, #tpu.memory_space<hbm>>
    tpu.enqueue_dma source(%dma_start3A_29 : memref<8x64xf32, #tpu.memory_space<hbm>>) target(%dma_start3A_25 : memref<8x64xf32, #tpu.memory_space<vmem>>) target_semaphore(%arg8 : memref<!tpu.dma_semaphore, #tpu.memory_space<semaphore_mem>>)
    %get3A_30 = arith.constant 0 : index
    %get3A_31 = tpu.vector_load %arg5[%get3A_30] {strides = array<i32>} : memref<512xi32, #tpu.memory_space<vmem>>, vector<16xi32>,
    %eq3A_32 = arith.constant 1 : i32
    %eq3A_33 = vector.broadcast %eq3A_32 : i32 to vector<16xi32>
    %eq3A_34 = arith.cmpi eq, %iota3A, %eq3A_33 : vector<16xi32>
    %jit3A_35 = arith.constant -1 : i32
    %broadcast_in_dim3A_36 = vector.broadcast %jit3A_35 : i32 to vector<16xi32>
    %select_n3A_37 = arith.select %eq3A_34, %get3A_31, %broadcast_in_dim3A_36 : vector<16xi1>, vector<16xi32>
    %reduce_max3A_38 = arith.constant true
    %reduce_max3A_39 = vector.broadcast %reduce_max3A_38 : i1 to vector<16xi1>
    %reduce_max3A_40 = arith.constant -2147483648 : i32
    %reduce_max3A_41 = vector.broadcast %reduce_max3A_40 : i32 to vector<16xi32>
    %reduce_max3A_42 = arith.xori %select_n3A_37, %reduce_max3A_41 : vector<16xi32>
    %reduce_max3A_43 = tpu.scan <max>, %reduce_max3A_42 masked %reduce_max3A_39 : vector<16xi32>, vector<16xi1> -> vector<16xi32>
    %reduce_max3A_44 = arith.xori %reduce_max3A_43, %reduce_max3A_41 : vector<16xi32>
    %reduce_max3A_45 = vector.extract %reduce_max3A_44[15] : i32 from vector<16xi32>
    %shift_right_arithmetic3A_46 = arith.constant 3 : i32
    %shift_right_arithmetic3A_47 = arith.shrsi %reduce_max3A_45, %shift_right_arithmetic3A_46 : i32
    %dma_start3A_48 = arith.constant 1 : i32
    %dma_start3A_49 = arith.constant 0 : i32
    %dma_start3A_50 = arith.constant 0 : i32
    %dma_start3A_51 = tpu.memref_slice %arg6[%dma_start3A_48, %dma_start3A_49, %dma_start3A_50] : memref<32x8x64xf32, #tpu.memory_space<vmem>> -> memref<1x8x64xf32, #tpu.memory_space<vmem>>
    %dma_start3A_52 = tpu.memref_squeeze %dma_start3A_51 : memref<1x8x64xf32, #tpu.memory_space<vmem>> -> memref<8x64xf32, #tpu.memory_space<vmem>>
    %dma_start3A_53 = arith.constant 0 : i32
    %dma_start3A_54 = arith.constant 0 : i32
    %dma_start3A_55 = tpu.memref_slice %arg3[%shift_right_arithmetic3A_47, %dma_start3A_53, %dma_start3A_54] : memref<125000x8x64xf32, #tpu.memory_space<hbm>> -> memref<1x8x64xf32, #tpu.memory_space<hbm>>
    %dma_start3A_56 = tpu.memref_squeeze %dma_start3A_55 : memref<1x8x64xf32, #tpu.memory_space<hbm>> -> memref<8x64xf32, #tpu.memory_space<hbm>>
    %dma_start3A_57 = arith.constant 0 : i32
    %dma_start3A_58 = arith.constant 0 : i32
    %dma_start3A_59 = tpu.memref_slice %arg6[%dma_start3A_48, %dma_start3A_57, %dma_start3A_58] : memref<32x8x64xf32, #tpu.memory_space<vmem>> -> memref<1x8x64xf32, #tpu.memory_space<vmem>>
    %dma_start3A_60 = tpu.memref_squeeze %dma_start3A_59 : memref<1x8x64xf32, #tpu.memory_space<vmem>> -> memref<8x64xf32, #tpu.memory_space<vmem>>
    %dma_start3A_61 = arith.constant 0 : i32
    %dma_start3A_62 = arith.constant 0 : i32
    %dma_start3A_63 = tpu.memref_slice %arg3[%shift_right_arithmetic3A_47, %dma_start3A_61, %dma_start3A_62] : memref<125000x8x64xf32, #tpu.memory_space<hbm>> -> memref<1x8x64xf32, #tpu.memory_space<hbm>>
    %dma_start3A_64 = tpu.memref_squeeze %dma_start3A_63 : memref<1x8x64xf32, #tpu.memory_space<hbm>> -> memref<8x64xf32, #tpu.memory_space<hbm>>
    tpu.enqueue_dma source(%dma_start3A_64 : memref<8x64xf32, #tpu.memory_space<hbm>>) target(%dma_start3A_60 : memref<8x64xf32, #tpu.memory_space<vmem>>) target_semaphore(%arg8 : memref<!tpu.dma_semaphore, #tpu.memory_space<semaphore_mem>>)
    %get3A_65 = arith.constant 0 : index
    %get3A_66 = tpu.vector_load %arg5[%get3A_65] {strides = array<i32>} : memref<512xi32, #tpu.memory_space<vmem>>, vector<16xi32>,
    %eq3A_67 = arith.constant 2 : i32
    %eq3A_68 = vector.broadcast %eq3A_67 : i32 to vector<16xi32>
    %eq3A_69 = arith.cmpi eq, %iota3A, %eq3A_68 : vector<16xi32>
    %jit3A_70 = arith.constant -1 : i32
    %broadcast_in_dim3A_71 = vector.broadcast %jit3A_70 : i32 to vector<16xi32>
    %select_n3A_72 = arith.select %eq3A_69, %get3A_66, %broadcast_in_dim3A_71 : vector<16xi1>, vector<16xi32>
    %reduce_max3A_73 = arith.constant true
    %reduce_max3A_74 = vector.broadcast %reduce_max3A_73 : i1 to vector<16xi1>
    %reduce_max3A_75 = arith.constant -2147483648 : i32
    %reduce_max3A_76 = vector.broadcast %reduce_max3A_75 : i32 to vector<16xi32>
    %reduce_max3A_77 = arith.xori %select_n3A_72, %reduce_max3A_76 : vector<16xi32>
    %reduce_max3A_78 = tpu.scan <max>, %reduce_max3A_77 masked %reduce_max3A_74 : vector<16xi32>, vector<16xi1> -> vector<16xi32>
    %reduce_max3A_79 = arith.xori %reduce_max3A_78, %reduce_max3A_76 : vector<16xi32>
    %reduce_max3A_80 = vector.extract %reduce_max3A_79[15] : i32 from vector<16xi32>
    %shift_right_arithmetic3A_81 = arith.constant 3 : i32
    %shift_right_arithmetic3A_82 = arith.shrsi %reduce_max3A_80, %shift_right_arithmetic3A_81 : i32
    %dma_start3A_83 = arith.constant 2 : i32
    %dma_start3A_84 = arith.constant 0 : i32
    %dma_start3A_85 = arith.constant 0 : i32
    %dma_start3A_86 = tpu.memref_slice %arg6[%dma_start3A_83, %dma_start3A_84, %dma_start3A_85] : memref<32x8x64xf32, #tpu.memory_space<vmem>> -> memref<1x8x64xf32, #tpu.memory_space<vmem>>
    %dma_start3A_87 = tpu.memref_squeeze %dma_start3A_86 : memref<1x8x64xf32, #tpu.memory_space<vmem>> -> memref<8x64xf32, #tpu.memory_space<vmem>>
    %dma_start3A_88 = arith.constant 0 : i32
    %dma_start3A_89 = arith.constant 0 : i32
    %dma_start3A_90 = tpu.memref_slice %arg3[%shift_right_arithmetic3A_82, %dma_start3A_88, %dma_start3A_89] : memref<125000x8x64xf32, #tpu.memory_space<hbm>> -> memref<1x8x64xf32, #tpu.memory_space<hbm>>
    %dma_start3A_91 = tpu.memref_squeeze %dma_start3A_90 : memref<1x8x64xf32, #tpu.memory_space<hbm>> -> memref<8x64xf32, #tpu.memory_space<hbm>>
    %dma_start3A_92 = arith.constant 0 : i32
    %dma_start3A_93 = arith.constant 0 : i32
    %dma_start3A_94 = tpu.memref_slice %arg6[%dma_start3A_83, %dma_start3A_92, %dma_start3A_93] : memref<32x8x64xf32, #tpu.memory_space<vmem>> -> memref<1x8x64xf32, #tpu.memory_space<vmem>>
    %dma_start3A_95 = tpu.memref_squeeze %dma_start3A_94 : memref<1x8x64xf32, #tpu.memory_space<vmem>> -> memref<8x64xf32, #tpu.memory_space<vmem>>
    %dma_start3A_96 = arith.constant 0 : i32
    %dma_start3A_97 = arith.constant 0 : i32
    %dma_start3A_98 = tpu.memref_slice %arg3[%shift_right_arithmetic3A_82, %dma_start3A_96, %dma_start3A_97] : memref<125000x8x64xf32, #tpu.memory_space<hbm>> -> memref<1x8x64xf32, #tpu.memory_space<hbm>>
    %dma_start3A_99 = tpu.memref_squeeze %dma_start3A_98 : memref<1x8x64xf32, #tpu.memory_space<hbm>> -> memref<8x64xf32, #tpu.memory_space<hbm>>
    tpu.enqueue_dma source(%dma_start3A_99 : memref<8x64xf32, #tpu.memory_space<hbm>>) target(%dma_start3A_95 : memref<8x64xf32, #tpu.memory_space<vmem>>) target_semaphore(%arg8 : memref<!tpu.dma_semaphore, #tpu.memory_space<semaphore_mem>>)
    %get3A_100 = arith.constant 0 : index
    %get3A_101 = tpu.vector_load %arg5[%get3A_100] {strides = array<i32>} : memref<512xi32, #tpu.memory_space<vmem>>, vector<16xi32>,
    %eq3A_102 = arith.constant 3 : i32
    %eq3A_103 = vector.broadcast %eq3A_102 : i32 to vector<16xi32>
    %eq3A_104 = arith.cmpi eq, %iota3A, %eq3A_103 : vector<16xi32>
    %jit3A_105 = arith.constant -1 : i32
    %broadcast_in_dim3A_106 = vector.broadcast %jit3A_105 : i32 to vector<16xi32>
    %select_n3A_107 = arith.select %eq3A_104, %get3A_101, %broadcast_in_dim3A_106 : vector<16xi1>, vector<16xi32>
    %reduce_max3A_108 = arith.constant true
    %reduce_max3A_109 = vector.broadcast %reduce_max3A_108 : i1 to vector<16xi1>
    %reduce_max3A_110 = arith.constant -2147483648 : i32
    %reduce_max3A_111 = vector.broadcast %reduce_max3A_110 : i32 to vector<16xi32>
    %reduce_max3A_112 = arith.xori %select_n3A_107, %reduce_max3A_111 : vector<16xi32>
    %reduce_max3A_113 = tpu.scan <max>, %reduce_max3A_112 masked %reduce_max3A_109 : vector<16xi32>, vector<16xi1> -> vector<16xi32>
    %reduce_max3A_114 = arith.xori %reduce_max3A_113, %reduce_max3A_111 : vector<16xi32>
    %reduce_max3A_115 = vector.extract %reduce_max3A_114[15] : i32 from vector<16xi32>
    %shift_right_arithmetic3A_116 = arith.constant 3 : i32
    %shift_right_arithmetic3A_117 = arith.shrsi %reduce_max3A_115, %shift_right_arithmetic3A_116 : i32
    %dma_start3A_118 = arith.constant 3 : i32
    %dma_start3A_119 = arith.constant 0 : i32
    %dma_start3A_120 = arith.constant 0 : i32
    %dma_start3A_121 = tpu.memref_slice %arg6[%dma_start3A_118, %dma_start3A_119, %dma_start3A_120] : memref<32x8x64xf32, #tpu.memory_space<vmem>> -> memref<1x8x64xf32, #tpu.memory_space<vmem>>
    %dma_start3A_122 = tpu.memref_squeeze %dma_start3A_121 : memref<1x8x64xf32, #tpu.memory_space<vmem>> -> memref<8x64xf32, #tpu.memory_space<vmem>>
    %dma_start3A_123 = arith.constant 0 : i32
    %dma_start3A_124 = arith.constant 0 : i32
    %dma_start3A_125 = tpu.memref_slice %arg3[%shift_right_arithmetic3A_117, %dma_start3A_123, %dma_start3A_124] : memref<125000x8x64xf32, #tpu.memory_space<hbm>> -> memref<1x8x64xf32, #tpu.memory_space<hbm>>
    %dma_start3A_126 = tpu.memref_squeeze %dma_start3A_125 : memref<1x8x64xf32, #tpu.memory_space<hbm>> -> memref<8x64xf32, #tpu.memory_space<hbm>>
    %dma_start3A_127 = arith.constant 0 : i32
    %dma_start3A_128 = arith.constant 0 : i32
    %dma_start3A_129 = tpu.memref_slice %arg6[%dma_start3A_118, %dma_start3A_127, %dma_start3A_128] : memref<32x8x64xf32, #tpu.memory_space<vmem>> -> memref<1x8x64xf32, #tpu.memory_space<vmem>>
    %dma_start3A_130 = tpu.memref_squeeze %dma_start3A_129 : memref<1x8x64xf32, #tpu.memory_space<vmem>> -> memref<8x64xf32, #tpu.memory_space<vmem>>
    %dma_start3A_131 = arith.constant 0 : i32
    %dma_start3A_132 = arith.constant 0 : i32
    %dma_start3A_133 = tpu.memref_slice %arg3[%shift_right_arithmetic3A_117, %dma_start3A_131, %dma_start3A_132] : memref<125000x8x64xf32, #tpu.memory_space<hbm>> -> memref<1x8x64xf32, #tpu.memory_space<hbm>>
    %dma_start3A_134 = tpu.memref_squeeze %dma_start3A_133 : memref<1x8x64xf32, #tpu.memory_space<hbm>> -> memref<8x64xf32, #tpu.memory_space<hbm>>
    tpu.enqueue_dma source(%dma_start3A_134 : memref<8x64xf32, #tpu.memory_space<hbm>>) target(%dma_start3A_130 : memref<8x64xf32, #tpu.memory_space<vmem>>) target_semaphore(%arg8 : memref<!tpu.dma_semaphore, #tpu.memory_space<semaphore_mem>>)
    %get3A_135 = arith.constant 0 : index
    %get3A_136 = tpu.vector_load %arg5[%get3A_135] {strides = array<i32>} : memref<512xi32, #tpu.memory_space<vmem>>, vector<16xi32>,
    %eq3A_137 = arith.constant 4 : i32
    %eq3A_138 = vector.broadcast %eq3A_137 : i32 to vector<16xi32>
    %eq3A_139 = arith.cmpi eq, %iota3A, %eq3A_138 : vector<16xi32>
    %jit3A_140 = arith.constant -1 : i32
    %broadcast_in_dim3A_141 = vector.broadcast %jit3A_140 : i32 to vector<16xi32>
    %select_n3A_142 = arith.select %eq3A_139, %get3A_136, %broadcast_in_dim3A_141 : vector<16xi1>, vector<16xi32>
    %reduce_max3A_143 = arith.constant true
    %reduce_max3A_144 = vector.broadcast %reduce_max3A_143 : i1 to vector<16xi1>
    %reduce_max3A_145 = arith.constant -2147483648 : i32
    %reduce_max3A_146 = vector.broadcast %reduce_max3A_145 : i32 to vector<16xi32>
    %reduce_max3A_147 = arith.xori %select_n3A_142, %reduce_max3A_146 : vector<16xi32>
    %reduce_max3A_148 = tpu.scan <max>, %reduce_max3A_147 masked %reduce_max3A_144 : vector<16xi32>, vector<16xi1> -> vector<16xi32>
    %reduce_max3A_149 = arith.xori %reduce_max3A_148, %reduce_max3A_146 : vector<16xi32>
    %reduce_max3A_150 = vector.extract %reduce_max3A_149[15] : i32 from vector<16xi32>
    %shift_right_arithmetic3A_151 = arith.constant 3 : i32
    %shift_right_arithmetic3A_152 = arith.shrsi %reduce_max3A_150, %shift_right_arithmetic3A_151 : i32
    %dma_start3A_153 = arith.constant 4 : i32
    %dma_start3A_154 = arith.constant 0 : i32
    %dma_start3A_155 = arith.constant 0 : i32
    %dma_start3A_156 = tpu.memref_slice %arg6[%dma_start3A_153, %dma_start3A_154, %dma_start3A_155] : memref<32x8x64xf32, #tpu.memory_space<vmem>> -> memref<1x8x64xf32, #tpu.memory_space<vmem>>
    %dma_start3A_157 = tpu.memref_squeeze %dma_start3A_156 : memref<1x8x64xf32, #tpu.memory_space<vmem>> -> memref<8x64xf32, #tpu.memory_space<vmem>>
    %dma_start3A_158 = arith.constant 0 : i32
    %dma_start3A_159 = arith.constant 0 : i32
    %dma_start3A_160 = tpu.memref_slice %arg3[%shift_right_arithmetic3A_152, %dma_start3A_158, %dma_start3A_159] : memref<125000x8x64xf32, #tpu.memory_space<hbm>> -> memref<1x8x64xf32, #tpu.memory_space<hbm>>
    %dma_start3A_161 = tpu.memref_squeeze %dma_start3A_160 : memref<1x8x64xf32, #tpu.memory_space<hbm>> -> memref<8x64xf32, #tpu.memory_space<hbm>>
    %dma_start3A_162 = arith.constant 0 : i32
    %dma_start3A_163 = arith.constant 0 : i32
    %dma_start3A_164 = tpu.memref_slice %arg6[%dma_start3A_153, %dma_start3A_162, %dma_start3A_163] : memref<32x8x64xf32, #tpu.memory_space<vmem>> -> memref<1x8x64xf32, #tpu.memory_space<vmem>>
    %dma_start3A_165 = tpu.memref_squeeze %dma_start3A_164 : memref<1x8x64xf32, #tpu.memory_space<vmem>> -> memref<8x64xf32, #tpu.memory_space<vmem>>
    %dma_start3A_166 = arith.constant 0 : i32
    %dma_start3A_167 = arith.constant 0 : i32
    %dma_start3A_168 = tpu.memref_slice %arg3[%shift_right_arithmetic3A_152, %dma_start3A_166, %dma_start3A_167] : memref<125000x8x64xf32, #tpu.memory_space<hbm>> -> memref<1x8x64xf32, #tpu.memory_space<hbm>>
    %dma_start3A_169 = tpu.memref_squeeze %dma_start3A_168 : memref<1x8x64xf32, #tpu.memory_space<hbm>> -> memref<8x64xf32, #tpu.memory_space<hbm>>
    tpu.enqueue_dma source(%dma_start3A_169 : memref<8x64xf32, #tpu.memory_space<hbm>>) target(%dma_start3A_165 : memref<8x64xf32, #tpu.memory_space<vmem>>) target_semaphore(%arg8 : memref<!tpu.dma_semaphore, #tpu.memory_space<semaphore_mem>>)
    %get3A_170 = arith.constant 0 : index
    %get3A_171 = tpu.vector_load %arg5[%get3A_170] {strides = array<i32>} : memref<512xi32, #tpu.memory_space<vmem>>, vector<16xi32>,
    %eq3A_172 = arith.constant 5 : i32
    %eq3A_173 = vector.broadcast %eq3A_172 : i32 to vector<16xi32>
    %eq3A_174 = arith.cmpi eq, %iota3A, %eq3A_173 : vector<16xi32>
    %jit3A_175 = arith.constant -1 : i32
    %broadcast_in_dim3A_176 = vector.broadcast %jit3A_175 : i32 to vector<16xi32>
    %select_n3A_177 = arith.select %eq3A_174, %get3A_171, %broadcast_in_dim3A_176 : vector<16xi1>, vector<16xi32>
    %reduce_max3A_178 = arith.constant true
    %reduce_max3A_179 = vector.broadcast %reduce_max3A_178 : i1 to vector<16xi1>
    %reduce_max3A_180 = arith.constant -2147483648 : i32
    %reduce_max3A_181 = vector.broadcast %reduce_max3A_180 : i32 to vector<16xi32>
    %reduce_max3A_182 = arith.xori %select_n3A_177, %reduce_max3A_181 : vector<16xi32>
    %reduce_max3A_183 = tpu.scan <max>, %reduce_max3A_182 masked %reduce_max3A_179 : vector<16xi32>, vector<16xi1> -> vector<16xi32>
    %reduce_max3A_184 = arith.xori %reduce_max3A_183, %reduce_max3A_181 : vector<16xi32>
    %reduce_max3A_185 = vector.extract %reduce_max3A_184[15] : i32 from vector<16xi32>
    %shift_right_arithmetic3A_186 = arith.constant 3 : i32
    %shift_right_arithmetic3A_187 = arith.shrsi %reduce_max3A_185, %shift_right_arithmetic3A_186 : i32
    %dma_start3A_188 = arith.constant 5 : i32
    %dma_start3A_189 = arith.constant 0 : i32
    %dma_start3A_190 = arith.constant 0 : i32
    %dma_start3A_191 = tpu.memref_slice %arg6[%dma_start3A_188, %dma_start3A_189, %dma_start3A_190] : memref<32x8x64xf32, #tpu.memory_space<vmem>> -> memref<1x8x64xf32, #tpu.memory_space<vmem>>
    %dma_start3A_192 = tpu.memref_squeeze %dma_start3A_191 : memref<1x8x64xf32, #tpu.memory_space<vmem>> -> memref<8x64xf32, #tpu.memory_space<vmem>>
    %dma_start3A_193 = arith.constant 0 : i32
    %dma_start3A_194 = arith.constant 0 : i32
    %dma_start3A_195 = tpu.memref_slice %arg3[%shift_right_arithmetic3A_187, %dma_start3A_193, %dma_start3A_194] : memref<125000x8x64xf32, #tpu.memory_space<hbm>> -> memref<1x8x64xf32, #tpu.memory_space<hbm>>
    %dma_start3A_196 = tpu.memref_squeeze %dma_start3A_195 : memref<1x8x64xf32, #tpu.memory_space<hbm>> -> memref<8x64xf32, #tpu.memory_space<hbm>>
    %dma_start3A_197 = arith.constant 0 : i32
    %dma_start3A_198 = arith.constant 0 : i32
    %dma_start3A_199 = tpu.memref_slice %arg6[%dma_start3A_188, %dma_start3A_197, %dma_start3A_198] : memref<32x8x64xf32, #tpu.memory_space<vmem>> -> memref<1x8x64xf32, #tpu.memory_space<vmem>>
    %dma_start3A_200 = tpu.memref_squeeze %dma_start3A_199 : memref<1x8x64xf32, #tpu.memory_space<vmem>> -> memref<8x64xf32, #tpu.memory_space<vmem>>
    %dma_start3A_201 = arith.constant 0 : i32
    %dma_start3A_202 = arith.constant 0 : i32
    %dma_start3A_203 = tpu.memref_slice %arg3[%shift_right_arithmetic3A_187, %dma_start3A_201, %dma_start3A_202] : memref<125000x8x64xf32, #tpu.memory_space<hbm>> -> memref<1x8x64xf32, #tpu.memory_space<hbm>>
    %dma_start3A_204 = tpu.memref_squeeze %dma_start3A_203 : memref<1x8x64xf32, #tpu.memory_space<hbm>> -> memref<8x64xf32, #tpu.memory_space<hbm>>
    tpu.enqueue_dma source(%dma_start3A_204 : memref<8x64xf32, #tpu.memory_space<hbm>>) target(%dma_start3A_200 : memref<8x64xf32, #tpu.memory_space<vmem>>) target_semaphore(%arg8 : memref<!tpu.dma_semaphore, #tpu.memory_space<semaphore_mem>>)
    %get3A_205 = arith.constant 0 : index
    %get3A_206 = tpu.vector_load %arg5[%get3A_205] {strides = array<i32>} : memref<512xi32, #tpu.memory_space<vmem>>, vector<16xi32>,
    %eq3A_207 = arith.constant 6 : i32
    %eq3A_208 = vector.broadcast %eq3A_207 : i32 to vector<16xi32>
    %eq3A_209 = arith.cmpi eq, %iota3A, %eq3A_208 : vector<16xi32>
    %jit3A_210 = arith.constant -1 : i32
    %broadcast_in_dim3A_211 = vector.broadcast %jit3A_210 : i32 to vector<16xi32>
    %select_n3A_212 = arith.select %eq3A_209, %get3A_206, %broadcast_in_dim3A_211 : vector<16xi1>, vector<16xi32>
    %reduce_max3A_213 = arith.constant true
    %reduce_max3A_214 = vector.broadcast %reduce_max3A_213 : i1 to vector<16xi1>
    %reduce_max3A_215 = arith.constant -2147483648 : i32
    %reduce_max3A_216 = vector.broadcast %reduce_max3A_215 : i32 to vector<16xi32>
    %reduce_max3A_217 = arith.xori %select_n3A_212, %reduce_max3A_216 : vector<16xi32>
    %reduce_max3A_218 = tpu.scan <max>, %reduce_max3A_217 masked %reduce_max3A_214 : vector<16xi32>, vector<16xi1> -> vector<16xi32>
    %reduce_max3A_219 = arith.xori %reduce_max3A_218, %reduce_max3A_216 : vector<16xi32>
    %reduce_max3A_220 = vector.extract %reduce_max3A_219[15] : i32 from vector<16xi32>
    %shift_right_arithmetic3A_221 = arith.constant 3 : i32
    %shift_right_arithmetic3A_222 = arith.shrsi %reduce_max3A_220, %shift_right_arithmetic3A_221 : i32
    %dma_start3A_223 = arith.constant 6 : i32
    %dma_start3A_224 = arith.constant 0 : i32
    %dma_start3A_225 = arith.constant 0 : i32
    %dma_start3A_226 = tpu.memref_slice %arg6[%dma_start3A_223, %dma_start3A_224, %dma_start3A_225] : memref<32x8x64xf32, #tpu.memory_space<vmem>> -> memref<1x8x64xf32, #tpu.memory_space<vmem>>
    %dma_start3A_227 = tpu.memref_squeeze %dma_start3A_226 : memref<1x8x64xf32, #tpu.memory_space<vmem>> -> memref<8x64xf32, #tpu.memory_space<vmem>>
    %dma_start3A_228 = arith.constant 0 : i32
    %dma_start3A_229 = arith.constant 0 : i32
    %dma_start3A_230 = tpu.memref_slice %arg3[%shift_right_arithmetic3A_222, %dma_start3A_228, %dma_start3A_229] : memref<125000x8x64xf32, #tpu.memory_space<hbm>> -> memref<1x8x64xf32, #tpu.memory_space<hbm>>
    %dma_start3A_231 = tpu.memref_squeeze %dma_start3A_230 : memref<1x8x64xf32, #tpu.memory_space<hbm>> -> memref<8x64xf32, #tpu.memory_space<hbm>>
    %dma_start3A_232 = arith.constant 0 : i32
    %dma_start3A_233 = arith.constant 0 : i32
    %dma_start3A_234 = tpu.memref_slice %arg6[%dma_start3A_223, %dma_start3A_232, %dma_start3A_233] : memref<32x8x64xf32, #tpu.memory_space<vmem>> -> memref<1x8x64xf32, #tpu.memory_space<vmem>>
    %dma_start3A_235 = tpu.memref_squeeze %dma_start3A_234 : memref<1x8x64xf32, #tpu.memory_space<vmem>> -> memref<8x64xf32, #tpu.memory_space<vmem>>
    %dma_start3A_236 = arith.constant 0 : i32
    %dma_start3A_237 = arith.constant 0 : i32
    %dma_start3A_238 = tpu.memref_slice %arg3[%shift_right_arithmetic3A_222, %dma_start3A_236, %dma_start3A_237] : memref<125000x8x64xf32, #tpu.memory_space<hbm>> -> memref<1x8x64xf32, #tpu.memory_space<hbm>>
    %dma_start3A_239 = tpu.memref_squeeze %dma_start3A_238 : memref<1x8x64xf32, #tpu.memory_space<hbm>> -> memref<8x64xf32, #tpu.memory_space<hbm>>
    tpu.enqueue_dma source(%dma_start3A_239 : memref<8x64xf32, #tpu.memory_space<hbm>>) target(%dma_start3A_235 : memref<8x64xf32, #tpu.memory_space<vmem>>) target_semaphore(%arg8 : memref<!tpu.dma_semaphore, #tpu.memory_space<semaphore_mem>>)
    %get3A_240 = arith.constant 0 : index
    %get3A_241 = tpu.vector_load %arg5[%get3A_240] {strides = array<i32>} : memref<512xi32, #tpu.memory_space<vmem>>, vector<16xi32>,
    %eq3A_242 = arith.constant 7 : i32
    %eq3A_243 = vector.broadcast %eq3A_242 : i32 to vector<16xi32>
    %eq3A_244 = arith.cmpi eq, %iota3A, %eq3A_243 : vector<16xi32>
    %jit3A_245 = arith.constant -1 : i32
    %broadcast_in_dim3A_246 = vector.broadcast %jit3A_245 : i32 to vector<16xi32>
    %select_n3A_247 = arith.select %eq3A_244, %get3A_241, %broadcast_in_dim3A_246 : vector<16xi1>, vector<16xi32>
    %reduce_max3A_248 = arith.constant true
    %reduce_max3A_249 = vector.broadcast %reduce_max3A_248 : i1 to vector<16xi1>
    %reduce_max3A_250 = arith.constant -2147483648 : i32
    %reduce_max3A_251 = vector.broadcast %reduce_max3A_250 : i32 to vector<16xi32>
    %reduce_max3A_252 = arith.xori %select_n3A_247, %reduce_max3A_251 : vector<16xi32>
    %reduce_max3A_253 = tpu.scan <max>, %reduce_max3A_252 masked %reduce_max3A_249 : vector<16xi32>, vector<16xi1> -> vector<16xi32>
    %reduce_max3A_254 = arith.xori %reduce_max3A_253, %reduce_max3A_251 : vector<16xi32>
    %reduce_max3A_255 = vector.extract %reduce_max3A_254[15] : i32 from vector<16xi32>
    %shift_right_arithmetic3A_256 = arith.constant 3 : i32
    %shift_right_arithmetic3A_257 = arith.shrsi %reduce_max3A_255, %shift_right_arithmetic3A_256 : i32
    %dma_start3A_258 = arith.constant 7 : i32
    %dma_start3A_259 = arith.constant 0 : i32
    %dma_start3A_260 = arith.constant 0 : i32
    %dma_start3A_261 = tpu.memref_slice %arg6[%dma_start3A_258, %dma_start3A_259, %dma_start3A_260] : memref<32x8x64xf32, #tpu.memory_space<vmem>> -> memref<1x8x64xf32, #tpu.memory_space<vmem>>
    %dma_start3A_262 = tpu.memref_squeeze %dma_start3A_261 : memref<1x8x64xf32, #tpu.memory_space<vmem>> -> memref<8x64xf32, #tpu.memory_space<vmem>>
    %dma_start3A_263 = arith.constant 0 : i32
    %dma_start3A_264 = arith.constant 0 : i32
    %dma_start3A_265 = tpu.memref_slice %arg3[%shift_right_arithmetic3A_257, %dma_start3A_263, %dma_start3A_264] : memref<125000x8x64xf32, #tpu.memory_space<hbm>> -> memref<1x8x64xf32, #tpu.memory_space<hbm>>
    %dma_start3A_266 = tpu.memref_squeeze %dma_start3A_265 : memref<1x8x64xf32, #tpu.memory_space<hbm>> -> memref<8x64xf32, #tpu.memory_space<hbm>>
    %dma_start3A_267 = arith.constant 0 : i32
    %dma_start3A_268 = arith.constant 0 : i32
    %dma_start3A_269 = tpu.memref_slice %arg6[%dma_start3A_258, %dma_start3A_267, %dma_start3A_268] : memref<32x8x64xf32, #tpu.memory_space<vmem>> -> memref<1x8x64xf32, #tpu.memory_space<vmem>>
    %dma_start3A_270 = tpu.memref_squeeze %dma_start3A_269 : memref<1x8x64xf32, #tpu.memory_space<vmem>> -> memref<8x64xf32, #tpu.memory_space<vmem>>
    %dma_start3A_271 = arith.constant 0 : i32
    %dma_start3A_272 = arith.constant 0 : i32
    %dma_start3A_273 = tpu.memref_slice %arg3[%shift_right_arithmetic3A_257, %dma_start3A_271, %dma_start3A_272] : memref<125000x8x64xf32, #tpu.memory_space<hbm>> -> memref<1x8x64xf32, #tpu.memory_space<hbm>>
    %dma_start3A_274 = tpu.memref_squeeze %dma_start3A_273 : memref<1x8x64xf32, #tpu.memory_space<hbm>> -> memref<8x64xf32, #tpu.memory_space<hbm>>
    tpu.enqueue_dma source(%dma_start3A_274 : memref<8x64xf32, #tpu.memory_space<hbm>>) target(%dma_start3A_270 : memref<8x64xf32, #tpu.memory_space<vmem>>) target_semaphore(%arg8 : memref<!tpu.dma_semaphore, #tpu.memory_space<semaphore_mem>>)
    %get3A_275 = arith.constant 0 : index
    %get3A_276 = tpu.vector_load %arg5[%get3A_275] {strides = array<i32>} : memref<512xi32, #tpu.memory_space<vmem>>, vector<16xi32>,
    %eq3A_277 = arith.constant 8 : i32
    %eq3A_278 = vector.broadcast %eq3A_277 : i32 to vector<16xi32>
    %eq3A_279 = arith.cmpi eq, %iota3A, %eq3A_278 : vector<16xi32>
    %jit3A_280 = arith.constant -1 : i32
    %broadcast_in_dim3A_281 = vector.broadcast %jit3A_280 : i32 to vector<16xi32>
    %select_n3A_282 = arith.select %eq3A_279, %get3A_276, %broadcast_in_dim3A_281 : vector<16xi1>, vector<16xi32>
    %reduce_max3A_283 = arith.constant true
    %reduce_max3A_284 = vector.broadcast %reduce_max3A_283 : i1 to vector<16xi1>
    %reduce_max3A_285 = arith.constant -2147483648 : i32
    %reduce_max3A_286 = vector.broadcast %reduce_max3A_285 : i32 to vector<16xi32>
    %reduce_max3A_287 = arith.xori %select_n3A_282, %reduce_max3A_286 : vector<16xi32>
    %reduce_max3A_288 = tpu.scan <max>, %reduce_max3A_287 masked %reduce_max3A_284 : vector<16xi32>, vector<16xi1> -> vector<16xi32>
    %reduce_max3A_289 = arith.xori %reduce_max3A_288, %reduce_max3A_286 : vector<16xi32>
    %reduce_max3A_290 = vector.extract %reduce_max3A_289[15] : i32 from vector<16xi32>
    %shift_right_arithmetic3A_291 = arith.constant 3 : i32
    %shift_right_arithmetic3A_292 = arith.shrsi %reduce_max3A_290, %shift_right_arithmetic3A_291 : i32
    %dma_start3A_293 = arith.constant 8 : i32
    %dma_start3A_294 = arith.constant 0 : i32
    %dma_start3A_295 = arith.constant 0 : i32
    %dma_start3A_296 = tpu.memref_slice %arg6[%dma_start3A_293, %dma_start3A_294, %dma_start3A_295] : memref<32x8x64xf32, #tpu.memory_space<vmem>> -> memref<1x8x64xf32, #tpu.memory_space<vmem>>
    %dma_start3A_297 = tpu.memref_squeeze %dma_start3A_296 : memref<1x8x64xf32, #tpu.memory_space<vmem>> -> memref<8x64xf32, #tpu.memory_space<vmem>>
    %dma_start3A_298 = arith.constant 0 : i32
    %dma_start3A_299 = arith.constant 0 : i32
    %dma_start3A_300 = tpu.memref_slice %arg3[%shift_right_arithmetic3A_292, %dma_start3A_298, %dma_start3A_299] : memref<125000x8x64xf32, #tpu.memory_space<hbm>> -> memref<1x8x64xf32, #tpu.memory_space<hbm>>
    %dma_start3A_301 = tpu.memref_squeeze %dma_start3A_300 : memref<1x8x64xf32, #tpu.memory_space<hbm>> -> memref<8x64xf32, #tpu.memory_space<hbm>>
    %dma_start3A_302 = arith.constant 0 : i32
    %dma_start3A_303 = arith.constant 0 : i32
    %dma_start3A_304 = tpu.memref_slice %arg6[%dma_start3A_293, %dma_start3A_302, %dma_start3A_303] : memref<32x8x64xf32, #tpu.memory_space<vmem>> -> memref<1x8x64xf32, #tpu.memory_space<vmem>>
    %dma_start3A_305 = tpu.memref_squeeze %dma_start3A_304 : memref<1x8x64xf32, #tpu.memory_space<vmem>> -> memref<8x64xf32, #tpu.memory_space<vmem>>
    %dma_start3A_306 = arith.constant 0 : i32
    %dma_start3A_307 = arith.constant 0 : i32
    %dma_start3A_308 = tpu.memref_slice %arg3[%shift_right_arithmetic3A_292, %dma_start3A_306, %dma_start3A_307] : memref<125000x8x64xf32, #tpu.memory_space<hbm>> -> memref<1x8x64xf32, #tpu.memory_space<hbm>>
    %dma_start3A_309 = tpu.memref_squeeze %dma_start3A_308 : memref<1x8x64xf32, #tpu.memory_space<hbm>> -> memref<8x64xf32, #tpu.memory_space<hbm>>
    tpu.enqueue_dma source(%dma_start3A_309 : memref<8x64xf32, #tpu.memory_space<hbm>>) target(%dma_start3A_305 : memref<8x64xf32, #tpu.memory_space<vmem>>) target_semaphore(%arg8 : memref<!tpu.dma_semaphore, #tpu.memory_space<semaphore_mem>>)
    %get3A_310 = arith.constant 0 : index
    %get3A_311 = tpu.vector_load %arg5[%get3A_310] {strides = array<i32>} : memref<512xi32, #tpu.memory_space<vmem>>, vector<16xi32>,
    %eq3A_312 = arith.constant 9 : i32
    %eq3A_313 = vector.broadcast %eq3A_312 : i32 to vector<16xi32>
    %eq3A_314 = arith.cmpi eq, %iota3A, %eq3A_313 : vector<16xi32>
    %jit3A_315 = arith.constant -1 : i32
    %broadcast_in_dim3A_316 = vector.broadcast %jit3A_315 : i32 to vector<16xi32>
    %select_n3A_317 = arith.select %eq3A_314, %get3A_311, %broadcast_in_dim3A_316 : vector<16xi1>, vector<16xi32>
    %reduce_max3A_318 = arith.constant true
    %reduce_max3A_319 = vector.broadcast %reduce_max3A_318 : i1 to vector<16xi1>
    %reduce_max3A_320 = arith.constant -2147483648 : i32
    %reduce_max3A_321 = vector.broadcast %reduce_max3A_320 : i32 to vector<16xi32>
    %reduce_max3A_322 = arith.xori %select_n3A_317, %reduce_max3A_321 : vector<16xi32>
    %reduce_max3A_323 = tpu.scan <max>, %reduce_max3A_322 masked %reduce_max3A_319 : vector<16xi32>, vector<16xi1> -> vector<16xi32>
    %reduce_max3A_324 = arith.xori %reduce_max3A_323, %reduce_max3A_321 : vector<16xi32>
    %reduce_max3A_325 = vector.extract %reduce_max3A_324[15] : i32 from vector<16xi32>
    %shift_right_arithmetic3A_326 = arith.constant 3 : i32
    %shift_right_arithmetic3A_327 = arith.shrsi %reduce_max3A_325, %shift_right_arithmetic3A_326 : i32
    %dma_start3A_328 = arith.constant 9 : i32
    %dma_start3A_329 = arith.constant 0 : i32
    %dma_start3A_330 = arith.constant 0 : i32
    %dma_start3A_331 = tpu.memref_slice %arg6[%dma_start3A_328, %dma_start3A_329, %dma_start3A_330] : memref<32x8x64xf32, #tpu.memory_space<vmem>> -> memref<1x8x64xf32, #tpu.memory_space<vmem>>
    %dma_start3A_332 = tpu.memref_squeeze %dma_start3A_331 : memref<1x8x64xf32, #tpu.memory_space<vmem>> -> memref<8x64xf32, #tpu.memory_space<vmem>>
    %dma_start3A_333 = arith.constant 0 : i32
    %dma_start3A_334 = arith.constant 0 : i32
    %dma_start3A_335 = tpu.memref_slice %arg3[%shift_right_arithmetic3A_327, %dma_start3A_333, %dma_start3A_334] : memref<125000x8x64xf32, #tpu.memory_space<hbm>> -> memref<1x8x64xf32, #tpu.memory_space<hbm>>
    %dma_start3A_336 = tpu.memref_squeeze %dma_start3A_335 : memref<1x8x64xf32, #tpu.memory_space<hbm>> -> memref<8x64xf32, #tpu.memory_space<hbm>>
    %dma_start3A_337 = arith.constant 0 : i32
    %dma_start3A_338 = arith.constant 0 : i32
    %dma_start3A_339 = tpu.memref_slice %arg6[%dma_start3A_328, %dma_start3A_337, %dma_start3A_338] : memref<32x8x64xf32, #tpu.memory_space<vmem>> -> memref<1x8x64xf32, #tpu.memory_space<vmem>>
    %dma_start3A_340 = tpu.memref_squeeze %dma_start3A_339 : memref<1x8x64xf32, #tpu.memory_space<vmem>> -> memref<8x64xf32, #tpu.memory_space<vmem>>
    %dma_start3A_341 = arith.constant 0 : i32
    %dma_start3A_342 = arith.constant 0 : i32
    %dma_start3A_343 = tpu.memref_slice %arg3[%shift_right_arithmetic3A_327, %dma_start3A_341, %dma_start3A_342] : memref<125000x8x64xf32, #tpu.memory_space<hbm>> -> memref<1x8x64xf32, #tpu.memory_space<hbm>>
    %dma_start3A_344 = tpu.memref_squeeze %dma_start3A_343 : memref<1x8x64xf32, #tpu.memory_space<hbm>> -> memref<8x64xf32, #tpu.memory_space<hbm>>
    tpu.enqueue_dma source(%dma_start3A_344 : memref<8x64xf32, #tpu.memory_space<hbm>>) target(%dma_start3A_340 : memref<8x64xf32, #tpu.memory_space<vmem>>) target_semaphore(%arg8 : memref<!tpu.dma_semaphore, #tpu.memory_space<semaphore_mem>>)
    %get3A_345 = arith.constant 0 : index
    %get3A_346 = tpu.vector_load %arg5[%get3A_345] {strides = array<i32>} : memref<512xi32, #tpu.memory_space<vmem>>, vector<16xi32>,
    %eq3A_347 = arith.constant 10 : i32
    %eq3A_348 = vector.broadcast %eq3A_347 : i32 to vector<16xi32>
    %eq3A_349 = arith.cmpi eq, %iota3A, %eq3A_348 : vector<16xi32>
    %jit3A_350 = arith.constant -1 : i32
    %broadcast_in_dim3A_351 = vector.broadcast %jit3A_350 : i32 to vector<16xi32>
    %select_n3A_352 = arith.select %eq3A_349, %get3A_346, %broadcast_in_dim3A_351 : vector<16xi1>, vector<16xi32>
    %reduce_max3A_353 = arith.constant true
    %reduce_max3A_354 = vector.broadcast %reduce_max3A_353 : i1 to vector<16xi1>
    %reduce_max3A_355 = arith.constant -2147483648 : i32
    %reduce_max3A_356 = vector.broadcast %reduce_max3A_355 : i32 to vector<16xi32>
    %reduce_max3A_357 = arith.xori %select_n3A_352, %reduce_max3A_356 : vector<16xi32>
    %reduce_max3A_358 = tpu.scan <max>, %reduce_max3A_357 masked %reduce_max3A_354 : vector<16xi32>, vector<16xi1> -> vector<16xi32>
    %reduce_max3A_359 = arith.xori %reduce_max3A_358, %reduce_max3A_356 : vector<16xi32>
    %reduce_max3A_360 = vector.extract %reduce_max3A_359[15] : i32 from vector<16xi32>
    %shift_right_arithmetic3A_361 = arith.constant 3 : i32
    %shift_right_arithmetic3A_362 = arith.shrsi %reduce_max3A_360, %shift_right_arithmetic3A_361 : i32
    %dma_start3A_363 = arith.constant 10 : i32
    %dma_start3A_364 = arith.constant 0 : i32
    %dma_start3A_365 = arith.constant 0 : i32
    %dma_start3A_366 = tpu.memref_slice %arg6[%dma_start3A_363, %dma_start3A_364, %dma_start3A_365] : memref<32x8x64xf32, #tpu.memory_space<vmem>> -> memref<1x8x64xf32, #tpu.memory_space<vmem>>
    %dma_start3A_367 = tpu.memref_squeeze %dma_start3A_366 : memref<1x8x64xf32, #tpu.memory_space<vmem>> -> memref<8x64xf32, #tpu.memory_space<vmem>>
    %dma_start3A_368 = arith.constant 0 : i32
    %dma_start3A_369 = arith.constant 0 : i32
    %dma_start3A_370 = tpu.memref_slice %arg3[%shift_right_arithmetic3A_362, %dma_start3A_368, %dma_start3A_369] : memref<125000x8x64xf32, #tpu.memory_space<hbm>> -> memref<1x8x64xf32, #tpu.memory_space<hbm>>
    %dma_start3A_371 = tpu.memref_squeeze %dma_start3A_370 : memref<1x8x64xf32, #tpu.memory_space<hbm>> -> memref<8x64xf32, #tpu.memory_space<hbm>>
    %dma_start3A_372 = arith.constant 0 : i32
    %dma_start3A_373 = arith.constant 0 : i32
    %dma_start3A_374 = tpu.memref_slice %arg6[%dma_start3A_363, %dma_start3A_372, %dma_start3A_373] : memref<32x8x64xf32, #tpu.memory_space<vmem>> -> memref<1x8x64xf32, #tpu.memory_space<vmem>>
    %dma_start3A_375 = tpu.memref_squeeze %dma_start3A_374 : memref<1x8x64xf32, #tpu.memory_space<vmem>> -> memref<8x64xf32, #tpu.memory_space<vmem>>
    %dma_start3A_376 = arith.constant 0 : i32
    %dma_start3A_377 = arith.constant 0 : i32
    %dma_start3A_378 = tpu.memref_slice %arg3[%shift_right_arithmetic3A_362, %dma_start3A_376, %dma_start3A_377] : memref<125000x8x64xf32, #tpu.memory_space<hbm>> -> memref<1x8x64xf32, #tpu.memory_space<hbm>>
    %dma_start3A_379 = tpu.memref_squeeze %dma_start3A_378 : memref<1x8x64xf32, #tpu.memory_space<hbm>> -> memref<8x64xf32, #tpu.memory_space<hbm>>
    tpu.enqueue_dma source(%dma_start3A_379 : memref<8x64xf32, #tpu.memory_space<hbm>>) target(%dma_start3A_375 : memref<8x64xf32, #tpu.memory_space<vmem>>) target_semaphore(%arg8 : memref<!tpu.dma_semaphore, #tpu.memory_space<semaphore_mem>>)
    %get3A_380 = arith.constant 0 : index
    %get3A_381 = tpu.vector_load %arg5[%get3A_380] {strides = array<i32>} : memref<512xi32, #tpu.memory_space<vmem>>, vector<16xi32>,
    %eq3A_382 = arith.constant 11 : i32
    %eq3A_383 = vector.broadcast %eq3A_382 : i32 to vector<16xi32>
    %eq3A_384 = arith.cmpi eq, %iota3A, %eq3A_383 : vector<16xi32>
    %jit3A_385 = arith.constant -1 : i32
    %broadcast_in_dim3A_386 = vector.broadcast %jit3A_385 : i32 to vector<16xi32>
    %select_n3A_387 = arith.select %eq3A_384, %get3A_381, %broadcast_in_dim3A_386 : vector<16xi1>, vector<16xi32>
    %reduce_max3A_388 = arith.constant true
    %reduce_max3A_389 = vector.broadcast %reduce_max3A_388 : i1 to vector<16xi1>
    %reduce_max3A_390 = arith.constant -2147483648 : i32
    %reduce_max3A_391 = vector.broadcast %reduce_max3A_390 : i32 to vector<16xi32>
    %reduce_max3A_392 = arith.xori %select_n3A_387, %reduce_max3A_391 : vector<16xi32>
    %reduce_max3A_393 = tpu.scan <max>, %reduce_max3A_392 masked %reduce_max3A_389 : vector<16xi32>, vector<16xi1> -> vector<16xi32>
    %reduce_max3A_394 = arith.xori %reduce_max3A_393, %reduce_max3A_391 : vector<16xi32>
    %reduce_max3A_395 = vector.extract %reduce_max3A_394[15] : i32 from vector<16xi32>
    %shift_right_arithmetic3A_396 = arith.constant 3 : i32
    %shift_right_arithmetic3A_397 = arith.shrsi %reduce_max3A_395, %shift_right_arithmetic3A_396 : i32
    %dma_start3A_398 = arith.constant 11 : i32
    %dma_start3A_399 = arith.constant 0 : i32
    %dma_start3A_400 = arith.constant 0 : i32
    %dma_start3A_401 = tpu.memref_slice %arg6[%dma_start3A_398, %dma_start3A_399, %dma_start3A_400] : memref<32x8x64xf32, #tpu.memory_space<vmem>> -> memref<1x8x64xf32, #tpu.memory_space<vmem>>
    %dma_start3A_402 = tpu.memref_squeeze %dma_start3A_401 : memref<1x8x64xf32, #tpu.memory_space<vmem>> -> memref<8x64xf32, #tpu.memory_space<vmem>>
    %dma_start3A_403 = arith.constant 0 : i32
    %dma_start3A_404 = arith.constant 0 : i32
    %dma_start3A_405 = tpu.memref_slice %arg3[%shift_right_arithmetic3A_397, %dma_start3A_403, %dma_start3A_404] : memref<125000x8x64xf32, #tpu.memory_space<hbm>> -> memref<1x8x64xf32, #tpu.memory_space<hbm>>
    %dma_start3A_406 = tpu.memref_squeeze %dma_start3A_405 : memref<1x8x64xf32, #tpu.memory_space<hbm>> -> memref<8x64xf32, #tpu.memory_space<hbm>>
    %dma_start3A_407 = arith.constant 0 : i32
    %dma_start3A_408 = arith.constant 0 : i32
    %dma_start3A_409 = tpu.memref_slice %arg6[%dma_start3A_398, %dma_start3A_407, %dma_start3A_408] : memref<32x8x64xf32, #tpu.memory_space<vmem>> -> memref<1x8x64xf32, #tpu.memory_space<vmem>>
    %dma_start3A_410 = tpu.memref_squeeze %dma_start3A_409 : memref<1x8x64xf32, #tpu.memory_space<vmem>> -> memref<8x64xf32, #tpu.memory_space<vmem>>
    %dma_start3A_411 = arith.constant 0 : i32
    %dma_start3A_412 = arith.constant 0 : i32
    %dma_start3A_413 = tpu.memref_slice %arg3[%shift_right_arithmetic3A_397, %dma_start3A_411, %dma_start3A_412] : memref<125000x8x64xf32, #tpu.memory_space<hbm>> -> memref<1x8x64xf32, #tpu.memory_space<hbm>>
    %dma_start3A_414 = tpu.memref_squeeze %dma_start3A_413 : memref<1x8x64xf32, #tpu.memory_space<hbm>> -> memref<8x64xf32, #tpu.memory_space<hbm>>
    tpu.enqueue_dma source(%dma_start3A_414 : memref<8x64xf32, #tpu.memory_space<hbm>>) target(%dma_start3A_410 : memref<8x64xf32, #tpu.memory_space<vmem>>) target_semaphore(%arg8 : memref<!tpu.dma_semaphore, #tpu.memory_space<semaphore_mem>>)
    %get3A_415 = arith.constant 0 : index
    %get3A_416 = tpu.vector_load %arg5[%get3A_415] {strides = array<i32>} : memref<512xi32, #tpu.memory_space<vmem>>, vector<16xi32>,
    %eq3A_417 = arith.constant 12 : i32
    %eq3A_418 = vector.broadcast %eq3A_417 : i32 to vector<16xi32>
    %eq3A_419 = arith.cmpi eq, %iota3A, %eq3A_418 : vector<16xi32>
    %jit3A_420 = arith.constant -1 : i32
    %broadcast_in_dim3A_421 = vector.broadcast %jit3A_420 : i32 to vector<16xi32>
    %select_n3A_422 = arith.select %eq3A_419, %get3A_416, %broadcast_in_dim3A_421 : vector<16xi1>, vector<16xi32>
    %reduce_max3A_423 = arith.constant true
    %reduce_max3A_424 = vector.broadcast %reduce_max3A_423 : i1 to vector<16xi1>
    %reduce_max3A_425 = arith.constant -2147483648 : i32
    %reduce_max3A_426 = vector.broadcast %reduce_max3A_425 : i32 to vector<16xi32>
    %reduce_max3A_427 = arith.xori %select_n3A_422, %reduce_max3A_426 : vector<16xi32>
    %reduce_max3A_428 = tpu.scan <max>, %reduce_max3A_427 masked %reduce_max3A_424 : vector<16xi32>, vector<16xi1> -> vector<16xi32>
    %reduce_max3A_429 = arith.xori %reduce_max3A_428, %reduce_max3A_426 : vector<16xi32>
    %reduce_max3A_430 = vector.extract %reduce_max3A_429[15] : i32 from vector<16xi32>
    %shift_right_arithmetic3A_431 = arith.constant 3 : i32
    %shift_right_arithmetic3A_432 = arith.shrsi %reduce_max3A_430, %shift_right_arithmetic3A_431 : i32
    %dma_start3A_433 = arith.constant 12 : i32
    %dma_start3A_434 = arith.constant 0 : i32
    %dma_start3A_435 = arith.constant 0 : i32
    %dma_start3A_436 = tpu.memref_slice %arg6[%dma_start3A_433, %dma_start3A_434, %dma_start3A_435] : memref<32x8x64xf32, #tpu.memory_space<vmem>> -> memref<1x8x64xf32, #tpu.memory_space<vmem>>
    %dma_start3A_437 = tpu.memref_squeeze %dma_start3A_436 : memref<1x8x64xf32, #tpu.memory_space<vmem>> -> memref<8x64xf32, #tpu.memory_space<vmem>>
    %dma_start3A_438 = arith.constant 0 : i32
    %dma_start3A_439 = arith.constant 0 : i32
    %dma_start3A_440 = tpu.memref_slice %arg3[%shift_right_arithmetic3A_432, %dma_start3A_438, %dma_start3A_439] : memref<125000x8x64xf32, #tpu.memory_space<hbm>> -> memref<1x8x64xf32, #tpu.memory_space<hbm>>
    %dma_start3A_441 = tpu.memref_squeeze %dma_start3A_440 : memref<1x8x64xf32, #tpu.memory_space<hbm>> -> memref<8x64xf32, #tpu.memory_space<hbm>>
    %dma_start3A_442 = arith.constant 0 : i32
    %dma_start3A_443 = arith.constant 0 : i32
    %dma_start3A_444 = tpu.memref_slice %arg6[%dma_start3A_433, %dma_start3A_442, %dma_start3A_443] : memref<32x8x64xf32, #tpu.memory_space<vmem>> -> memref<1x8x64xf32, #tpu.memory_space<vmem>>
    %dma_start3A_445 = tpu.memref_squeeze %dma_start3A_444 : memref<1x8x64xf32, #tpu.memory_space<vmem>> -> memref<8x64xf32, #tpu.memory_space<vmem>>
    %dma_start3A_446 = arith.constant 0 : i32
    %dma_start3A_447 = arith.constant 0 : i32
    %dma_start3A_448 = tpu.memref_slice %arg3[%shift_right_arithmetic3A_432, %dma_start3A_446, %dma_start3A_447] : memref<125000x8x64xf32, #tpu.memory_space<hbm>> -> memref<1x8x64xf32, #tpu.memory_space<hbm>>
    %dma_start3A_449 = tpu.memref_squeeze %dma_start3A_448 : memref<1x8x64xf32, #tpu.memory_space<hbm>> -> memref<8x64xf32, #tpu.memory_space<hbm>>
    tpu.enqueue_dma source(%dma_start3A_449 : memref<8x64xf32, #tpu.memory_space<hbm>>) target(%dma_start3A_445 : memref<8x64xf32, #tpu.memory_space<vmem>>) target_semaphore(%arg8 : memref<!tpu.dma_semaphore, #tpu.memory_space<semaphore_mem>>)
    %get3A_450 = arith.constant 0 : index
    %get3A_451 = tpu.vector_load %arg5[%get3A_450] {strides = array<i32>} : memref<512xi32, #tpu.memory_space<vmem>>, vector<16xi32>,
    %eq3A_452 = arith.constant 13 : i32
    %eq3A_453 = vector.broadcast %eq3A_452 : i32 to vector<16xi32>
    %eq3A_454 = arith.cmpi eq, %iota3A, %eq3A_453 : vector<16xi32>
    %jit3A_455 = arith.constant -1 : i32
    %broadcast_in_dim3A_456 = vector.broadcast %jit3A_455 : i32 to vector<16xi32>
    %select_n3A_457 = arith.select %eq3A_454, %get3A_451, %broadcast_in_dim3A_456 : vector<16xi1>, vector<16xi32>
    %reduce_max3A_458 = arith.constant true
    %reduce_max3A_459 = vector.broadcast %reduce_max3A_458 : i1 to vector<16xi1>
    %reduce_max3A_460 = arith.constant -2147483648 : i32
    %reduce_max3A_461 = vector.broadcast %reduce_max3A_460 : i32 to vector<16xi32>
    %reduce_max3A_462 = arith.xori %select_n3A_457, %reduce_max3A_461 : vector<16xi32>
    %reduce_max3A_463 = tpu.scan <max>, %reduce_max3A_462 masked %reduce_max3A_459 : vector<16xi32>, vector<16xi1> -> vector<16xi32>
    %reduce_max3A_464 = arith.xori %reduce_max3A_463, %reduce_max3A_461 : vector<16xi32>
    %reduce_max3A_465 = vector.extract %reduce_max3A_464[15] : i32 from vector<16xi32>
    %shift_right_arithmetic3A_466 = arith.constant 3 : i32
    %shift_right_arithmetic3A_467 = arith.shrsi %reduce_max3A_465, %shift_right_arithmetic3A_466 : i32
    %dma_start3A_468 = arith.constant 13 : i32
    %dma_start3A_469 = arith.constant 0 : i32
    %dma_start3A_470 = arith.constant 0 : i32
    %dma_start3A_471 = tpu.memref_slice %arg6[%dma_start3A_468, %dma_start3A_469, %dma_start3A_470] : memref<32x8x64xf32, #tpu.memory_space<vmem>> -> memref<1x8x64xf32, #tpu.memory_space<vmem>>
    %dma_start3A_472 = tpu.memref_squeeze %dma_start3A_471 : memref<1x8x64xf32, #tpu.memory_space<vmem>> -> memref<8x64xf32, #tpu.memory_space<vmem>>
    %dma_start3A_473 = arith.constant 0 : i32
    %dma_start3A_474 = arith.constant 0 : i32
    %dma_start3A_475 = tpu.memref_slice %arg3[%shift_right_arithmetic3A_467, %dma_start3A_473, %dma_start3A_474] : memref<125000x8x64xf32, #tpu.memory_space<hbm>> -> memref<1x8x64xf32, #tpu.memory_space<hbm>>
    %dma_start3A_476 = tpu.memref_squeeze %dma_start3A_475 : memref<1x8x64xf32, #tpu.memory_space<hbm>> -> memref<8x64xf32, #tpu.memory_space<hbm>>
    %dma_start3A_477 = arith.constant 0 : i32
    %dma_start3A_478 = arith.constant 0 : i32
    %dma_start3A_479 = tpu.memref_slice %arg6[%dma_start3A_468, %dma_start3A_477, %dma_start3A_478] : memref<32x8x64xf32, #tpu.memory_space<vmem>> -> memref<1x8x64xf32, #tpu.memory_space<vmem>>
    %dma_start3A_480 = tpu.memref_squeeze %dma_start3A_479 : memref<1x8x64xf32, #tpu.memory_space<vmem>> -> memref<8x64xf32, #tpu.memory_space<vmem>>
    %dma_start3A_481 = arith.constant 0 : i32
    %dma_start3A_482 = arith.constant 0 : i32
    %dma_start3A_483 = tpu.memref_slice %arg3[%shift_right_arithmetic3A_467, %dma_start3A_481, %dma_start3A_482] : memref<125000x8x64xf32, #tpu.memory_space<hbm>> -> memref<1x8x64xf32, #tpu.memory_space<hbm>>
    %dma_start3A_484 = tpu.memref_squeeze %dma_start3A_483 : memref<1x8x64xf32, #tpu.memory_space<hbm>> -> memref<8x64xf32, #tpu.memory_space<hbm>>
    tpu.enqueue_dma source(%dma_start3A_484 : memref<8x64xf32, #tpu.memory_space<hbm>>) target(%dma_start3A_480 : memref<8x64xf32, #tpu.memory_space<vmem>>) target_semaphore(%arg8 : memref<!tpu.dma_semaphore, #tpu.memory_space<semaphore_mem>>)
    %get3A_485 = arith.constant 0 : index
    %get3A_486 = tpu.vector_load %arg5[%get3A_485] {strides = array<i32>} : memref<512xi32, #tpu.memory_space<vmem>>, vector<16xi32>,
    %eq3A_487 = arith.constant 14 : i32
    %eq3A_488 = vector.broadcast %eq3A_487 : i32 to vector<16xi32>
    %eq3A_489 = arith.cmpi eq, %iota3A, %eq3A_488 : vector<16xi32>
    %jit3A_490 = arith.constant -1 : i32
    %broadcast_in_dim3A_491 = vector.broadcast %jit3A_490 : i32 to vector<16xi32>
    %select_n3A_492 = arith.select %eq3A_489, %get3A_486, %broadcast_in_dim3A_491 : vector<16xi1>, vector<16xi32>
    %reduce_max3A_493 = arith.constant true
    %reduce_max3A_494 = vector.broadcast %reduce_max3A_493 : i1 to vector<16xi1>
    %reduce_max3A_495 = arith.constant -2147483648 : i32
    %reduce_max3A_496 = vector.broadcast %reduce_max3A_495 : i32 to vector<16xi32>
    %reduce_max3A_497 = arith.xori %select_n3A_492, %reduce_max3A_496 : vector<16xi32>
    %reduce_max3A_498 = tpu.scan <max>, %reduce_max3A_497 masked %reduce_max3A_494 : vector<16xi32>, vector<16xi1> -> vector<16xi32>
    %reduce_max3A_499 = arith.xori %reduce_max3A_498, %reduce_max3A_496 : vector<16xi32>
    %reduce_max3A_500 = vector.extract %reduce_max3A_499[15] : i32 from vector<16xi32>
    %shift_right_arithmetic3A_501 = arith.constant 3 : i32
    %shift_right_arithmetic3A_502 = arith.shrsi %reduce_max3A_500, %shift_right_arithmetic3A_501 : i32
    %dma_start3A_503 = arith.constant 14 : i32
    %dma_start3A_504 = arith.constant 0 : i32
    %dma_start3A_505 = arith.constant 0 : i32
    %dma_start3A_506 = tpu.memref_slice %arg6[%dma_start3A_503, %dma_start3A_504, %dma_start3A_505] : memref<32x8x64xf32, #tpu.memory_space<vmem>> -> memref<1x8x64xf32, #tpu.memory_space<vmem>>
    %dma_start3A_507 = tpu.memref_squeeze %dma_start3A_506 : memref<1x8x64xf32, #tpu.memory_space<vmem>> -> memref<8x64xf32, #tpu.memory_space<vmem>>
    %dma_start3A_508 = arith.constant 0 : i32
    %dma_start3A_509 = arith.constant 0 : i32
    %dma_start3A_510 = tpu.memref_slice %arg3[%shift_right_arithmetic3A_502, %dma_start3A_508, %dma_start3A_509] : memref<125000x8x64xf32, #tpu.memory_space<hbm>> -> memref<1x8x64xf32, #tpu.memory_space<hbm>>
    %dma_start3A_511 = tpu.memref_squeeze %dma_start3A_510 : memref<1x8x64xf32, #tpu.memory_space<hbm>> -> memref<8x64xf32, #tpu.memory_space<hbm>>
    %dma_start3A_512 = arith.constant 0 : i32
    %dma_start3A_513 = arith.constant 0 : i32
    %dma_start3A_514 = tpu.memref_slice %arg6[%dma_start3A_503, %dma_start3A_512, %dma_start3A_513] : memref<32x8x64xf32, #tpu.memory_space<vmem>> -> memref<1x8x64xf32, #tpu.memory_space<vmem>>
    %dma_start3A_515 = tpu.memref_squeeze %dma_start3A_514 : memref<1x8x64xf32, #tpu.memory_space<vmem>> -> memref<8x64xf32, #tpu.memory_space<vmem>>
    %dma_start3A_516 = arith.constant 0 : i32
    %dma_start3A_517 = arith.constant 0 : i32
    %dma_start3A_518 = tpu.memref_slice %arg3[%shift_right_arithmetic3A_502, %dma_start3A_516, %dma_start3A_517] : memref<125000x8x64xf32, #tpu.memory_space<hbm>> -> memref<1x8x64xf32, #tpu.memory_space<hbm>>
    %dma_start3A_519 = tpu.memref_squeeze %dma_start3A_518 : memref<1x8x64xf32, #tpu.memory_space<hbm>> -> memref<8x64xf32, #tpu.memory_space<hbm>>
    tpu.enqueue_dma source(%dma_start3A_519 : memref<8x64xf32, #tpu.memory_space<hbm>>) target(%dma_start3A_515 : memref<8x64xf32, #tpu.memory_space<vmem>>) target_semaphore(%arg8 : memref<!tpu.dma_semaphore, #tpu.memory_space<semaphore_mem>>)
    %get3A_520 = arith.constant 0 : index
    %get3A_521 = tpu.vector_load %arg5[%get3A_520] {strides = array<i32>} : memref<512xi32, #tpu.memory_space<vmem>>, vector<16xi32>,
    %eq3A_522 = arith.constant 15 : i32
    %eq3A_523 = vector.broadcast %eq3A_522 : i32 to vector<16xi32>
    %eq3A_524 = arith.cmpi eq, %iota3A, %eq3A_523 : vector<16xi32>
    %jit3A_525 = arith.constant -1 : i32
    %broadcast_in_dim3A_526 = vector.broadcast %jit3A_525 : i32 to vector<16xi32>
    %select_n3A_527 = arith.select %eq3A_524, %get3A_521, %broadcast_in_dim3A_526 : vector<16xi1>, vector<16xi32>
    %reduce_max3A_528 = arith.constant true
    %reduce_max3A_529 = vector.broadcast %reduce_max3A_528 : i1 to vector<16xi1>
    %reduce_max3A_530 = arith.constant -2147483648 : i32
    %reduce_max3A_531 = vector.broadcast %reduce_max3A_530 : i32 to vector<16xi32>
    %reduce_max3A_532 = arith.xori %select_n3A_527, %reduce_max3A_531 : vector<16xi32>
    %reduce_max3A_533 = tpu.scan <max>, %reduce_max3A_532 masked %reduce_max3A_529 : vector<16xi32>, vector<16xi1> -> vector<16xi32>
    %reduce_max3A_534 = arith.xori %reduce_max3A_533, %reduce_max3A_531 : vector<16xi32>
    %reduce_max3A_535 = vector.extract %reduce_max3A_534[15] : i32 from vector<16xi32>
    %shift_right_arithmetic3A_536 = arith.constant 3 : i32
    %shift_right_arithmetic3A_537 = arith.shrsi %reduce_max3A_535, %shift_right_arithmetic3A_536 : i32
    %dma_start3A_538 = arith.constant 15 : i32
    %dma_start3A_539 = arith.constant 0 : i32
    %dma_start3A_540 = arith.constant 0 : i32
    %dma_start3A_541 = tpu.memref_slice %arg6[%dma_start3A_538, %dma_start3A_539, %dma_start3A_540] : memref<32x8x64xf32, #tpu.memory_space<vmem>> -> memref<1x8x64xf32, #tpu.memory_space<vmem>>
    %dma_start3A_542 = tpu.memref_squeeze %dma_start3A_541 : memref<1x8x64xf32, #tpu.memory_space<vmem>> -> memref<8x64xf32, #tpu.memory_space<vmem>>
    %dma_start3A_543 = arith.constant 0 : i32
    %dma_start3A_544 = arith.constant 0 : i32
    %dma_start3A_545 = tpu.memref_slice %arg3[%shift_right_arithmetic3A_537, %dma_start3A_543, %dma_start3A_544] : memref<125000x8x64xf32, #tpu.memory_space<hbm>> -> memref<1x8x64xf32, #tpu.memory_space<hbm>>
    %dma_start3A_546 = tpu.memref_squeeze %dma_start3A_545 : memref<1x8x64xf32, #tpu.memory_space<hbm>> -> memref<8x64xf32, #tpu.memory_space<hbm>>
    %dma_start3A_547 = arith.constant 0 : i32
    %dma_start3A_548 = arith.constant 0 : i32
    %dma_start3A_549 = tpu.memref_slice %arg6[%dma_start3A_538, %dma_start3A_547, %dma_start3A_548] : memref<32x8x64xf32, #tpu.memory_space<vmem>> -> memref<1x8x64xf32, #tpu.memory_space<vmem>>
    %dma_start3A_550 = tpu.memref_squeeze %dma_start3A_549 : memref<1x8x64xf32, #tpu.memory_space<vmem>> -> memref<8x64xf32, #tpu.memory_space<vmem>>
    %dma_start3A_551 = arith.constant 0 : i32
    %dma_start3A_552 = arith.constant 0 : i32
    %dma_start3A_553 = tpu.memref_slice %arg3[%shift_right_arithmetic3A_537, %dma_start3A_551, %dma_start3A_552] : memref<125000x8x64xf32, #tpu.memory_space<hbm>> -> memref<1x8x64xf32, #tpu.memory_space<hbm>>
    %dma_start3A_554 = tpu.memref_squeeze %dma_start3A_553 : memref<1x8x64xf32, #tpu.memory_space<hbm>> -> memref<8x64xf32, #tpu.memory_space<hbm>>
    tpu.enqueue_dma source(%dma_start3A_554 : memref<8x64xf32, #tpu.memory_space<hbm>>) target(%dma_start3A_550 : memref<8x64xf32, #tpu.memory_space<vmem>>) target_semaphore(%arg8 : memref<!tpu.dma_semaphore, #tpu.memory_space<semaphore_mem>>)
    %get3A_555 = arith.constant 16 : index
    %get3A_556 = tpu.vector_load %arg5[%get3A_555] {strides = array<i32>} : memref<512xi32, #tpu.memory_space<vmem>>, vector<16xi32>,
    %eq3A_557 = arith.constant 0 : i32
    %eq3A_558 = vector.broadcast %eq3A_557 : i32 to vector<16xi32>
    %eq3A_559 = arith.cmpi eq, %iota3A, %eq3A_558 : vector<16xi32>
    %jit3A_560 = arith.constant -1 : i32
    %broadcast_in_dim3A_561 = vector.broadcast %jit3A_560 : i32 to vector<16xi32>
    %select_n3A_562 = arith.select %eq3A_559, %get3A_556, %broadcast_in_dim3A_561 : vector<16xi1>, vector<16xi32>
    %reduce_max3A_563 = arith.constant true
    %reduce_max3A_564 = vector.broadcast %reduce_max3A_563 : i1 to vector<16xi1>
    %reduce_max3A_565 = arith.constant -2147483648 : i32
    %reduce_max3A_566 = vector.broadcast %reduce_max3A_565 : i32 to vector<16xi32>
    %reduce_max3A_567 = arith.xori %select_n3A_562, %reduce_max3A_566 : vector<16xi32>
    %reduce_max3A_568 = tpu.scan <max>, %reduce_max3A_567 masked %reduce_max3A_564 : vector<16xi32>, vector<16xi1> -> vector<16xi32>
    %reduce_max3A_569 = arith.xori %reduce_max3A_568, %reduce_max3A_566 : vector<16xi32>
    %reduce_max3A_570 = vector.extract %reduce_max3A_569[15] : i32 from vector<16xi32>
    %shift_right_arithmetic3A_571 = arith.constant 3 : i32
    %shift_right_arithmetic3A_572 = arith.shrsi %reduce_max3A_570, %shift_right_arithmetic3A_571 : i32
    %dma_start3A_573 = arith.constant 16 : i32
    %dma_start3A_574 = arith.constant 0 : i32
    %dma_start3A_575 = arith.constant 0 : i32
    %dma_start3A_576 = tpu.memref_slice %arg6[%dma_start3A_573, %dma_start3A_574, %dma_start3A_575] : memref<32x8x64xf32, #tpu.memory_space<vmem>> -> memref<1x8x64xf32, #tpu.memory_space<vmem>>
    %dma_start3A_577 = tpu.memref_squeeze %dma_start3A_576 : memref<1x8x64xf32, #tpu.memory_space<vmem>> -> memref<8x64xf32, #tpu.memory_space<vmem>>
    %dma_start3A_578 = arith.constant 0 : i32
    %dma_start3A_579 = arith.constant 0 : i32
    %dma_start3A_580 = tpu.memref_slice %arg3[%shift_right_arithmetic3A_572, %dma_start3A_578, %dma_start3A_579] : memref<125000x8x64xf32, #tpu.memory_space<hbm>> -> memref<1x8x64xf32, #tpu.memory_space<hbm>>
    %dma_start3A_581 = tpu.memref_squeeze %dma_start3A_580 : memref<1x8x64xf32, #tpu.memory_space<hbm>> -> memref<8x64xf32, #tpu.memory_space<hbm>>
    %dma_start3A_582 = arith.constant 0 : i32
    %dma_start3A_583 = arith.constant 0 : i32
    %dma_start3A_584 = tpu.memref_slice %arg6[%dma_start3A_573, %dma_start3A_582, %dma_start3A_583] : memref<32x8x64xf32, #tpu.memory_space<vmem>> -> memref<1x8x64xf32, #tpu.memory_space<vmem>>
    %dma_start3A_585 = tpu.memref_squeeze %dma_start3A_584 : memref<1x8x64xf32, #tpu.memory_space<vmem>> -> memref<8x64xf32, #tpu.memory_space<vmem>>
    %dma_start3A_586 = arith.constant 0 : i32
    %dma_start3A_587 = arith.constant 0 : i32
    %dma_start3A_588 = tpu.memref_slice %arg3[%shift_right_arithmetic3A_572, %dma_start3A_586, %dma_start3A_587] : memref<125000x8x64xf32, #tpu.memory_space<hbm>> -> memref<1x8x64xf32, #tpu.memory_space<hbm>>
    %dma_start3A_589 = tpu.memref_squeeze %dma_start3A_588 : memref<1x8x64xf32, #tpu.memory_space<hbm>> -> memref<8x64xf32, #tpu.memory_space<hbm>>
    tpu.enqueue_dma source(%dma_start3A_589 : memref<8x64xf32, #tpu.memory_space<hbm>>) target(%dma_start3A_585 : memref<8x64xf32, #tpu.memory_space<vmem>>) target_semaphore(%arg8 : memref<!tpu.dma_semaphore, #tpu.memory_space<semaphore_mem>>)
    %get3A_590 = arith.constant 16 : index
    %get3A_591 = tpu.vector_load %arg5[%get3A_590] {strides = array<i32>} : memref<512xi32, #tpu.memory_space<vmem>>, vector<16xi32>,
    %eq3A_592 = arith.constant 1 : i32
    %eq3A_593 = vector.broadcast %eq3A_592 : i32 to vector<16xi32>
    %eq3A_594 = arith.cmpi eq, %iota3A, %eq3A_593 : vector<16xi32>
    %jit3A_595 = arith.constant -1 : i32
    %broadcast_in_dim3A_596 = vector.broadcast %jit3A_595 : i32 to vector<16xi32>
    %select_n3A_597 = arith.select %eq3A_594, %get3A_591, %broadcast_in_dim3A_596 : vector<16xi1>, vector<16xi32>
    %reduce_max3A_598 = arith.constant true
    %reduce_max3A_599 = vector.broadcast %reduce_max3A_598 : i1 to vector<16xi1>
    %reduce_max3A_600 = arith.constant -2147483648 : i32
    %reduce_max3A_601 = vector.broadcast %reduce_max3A_600 : i32 to vector<16xi32>
    %reduce_max3A_602 = arith.xori %select_n3A_597, %reduce_max3A_601 : vector<16xi32>
    %reduce_max3A_603 = tpu.scan <max>, %reduce_max3A_602 masked %reduce_max3A_599 : vector<16xi32>, vector<16xi1> -> vector<16xi32>
    %reduce_max3A_604 = arith.xori %reduce_max3A_603, %reduce_max3A_601 : vector<16xi32>
    %reduce_max3A_605 = vector.extract %reduce_max3A_604[15] : i32 from vector<16xi32>
    %shift_right_arithmetic3A_606 = arith.constant 3 : i32
    %shift_right_arithmetic3A_607 = arith.shrsi %reduce_max3A_605, %shift_right_arithmetic3A_606 : i32
    %dma_start3A_608 = arith.constant 17 : i32
    %dma_start3A_609 = arith.constant 0 : i32
    %dma_start3A_610 = arith.constant 0 : i32
    %dma_start3A_611 = tpu.memref_slice %arg6[%dma_start3A_608, %dma_start3A_609, %dma_start3A_610] : memref<32x8x64xf32, #tpu.memory_space<vmem>> -> memref<1x8x64xf32, #tpu.memory_space<vmem>>
    %dma_start3A_612 = tpu.memref_squeeze %dma_start3A_611 : memref<1x8x64xf32, #tpu.memory_space<vmem>> -> memref<8x64xf32, #tpu.memory_space<vmem>>
    %dma_start3A_613 = arith.constant 0 : i32
    %dma_start3A_614 = arith.constant 0 : i32
    %dma_start3A_615 = tpu.memref_slice %arg3[%shift_right_arithmetic3A_607, %dma_start3A_613, %dma_start3A_614] : memref<125000x8x64xf32, #tpu.memory_space<hbm>> -> memref<1x8x64xf32, #tpu.memory_space<hbm>>
    %dma_start3A_616 = tpu.memref_squeeze %dma_start3A_615 : memref<1x8x64xf32, #tpu.memory_space<hbm>> -> memref<8x64xf32, #tpu.memory_space<hbm>>
    %dma_start3A_617 = arith.constant 0 : i32
    %dma_start3A_618 = arith.constant 0 : i32
    %dma_start3A_619 = tpu.memref_slice %arg6[%dma_start3A_608, %dma_start3A_617, %dma_start3A_618] : memref<32x8x64xf32, #tpu.memory_space<vmem>> -> memref<1x8x64xf32, #tpu.memory_space<vmem>>
    %dma_start3A_620 = tpu.memref_squeeze %dma_start3A_619 : memref<1x8x64xf32, #tpu.memory_space<vmem>> -> memref<8x64xf32, #tpu.memory_space<vmem>>
    %dma_start3A_621 = arith.constant 0 : i32
    %dma_start3A_622 = arith.constant 0 : i32
    %dma_start3A_623 = tpu.memref_slice %arg3[%shift_right_arithmetic3A_607, %dma_start3A_621, %dma_start3A_622] : memref<125000x8x64xf32, #tpu.memory_space<hbm>> -> memref<1x8x64xf32, #tpu.memory_space<hbm>>
    %dma_start3A_624 = tpu.memref_squeeze %dma_start3A_623 : memref<1x8x64xf32, #tpu.memory_space<hbm>> -> memref<8x64xf32, #tpu.memory_space<hbm>>
    tpu.enqueue_dma source(%dma_start3A_624 : memref<8x64xf32, #tpu.memory_space<hbm>>) target(%dma_start3A_620 : memref<8x64xf32, #tpu.memory_space<vmem>>) target_semaphore(%arg8 : memref<!tpu.dma_semaphore, #tpu.memory_space<semaphore_mem>>)
    %get3A_625 = arith.constant 16 : index
    %get3A_626 = tpu.vector_load %arg5[%get3A_625] {strides = array<i32>} : memref<512xi32, #tpu.memory_space<vmem>>, vector<16xi32>,
    %eq3A_627 = arith.constant 2 : i32
    %eq3A_628 = vector.broadcast %eq3A_627 : i32 to vector<16xi32>
    %eq3A_629 = arith.cmpi eq, %iota3A, %eq3A_628 : vector<16xi32>
    %jit3A_630 = arith.constant -1 : i32
    %broadcast_in_dim3A_631 = vector.broadcast %jit3A_630 : i32 to vector<16xi32>
    %select_n3A_632 = arith.select %eq3A_629, %get3A_626, %broadcast_in_dim3A_631 : vector<16xi1>, vector<16xi32>
    %reduce_max3A_633 = arith.constant true
    %reduce_max3A_634 = vector.broadcast %reduce_max3A_633 : i1 to vector<16xi1>
    %reduce_max3A_635 = arith.constant -2147483648 : i32
    %reduce_max3A_636 = vector.broadcast %reduce_max3A_635 : i32 to vector<16xi32>
    %reduce_max3A_637 = arith.xori %select_n3A_632, %reduce_max3A_636 : vector<16xi32>
    %reduce_max3A_638 = tpu.scan <max>, %reduce_max3A_637 masked %reduce_max3A_634 : vector<16xi32>, vector<16xi1> -> vector<16xi32>
    %reduce_max3A_639 = arith.xori %reduce_max3A_638, %reduce_max3A_636 : vector<16xi32>
    %reduce_max3A_640 = vector.extract %reduce_max3A_639[15] : i32 from vector<16xi32>
    %shift_right_arithmetic3A_641 = arith.constant 3 : i32
    %shift_right_arithmetic3A_642 = arith.shrsi %reduce_max3A_640, %shift_right_arithmetic3A_641 : i32
    %dma_start3A_643 = arith.constant 18 : i32
    %dma_start3A_644 = arith.constant 0 : i32
    %dma_start3A_645 = arith.constant 0 : i32
    %dma_start3A_646 = tpu.memref_slice %arg6[%dma_start3A_643, %dma_start3A_644, %dma_start3A_645] : memref<32x8x64xf32, #tpu.memory_space<vmem>> -> memref<1x8x64xf32, #tpu.memory_space<vmem>>
    %dma_start3A_647 = tpu.memref_squeeze %dma_start3A_646 : memref<1x8x64xf32, #tpu.memory_space<vmem>> -> memref<8x64xf32, #tpu.memory_space<vmem>>
    %dma_start3A_648 = arith.constant 0 : i32
    %dma_start3A_649 = arith.constant 0 : i32
    %dma_start3A_650 = tpu.memref_slice %arg3[%shift_right_arithmetic3A_642, %dma_start3A_648, %dma_start3A_649] : memref<125000x8x64xf32, #tpu.memory_space<hbm>> -> memref<1x8x64xf32, #tpu.memory_space<hbm>>
    %dma_start3A_651 = tpu.memref_squeeze %dma_start3A_650 : memref<1x8x64xf32, #tpu.memory_space<hbm>> -> memref<8x64xf32, #tpu.memory_space<hbm>>
    %dma_start3A_652 = arith.constant 0 : i32
    %dma_start3A_653 = arith.constant 0 : i32
    %dma_start3A_654 = tpu.memref_slice %arg6[%dma_start3A_643, %dma_start3A_652, %dma_start3A_653] : memref<32x8x64xf32, #tpu.memory_space<vmem>> -> memref<1x8x64xf32, #tpu.memory_space<vmem>>
    %dma_start3A_655 = tpu.memref_squeeze %dma_start3A_654 : memref<1x8x64xf32, #tpu.memory_space<vmem>> -> memref<8x64xf32, #tpu.memory_space<vmem>>
    %dma_start3A_656 = arith.constant 0 : i32
    %dma_start3A_657 = arith.constant 0 : i32
    %dma_start3A_658 = tpu.memref_slice %arg3[%shift_right_arithmetic3A_642, %dma_start3A_656, %dma_start3A_657] : memref<125000x8x64xf32, #tpu.memory_space<hbm>> -> memref<1x8x64xf32, #tpu.memory_space<hbm>>
    %dma_start3A_659 = tpu.memref_squeeze %dma_start3A_658 : memref<1x8x64xf32, #tpu.memory_space<hbm>> -> memref<8x64xf32, #tpu.memory_space<hbm>>
    tpu.enqueue_dma source(%dma_start3A_659 : memref<8x64xf32, #tpu.memory_space<hbm>>) target(%dma_start3A_655 : memref<8x64xf32, #tpu.memory_space<vmem>>) target_semaphore(%arg8 : memref<!tpu.dma_semaphore, #tpu.memory_space<semaphore_mem>>)
    %get3A_660 = arith.constant 16 : index
    %get3A_661 = tpu.vector_load %arg5[%get3A_660] {strides = array<i32>} : memref<512xi32, #tpu.memory_space<vmem>>, vector<16xi32>,
    %eq3A_662 = arith.constant 3 : i32
    %eq3A_663 = vector.broadcast %eq3A_662 : i32 to vector<16xi32>
    %eq3A_664 = arith.cmpi eq, %iota3A, %eq3A_663 : vector<16xi32>
    %jit3A_665 = arith.constant -1 : i32
    %broadcast_in_dim3A_666 = vector.broadcast %jit3A_665 : i32 to vector<16xi32>
    %select_n3A_667 = arith.select %eq3A_664, %get3A_661, %broadcast_in_dim3A_666 : vector<16xi1>, vector<16xi32>
    %reduce_max3A_668 = arith.constant true
    %reduce_max3A_669 = vector.broadcast %reduce_max3A_668 : i1 to vector<16xi1>
    %reduce_max3A_670 = arith.constant -2147483648 : i32
    %reduce_max3A_671 = vector.broadcast %reduce_max3A_670 : i32 to vector<16xi32>
    %reduce_max3A_672 = arith.xori %select_n3A_667, %reduce_max3A_671 : vector<16xi32>
    %reduce_max3A_673 = tpu.scan <max>, %reduce_max3A_672 masked %reduce_max3A_669 : vector<16xi32>, vector<16xi1> -> vector<16xi32>
    %reduce_max3A_674 = arith.xori %reduce_max3A_673, %reduce_max3A_671 : vector<16xi32>
    %reduce_max3A_675 = vector.extract %reduce_max3A_674[15] : i32 from vector<16xi32>
    %shift_right_arithmetic3A_676 = arith.constant 3 : i32
    %shift_right_arithmetic3A_677 = arith.shrsi %reduce_max3A_675, %shift_right_arithmetic3A_676 : i32
    %dma_start3A_678 = arith.constant 19 : i32
    %dma_start3A_679 = arith.constant 0 : i32
    %dma_start3A_680 = arith.constant 0 : i32
    %dma_start3A_681 = tpu.memref_slice %arg6[%dma_start3A_678, %dma_start3A_679, %dma_start3A_680] : memref<32x8x64xf32, #tpu.memory_space<vmem>> -> memref<1x8x64xf32, #tpu.memory_space<vmem>>
    %dma_start3A_682 = tpu.memref_squeeze %dma_start3A_681 : memref<1x8x64xf32, #tpu.memory_space<vmem>> -> memref<8x64xf32, #tpu.memory_space<vmem>>
    %dma_start3A_683 = arith.constant 0 : i32
    %dma_start3A_684 = arith.constant 0 : i32
    %dma_start3A_685 = tpu.memref_slice %arg3[%shift_right_arithmetic3A_677, %dma_start3A_683, %dma_start3A_684] : memref<125000x8x64xf32, #tpu.memory_space<hbm>> -> memref<1x8x64xf32, #tpu.memory_space<hbm>>
    %dma_start3A_686 = tpu.memref_squeeze %dma_start3A_685 : memref<1x8x64xf32, #tpu.memory_space<hbm>> -> memref<8x64xf32, #tpu.memory_space<hbm>>
    %dma_start3A_687 = arith.constant 0 : i32
    %dma_start3A_688 = arith.constant 0 : i32
    %dma_start3A_689 = tpu.memref_slice %arg6[%dma_start3A_678, %dma_start3A_687, %dma_start3A_688] : memref<32x8x64xf32, #tpu.memory_space<vmem>> -> memref<1x8x64xf32, #tpu.memory_space<vmem>>
    %dma_start3A_690 = tpu.memref_squeeze %dma_start3A_689 : memref<1x8x64xf32, #tpu.memory_space<vmem>> -> memref<8x64xf32, #tpu.memory_space<vmem>>
    %dma_start3A_691 = arith.constant 0 : i32
    %dma_start3A_692 = arith.constant 0 : i32
    %dma_start3A_693 = tpu.memref_slice %arg3[%shift_right_arithmetic3A_677, %dma_start3A_691, %dma_start3A_692] : memref<125000x8x64xf32, #tpu.memory_space<hbm>> -> memref<1x8x64xf32, #tpu.memory_space<hbm>>
    %dma_start3A_694 = tpu.memref_squeeze %dma_start3A_693 : memref<1x8x64xf32, #tpu.memory_space<hbm>> -> memref<8x64xf32, #tpu.memory_space<hbm>>
    tpu.enqueue_dma source(%dma_start3A_694 : memref<8x64xf32, #tpu.memory_space<hbm>>) target(%dma_start3A_690 : memref<8x64xf32, #tpu.memory_space<vmem>>) target_semaphore(%arg8 : memref<!tpu.dma_semaphore, #tpu.memory_space<semaphore_mem>>)
    %get3A_695 = arith.constant 16 : index
    %get3A_696 = tpu.vector_load %arg5[%get3A_695] {strides = array<i32>} : memref<512xi32, #tpu.memory_space<vmem>>, vector<16xi32>,
    %eq3A_697 = arith.constant 4 : i32
    %eq3A_698 = vector.broadcast %eq3A_697 : i32 to vector<16xi32>
    %eq3A_699 = arith.cmpi eq, %iota3A, %eq3A_698 : vector<16xi32>
    %jit3A_700 = arith.constant -1 : i32
    %broadcast_in_dim3A_701 = vector.broadcast %jit3A_700 : i32 to vector<16xi32>
    %select_n3A_702 = arith.select %eq3A_699, %get3A_696, %broadcast_in_dim3A_701 : vector<16xi1>, vector<16xi32>
    %reduce_max3A_703 = arith.constant true
    %reduce_max3A_704 = vector.broadcast %reduce_max3A_703 : i1 to vector<16xi1>
    %reduce_max3A_705 = arith.constant -2147483648 : i32
    %reduce_max3A_706 = vector.broadcast %reduce_max3A_705 : i32 to vector<16xi32>
    %reduce_max3A_707 = arith.xori %select_n3A_702, %reduce_max3A_706 : vector<16xi32>
    %reduce_max3A_708 = tpu.scan <max>, %reduce_max3A_707 masked %reduce_max3A_704 : vector<16xi32>, vector<16xi1> -> vector<16xi32>
    %reduce_max3A_709 = arith.xori %reduce_max3A_708, %reduce_max3A_706 : vector<16xi32>
    %reduce_max3A_710 = vector.extract %reduce_max3A_709[15] : i32 from vector<16xi32>
    %shift_right_arithmetic3A_711 = arith.constant 3 : i32
    %shift_right_arithmetic3A_712 = arith.shrsi %reduce_max3A_710, %shift_right_arithmetic3A_711 : i32
    %dma_start3A_713 = arith.constant 20 : i32
    %dma_start3A_714 = arith.constant 0 : i32
    %dma_start3A_715 = arith.constant 0 : i32
    %dma_start3A_716 = tpu.memref_slice %arg6[%dma_start3A_713, %dma_start3A_714, %dma_start3A_715] : memref<32x8x64xf32, #tpu.memory_space<vmem>> -> memref<1x8x64xf32, #tpu.memory_space<vmem>>
    %dma_start3A_717 = tpu.memref_squeeze %dma_start3A_716 : memref<1x8x64xf32, #tpu.memory_space<vmem>> -> memref<8x64xf32, #tpu.memory_space<vmem>>
    %dma_start3A_718 = arith.constant 0 : i32
    %dma_start3A_719 = arith.constant 0 : i32
    %dma_start3A_720 = tpu.memref_slice %arg3[%shift_right_arithmetic3A_712, %dma_start3A_718, %dma_start3A_719] : memref<125000x8x64xf32, #tpu.memory_space<hbm>> -> memref<1x8x64xf32, #tpu.memory_space<hbm>>
    %dma_start3A_721 = tpu.memref_squeeze %dma_start3A_720 : memref<1x8x64xf32, #tpu.memory_space<hbm>> -> memref<8x64xf32, #tpu.memory_space<hbm>>
    %dma_start3A_722 = arith.constant 0 : i32
    %dma_start3A_723 = arith.constant 0 : i32
    %dma_start3A_724 = tpu.memref_slice %arg6[%dma_start3A_713, %dma_start3A_722, %dma_start3A_723] : memref<32x8x64xf32, #tpu.memory_space<vmem>> -> memref<1x8x64xf32, #tpu.memory_space<vmem>>
    %dma_start3A_725 = tpu.memref_squeeze %dma_start3A_724 : memref<1x8x64xf32, #tpu.memory_space<vmem>> -> memref<8x64xf32, #tpu.memory_space<vmem>>
    %dma_start3A_726 = arith.constant 0 : i32
    %dma_start3A_727 = arith.constant 0 : i32
    %dma_start3A_728 = tpu.memref_slice %arg3[%shift_right_arithmetic3A_712, %dma_start3A_726, %dma_start3A_727] : memref<125000x8x64xf32, #tpu.memory_space<hbm>> -> memref<1x8x64xf32, #tpu.memory_space<hbm>>
    %dma_start3A_729 = tpu.memref_squeeze %dma_start3A_728 : memref<1x8x64xf32, #tpu.memory_space<hbm>> -> memref<8x64xf32, #tpu.memory_space<hbm>>
    tpu.enqueue_dma source(%dma_start3A_729 : memref<8x64xf32, #tpu.memory_space<hbm>>) target(%dma_start3A_725 : memref<8x64xf32, #tpu.memory_space<vmem>>) target_semaphore(%arg8 : memref<!tpu.dma_semaphore, #tpu.memory_space<semaphore_mem>>)
    %get3A_730 = arith.constant 16 : index
    %get3A_731 = tpu.vector_load %arg5[%get3A_730] {strides = array<i32>} : memref<512xi32, #tpu.memory_space<vmem>>, vector<16xi32>,
    %eq3A_732 = arith.constant 5 : i32
    %eq3A_733 = vector.broadcast %eq3A_732 : i32 to vector<16xi32>
    %eq3A_734 = arith.cmpi eq, %iota3A, %eq3A_733 : vector<16xi32>
    %jit3A_735 = arith.constant -1 : i32
    %broadcast_in_dim3A_736 = vector.broadcast %jit3A_735 : i32 to vector<16xi32>
    %select_n3A_737 = arith.select %eq3A_734, %get3A_731, %broadcast_in_dim3A_736 : vector<16xi1>, vector<16xi32>
    %reduce_max3A_738 = arith.constant true
    %reduce_max3A_739 = vector.broadcast %reduce_max3A_738 : i1 to vector<16xi1>
    %reduce_max3A_740 = arith.constant -2147483648 : i32
    %reduce_max3A_741 = vector.broadcast %reduce_max3A_740 : i32 to vector<16xi32>
    %reduce_max3A_742 = arith.xori %select_n3A_737, %reduce_max3A_741 : vector<16xi32>
    %reduce_max3A_743 = tpu.scan <max>, %reduce_max3A_742 masked %reduce_max3A_739 : vector<16xi32>, vector<16xi1> -> vector<16xi32>
    %reduce_max3A_744 = arith.xori %reduce_max3A_743, %reduce_max3A_741 : vector<16xi32>
    %reduce_max3A_745 = vector.extract %reduce_max3A_744[15] : i32 from vector<16xi32>
    %shift_right_arithmetic3A_746 = arith.constant 3 : i32
    %shift_right_arithmetic3A_747 = arith.shrsi %reduce_max3A_745, %shift_right_arithmetic3A_746 : i32
    %dma_start3A_748 = arith.constant 21 : i32
    %dma_start3A_749 = arith.constant 0 : i32
    %dma_start3A_750 = arith.constant 0 : i32
    %dma_start3A_751 = tpu.memref_slice %arg6[%dma_start3A_748, %dma_start3A_749, %dma_start3A_750] : memref<32x8x64xf32, #tpu.memory_space<vmem>> -> memref<1x8x64xf32, #tpu.memory_space<vmem>>
    %dma_start3A_752 = tpu.memref_squeeze %dma_start3A_751 : memref<1x8x64xf32, #tpu.memory_space<vmem>> -> memref<8x64xf32, #tpu.memory_space<vmem>>
    %dma_start3A_753 = arith.constant 0 : i32
    %dma_start3A_754 = arith.constant 0 : i32
    %dma_start3A_755 = tpu.memref_slice %arg3[%shift_right_arithmetic3A_747, %dma_start3A_753, %dma_start3A_754] : memref<125000x8x64xf32, #tpu.memory_space<hbm>> -> memref<1x8x64xf32, #tpu.memory_space<hbm>>
    %dma_start3A_756 = tpu.memref_squeeze %dma_start3A_755 : memref<1x8x64xf32, #tpu.memory_space<hbm>> -> memref<8x64xf32, #tpu.memory_space<hbm>>
    %dma_start3A_757 = arith.constant 0 : i32
    %dma_start3A_758 = arith.constant 0 : i32
    %dma_start3A_759 = tpu.memref_slice %arg6[%dma_start3A_748, %dma_start3A_757, %dma_start3A_758] : memref<32x8x64xf32, #tpu.memory_space<vmem>> -> memref<1x8x64xf32, #tpu.memory_space<vmem>>
    %dma_start3A_760 = tpu.memref_squeeze %dma_start3A_759 : memref<1x8x64xf32, #tpu.memory_space<vmem>> -> memref<8x64xf32, #tpu.memory_space<vmem>>
    %dma_start3A_761 = arith.constant 0 : i32
    %dma_start3A_762 = arith.constant 0 : i32
    %dma_start3A_763 = tpu.memref_slice %arg3[%shift_right_arithmetic3A_747, %dma_start3A_761, %dma_start3A_762] : memref<125000x8x64xf32, #tpu.memory_space<hbm>> -> memref<1x8x64xf32, #tpu.memory_space<hbm>>
    %dma_start3A_764 = tpu.memref_squeeze %dma_start3A_763 : memref<1x8x64xf32, #tpu.memory_space<hbm>> -> memref<8x64xf32, #tpu.memory_space<hbm>>
    tpu.enqueue_dma source(%dma_start3A_764 : memref<8x64xf32, #tpu.memory_space<hbm>>) target(%dma_start3A_760 : memref<8x64xf32, #tpu.memory_space<vmem>>) target_semaphore(%arg8 : memref<!tpu.dma_semaphore, #tpu.memory_space<semaphore_mem>>)
    %get3A_765 = arith.constant 16 : index
    %get3A_766 = tpu.vector_load %arg5[%get3A_765] {strides = array<i32>} : memref<512xi32, #tpu.memory_space<vmem>>, vector<16xi32>,
    %eq3A_767 = arith.constant 6 : i32
    %eq3A_768 = vector.broadcast %eq3A_767 : i32 to vector<16xi32>
    %eq3A_769 = arith.cmpi eq, %iota3A, %eq3A_768 : vector<16xi32>
    %jit3A_770 = arith.constant -1 : i32
    %broadcast_in_dim3A_771 = vector.broadcast %jit3A_770 : i32 to vector<16xi32>
    %select_n3A_772 = arith.select %eq3A_769, %get3A_766, %broadcast_in_dim3A_771 : vector<16xi1>, vector<16xi32>
    %reduce_max3A_773 = arith.constant true
    %reduce_max3A_774 = vector.broadcast %reduce_max3A_773 : i1 to vector<16xi1>
    %reduce_max3A_775 = arith.constant -2147483648 : i32
    %reduce_max3A_776 = vector.broadcast %reduce_max3A_775 : i32 to vector<16xi32>
    %reduce_max3A_777 = arith.xori %select_n3A_772, %reduce_max3A_776 : vector<16xi32>
    %reduce_max3A_778 = tpu.scan <max>, %reduce_max3A_777 masked %reduce_max3A_774 : vector<16xi32>, vector<16xi1> -> vector<16xi32>
    %reduce_max3A_779 = arith.xori %reduce_max3A_778, %reduce_max3A_776 : vector<16xi32>
    %reduce_max3A_780 = vector.extract %reduce_max3A_779[15] : i32 from vector<16xi32>
    %shift_right_arithmetic3A_781 = arith.constant 3 : i32
    %shift_right_arithmetic3A_782 = arith.shrsi %reduce_max3A_780, %shift_right_arithmetic3A_781 : i32
    %dma_start3A_783 = arith.constant 22 : i32
    %dma_start3A_784 = arith.constant 0 : i32
    %dma_start3A_785 = arith.constant 0 : i32
    %dma_start3A_786 = tpu.memref_slice %arg6[%dma_start3A_783, %dma_start3A_784, %dma_start3A_785] : memref<32x8x64xf32, #tpu.memory_space<vmem>> -> memref<1x8x64xf32, #tpu.memory_space<vmem>>
    %dma_start3A_787 = tpu.memref_squeeze %dma_start3A_786 : memref<1x8x64xf32, #tpu.memory_space<vmem>> -> memref<8x64xf32, #tpu.memory_space<vmem>>
    %dma_start3A_788 = arith.constant 0 : i32
    %dma_start3A_789 = arith.constant 0 : i32
    %dma_start3A_790 = tpu.memref_slice %arg3[%shift_right_arithmetic3A_782, %dma_start3A_788, %dma_start3A_789] : memref<125000x8x64xf32, #tpu.memory_space<hbm>> -> memref<1x8x64xf32, #tpu.memory_space<hbm>>
    %dma_start3A_791 = tpu.memref_squeeze %dma_start3A_790 : memref<1x8x64xf32, #tpu.memory_space<hbm>> -> memref<8x64xf32, #tpu.memory_space<hbm>>
    %dma_start3A_792 = arith.constant 0 : i32
    %dma_start3A_793 = arith.constant 0 : i32
    %dma_start3A_794 = tpu.memref_slice %arg6[%dma_start3A_783, %dma_start3A_792, %dma_start3A_793] : memref<32x8x64xf32, #tpu.memory_space<vmem>> -> memref<1x8x64xf32, #tpu.memory_space<vmem>>
    %dma_start3A_795 = tpu.memref_squeeze %dma_start3A_794 : memref<1x8x64xf32, #tpu.memory_space<vmem>> -> memref<8x64xf32, #tpu.memory_space<vmem>>
    %dma_start3A_796 = arith.constant 0 : i32
    %dma_start3A_797 = arith.constant 0 : i32
    %dma_start3A_798 = tpu.memref_slice %arg3[%shift_right_arithmetic3A_782, %dma_start3A_796, %dma_start3A_797] : memref<125000x8x64xf32, #tpu.memory_space<hbm>> -> memref<1x8x64xf32, #tpu.memory_space<hbm>>
    %dma_start3A_799 = tpu.memref_squeeze %dma_start3A_798 : memref<1x8x64xf32, #tpu.memory_space<hbm>> -> memref<8x64xf32, #tpu.memory_space<hbm>>
    tpu.enqueue_dma source(%dma_start3A_799 : memref<8x64xf32, #tpu.memory_space<hbm>>) target(%dma_start3A_795 : memref<8x64xf32, #tpu.memory_space<vmem>>) target_semaphore(%arg8 : memref<!tpu.dma_semaphore, #tpu.memory_space<semaphore_mem>>)
    %get3A_800 = arith.constant 16 : index
    %get3A_801 = tpu.vector_load %arg5[%get3A_800] {strides = array<i32>} : memref<512xi32, #tpu.memory_space<vmem>>, vector<16xi32>,
    %eq3A_802 = arith.constant 7 : i32
    %eq3A_803 = vector.broadcast %eq3A_802 : i32 to vector<16xi32>
    %eq3A_804 = arith.cmpi eq, %iota3A, %eq3A_803 : vector<16xi32>
    %jit3A_805 = arith.constant -1 : i32
    %broadcast_in_dim3A_806 = vector.broadcast %jit3A_805 : i32 to vector<16xi32>
    %select_n3A_807 = arith.select %eq3A_804, %get3A_801, %broadcast_in_dim3A_806 : vector<16xi1>, vector<16xi32>
    %reduce_max3A_808 = arith.constant true
    %reduce_max3A_809 = vector.broadcast %reduce_max3A_808 : i1 to vector<16xi1>
    %reduce_max3A_810 = arith.constant -2147483648 : i32
    %reduce_max3A_811 = vector.broadcast %reduce_max3A_810 : i32 to vector<16xi32>
    %reduce_max3A_812 = arith.xori %select_n3A_807, %reduce_max3A_811 : vector<16xi32>
    %reduce_max3A_813 = tpu.scan <max>, %reduce_max3A_812 masked %reduce_max3A_809 : vector<16xi32>, vector<16xi1> -> vector<16xi32>
    %reduce_max3A_814 = arith.xori %reduce_max3A_813, %reduce_max3A_811 : vector<16xi32>
    %reduce_max3A_815 = vector.extract %reduce_max3A_814[15] : i32 from vector<16xi32>
    %shift_right_arithmetic3A_816 = arith.constant 3 : i32
    %shift_right_arithmetic3A_817 = arith.shrsi %reduce_max3A_815, %shift_right_arithmetic3A_816 : i32
    %dma_start3A_818 = arith.constant 23 : i32
    %dma_start3A_819 = arith.constant 0 : i32
    %dma_start3A_820 = arith.constant 0 : i32
    %dma_start3A_821 = tpu.memref_slice %arg6[%dma_start3A_818, %dma_start3A_819, %dma_start3A_820] : memref<32x8x64xf32, #tpu.memory_space<vmem>> -> memref<1x8x64xf32, #tpu.memory_space<vmem>>
    %dma_start3A_822 = tpu.memref_squeeze %dma_start3A_821 : memref<1x8x64xf32, #tpu.memory_space<vmem>> -> memref<8x64xf32, #tpu.memory_space<vmem>>
    %dma_start3A_823 = arith.constant 0 : i32
    %dma_start3A_824 = arith.constant 0 : i32
    %dma_start3A_825 = tpu.memref_slice %arg3[%shift_right_arithmetic3A_817, %dma_start3A_823, %dma_start3A_824] : memref<125000x8x64xf32, #tpu.memory_space<hbm>> -> memref<1x8x64xf32, #tpu.memory_space<hbm>>
    %dma_start3A_826 = tpu.memref_squeeze %dma_start3A_825 : memref<1x8x64xf32, #tpu.memory_space<hbm>> -> memref<8x64xf32, #tpu.memory_space<hbm>>
    %dma_start3A_827 = arith.constant 0 : i32
    %dma_start3A_828 = arith.constant 0 : i32
    %dma_start3A_829 = tpu.memref_slice %arg6[%dma_start3A_818, %dma_start3A_827, %dma_start3A_828] : memref<32x8x64xf32, #tpu.memory_space<vmem>> -> memref<1x8x64xf32, #tpu.memory_space<vmem>>
    %dma_start3A_830 = tpu.memref_squeeze %dma_start3A_829 : memref<1x8x64xf32, #tpu.memory_space<vmem>> -> memref<8x64xf32, #tpu.memory_space<vmem>>
    %dma_start3A_831 = arith.constant 0 : i32
    %dma_start3A_832 = arith.constant 0 : i32
    %dma_start3A_833 = tpu.memref_slice %arg3[%shift_right_arithmetic3A_817, %dma_start3A_831, %dma_start3A_832] : memref<125000x8x64xf32, #tpu.memory_space<hbm>> -> memref<1x8x64xf32, #tpu.memory_space<hbm>>
    %dma_start3A_834 = tpu.memref_squeeze %dma_start3A_833 : memref<1x8x64xf32, #tpu.memory_space<hbm>> -> memref<8x64xf32, #tpu.memory_space<hbm>>
    tpu.enqueue_dma source(%dma_start3A_834 : memref<8x64xf32, #tpu.memory_space<hbm>>) target(%dma_start3A_830 : memref<8x64xf32, #tpu.memory_space<vmem>>) target_semaphore(%arg8 : memref<!tpu.dma_semaphore, #tpu.memory_space<semaphore_mem>>)
    %get3A_835 = arith.constant 16 : index
    %get3A_836 = tpu.vector_load %arg5[%get3A_835] {strides = array<i32>} : memref<512xi32, #tpu.memory_space<vmem>>, vector<16xi32>,
    %eq3A_837 = arith.constant 8 : i32
    %eq3A_838 = vector.broadcast %eq3A_837 : i32 to vector<16xi32>
    %eq3A_839 = arith.cmpi eq, %iota3A, %eq3A_838 : vector<16xi32>
    %jit3A_840 = arith.constant -1 : i32
    %broadcast_in_dim3A_841 = vector.broadcast %jit3A_840 : i32 to vector<16xi32>
    %select_n3A_842 = arith.select %eq3A_839, %get3A_836, %broadcast_in_dim3A_841 : vector<16xi1>, vector<16xi32>
    %reduce_max3A_843 = arith.constant true
    %reduce_max3A_844 = vector.broadcast %reduce_max3A_843 : i1 to vector<16xi1>
    %reduce_max3A_845 = arith.constant -2147483648 : i32
    %reduce_max3A_846 = vector.broadcast %reduce_max3A_845 : i32 to vector<16xi32>
    %reduce_max3A_847 = arith.xori %select_n3A_842, %reduce_max3A_846 : vector<16xi32>
    %reduce_max3A_848 = tpu.scan <max>, %reduce_max3A_847 masked %reduce_max3A_844 : vector<16xi32>, vector<16xi1> -> vector<16xi32>
    %reduce_max3A_849 = arith.xori %reduce_max3A_848, %reduce_max3A_846 : vector<16xi32>
    %reduce_max3A_850 = vector.extract %reduce_max3A_849[15] : i32 from vector<16xi32>
    %shift_right_arithmetic3A_851 = arith.constant 3 : i32
    %shift_right_arithmetic3A_852 = arith.shrsi %reduce_max3A_850, %shift_right_arithmetic3A_851 : i32
    %dma_start3A_853 = arith.constant 24 : i32
    %dma_start3A_854 = arith.constant 0 : i32
    %dma_start3A_855 = arith.constant 0 : i32
    %dma_start3A_856 = tpu.memref_slice %arg6[%dma_start3A_853, %dma_start3A_854, %dma_start3A_855] : memref<32x8x64xf32, #tpu.memory_space<vmem>> -> memref<1x8x64xf32, #tpu.memory_space<vmem>>
    %dma_start3A_857 = tpu.memref_squeeze %dma_start3A_856 : memref<1x8x64xf32, #tpu.memory_space<vmem>> -> memref<8x64xf32, #tpu.memory_space<vmem>>
    %dma_start3A_858 = arith.constant 0 : i32
    %dma_start3A_859 = arith.constant 0 : i32
    %dma_start3A_860 = tpu.memref_slice %arg3[%shift_right_arithmetic3A_852, %dma_start3A_858, %dma_start3A_859] : memref<125000x8x64xf32, #tpu.memory_space<hbm>> -> memref<1x8x64xf32, #tpu.memory_space<hbm>>
    %dma_start3A_861 = tpu.memref_squeeze %dma_start3A_860 : memref<1x8x64xf32, #tpu.memory_space<hbm>> -> memref<8x64xf32, #tpu.memory_space<hbm>>
    %dma_start3A_862 = arith.constant 0 : i32
    %dma_start3A_863 = arith.constant 0 : i32
    %dma_start3A_864 = tpu.memref_slice %arg6[%dma_start3A_853, %dma_start3A_862, %dma_start3A_863] : memref<32x8x64xf32, #tpu.memory_space<vmem>> -> memref<1x8x64xf32, #tpu.memory_space<vmem>>
    %dma_start3A_865 = tpu.memref_squeeze %dma_start3A_864 : memref<1x8x64xf32, #tpu.memory_space<vmem>> -> memref<8x64xf32, #tpu.memory_space<vmem>>
    %dma_start3A_866 = arith.constant 0 : i32
    %dma_start3A_867 = arith.constant 0 : i32
    %dma_start3A_868 = tpu.memref_slice %arg3[%shift_right_arithmetic3A_852, %dma_start3A_866, %dma_start3A_867] : memref<125000x8x64xf32, #tpu.memory_space<hbm>> -> memref<1x8x64xf32, #tpu.memory_space<hbm>>
    %dma_start3A_869 = tpu.memref_squeeze %dma_start3A_868 : memref<1x8x64xf32, #tpu.memory_space<hbm>> -> memref<8x64xf32, #tpu.memory_space<hbm>>
    tpu.enqueue_dma source(%dma_start3A_869 : memref<8x64xf32, #tpu.memory_space<hbm>>) target(%dma_start3A_865 : memref<8x64xf32, #tpu.memory_space<vmem>>) target_semaphore(%arg8 : memref<!tpu.dma_semaphore, #tpu.memory_space<semaphore_mem>>)
    %get3A_870 = arith.constant 16 : index
    %get3A_871 = tpu.vector_load %arg5[%get3A_870] {strides = array<i32>} : memref<512xi32, #tpu.memory_space<vmem>>, vector<16xi32>,
    %eq3A_872 = arith.constant 9 : i32
    %eq3A_873 = vector.broadcast %eq3A_872 : i32 to vector<16xi32>
    %eq3A_874 = arith.cmpi eq, %iota3A, %eq3A_873 : vector<16xi32>
    %jit3A_875 = arith.constant -1 : i32
    %broadcast_in_dim3A_876 = vector.broadcast %jit3A_875 : i32 to vector<16xi32>
    %select_n3A_877 = arith.select %eq3A_874, %get3A_871, %broadcast_in_dim3A_876 : vector<16xi1>, vector<16xi32>
    %reduce_max3A_878 = arith.constant true
    %reduce_max3A_879 = vector.broadcast %reduce_max3A_878 : i1 to vector<16xi1>
    %reduce_max3A_880 = arith.constant -2147483648 : i32
    %reduce_max3A_881 = vector.broadcast %reduce_max3A_880 : i32 to vector<16xi32>
    %reduce_max3A_882 = arith.xori %select_n3A_877, %reduce_max3A_881 : vector<16xi32>
    %reduce_max3A_883 = tpu.scan <max>, %reduce_max3A_882 masked %reduce_max3A_879 : vector<16xi32>, vector<16xi1> -> vector<16xi32>
    %reduce_max3A_884 = arith.xori %reduce_max3A_883, %reduce_max3A_881 : vector<16xi32>
    %reduce_max3A_885 = vector.extract %reduce_max3A_884[15] : i32 from vector<16xi32>
    %shift_right_arithmetic3A_886 = arith.constant 3 : i32
    %shift_right_arithmetic3A_887 = arith.shrsi %reduce_max3A_885, %shift_right_arithmetic3A_886 : i32
    %dma_start3A_888 = arith.constant 25 : i32
    %dma_start3A_889 = arith.constant 0 : i32
    %dma_start3A_890 = arith.constant 0 : i32
    %dma_start3A_891 = tpu.memref_slice %arg6[%dma_start3A_888, %dma_start3A_889, %dma_start3A_890] : memref<32x8x64xf32, #tpu.memory_space<vmem>> -> memref<1x8x64xf32, #tpu.memory_space<vmem>>
    %dma_start3A_892 = tpu.memref_squeeze %dma_start3A_891 : memref<1x8x64xf32, #tpu.memory_space<vmem>> -> memref<8x64xf32, #tpu.memory_space<vmem>>
    %dma_start3A_893 = arith.constant 0 : i32
    %dma_start3A_894 = arith.constant 0 : i32
    %dma_start3A_895 = tpu.memref_slice %arg3[%shift_right_arithmetic3A_887, %dma_start3A_893, %dma_start3A_894] : memref<125000x8x64xf32, #tpu.memory_space<hbm>> -> memref<1x8x64xf32, #tpu.memory_space<hbm>>
    %dma_start3A_896 = tpu.memref_squeeze %dma_start3A_895 : memref<1x8x64xf32, #tpu.memory_space<hbm>> -> memref<8x64xf32, #tpu.memory_space<hbm>>
    %dma_start3A_897 = arith.constant 0 : i32
    %dma_start3A_898 = arith.constant 0 : i32
    %dma_start3A_899 = tpu.memref_slice %arg6[%dma_start3A_888, %dma_start3A_897, %dma_start3A_898] : memref<32x8x64xf32, #tpu.memory_space<vmem>> -> memref<1x8x64xf32, #tpu.memory_space<vmem>>
    %dma_start3A_900 = tpu.memref_squeeze %dma_start3A_899 : memref<1x8x64xf32, #tpu.memory_space<vmem>> -> memref<8x64xf32, #tpu.memory_space<vmem>>
    %dma_start3A_901 = arith.constant 0 : i32
    %dma_start3A_902 = arith.constant 0 : i32
    %dma_start3A_903 = tpu.memref_slice %arg3[%shift_right_arithmetic3A_887, %dma_start3A_901, %dma_start3A_902] : memref<125000x8x64xf32, #tpu.memory_space<hbm>> -> memref<1x8x64xf32, #tpu.memory_space<hbm>>
    %dma_start3A_904 = tpu.memref_squeeze %dma_start3A_903 : memref<1x8x64xf32, #tpu.memory_space<hbm>> -> memref<8x64xf32, #tpu.memory_space<hbm>>
    tpu.enqueue_dma source(%dma_start3A_904 : memref<8x64xf32, #tpu.memory_space<hbm>>) target(%dma_start3A_900 : memref<8x64xf32, #tpu.memory_space<vmem>>) target_semaphore(%arg8 : memref<!tpu.dma_semaphore, #tpu.memory_space<semaphore_mem>>)
    %get3A_905 = arith.constant 16 : index
    %get3A_906 = tpu.vector_load %arg5[%get3A_905] {strides = array<i32>} : memref<512xi32, #tpu.memory_space<vmem>>, vector<16xi32>,
    %eq3A_907 = arith.constant 10 : i32
    %eq3A_908 = vector.broadcast %eq3A_907 : i32 to vector<16xi32>
    %eq3A_909 = arith.cmpi eq, %iota3A, %eq3A_908 : vector<16xi32>
    %jit3A_910 = arith.constant -1 : i32
    %broadcast_in_dim3A_911 = vector.broadcast %jit3A_910 : i32 to vector<16xi32>
    %select_n3A_912 = arith.select %eq3A_909, %get3A_906, %broadcast_in_dim3A_911 : vector<16xi1>, vector<16xi32>
    %reduce_max3A_913 = arith.constant true
    %reduce_max3A_914 = vector.broadcast %reduce_max3A_913 : i1 to vector<16xi1>
    %reduce_max3A_915 = arith.constant -2147483648 : i32
    %reduce_max3A_916 = vector.broadcast %reduce_max3A_915 : i32 to vector<16xi32>
    %reduce_max3A_917 = arith.xori %select_n3A_912, %reduce_max3A_916 : vector<16xi32>
    %reduce_max3A_918 = tpu.scan <max>, %reduce_max3A_917 masked %reduce_max3A_914 : vector<16xi32>, vector<16xi1> -> vector<16xi32>
    %reduce_max3A_919 = arith.xori %reduce_max3A_918, %reduce_max3A_916 : vector<16xi32>
    %reduce_max3A_920 = vector.extract %reduce_max3A_919[15] : i32 from vector<16xi32>
    %shift_right_arithmetic3A_921 = arith.constant 3 : i32
    %shift_right_arithmetic3A_922 = arith.shrsi %reduce_max3A_920, %shift_right_arithmetic3A_921 : i32
    %dma_start3A_923 = arith.constant 26 : i32
    %dma_start3A_924 = arith.constant 0 : i32
    %dma_start3A_925 = arith.constant 0 : i32
    %dma_start3A_926 = tpu.memref_slice %arg6[%dma_start3A_923, %dma_start3A_924, %dma_start3A_925] : memref<32x8x64xf32, #tpu.memory_space<vmem>> -> memref<1x8x64xf32, #tpu.memory_space<vmem>>
    %dma_start3A_927 = tpu.memref_squeeze %dma_start3A_926 : memref<1x8x64xf32, #tpu.memory_space<vmem>> -> memref<8x64xf32, #tpu.memory_space<vmem>>
    %dma_start3A_928 = arith.constant 0 : i32
    %dma_start3A_929 = arith.constant 0 : i32
    %dma_start3A_930 = tpu.memref_slice %arg3[%shift_right_arithmetic3A_922, %dma_start3A_928, %dma_start3A_929] : memref<125000x8x64xf32, #tpu.memory_space<hbm>> -> memref<1x8x64xf32, #tpu.memory_space<hbm>>
    %dma_start3A_931 = tpu.memref_squeeze %dma_start3A_930 : memref<1x8x64xf32, #tpu.memory_space<hbm>> -> memref<8x64xf32, #tpu.memory_space<hbm>>
    %dma_start3A_932 = arith.constant 0 : i32
    %dma_start3A_933 = arith.constant 0 : i32
    %dma_start3A_934 = tpu.memref_slice %arg6[%dma_start3A_923, %dma_start3A_932, %dma_start3A_933] : memref<32x8x64xf32, #tpu.memory_space<vmem>> -> memref<1x8x64xf32, #tpu.memory_space<vmem>>
    %dma_start3A_935 = tpu.memref_squeeze %dma_start3A_934 : memref<1x8x64xf32, #tpu.memory_space<vmem>> -> memref<8x64xf32, #tpu.memory_space<vmem>>
    %dma_start3A_936 = arith.constant 0 : i32
    %dma_start3A_937 = arith.constant 0 : i32
    %dma_start3A_938 = tpu.memref_slice %arg3[%shift_right_arithmetic3A_922, %dma_start3A_936, %dma_start3A_937] : memref<125000x8x64xf32, #tpu.memory_space<hbm>> -> memref<1x8x64xf32, #tpu.memory_space<hbm>>
    %dma_start3A_939 = tpu.memref_squeeze %dma_start3A_938 : memref<1x8x64xf32, #tpu.memory_space<hbm>> -> memref<8x64xf32, #tpu.memory_space<hbm>>
    tpu.enqueue_dma source(%dma_start3A_939 : memref<8x64xf32, #tpu.memory_space<hbm>>) target(%dma_start3A_935 : memref<8x64xf32, #tpu.memory_space<vmem>>) target_semaphore(%arg8 : memref<!tpu.dma_semaphore, #tpu.memory_space<semaphore_mem>>)
    %get3A_940 = arith.constant 16 : index
    %get3A_941 = tpu.vector_load %arg5[%get3A_940] {strides = array<i32>} : memref<512xi32, #tpu.memory_space<vmem>>, vector<16xi32>,
    %eq3A_942 = arith.constant 11 : i32
    %eq3A_943 = vector.broadcast %eq3A_942 : i32 to vector<16xi32>
    %eq3A_944 = arith.cmpi eq, %iota3A, %eq3A_943 : vector<16xi32>
    %jit3A_945 = arith.constant -1 : i32
    %broadcast_in_dim3A_946 = vector.broadcast %jit3A_945 : i32 to vector<16xi32>
    %select_n3A_947 = arith.select %eq3A_944, %get3A_941, %broadcast_in_dim3A_946 : vector<16xi1>, vector<16xi32>
    %reduce_max3A_948 = arith.constant true
    %reduce_max3A_949 = vector.broadcast %reduce_max3A_948 : i1 to vector<16xi1>
    %reduce_max3A_950 = arith.constant -2147483648 : i32
    %reduce_max3A_951 = vector.broadcast %reduce_max3A_950 : i32 to vector<16xi32>
    %reduce_max3A_952 = arith.xori %select_n3A_947, %reduce_max3A_951 : vector<16xi32>
    %reduce_max3A_953 = tpu.scan <max>, %reduce_max3A_952 masked %reduce_max3A_949 : vector<16xi32>, vector<16xi1> -> vector<16xi32>
    %reduce_max3A_954 = arith.xori %reduce_max3A_953, %reduce_max3A_951 : vector<16xi32>
    %reduce_max3A_955 = vector.extract %reduce_max3A_954[15] : i32 from vector<16xi32>
    %shift_right_arithmetic3A_956 = arith.constant 3 : i32
    %shift_right_arithmetic3A_957 = arith.shrsi %reduce_max3A_955, %shift_right_arithmetic3A_956 : i32
    %dma_start3A_958 = arith.constant 27 : i32
    %dma_start3A_959 = arith.constant 0 : i32
    %dma_start3A_960 = arith.constant 0 : i32
    %dma_start3A_961 = tpu.memref_slice %arg6[%dma_start3A_958, %dma_start3A_959, %dma_start3A_960] : memref<32x8x64xf32, #tpu.memory_space<vmem>> -> memref<1x8x64xf32, #tpu.memory_space<vmem>>
    %dma_start3A_962 = tpu.memref_squeeze %dma_start3A_961 : memref<1x8x64xf32, #tpu.memory_space<vmem>> -> memref<8x64xf32, #tpu.memory_space<vmem>>
    %dma_start3A_963 = arith.constant 0 : i32
    %dma_start3A_964 = arith.constant 0 : i32
    %dma_start3A_965 = tpu.memref_slice %arg3[%shift_right_arithmetic3A_957, %dma_start3A_963, %dma_start3A_964] : memref<125000x8x64xf32, #tpu.memory_space<hbm>> -> memref<1x8x64xf32, #tpu.memory_space<hbm>>
    %dma_start3A_966 = tpu.memref_squeeze %dma_start3A_965 : memref<1x8x64xf32, #tpu.memory_space<hbm>> -> memref<8x64xf32, #tpu.memory_space<hbm>>
    %dma_start3A_967 = arith.constant 0 : i32
    %dma_start3A_968 = arith.constant 0 : i32
    %dma_start3A_969 = tpu.memref_slice %arg6[%dma_start3A_958, %dma_start3A_967, %dma_start3A_968] : memref<32x8x64xf32, #tpu.memory_space<vmem>> -> memref<1x8x64xf32, #tpu.memory_space<vmem>>
    %dma_start3A_970 = tpu.memref_squeeze %dma_start3A_969 : memref<1x8x64xf32, #tpu.memory_space<vmem>> -> memref<8x64xf32, #tpu.memory_space<vmem>>
    %dma_start3A_971 = arith.constant 0 : i32
    %dma_start3A_972 = arith.constant 0 : i32
    %dma_start3A_973 = tpu.memref_slice %arg3[%shift_right_arithmetic3A_957, %dma_start3A_971, %dma_start3A_972] : memref<125000x8x64xf32, #tpu.memory_space<hbm>> -> memref<1x8x64xf32, #tpu.memory_space<hbm>>
    %dma_start3A_974 = tpu.memref_squeeze %dma_start3A_973 : memref<1x8x64xf32, #tpu.memory_space<hbm>> -> memref<8x64xf32, #tpu.memory_space<hbm>>
    tpu.enqueue_dma source(%dma_start3A_974 : memref<8x64xf32, #tpu.memory_space<hbm>>) target(%dma_start3A_970 : memref<8x64xf32, #tpu.memory_space<vmem>>) target_semaphore(%arg8 : memref<!tpu.dma_semaphore, #tpu.memory_space<semaphore_mem>>)
    %get3A_975 = arith.constant 16 : index
    %get3A_976 = tpu.vector_load %arg5[%get3A_975] {strides = array<i32>} : memref<512xi32, #tpu.memory_space<vmem>>, vector<16xi32>,
    %eq3A_977 = arith.constant 12 : i32
    %eq3A_978 = vector.broadcast %eq3A_977 : i32 to vector<16xi32>
    %eq3A_979 = arith.cmpi eq, %iota3A, %eq3A_978 : vector<16xi32>
    %jit3A_980 = arith.constant -1 : i32
    %broadcast_in_dim3A_981 = vector.broadcast %jit3A_980 : i32 to vector<16xi32>
    %select_n3A_982 = arith.select %eq3A_979, %get3A_976, %broadcast_in_dim3A_981 : vector<16xi1>, vector<16xi32>
    %reduce_max3A_983 = arith.constant true
    %reduce_max3A_984 = vector.broadcast %reduce_max3A_983 : i1 to vector<16xi1>
    %reduce_max3A_985 = arith.constant -2147483648 : i32
    %reduce_max3A_986 = vector.broadcast %reduce_max3A_985 : i32 to vector<16xi32>
    %reduce_max3A_987 = arith.xori %select_n3A_982, %reduce_max3A_986 : vector<16xi32>
    %reduce_max3A_988 = tpu.scan <max>, %reduce_max3A_987 masked %reduce_max3A_984 : vector<16xi32>, vector<16xi1> -> vector<16xi32>
    %reduce_max3A_989 = arith.xori %reduce_max3A_988, %reduce_max3A_986 : vector<16xi32>
    %reduce_max3A_990 = vector.extract %reduce_max3A_989[15] : i32 from vector<16xi32>
    %shift_right_arithmetic3A_991 = arith.constant 3 : i32
    %shift_right_arithmetic3A_992 = arith.shrsi %reduce_max3A_990, %shift_right_arithmetic3A_991 : i32
    %dma_start3A_993 = arith.constant 28 : i32
    %dma_start3A_994 = arith.constant 0 : i32
    %dma_start3A_995 = arith.constant 0 : i32
    %dma_start3A_996 = tpu.memref_slice %arg6[%dma_start3A_993, %dma_start3A_994, %dma_start3A_995] : memref<32x8x64xf32, #tpu.memory_space<vmem>> -> memref<1x8x64xf32, #tpu.memory_space<vmem>>
    %dma_start3A_997 = tpu.memref_squeeze %dma_start3A_996 : memref<1x8x64xf32, #tpu.memory_space<vmem>> -> memref<8x64xf32, #tpu.memory_space<vmem>>
    %dma_start3A_998 = arith.constant 0 : i32
    %dma_start3A_999 = arith.constant 0 : i32
    %dma_start3A_1000 = tpu.memref_slice %arg3[%shift_right_arithmetic3A_992, %dma_start3A_998, %dma_start3A_999] : memref<125000x8x64xf32, #tpu.memory_space<hbm>> -> memref<1x8x64xf32, #tpu.memory_space<hbm>>
    %dma_start3A_1001 = tpu.memref_squeeze %dma_start3A_1000 : memref<1x8x64xf32, #tpu.memory_space<hbm>> -> memref<8x64xf32, #tpu.memory_space<hbm>>
    %dma_start3A_1002 = arith.constant 0 : i32
    %dma_start3A_1003 = arith.constant 0 : i32
    %dma_start3A_1004 = tpu.memref_slice %arg6[%dma_start3A_993, %dma_start3A_1002, %dma_start3A_1003] : memref<32x8x64xf32, #tpu.memory_space<vmem>> -> memref<1x8x64xf32, #tpu.memory_space<vmem>>
    %dma_start3A_1005 = tpu.memref_squeeze %dma_start3A_1004 : memref<1x8x64xf32, #tpu.memory_space<vmem>> -> memref<8x64xf32, #tpu.memory_space<vmem>>
    %dma_start3A_1006 = arith.constant 0 : i32
    %dma_start3A_1007 = arith.constant 0 : i32
    %dma_start3A_1008 = tpu.memref_slice %arg3[%shift_right_arithmetic3A_992, %dma_start3A_1006, %dma_start3A_1007] : memref<125000x8x64xf32, #tpu.memory_space<hbm>> -> memref<1x8x64xf32, #tpu.memory_space<hbm>>
    %dma_start3A_1009 = tpu.memref_squeeze %dma_start3A_1008 : memref<1x8x64xf32, #tpu.memory_space<hbm>> -> memref<8x64xf32, #tpu.memory_space<hbm>>
    tpu.enqueue_dma source(%dma_start3A_1009 : memref<8x64xf32, #tpu.memory_space<hbm>>) target(%dma_start3A_1005 : memref<8x64xf32, #tpu.memory_space<vmem>>) target_semaphore(%arg8 : memref<!tpu.dma_semaphore, #tpu.memory_space<semaphore_mem>>)
    %get3A_1010 = arith.constant 16 : index
    %get3A_1011 = tpu.vector_load %arg5[%get3A_1010] {strides = array<i32>} : memref<512xi32, #tpu.memory_space<vmem>>, vector<16xi32>,
    %eq3A_1012 = arith.constant 13 : i32
    %eq3A_1013 = vector.broadcast %eq3A_1012 : i32 to vector<16xi32>
    %eq3A_1014 = arith.cmpi eq, %iota3A, %eq3A_1013 : vector<16xi32>
    %jit3A_1015 = arith.constant -1 : i32
    %broadcast_in_dim3A_1016 = vector.broadcast %jit3A_1015 : i32 to vector<16xi32>
    %select_n3A_1017 = arith.select %eq3A_1014, %get3A_1011, %broadcast_in_dim3A_1016 : vector<16xi1>, vector<16xi32>
    %reduce_max3A_1018 = arith.constant true
    %reduce_max3A_1019 = vector.broadcast %reduce_max3A_1018 : i1 to vector<16xi1>
    %reduce_max3A_1020 = arith.constant -2147483648 : i32
    %reduce_max3A_1021 = vector.broadcast %reduce_max3A_1020 : i32 to vector<16xi32>
    %reduce_max3A_1022 = arith.xori %select_n3A_1017, %reduce_max3A_1021 : vector<16xi32>
    %reduce_max3A_1023 = tpu.scan <max>, %reduce_max3A_1022 masked %reduce_max3A_1019 : vector<16xi32>, vector<16xi1> -> vector<16xi32>
    %reduce_max3A_1024 = arith.xori %reduce_max3A_1023, %reduce_max3A_1021 : vector<16xi32>
    %reduce_max3A_1025 = vector.extract %reduce_max3A_1024[15] : i32 from vector<16xi32>
    %shift_right_arithmetic3A_1026 = arith.constant 3 : i32
    %shift_right_arithmetic3A_1027 = arith.shrsi %reduce_max3A_1025, %shift_right_arithmetic3A_1026 : i32
    %dma_start3A_1028 = arith.constant 29 : i32
    %dma_start3A_1029 = arith.constant 0 : i32
    %dma_start3A_1030 = arith.constant 0 : i32
    %dma_start3A_1031 = tpu.memref_slice %arg6[%dma_start3A_1028, %dma_start3A_1029, %dma_start3A_1030] : memref<32x8x64xf32, #tpu.memory_space<vmem>> -> memref<1x8x64xf32, #tpu.memory_space<vmem>>
    %dma_start3A_1032 = tpu.memref_squeeze %dma_start3A_1031 : memref<1x8x64xf32, #tpu.memory_space<vmem>> -> memref<8x64xf32, #tpu.memory_space<vmem>>
    %dma_start3A_1033 = arith.constant 0 : i32
    %dma_start3A_1034 = arith.constant 0 : i32
    %dma_start3A_1035 = tpu.memref_slice %arg3[%shift_right_arithmetic3A_1027, %dma_start3A_1033, %dma_start3A_1034] : memref<125000x8x64xf32, #tpu.memory_space<hbm>> -> memref<1x8x64xf32, #tpu.memory_space<hbm>>
    %dma_start3A_1036 = tpu.memref_squeeze %dma_start3A_1035 : memref<1x8x64xf32, #tpu.memory_space<hbm>> -> memref<8x64xf32, #tpu.memory_space<hbm>>
    %dma_start3A_1037 = arith.constant 0 : i32
    %dma_start3A_1038 = arith.constant 0 : i32
    %dma_start3A_1039 = tpu.memref_slice %arg6[%dma_start3A_1028, %dma_start3A_1037, %dma_start3A_1038] : memref<32x8x64xf32, #tpu.memory_space<vmem>> -> memref<1x8x64xf32, #tpu.memory_space<vmem>>
    %dma_start3A_1040 = tpu.memref_squeeze %dma_start3A_1039 : memref<1x8x64xf32, #tpu.memory_space<vmem>> -> memref<8x64xf32, #tpu.memory_space<vmem>>
    %dma_start3A_1041 = arith.constant 0 : i32
    %dma_start3A_1042 = arith.constant 0 : i32
    %dma_start3A_1043 = tpu.memref_slice %arg3[%shift_right_arithmetic3A_1027, %dma_start3A_1041, %dma_start3A_1042] : memref<125000x8x64xf32, #tpu.memory_space<hbm>> -> memref<1x8x64xf32, #tpu.memory_space<hbm>>
    %dma_start3A_1044 = tpu.memref_squeeze %dma_start3A_1043 : memref<1x8x64xf32, #tpu.memory_space<hbm>> -> memref<8x64xf32, #tpu.memory_space<hbm>>
    tpu.enqueue_dma source(%dma_start3A_1044 : memref<8x64xf32, #tpu.memory_space<hbm>>) target(%dma_start3A_1040 : memref<8x64xf32, #tpu.memory_space<vmem>>) target_semaphore(%arg8 : memref<!tpu.dma_semaphore, #tpu.memory_space<semaphore_mem>>)
    %get3A_1045 = arith.constant 16 : index
    %get3A_1046 = tpu.vector_load %arg5[%get3A_1045] {strides = array<i32>} : memref<512xi32, #tpu.memory_space<vmem>>, vector<16xi32>,
    %eq3A_1047 = arith.constant 14 : i32
    %eq3A_1048 = vector.broadcast %eq3A_1047 : i32 to vector<16xi32>
    %eq3A_1049 = arith.cmpi eq, %iota3A, %eq3A_1048 : vector<16xi32>
    %jit3A_1050 = arith.constant -1 : i32
    %broadcast_in_dim3A_1051 = vector.broadcast %jit3A_1050 : i32 to vector<16xi32>
    %select_n3A_1052 = arith.select %eq3A_1049, %get3A_1046, %broadcast_in_dim3A_1051 : vector<16xi1>, vector<16xi32>
    %reduce_max3A_1053 = arith.constant true
    %reduce_max3A_1054 = vector.broadcast %reduce_max3A_1053 : i1 to vector<16xi1>
    %reduce_max3A_1055 = arith.constant -2147483648 : i32
    %reduce_max3A_1056 = vector.broadcast %reduce_max3A_1055 : i32 to vector<16xi32>
    %reduce_max3A_1057 = arith.xori %select_n3A_1052, %reduce_max3A_1056 : vector<16xi32>
    %reduce_max3A_1058 = tpu.scan <max>, %reduce_max3A_1057 masked %reduce_max3A_1054 : vector<16xi32>, vector<16xi1> -> vector<16xi32>
    %reduce_max3A_1059 = arith.xori %reduce_max3A_1058, %reduce_max3A_1056 : vector<16xi32>
    %reduce_max3A_1060 = vector.extract %reduce_max3A_1059[15] : i32 from vector<16xi32>
    %shift_right_arithmetic3A_1061 = arith.constant 3 : i32
    %shift_right_arithmetic3A_1062 = arith.shrsi %reduce_max3A_1060, %shift_right_arithmetic3A_1061 : i32
    %dma_start3A_1063 = arith.constant 30 : i32
    %dma_start3A_1064 = arith.constant 0 : i32
    %dma_start3A_1065 = arith.constant 0 : i32
    %dma_start3A_1066 = tpu.memref_slice %arg6[%dma_start3A_1063, %dma_start3A_1064, %dma_start3A_1065] : memref<32x8x64xf32, #tpu.memory_space<vmem>> -> memref<1x8x64xf32, #tpu.memory_space<vmem>>
    %dma_start3A_1067 = tpu.memref_squeeze %dma_start3A_1066 : memref<1x8x64xf32, #tpu.memory_space<vmem>> -> memref<8x64xf32, #tpu.memory_space<vmem>>
    %dma_start3A_1068 = arith.constant 0 : i32
    %dma_start3A_1069 = arith.constant 0 : i32
    %dma_start3A_1070 = tpu.memref_slice %arg3[%shift_right_arithmetic3A_1062, %dma_start3A_1068, %dma_start3A_1069] : memref<125000x8x64xf32, #tpu.memory_space<hbm>> -> memref<1x8x64xf32, #tpu.memory_space<hbm>>
    %dma_start3A_1071 = tpu.memref_squeeze %dma_start3A_1070 : memref<1x8x64xf32, #tpu.memory_space<hbm>> -> memref<8x64xf32, #tpu.memory_space<hbm>>
    %dma_start3A_1072 = arith.constant 0 : i32
    %dma_start3A_1073 = arith.constant 0 : i32
    %dma_start3A_1074 = tpu.memref_slice %arg6[%dma_start3A_1063, %dma_start3A_1072, %dma_start3A_1073] : memref<32x8x64xf32, #tpu.memory_space<vmem>> -> memref<1x8x64xf32, #tpu.memory_space<vmem>>
    %dma_start3A_1075 = tpu.memref_squeeze %dma_start3A_1074 : memref<1x8x64xf32, #tpu.memory_space<vmem>> -> memref<8x64xf32, #tpu.memory_space<vmem>>
    %dma_start3A_1076 = arith.constant 0 : i32
    %dma_start3A_1077 = arith.constant 0 : i32
    %dma_start3A_1078 = tpu.memref_slice %arg3[%shift_right_arithmetic3A_1062, %dma_start3A_1076, %dma_start3A_1077] : memref<125000x8x64xf32, #tpu.memory_space<hbm>> -> memref<1x8x64xf32, #tpu.memory_space<hbm>>
    %dma_start3A_1079 = tpu.memref_squeeze %dma_start3A_1078 : memref<1x8x64xf32, #tpu.memory_space<hbm>> -> memref<8x64xf32, #tpu.memory_space<hbm>>
    tpu.enqueue_dma source(%dma_start3A_1079 : memref<8x64xf32, #tpu.memory_space<hbm>>) target(%dma_start3A_1075 : memref<8x64xf32, #tpu.memory_space<vmem>>) target_semaphore(%arg8 : memref<!tpu.dma_semaphore, #tpu.memory_space<semaphore_mem>>)
    %get3A_1080 = arith.constant 16 : index
    %get3A_1081 = tpu.vector_load %arg5[%get3A_1080] {strides = array<i32>} : memref<512xi32, #tpu.memory_space<vmem>>, vector<16xi32>,
    %eq3A_1082 = arith.constant 15 : i32
    %eq3A_1083 = vector.broadcast %eq3A_1082 : i32 to vector<16xi32>
    %eq3A_1084 = arith.cmpi eq, %iota3A, %eq3A_1083 : vector<16xi32>
    %jit3A_1085 = arith.constant -1 : i32
    %broadcast_in_dim3A_1086 = vector.broadcast %jit3A_1085 : i32 to vector<16xi32>
    %select_n3A_1087 = arith.select %eq3A_1084, %get3A_1081, %broadcast_in_dim3A_1086 : vector<16xi1>, vector<16xi32>
    %reduce_max3A_1088 = arith.constant true
    %reduce_max3A_1089 = vector.broadcast %reduce_max3A_1088 : i1 to vector<16xi1>
    %reduce_max3A_1090 = arith.constant -2147483648 : i32
    %reduce_max3A_1091 = vector.broadcast %reduce_max3A_1090 : i32 to vector<16xi32>
    %reduce_max3A_1092 = arith.xori %select_n3A_1087, %reduce_max3A_1091 : vector<16xi32>
    %reduce_max3A_1093 = tpu.scan <max>, %reduce_max3A_1092 masked %reduce_max3A_1089 : vector<16xi32>, vector<16xi1> -> vector<16xi32>
    %reduce_max3A_1094 = arith.xori %reduce_max3A_1093, %reduce_max3A_1091 : vector<16xi32>
    %reduce_max3A_1095 = vector.extract %reduce_max3A_1094[15] : i32 from vector<16xi32>
    %shift_right_arithmetic3A_1096 = arith.constant 3 : i32
    %shift_right_arithmetic3A_1097 = arith.shrsi %reduce_max3A_1095, %shift_right_arithmetic3A_1096 : i32
    %dma_start3A_1098 = arith.constant 31 : i32
    %dma_start3A_1099 = arith.constant 0 : i32
    %dma_start3A_1100 = arith.constant 0 : i32
    %dma_start3A_1101 = tpu.memref_slice %arg6[%dma_start3A_1098, %dma_start3A_1099, %dma_start3A_1100] : memref<32x8x64xf32, #tpu.memory_space<vmem>> -> memref<1x8x64xf32, #tpu.memory_space<vmem>>
    %dma_start3A_1102 = tpu.memref_squeeze %dma_start3A_1101 : memref<1x8x64xf32, #tpu.memory_space<vmem>> -> memref<8x64xf32, #tpu.memory_space<vmem>>
    %dma_start3A_1103 = arith.constant 0 : i32
    %dma_start3A_1104 = arith.constant 0 : i32
    %dma_start3A_1105 = tpu.memref_slice %arg3[%shift_right_arithmetic3A_1097, %dma_start3A_1103, %dma_start3A_1104] : memref<125000x8x64xf32, #tpu.memory_space<hbm>> -> memref<1x8x64xf32, #tpu.memory_space<hbm>>
    %dma_start3A_1106 = tpu.memref_squeeze %dma_start3A_1105 : memref<1x8x64xf32, #tpu.memory_space<hbm>> -> memref<8x64xf32, #tpu.memory_space<hbm>>
    %dma_start3A_1107 = arith.constant 0 : i32
    %dma_start3A_1108 = arith.constant 0 : i32
    %dma_start3A_1109 = tpu.memref_slice %arg6[%dma_start3A_1098, %dma_start3A_1107, %dma_start3A_1108] : memref<32x8x64xf32, #tpu.memory_space<vmem>> -> memref<1x8x64xf32, #tpu.memory_space<vmem>>
    %dma_start3A_1110 = tpu.memref_squeeze %dma_start3A_1109 : memref<1x8x64xf32, #tpu.memory_space<vmem>> -> memref<8x64xf32, #tpu.memory_space<vmem>>
    %dma_start3A_1111 = arith.constant 0 : i32
    %dma_start3A_1112 = arith.constant 0 : i32
    %dma_start3A_1113 = tpu.memref_slice %arg3[%shift_right_arithmetic3A_1097, %dma_start3A_1111, %dma_start3A_1112] : memref<125000x8x64xf32, #tpu.memory_space<hbm>> -> memref<1x8x64xf32, #tpu.memory_space<hbm>>
    %dma_start3A_1114 = tpu.memref_squeeze %dma_start3A_1113 : memref<1x8x64xf32, #tpu.memory_space<hbm>> -> memref<8x64xf32, #tpu.memory_space<hbm>>
    tpu.enqueue_dma source(%dma_start3A_1114 : memref<8x64xf32, #tpu.memory_space<hbm>>) target(%dma_start3A_1110 : memref<8x64xf32, #tpu.memory_space<vmem>>) target_semaphore(%arg8 : memref<!tpu.dma_semaphore, #tpu.memory_space<semaphore_mem>>)
    %scan3A = arith.constant 0 : i32
    %scan3A_1115 = arith.constant 0 : i32
    %scan3A_1116 = arith.constant 512 : i32
    %scan3A_1117 = arith.addi %scan3A_1115, %scan3A_1116 : i32
    %scan3A_1118 = arith.constant 1 : i32
    scf.for %scan3A_1120 = %scan3A_1115 to %scan3A_1117 step %scan3A_1118  : i32 {
      %dma_wait3A = arith.constant 0 : i32
      %dma_wait3A_1121 = arith.constant 0 : i32
      %dma_wait3A_1122 = arith.constant 0 : i32
      %dma_wait3A_1123 = arith.constant 0 : i32
      %dma_wait3A_1124 = tpu.memref_slice %arg6[%dma_wait3A_1121, %dma_wait3A_1122, %dma_wait3A_1123] : memref<32x8x64xf32, #tpu.memory_space<vmem>> -> memref<1x8x64xf32, #tpu.memory_space<vmem>>
      %dma_wait3A_1125 = tpu.memref_squeeze %dma_wait3A_1124 : memref<1x8x64xf32, #tpu.memory_space<vmem>> -> memref<8x64xf32, #tpu.memory_space<vmem>>
      %dma_wait3A_1126 = arith.constant 0 : i32
      %dma_wait3A_1127 = arith.constant 0 : i32
      %dma_wait3A_1128 = tpu.memref_slice %arg3[%dma_wait3A, %dma_wait3A_1126, %dma_wait3A_1127] : memref<125000x8x64xf32, #tpu.memory_space<hbm>> -> memref<1x8x64xf32, #tpu.memory_space<hbm>>
      %dma_wait3A_1129 = tpu.memref_squeeze %dma_wait3A_1128 : memref<1x8x64xf32, #tpu.memory_space<hbm>> -> memref<8x64xf32, #tpu.memory_space<hbm>>
      %dma_wait3A_1130 = arith.constant 0 : i32
      %dma_wait3A_1131 = arith.constant 0 : i32
      %dma_wait3A_1132 = tpu.memref_slice %arg6[%dma_wait3A_1121, %dma_wait3A_1130, %dma_wait3A_1131] : memref<32x8x64xf32, #tpu.memory_space<vmem>> -> memref<1x8x64xf32, #tpu.memory_space<vmem>>
      %dma_wait3A_1133 = tpu.memref_squeeze %dma_wait3A_1132 : memref<1x8x64xf32, #tpu.memory_space<vmem>> -> memref<8x64xf32, #tpu.memory_space<vmem>>
      %dma_wait3A_1134 = arith.constant 0 : i32
      %dma_wait3A_1135 = arith.constant 0 : i32
      %dma_wait3A_1136 = tpu.memref_slice %arg3[%dma_wait3A, %dma_wait3A_1134, %dma_wait3A_1135] : memref<125000x8x64xf32, #tpu.memory_space<hbm>> -> memref<1x8x64xf32, #tpu.memory_space<hbm>>
      %dma_wait3A_1137 = tpu.memref_squeeze %dma_wait3A_1136 : memref<1x8x64xf32, #tpu.memory_space<hbm>> -> memref<8x64xf32, #tpu.memory_space<hbm>>
      tpu.wait_dma2 semaphore(%arg8 : memref<!tpu.dma_semaphore, #tpu.memory_space<semaphore_mem>>) src(%dma_wait3A_1137 : memref<8x64xf32, #tpu.memory_space<hbm>>) dst(%dma_wait3A_1133 : memref<8x64xf32, #tpu.memory_space<vmem>>)
      %rem3A = arith.constant 32 : i32
      %rem3A_1138 = arith.remsi %scan3A_1120, %rem3A : i32
      %shift_right_arithmetic3A_1139 = arith.constant 4 : i32
      %shift_right_arithmetic3A_1140 = arith.shrsi %scan3A_1120, %shift_right_arithmetic3A_1139 : i32
      %shift_left3A = arith.constant 4 : i32
      %shift_left3A_1141 = arith.shli %shift_right_arithmetic3A_1140, %shift_left3A : i32
      %get3A_1142 = arith.index_cast %shift_left3A_1141 : i32 to index
      %get3A_1143 = tpu.vector_load %arg5[%get3A_1142] {strides = array<i32>} : memref<512xi32, #tpu.memory_space<vmem>>, vector<16xi32>,
      %and3A = arith.constant 15 : i32
      %and3A_1144 = arith.andi %scan3A_1120, %and3A : i32
      %eq3A_1145 = vector.broadcast %and3A_1144 : i32 to vector<16xi32>
      %eq3A_1146 = arith.cmpi eq, %iota3A, %eq3A_1145 : vector<16xi32>
      %jit3A_1147 = arith.constant -1 : i32
      %broadcast_in_dim3A_1148 = vector.broadcast %jit3A_1147 : i32 to vector<16xi32>
      %select_n3A_1149 = arith.select %eq3A_1146, %get3A_1143, %broadcast_in_dim3A_1148 : vector<16xi1>, vector<16xi32>
      %reduce_max3A_1150 = arith.constant true
      %reduce_max3A_1151 = vector.broadcast %reduce_max3A_1150 : i1 to vector<16xi1>
      %reduce_max3A_1152 = arith.constant -2147483648 : i32
      %reduce_max3A_1153 = vector.broadcast %reduce_max3A_1152 : i32 to vector<16xi32>
      %reduce_max3A_1154 = arith.xori %select_n3A_1149, %reduce_max3A_1153 : vector<16xi32>
      %reduce_max3A_1155 = tpu.scan <max>, %reduce_max3A_1154 masked %reduce_max3A_1151 : vector<16xi32>, vector<16xi1> -> vector<16xi32>
      %reduce_max3A_1156 = arith.xori %reduce_max3A_1155, %reduce_max3A_1153 : vector<16xi32>
      %reduce_max3A_1157 = vector.extract %reduce_max3A_1156[15] : i32 from vector<16xi32>
      %and3A_1158 = arith.constant 7 : i32
      %and3A_1159 = arith.andi %reduce_max3A_1157, %and3A_1158 : i32
      %get3A_1160 = arith.index_cast %rem3A_1138 : i32 to index
      %get3A_1161 = arith.index_cast %and3A_1159 : i32 to index
      %get3A_1162 = arith.constant 0 : index
      %get3A_1163 = tpu.vector_load %arg6[%get3A_1160, %get3A_1161, %get3A_1162] {strides = array<i32>} : memref<32x8x64xf32, #tpu.memory_space<vmem>>, vector<16xf32>,
      %swap3A = arith.index_cast %scan3A_1120 : i32 to index
      %swap3A_1164 = arith.constant 0 : index
      %swap3A_1165 = tpu.vector_load %arg7[%swap3A, %swap3A_1164] {strides = array<i32>} : memref<512x64xf32, #tpu.memory_space<vmem>>, vector<16xf32>,
      tpu.vector_store %arg7[%swap3A, %swap3A_1164], %get3A_1163 {strides = array<i32>} : memref<512x64xf32, #tpu.memory_space<vmem>>, vector<16xf32>,
      %get3A_1166 = arith.index_cast %rem3A_1138 : i32 to index
      %get3A_1167 = arith.index_cast %and3A_1159 : i32 to index
      %get3A_1168 = arith.constant 16 : index
      %get3A_1169 = tpu.vector_load %arg6[%get3A_1166, %get3A_1167, %get3A_1168] {strides = array<i32>} : memref<32x8x64xf32, #tpu.memory_space<vmem>>, vector<16xf32>,
      %swap3A_1170 = arith.index_cast %scan3A_1120 : i32 to index
      %swap3A_1171 = arith.constant 16 : index
      %swap3A_1172 = tpu.vector_load %arg7[%swap3A_1170, %swap3A_1171] {strides = array<i32>} : memref<512x64xf32, #tpu.memory_space<vmem>>, vector<16xf32>,
      tpu.vector_store %arg7[%swap3A_1170, %swap3A_1171], %get3A_1169 {strides = array<i32>} : memref<512x64xf32, #tpu.memory_space<vmem>>, vector<16xf32>,
      %get3A_1173 = arith.index_cast %rem3A_1138 : i32 to index
      %get3A_1174 = arith.index_cast %and3A_1159 : i32 to index
      %get3A_1175 = arith.constant 32 : index
      %get3A_1176 = tpu.vector_load %arg6[%get3A_1173, %get3A_1174, %get3A_1175] {strides = array<i32>} : memref<32x8x64xf32, #tpu.memory_space<vmem>>, vector<16xf32>,
      %swap3A_1177 = arith.index_cast %scan3A_1120 : i32 to index
      %swap3A_1178 = arith.constant 32 : index
      %swap3A_1179 = tpu.vector_load %arg7[%swap3A_1177, %swap3A_1178] {strides = array<i32>} : memref<512x64xf32, #tpu.memory_space<vmem>>, vector<16xf32>,
      tpu.vector_store %arg7[%swap3A_1177, %swap3A_1178], %get3A_1176 {strides = array<i32>} : memref<512x64xf32, #tpu.memory_space<vmem>>, vector<16xf32>,
      %get3A_1180 = arith.index_cast %rem3A_1138 : i32 to index
      %get3A_1181 = arith.index_cast %and3A_1159 : i32 to index
      %get3A_1182 = arith.constant 48 : index
      %get3A_1183 = tpu.vector_load %arg6[%get3A_1180, %get3A_1181, %get3A_1182] {strides = array<i32>} : memref<32x8x64xf32, #tpu.memory_space<vmem>>, vector<16xf32>,
      %swap3A_1184 = arith.index_cast %scan3A_1120 : i32 to index
      %swap3A_1185 = arith.constant 48 : index
      %swap3A_1186 = tpu.vector_load %arg7[%swap3A_1184, %swap3A_1185] {strides = array<i32>} : memref<512x64xf32, #tpu.memory_space<vmem>>, vector<16xf32>,
      tpu.vector_store %arg7[%swap3A_1184, %swap3A_1185], %get3A_1183 {strides = array<i32>} : memref<512x64xf32, #tpu.memory_space<vmem>>, vector<16xf32>,
      %add3A_1187 = arith.constant 32 : i32
      %add3A_1188 = arith.addi %scan3A_1120, %add3A_1187 : i32
      %lt3A = arith.constant 512 : i32
      %lt3A_1189 = arith.cmpi slt, %add3A_1188, %lt3A : i32
      %convert_element_type3A = arith.extui %lt3A_1189 : i1 to i32
      %cond3A = arith.constant 0 : i32
      %cond3A_1190 = arith.cmpi ne, %convert_element_type3A, %cond3A : i32
      scf.if %cond3A_1190 {
        %add3A_1191 = arith.constant 32 : i32
        %add3A_1192 = arith.addi %scan3A_1120, %add3A_1191 : i32
        %shift_right_arithmetic3A_1193 = arith.constant 4 : i32
        %shift_right_arithmetic3A_1194 = arith.shrsi %add3A_1192, %shift_right_arithmetic3A_1193 : i32
        %shift_left3A_1195 = arith.constant 4 : i32
        %shift_left3A_1196 = arith.shli %shift_right_arithmetic3A_1194, %shift_left3A_1195 : i32
        %get3A_1197 = arith.index_cast %shift_left3A_1196 : i32 to index
        %get3A_1198 = tpu.vector_load %arg5[%get3A_1197] {strides = array<i32>} : memref<512xi32, #tpu.memory_space<vmem>>, vector<16xi32>,
        %and3A_1199 = arith.constant 15 : i32
        %and3A_1200 = arith.andi %add3A_1192, %and3A_1199 : i32
        %eq3A_1201 = vector.broadcast %and3A_1200 : i32 to vector<16xi32>
        %eq3A_1202 = arith.cmpi eq, %iota3A, %eq3A_1201 : vector<16xi32>
        %jit3A_1203 = arith.constant -1 : i32
        %broadcast_in_dim3A_1204 = vector.broadcast %jit3A_1203 : i32 to vector<16xi32>
        %select_n3A_1205 = arith.select %eq3A_1202, %get3A_1198, %broadcast_in_dim3A_1204 : vector<16xi1>, vector<16xi32>
        %reduce_max3A_1206 = arith.constant true
        %reduce_max3A_1207 = vector.broadcast %reduce_max3A_1206 : i1 to vector<16xi1>
        %reduce_max3A_1208 = arith.constant -2147483648 : i32
        %reduce_max3A_1209 = vector.broadcast %reduce_max3A_1208 : i32 to vector<16xi32>
        %reduce_max3A_1210 = arith.xori %select_n3A_1205, %reduce_max3A_1209 : vector<16xi32>
        %reduce_max3A_1211 = tpu.scan <max>, %reduce_max3A_1210 masked %reduce_max3A_1207 : vector<16xi32>, vector<16xi1> -> vector<16xi32>
        %reduce_max3A_1212 = arith.xori %reduce_max3A_1211, %reduce_max3A_1209 : vector<16xi32>
        %reduce_max3A_1213 = vector.extract %reduce_max3A_1212[15] : i32 from vector<16xi32>
        %shift_right_arithmetic3A_1214 = arith.constant 3 : i32
        %shift_right_arithmetic3A_1215 = arith.shrsi %reduce_max3A_1213, %shift_right_arithmetic3A_1214 : i32
        %dma_start3A_1216 = arith.constant 0 : i32
        %dma_start3A_1217 = arith.constant 0 : i32
        %dma_start3A_1218 = tpu.memref_slice %arg6[%rem3A_1138, %dma_start3A_1216, %dma_start3A_1217] : memref<32x8x64xf32, #tpu.memory_space<vmem>> -> memref<1x8x64xf32, #tpu.memory_space<vmem>>
        %dma_start3A_1219 = tpu.memref_squeeze %dma_start3A_1218 : memref<1x8x64xf32, #tpu.memory_space<vmem>> -> memref<8x64xf32, #tpu.memory_space<vmem>>
        %dma_start3A_1220 = arith.constant 0 : i32
        %dma_start3A_1221 = arith.constant 0 : i32
        %dma_start3A_1222 = tpu.memref_slice %arg3[%shift_right_arithmetic3A_1215, %dma_start3A_1220, %dma_start3A_1221] : memref<125000x8x64xf32, #tpu.memory_space<hbm>> -> memref<1x8x64xf32, #tpu.memory_space<hbm>>
        %dma_start3A_1223 = tpu.memref_squeeze %dma_start3A_1222 : memref<1x8x64xf32, #tpu.memory_space<hbm>> -> memref<8x64xf32, #tpu.memory_space<hbm>>
        %dma_start3A_1224 = arith.constant 0 : i32
        %dma_start3A_1225 = arith.constant 0 : i32
        %dma_start3A_1226 = tpu.memref_slice %arg6[%rem3A_1138, %dma_start3A_1224, %dma_start3A_1225] : memref<32x8x64xf32, #tpu.memory_space<vmem>> -> memref<1x8x64xf32, #tpu.memory_space<vmem>>
        %dma_start3A_1227 = tpu.memref_squeeze %dma_start3A_1226 : memref<1x8x64xf32, #tpu.memory_space<vmem>> -> memref<8x64xf32, #tpu.memory_space<vmem>>
        %dma_start3A_1228 = arith.constant 0 : i32
        %dma_start3A_1229 = arith.constant 0 : i32
        %dma_start3A_1230 = tpu.memref_slice %arg3[%shift_right_arithmetic3A_1215, %dma_start3A_1228, %dma_start3A_1229] : memref<125000x8x64xf32, #tpu.memory_space<hbm>> -> memref<1x8x64xf32, #tpu.memory_space<hbm>>
        %dma_start3A_1231 = tpu.memref_squeeze %dma_start3A_1230 : memref<1x8x64xf32, #tpu.memory_space<hbm>> -> memref<8x64xf32, #tpu.memory_space<hbm>>
        tpu.enqueue_dma source(%dma_start3A_1231 : memref<8x64xf32, #tpu.memory_space<hbm>>) target(%dma_start3A_1227 : memref<8x64xf32, #tpu.memory_space<vmem>>) target_semaphore(%arg8 : memref<!tpu.dma_semaphore, #tpu.memory_space<semaphore_mem>>)
      } else {
      }
    }
    %scan3A_1119 = arith.constant 512 : i32
    "tpu.region"() ({
      %run_scoped3A = tpu.sem_alloc : memref<!tpu.dma_semaphore, #tpu.memory_space<semaphore_mem>>
      %dma_start3A_1120 = arith.constant 0 : i32
      %dma_start3A_1121 = tpu.memref_slice %arg4[%mul3A_2, %dma_start3A_1120] : memref<16384x64xf32, #tpu.memory_space<hbm>> -> memref<512x64xf32, #tpu.memory_space<hbm>>
      %dma_start3A_1122 = arith.constant 0 : i32
      %dma_start3A_1123 = tpu.memref_slice %arg4[%mul3A_2, %dma_start3A_1122] : memref<16384x64xf32, #tpu.memory_space<hbm>> -> memref<512x64xf32, #tpu.memory_space<hbm>>
      tpu.enqueue_dma source(%arg7 : memref<512x64xf32, #tpu.memory_space<vmem>>) target(%dma_start3A_1123 : memref<512x64xf32, #tpu.memory_space<hbm>>) target_semaphore(%run_scoped3A : memref<!tpu.dma_semaphore, #tpu.memory_space<semaphore_mem>>)
      %dma_wait3A = arith.constant 0 : i32
      %dma_wait3A_1124 = tpu.memref_slice %arg4[%mul3A_2, %dma_wait3A] : memref<16384x64xf32, #tpu.memory_space<hbm>> -> memref<512x64xf32, #tpu.memory_space<hbm>>
      %dma_wait3A_1125 = arith.constant 0 : i32
      %dma_wait3A_1126 = tpu.memref_slice %arg4[%mul3A_2, %dma_wait3A_1125] : memref<16384x64xf32, #tpu.memory_space<hbm>> -> memref<512x64xf32, #tpu.memory_space<hbm>>
      tpu.wait_dma2 semaphore(%run_scoped3A : memref<!tpu.dma_semaphore, #tpu.memory_space<semaphore_mem>>) src(%arg7 : memref<512x64xf32, #tpu.memory_space<vmem>>) dst(%dma_wait3A_1126 : memref<512x64xf32, #tpu.memory_space<hbm>>)
      tpu.yield
    }) : () -> ()
    return
  }
}

#map = affine_map<(d0, d1) -> (0)>
#map1 = affine_map<(d0, d1) -> (0, 0, 0)>
#map2 = affine_map<(d0, d1) -> (0, 0)>
module attributes {stable_mosaic.version = 14 : i64} {
  func.func @gather_kernel(%arg0: i32, %arg1: i32, %arg2: memref<16384xi32, #tpu.memory_space<hbm>>, %arg3: memref<12500x8x64xf32, #tpu.memory_space<hbm>>, %arg4: memref<16384x64xf32, #tpu.memory_space<hbm>>, %arg5: memref<512xi32, #tpu.memory_space<vmem>>, %arg6: memref<32x8x64xf32, #tpu.memory_space<vmem>>, %arg7: memref<512x64xf32, #tpu.memory_space<vmem>>, %arg8: memref<!tpu.dma_semaphore, #tpu.memory_space<semaphore_mem>>) attributes {dimension_semantics = [#tpu.dimension_semantics<core_parallel>, #tpu.dimension_semantics<subcore_parallel>], iteration_bounds = array<i64: 2, 16>, scalar_prefetch = 0 : i64, scratch_operands = 4 : i64, tpu.core_type = #tpu.core_type<sc_vector_subcore>, window_params = [{transform_indices = #map}, {transform_indices = #map1}, {transform_indices = #map2}]} {
    %mul3A = arith.constant 2 : i32
    %mul3A_0 = arith.muli %arg1, %mul3A : i32
    %add3A = arith.addi %mul3A_0, %arg0 : i32
    %mul3A_1 = arith.constant 512 : i32
    %mul3A_2 = arith.muli %add3A, %mul3A_1 : i32
    %iota3A = tpu.iota {dimensions = array<i32: 0>} : vector<16xi32>
    "tpu.region"() ({
      %run_scoped3A = tpu.sem_alloc : memref<!tpu.dma_semaphore, #tpu.memory_space<semaphore_mem>>
      %dma_start3A_1120 = tpu.memref_slice %arg2[%mul3A_2] : memref<16384xi32, #tpu.memory_space<hbm>> -> memref<512xi32, #tpu.memory_space<hbm>>
      %dma_start3A_1121 = tpu.memref_slice %arg2[%mul3A_2] : memref<16384xi32, #tpu.memory_space<hbm>> -> memref<512xi32, #tpu.memory_space<hbm>>
      tpu.enqueue_dma source(%dma_start3A_1121 : memref<512xi32, #tpu.memory_space<hbm>>) target(%arg5 : memref<512xi32, #tpu.memory_space<vmem>>) target_semaphore(%run_scoped3A : memref<!tpu.dma_semaphore, #tpu.memory_space<semaphore_mem>>)
      %dma_wait3A = tpu.memref_slice %arg2[%mul3A_2] : memref<16384xi32, #tpu.memory_space<hbm>> -> memref<512xi32, #tpu.memory_space<hbm>>
      %dma_wait3A_1122 = tpu.memref_slice %arg2[%mul3A_2] : memref<16384xi32, #tpu.memory_space<hbm>> -> memref<512xi32, #tpu.memory_space<hbm>>
      tpu.wait_dma2 semaphore(%run_scoped3A : memref<!tpu.dma_semaphore, #tpu.memory_space<semaphore_mem>>) src(%dma_wait3A_1122 : memref<512xi32, #tpu.memory_space<hbm>>) dst(%arg5 : memref<512xi32, #tpu.memory_space<vmem>>)
      tpu.yield
    }) : () -> ()
    %get3A = arith.constant 0 : index
    %get3A_3 = tpu.vector_load %arg5[%get3A] {strides = array<i32>} : memref<512xi32, #tpu.memory_space<vmem>>, vector<16xi32>,
    %eq3A = arith.constant 0 : i32
    %eq3A_4 = vector.broadcast %eq3A : i32 to vector<16xi32>
    %eq3A_5 = arith.cmpi eq, %iota3A, %eq3A_4 : vector<16xi32>
    %jit3A = arith.constant -1 : i32
    %broadcast_in_dim3A = vector.broadcast %jit3A : i32 to vector<16xi32>
    %select_n3A = arith.select %eq3A_5, %get3A_3, %broadcast_in_dim3A : vector<16xi1>, vector<16xi32>
    %reduce_max3A = arith.constant true
    %reduce_max3A_6 = vector.broadcast %reduce_max3A : i1 to vector<16xi1>
    %reduce_max3A_7 = arith.constant -2147483648 : i32
    %reduce_max3A_8 = vector.broadcast %reduce_max3A_7 : i32 to vector<16xi32>
    %reduce_max3A_9 = arith.xori %select_n3A, %reduce_max3A_8 : vector<16xi32>
    %reduce_max3A_10 = tpu.scan <max>, %reduce_max3A_9 masked %reduce_max3A_6 : vector<16xi32>, vector<16xi1> -> vector<16xi32>
    %reduce_max3A_11 = arith.xori %reduce_max3A_10, %reduce_max3A_8 : vector<16xi32>
    %reduce_max3A_12 = vector.extract %reduce_max3A_11[15] : i32 from vector<16xi32>
    %shift_right_arithmetic3A = arith.constant 3 : i32
    %shift_right_arithmetic3A_13 = arith.shrsi %reduce_max3A_12, %shift_right_arithmetic3A : i32
    %dma_start3A = arith.constant 0 : i32
    %dma_start3A_14 = arith.constant 0 : i32
    %dma_start3A_15 = arith.constant 0 : i32
    %dma_start3A_16 = tpu.memref_slice %arg6[%dma_start3A, %dma_start3A_14, %dma_start3A_15] : memref<32x8x64xf32, #tpu.memory_space<vmem>> -> memref<1x8x64xf32, #tpu.memory_space<vmem>>
    %dma_start3A_17 = tpu.memref_squeeze %dma_start3A_16 : memref<1x8x64xf32, #tpu.memory_space<vmem>> -> memref<8x64xf32, #tpu.memory_space<vmem>>
    %dma_start3A_18 = arith.constant 0 : i32
    %dma_start3A_19 = arith.constant 0 : i32
    %dma_start3A_20 = tpu.memref_slice %arg3[%shift_right_arithmetic3A_13, %dma_start3A_18, %dma_start3A_19] : memref<12500x8x64xf32, #tpu.memory_space<hbm>> -> memref<1x8x64xf32, #tpu.memory_space<hbm>>
    %dma_start3A_21 = tpu.memref_squeeze %dma_start3A_20 : memref<1x8x64xf32, #tpu.memory_space<hbm>> -> memref<8x64xf32, #tpu.memory_space<hbm>>
    %dma_start3A_22 = arith.constant 0 : i32
    %dma_start3A_23 = arith.constant 0 : i32
    %dma_start3A_24 = tpu.memref_slice %arg6[%dma_start3A, %dma_start3A_22, %dma_start3A_23] : memref<32x8x64xf32, #tpu.memory_space<vmem>> -> memref<1x8x64xf32, #tpu.memory_space<vmem>>
    %dma_start3A_25 = tpu.memref_squeeze %dma_start3A_24 : memref<1x8x64xf32, #tpu.memory_space<vmem>> -> memref<8x64xf32, #tpu.memory_space<vmem>>
    %dma_start3A_26 = arith.constant 0 : i32
    %dma_start3A_27 = arith.constant 0 : i32
    %dma_start3A_28 = tpu.memref_slice %arg3[%shift_right_arithmetic3A_13, %dma_start3A_26, %dma_start3A_27] : memref<12500x8x64xf32, #tpu.memory_space<hbm>> -> memref<1x8x64xf32, #tpu.memory_space<hbm>>
    %dma_start3A_29 = tpu.memref_squeeze %dma_start3A_28 : memref<1x8x64xf32, #tpu.memory_space<hbm>> -> memref<8x64xf32, #tpu.memory_space<hbm>>
    tpu.enqueue_dma source(%dma_start3A_29 : memref<8x64xf32, #tpu.memory_space<hbm>>) target(%dma_start3A_25 : memref<8x64xf32, #tpu.memory_space<vmem>>) target_semaphore(%arg8 : memref<!tpu.dma_semaphore, #tpu.memory_space<semaphore_mem>>)
    %get3A_30 = arith.constant 0 : index
    %get3A_31 = tpu.vector_load %arg5[%get3A_30] {strides = array<i32>} : memref<512xi32, #tpu.memory_space<vmem>>, vector<16xi32>,
    %eq3A_32 = arith.constant 1 : i32
    %eq3A_33 = vector.broadcast %eq3A_32 : i32 to vector<16xi32>
    %eq3A_34 = arith.cmpi eq, %iota3A, %eq3A_33 : vector<16xi32>
    %jit3A_35 = arith.constant -1 : i32
    %broadcast_in_dim3A_36 = vector.broadcast %jit3A_35 : i32 to vector<16xi32>
    %select_n3A_37 = arith.select %eq3A_34, %get3A_31, %broadcast_in_dim3A_36 : vector<16xi1>, vector<16xi32>
    %reduce_max3A_38 = arith.constant true
    %reduce_max3A_39 = vector.broadcast %reduce_max3A_38 : i1 to vector<16xi1>
    %reduce_max3A_40 = arith.constant -2147483648 : i32
    %reduce_max3A_41 = vector.broadcast %reduce_max3A_40 : i32 to vector<16xi32>
    %reduce_max3A_42 = arith.xori %select_n3A_37, %reduce_max3A_41 : vector<16xi32>
    %reduce_max3A_43 = tpu.scan <max>, %reduce_max3A_42 masked %reduce_max3A_39 : vector<16xi32>, vector<16xi1> -> vector<16xi32>
    %reduce_max3A_44 = arith.xori %reduce_max3A_43, %reduce_max3A_41 : vector<16xi32>
    %reduce_max3A_45 = vector.extract %reduce_max3A_44[15] : i32 from vector<16xi32>
    %shift_right_arithmetic3A_46 = arith.constant 3 : i32
    %shift_right_arithmetic3A_47 = arith.shrsi %reduce_max3A_45, %shift_right_arithmetic3A_46 : i32
    %dma_start3A_48 = arith.constant 1 : i32
    %dma_start3A_49 = arith.constant 0 : i32
    %dma_start3A_50 = arith.constant 0 : i32
    %dma_start3A_51 = tpu.memref_slice %arg6[%dma_start3A_48, %dma_start3A_49, %dma_start3A_50] : memref<32x8x64xf32, #tpu.memory_space<vmem>> -> memref<1x8x64xf32, #tpu.memory_space<vmem>>
    %dma_start3A_52 = tpu.memref_squeeze %dma_start3A_51 : memref<1x8x64xf32, #tpu.memory_space<vmem>> -> memref<8x64xf32, #tpu.memory_space<vmem>>
    %dma_start3A_53 = arith.constant 0 : i32
    %dma_start3A_54 = arith.constant 0 : i32
    %dma_start3A_55 = tpu.memref_slice %arg3[%shift_right_arithmetic3A_47, %dma_start3A_53, %dma_start3A_54] : memref<12500x8x64xf32, #tpu.memory_space<hbm>> -> memref<1x8x64xf32, #tpu.memory_space<hbm>>
    %dma_start3A_56 = tpu.memref_squeeze %dma_start3A_55 : memref<1x8x64xf32, #tpu.memory_space<hbm>> -> memref<8x64xf32, #tpu.memory_space<hbm>>
    %dma_start3A_57 = arith.constant 0 : i32
    %dma_start3A_58 = arith.constant 0 : i32
    %dma_start3A_59 = tpu.memref_slice %arg6[%dma_start3A_48, %dma_start3A_57, %dma_start3A_58] : memref<32x8x64xf32, #tpu.memory_space<vmem>> -> memref<1x8x64xf32, #tpu.memory_space<vmem>>
    %dma_start3A_60 = tpu.memref_squeeze %dma_start3A_59 : memref<1x8x64xf32, #tpu.memory_space<vmem>> -> memref<8x64xf32, #tpu.memory_space<vmem>>
    %dma_start3A_61 = arith.constant 0 : i32
    %dma_start3A_62 = arith.constant 0 : i32
    %dma_start3A_63 = tpu.memref_slice %arg3[%shift_right_arithmetic3A_47, %dma_start3A_61, %dma_start3A_62] : memref<12500x8x64xf32, #tpu.memory_space<hbm>> -> memref<1x8x64xf32, #tpu.memory_space<hbm>>
    %dma_start3A_64 = tpu.memref_squeeze %dma_start3A_63 : memref<1x8x64xf32, #tpu.memory_space<hbm>> -> memref<8x64xf32, #tpu.memory_space<hbm>>
    tpu.enqueue_dma source(%dma_start3A_64 : memref<8x64xf32, #tpu.memory_space<hbm>>) target(%dma_start3A_60 : memref<8x64xf32, #tpu.memory_space<vmem>>) target_semaphore(%arg8 : memref<!tpu.dma_semaphore, #tpu.memory_space<semaphore_mem>>)
    %get3A_65 = arith.constant 0 : index
    %get3A_66 = tpu.vector_load %arg5[%get3A_65] {strides = array<i32>} : memref<512xi32, #tpu.memory_space<vmem>>, vector<16xi32>,
    %eq3A_67 = arith.constant 2 : i32
    %eq3A_68 = vector.broadcast %eq3A_67 : i32 to vector<16xi32>
    %eq3A_69 = arith.cmpi eq, %iota3A, %eq3A_68 : vector<16xi32>
    %jit3A_70 = arith.constant -1 : i32
    %broadcast_in_dim3A_71 = vector.broadcast %jit3A_70 : i32 to vector<16xi32>
    %select_n3A_72 = arith.select %eq3A_69, %get3A_66, %broadcast_in_dim3A_71 : vector<16xi1>, vector<16xi32>
    %reduce_max3A_73 = arith.constant true
    %reduce_max3A_74 = vector.broadcast %reduce_max3A_73 : i1 to vector<16xi1>
    %reduce_max3A_75 = arith.constant -2147483648 : i32
    %reduce_max3A_76 = vector.broadcast %reduce_max3A_75 : i32 to vector<16xi32>
    %reduce_max3A_77 = arith.xori %select_n3A_72, %reduce_max3A_76 : vector<16xi32>
    %reduce_max3A_78 = tpu.scan <max>, %reduce_max3A_77 masked %reduce_max3A_74 : vector<16xi32>, vector<16xi1> -> vector<16xi32>
    %reduce_max3A_79 = arith.xori %reduce_max3A_78, %reduce_max3A_76 : vector<16xi32>
    %reduce_max3A_80 = vector.extract %reduce_max3A_79[15] : i32 from vector<16xi32>
    %shift_right_arithmetic3A_81 = arith.constant 3 : i32
    %shift_right_arithmetic3A_82 = arith.shrsi %reduce_max3A_80, %shift_right_arithmetic3A_81 : i32
    %dma_start3A_83 = arith.constant 2 : i32
    %dma_start3A_84 = arith.constant 0 : i32
    %dma_start3A_85 = arith.constant 0 : i32
    %dma_start3A_86 = tpu.memref_slice %arg6[%dma_start3A_83, %dma_start3A_84, %dma_start3A_85] : memref<32x8x64xf32, #tpu.memory_space<vmem>> -> memref<1x8x64xf32, #tpu.memory_space<vmem>>
    %dma_start3A_87 = tpu.memref_squeeze %dma_start3A_86 : memref<1x8x64xf32, #tpu.memory_space<vmem>> -> memref<8x64xf32, #tpu.memory_space<vmem>>
    %dma_start3A_88 = arith.constant 0 : i32
    %dma_start3A_89 = arith.constant 0 : i32
    %dma_start3A_90 = tpu.memref_slice %arg3[%shift_right_arithmetic3A_82, %dma_start3A_88, %dma_start3A_89] : memref<12500x8x64xf32, #tpu.memory_space<hbm>> -> memref<1x8x64xf32, #tpu.memory_space<hbm>>
    %dma_start3A_91 = tpu.memref_squeeze %dma_start3A_90 : memref<1x8x64xf32, #tpu.memory_space<hbm>> -> memref<8x64xf32, #tpu.memory_space<hbm>>
    %dma_start3A_92 = arith.constant 0 : i32
    %dma_start3A_93 = arith.constant 0 : i32
    %dma_start3A_94 = tpu.memref_slice %arg6[%dma_start3A_83, %dma_start3A_92, %dma_start3A_93] : memref<32x8x64xf32, #tpu.memory_space<vmem>> -> memref<1x8x64xf32, #tpu.memory_space<vmem>>
    %dma_start3A_95 = tpu.memref_squeeze %dma_start3A_94 : memref<1x8x64xf32, #tpu.memory_space<vmem>> -> memref<8x64xf32, #tpu.memory_space<vmem>>
    %dma_start3A_96 = arith.constant 0 : i32
    %dma_start3A_97 = arith.constant 0 : i32
    %dma_start3A_98 = tpu.memref_slice %arg3[%shift_right_arithmetic3A_82, %dma_start3A_96, %dma_start3A_97] : memref<12500x8x64xf32, #tpu.memory_space<hbm>> -> memref<1x8x64xf32, #tpu.memory_space<hbm>>
    %dma_start3A_99 = tpu.memref_squeeze %dma_start3A_98 : memref<1x8x64xf32, #tpu.memory_space<hbm>> -> memref<8x64xf32, #tpu.memory_space<hbm>>
    tpu.enqueue_dma source(%dma_start3A_99 : memref<8x64xf32, #tpu.memory_space<hbm>>) target(%dma_start3A_95 : memref<8x64xf32, #tpu.memory_space<vmem>>) target_semaphore(%arg8 : memref<!tpu.dma_semaphore, #tpu.memory_space<semaphore_mem>>)
    %get3A_100 = arith.constant 0 : index
    %get3A_101 = tpu.vector_load %arg5[%get3A_100] {strides = array<i32>} : memref<512xi32, #tpu.memory_space<vmem>>, vector<16xi32>,
    %eq3A_102 = arith.constant 3 : i32
    %eq3A_103 = vector.broadcast %eq3A_102 : i32 to vector<16xi32>
    %eq3A_104 = arith.cmpi eq, %iota3A, %eq3A_103 : vector<16xi32>
    %jit3A_105 = arith.constant -1 : i32
    %broadcast_in_dim3A_106 = vector.broadcast %jit3A_105 : i32 to vector<16xi32>
    %select_n3A_107 = arith.select %eq3A_104, %get3A_101, %broadcast_in_dim3A_106 : vector<16xi1>, vector<16xi32>
    %reduce_max3A_108 = arith.constant true
    %reduce_max3A_109 = vector.broadcast %reduce_max3A_108 : i1 to vector<16xi1>
    %reduce_max3A_110 = arith.constant -2147483648 : i32
    %reduce_max3A_111 = vector.broadcast %reduce_max3A_110 : i32 to vector<16xi32>
    %reduce_max3A_112 = arith.xori %select_n3A_107, %reduce_max3A_111 : vector<16xi32>
    %reduce_max3A_113 = tpu.scan <max>, %reduce_max3A_112 masked %reduce_max3A_109 : vector<16xi32>, vector<16xi1> -> vector<16xi32>
    %reduce_max3A_114 = arith.xori %reduce_max3A_113, %reduce_max3A_111 : vector<16xi32>
    %reduce_max3A_115 = vector.extract %reduce_max3A_114[15] : i32 from vector<16xi32>
    %shift_right_arithmetic3A_116 = arith.constant 3 : i32
    %shift_right_arithmetic3A_117 = arith.shrsi %reduce_max3A_115, %shift_right_arithmetic3A_116 : i32
    %dma_start3A_118 = arith.constant 3 : i32
    %dma_start3A_119 = arith.constant 0 : i32
    %dma_start3A_120 = arith.constant 0 : i32
    %dma_start3A_121 = tpu.memref_slice %arg6[%dma_start3A_118, %dma_start3A_119, %dma_start3A_120] : memref<32x8x64xf32, #tpu.memory_space<vmem>> -> memref<1x8x64xf32, #tpu.memory_space<vmem>>
    %dma_start3A_122 = tpu.memref_squeeze %dma_start3A_121 : memref<1x8x64xf32, #tpu.memory_space<vmem>> -> memref<8x64xf32, #tpu.memory_space<vmem>>
    %dma_start3A_123 = arith.constant 0 : i32
    %dma_start3A_124 = arith.constant 0 : i32
    %dma_start3A_125 = tpu.memref_slice %arg3[%shift_right_arithmetic3A_117, %dma_start3A_123, %dma_start3A_124] : memref<12500x8x64xf32, #tpu.memory_space<hbm>> -> memref<1x8x64xf32, #tpu.memory_space<hbm>>
    %dma_start3A_126 = tpu.memref_squeeze %dma_start3A_125 : memref<1x8x64xf32, #tpu.memory_space<hbm>> -> memref<8x64xf32, #tpu.memory_space<hbm>>
    %dma_start3A_127 = arith.constant 0 : i32
    %dma_start3A_128 = arith.constant 0 : i32
    %dma_start3A_129 = tpu.memref_slice %arg6[%dma_start3A_118, %dma_start3A_127, %dma_start3A_128] : memref<32x8x64xf32, #tpu.memory_space<vmem>> -> memref<1x8x64xf32, #tpu.memory_space<vmem>>
    %dma_start3A_130 = tpu.memref_squeeze %dma_start3A_129 : memref<1x8x64xf32, #tpu.memory_space<vmem>> -> memref<8x64xf32, #tpu.memory_space<vmem>>
    %dma_start3A_131 = arith.constant 0 : i32
    %dma_start3A_132 = arith.constant 0 : i32
    %dma_start3A_133 = tpu.memref_slice %arg3[%shift_right_arithmetic3A_117, %dma_start3A_131, %dma_start3A_132] : memref<12500x8x64xf32, #tpu.memory_space<hbm>> -> memref<1x8x64xf32, #tpu.memory_space<hbm>>
    %dma_start3A_134 = tpu.memref_squeeze %dma_start3A_133 : memref<1x8x64xf32, #tpu.memory_space<hbm>> -> memref<8x64xf32, #tpu.memory_space<hbm>>
    tpu.enqueue_dma source(%dma_start3A_134 : memref<8x64xf32, #tpu.memory_space<hbm>>) target(%dma_start3A_130 : memref<8x64xf32, #tpu.memory_space<vmem>>) target_semaphore(%arg8 : memref<!tpu.dma_semaphore, #tpu.memory_space<semaphore_mem>>)
    %get3A_135 = arith.constant 0 : index
    %get3A_136 = tpu.vector_load %arg5[%get3A_135] {strides = array<i32>} : memref<512xi32, #tpu.memory_space<vmem>>, vector<16xi32>,
    %eq3A_137 = arith.constant 4 : i32
    %eq3A_138 = vector.broadcast %eq3A_137 : i32 to vector<16xi32>
    %eq3A_139 = arith.cmpi eq, %iota3A, %eq3A_138 : vector<16xi32>
    %jit3A_140 = arith.constant -1 : i32
    %broadcast_in_dim3A_141 = vector.broadcast %jit3A_140 : i32 to vector<16xi32>
    %select_n3A_142 = arith.select %eq3A_139, %get3A_136, %broadcast_in_dim3A_141 : vector<16xi1>, vector<16xi32>
    %reduce_max3A_143 = arith.constant true
    %reduce_max3A_144 = vector.broadcast %reduce_max3A_143 : i1 to vector<16xi1>
    %reduce_max3A_145 = arith.constant -2147483648 : i32
    %reduce_max3A_146 = vector.broadcast %reduce_max3A_145 : i32 to vector<16xi32>
    %reduce_max3A_147 = arith.xori %select_n3A_142, %reduce_max3A_146 : vector<16xi32>
    %reduce_max3A_148 = tpu.scan <max>, %reduce_max3A_147 masked %reduce_max3A_144 : vector<16xi32>, vector<16xi1> -> vector<16xi32>
    %reduce_max3A_149 = arith.xori %reduce_max3A_148, %reduce_max3A_146 : vector<16xi32>
    %reduce_max3A_150 = vector.extract %reduce_max3A_149[15] : i32 from vector<16xi32>
    %shift_right_arithmetic3A_151 = arith.constant 3 : i32
    %shift_right_arithmetic3A_152 = arith.shrsi %reduce_max3A_150, %shift_right_arithmetic3A_151 : i32
    %dma_start3A_153 = arith.constant 4 : i32
    %dma_start3A_154 = arith.constant 0 : i32
    %dma_start3A_155 = arith.constant 0 : i32
    %dma_start3A_156 = tpu.memref_slice %arg6[%dma_start3A_153, %dma_start3A_154, %dma_start3A_155] : memref<32x8x64xf32, #tpu.memory_space<vmem>> -> memref<1x8x64xf32, #tpu.memory_space<vmem>>
    %dma_start3A_157 = tpu.memref_squeeze %dma_start3A_156 : memref<1x8x64xf32, #tpu.memory_space<vmem>> -> memref<8x64xf32, #tpu.memory_space<vmem>>
    %dma_start3A_158 = arith.constant 0 : i32
    %dma_start3A_159 = arith.constant 0 : i32
    %dma_start3A_160 = tpu.memref_slice %arg3[%shift_right_arithmetic3A_152, %dma_start3A_158, %dma_start3A_159] : memref<12500x8x64xf32, #tpu.memory_space<hbm>> -> memref<1x8x64xf32, #tpu.memory_space<hbm>>
    %dma_start3A_161 = tpu.memref_squeeze %dma_start3A_160 : memref<1x8x64xf32, #tpu.memory_space<hbm>> -> memref<8x64xf32, #tpu.memory_space<hbm>>
    %dma_start3A_162 = arith.constant 0 : i32
    %dma_start3A_163 = arith.constant 0 : i32
    %dma_start3A_164 = tpu.memref_slice %arg6[%dma_start3A_153, %dma_start3A_162, %dma_start3A_163] : memref<32x8x64xf32, #tpu.memory_space<vmem>> -> memref<1x8x64xf32, #tpu.memory_space<vmem>>
    %dma_start3A_165 = tpu.memref_squeeze %dma_start3A_164 : memref<1x8x64xf32, #tpu.memory_space<vmem>> -> memref<8x64xf32, #tpu.memory_space<vmem>>
    %dma_start3A_166 = arith.constant 0 : i32
    %dma_start3A_167 = arith.constant 0 : i32
    %dma_start3A_168 = tpu.memref_slice %arg3[%shift_right_arithmetic3A_152, %dma_start3A_166, %dma_start3A_167] : memref<12500x8x64xf32, #tpu.memory_space<hbm>> -> memref<1x8x64xf32, #tpu.memory_space<hbm>>
    %dma_start3A_169 = tpu.memref_squeeze %dma_start3A_168 : memref<1x8x64xf32, #tpu.memory_space<hbm>> -> memref<8x64xf32, #tpu.memory_space<hbm>>
    tpu.enqueue_dma source(%dma_start3A_169 : memref<8x64xf32, #tpu.memory_space<hbm>>) target(%dma_start3A_165 : memref<8x64xf32, #tpu.memory_space<vmem>>) target_semaphore(%arg8 : memref<!tpu.dma_semaphore, #tpu.memory_space<semaphore_mem>>)
    %get3A_170 = arith.constant 0 : index
    %get3A_171 = tpu.vector_load %arg5[%get3A_170] {strides = array<i32>} : memref<512xi32, #tpu.memory_space<vmem>>, vector<16xi32>,
    %eq3A_172 = arith.constant 5 : i32
    %eq3A_173 = vector.broadcast %eq3A_172 : i32 to vector<16xi32>
    %eq3A_174 = arith.cmpi eq, %iota3A, %eq3A_173 : vector<16xi32>
    %jit3A_175 = arith.constant -1 : i32
    %broadcast_in_dim3A_176 = vector.broadcast %jit3A_175 : i32 to vector<16xi32>
    %select_n3A_177 = arith.select %eq3A_174, %get3A_171, %broadcast_in_dim3A_176 : vector<16xi1>, vector<16xi32>
    %reduce_max3A_178 = arith.constant true
    %reduce_max3A_179 = vector.broadcast %reduce_max3A_178 : i1 to vector<16xi1>
    %reduce_max3A_180 = arith.constant -2147483648 : i32
    %reduce_max3A_181 = vector.broadcast %reduce_max3A_180 : i32 to vector<16xi32>
    %reduce_max3A_182 = arith.xori %select_n3A_177, %reduce_max3A_181 : vector<16xi32>
    %reduce_max3A_183 = tpu.scan <max>, %reduce_max3A_182 masked %reduce_max3A_179 : vector<16xi32>, vector<16xi1> -> vector<16xi32>
    %reduce_max3A_184 = arith.xori %reduce_max3A_183, %reduce_max3A_181 : vector<16xi32>
    %reduce_max3A_185 = vector.extract %reduce_max3A_184[15] : i32 from vector<16xi32>
    %shift_right_arithmetic3A_186 = arith.constant 3 : i32
    %shift_right_arithmetic3A_187 = arith.shrsi %reduce_max3A_185, %shift_right_arithmetic3A_186 : i32
    %dma_start3A_188 = arith.constant 5 : i32
    %dma_start3A_189 = arith.constant 0 : i32
    %dma_start3A_190 = arith.constant 0 : i32
    %dma_start3A_191 = tpu.memref_slice %arg6[%dma_start3A_188, %dma_start3A_189, %dma_start3A_190] : memref<32x8x64xf32, #tpu.memory_space<vmem>> -> memref<1x8x64xf32, #tpu.memory_space<vmem>>
    %dma_start3A_192 = tpu.memref_squeeze %dma_start3A_191 : memref<1x8x64xf32, #tpu.memory_space<vmem>> -> memref<8x64xf32, #tpu.memory_space<vmem>>
    %dma_start3A_193 = arith.constant 0 : i32
    %dma_start3A_194 = arith.constant 0 : i32
    %dma_start3A_195 = tpu.memref_slice %arg3[%shift_right_arithmetic3A_187, %dma_start3A_193, %dma_start3A_194] : memref<12500x8x64xf32, #tpu.memory_space<hbm>> -> memref<1x8x64xf32, #tpu.memory_space<hbm>>
    %dma_start3A_196 = tpu.memref_squeeze %dma_start3A_195 : memref<1x8x64xf32, #tpu.memory_space<hbm>> -> memref<8x64xf32, #tpu.memory_space<hbm>>
    %dma_start3A_197 = arith.constant 0 : i32
    %dma_start3A_198 = arith.constant 0 : i32
    %dma_start3A_199 = tpu.memref_slice %arg6[%dma_start3A_188, %dma_start3A_197, %dma_start3A_198] : memref<32x8x64xf32, #tpu.memory_space<vmem>> -> memref<1x8x64xf32, #tpu.memory_space<vmem>>
    %dma_start3A_200 = tpu.memref_squeeze %dma_start3A_199 : memref<1x8x64xf32, #tpu.memory_space<vmem>> -> memref<8x64xf32, #tpu.memory_space<vmem>>
    %dma_start3A_201 = arith.constant 0 : i32
    %dma_start3A_202 = arith.constant 0 : i32
    %dma_start3A_203 = tpu.memref_slice %arg3[%shift_right_arithmetic3A_187, %dma_start3A_201, %dma_start3A_202] : memref<12500x8x64xf32, #tpu.memory_space<hbm>> -> memref<1x8x64xf32, #tpu.memory_space<hbm>>
    %dma_start3A_204 = tpu.memref_squeeze %dma_start3A_203 : memref<1x8x64xf32, #tpu.memory_space<hbm>> -> memref<8x64xf32, #tpu.memory_space<hbm>>
    tpu.enqueue_dma source(%dma_start3A_204 : memref<8x64xf32, #tpu.memory_space<hbm>>) target(%dma_start3A_200 : memref<8x64xf32, #tpu.memory_space<vmem>>) target_semaphore(%arg8 : memref<!tpu.dma_semaphore, #tpu.memory_space<semaphore_mem>>)
    %get3A_205 = arith.constant 0 : index
    %get3A_206 = tpu.vector_load %arg5[%get3A_205] {strides = array<i32>} : memref<512xi32, #tpu.memory_space<vmem>>, vector<16xi32>,
    %eq3A_207 = arith.constant 6 : i32
    %eq3A_208 = vector.broadcast %eq3A_207 : i32 to vector<16xi32>
    %eq3A_209 = arith.cmpi eq, %iota3A, %eq3A_208 : vector<16xi32>
    %jit3A_210 = arith.constant -1 : i32
    %broadcast_in_dim3A_211 = vector.broadcast %jit3A_210 : i32 to vector<16xi32>
    %select_n3A_212 = arith.select %eq3A_209, %get3A_206, %broadcast_in_dim3A_211 : vector<16xi1>, vector<16xi32>
    %reduce_max3A_213 = arith.constant true
    %reduce_max3A_214 = vector.broadcast %reduce_max3A_213 : i1 to vector<16xi1>
    %reduce_max3A_215 = arith.constant -2147483648 : i32
    %reduce_max3A_216 = vector.broadcast %reduce_max3A_215 : i32 to vector<16xi32>
    %reduce_max3A_217 = arith.xori %select_n3A_212, %reduce_max3A_216 : vector<16xi32>
    %reduce_max3A_218 = tpu.scan <max>, %reduce_max3A_217 masked %reduce_max3A_214 : vector<16xi32>, vector<16xi1> -> vector<16xi32>
    %reduce_max3A_219 = arith.xori %reduce_max3A_218, %reduce_max3A_216 : vector<16xi32>
    %reduce_max3A_220 = vector.extract %reduce_max3A_219[15] : i32 from vector<16xi32>
    %shift_right_arithmetic3A_221 = arith.constant 3 : i32
    %shift_right_arithmetic3A_222 = arith.shrsi %reduce_max3A_220, %shift_right_arithmetic3A_221 : i32
    %dma_start3A_223 = arith.constant 6 : i32
    %dma_start3A_224 = arith.constant 0 : i32
    %dma_start3A_225 = arith.constant 0 : i32
    %dma_start3A_226 = tpu.memref_slice %arg6[%dma_start3A_223, %dma_start3A_224, %dma_start3A_225] : memref<32x8x64xf32, #tpu.memory_space<vmem>> -> memref<1x8x64xf32, #tpu.memory_space<vmem>>
    %dma_start3A_227 = tpu.memref_squeeze %dma_start3A_226 : memref<1x8x64xf32, #tpu.memory_space<vmem>> -> memref<8x64xf32, #tpu.memory_space<vmem>>
    %dma_start3A_228 = arith.constant 0 : i32
    %dma_start3A_229 = arith.constant 0 : i32
    %dma_start3A_230 = tpu.memref_slice %arg3[%shift_right_arithmetic3A_222, %dma_start3A_228, %dma_start3A_229] : memref<12500x8x64xf32, #tpu.memory_space<hbm>> -> memref<1x8x64xf32, #tpu.memory_space<hbm>>
    %dma_start3A_231 = tpu.memref_squeeze %dma_start3A_230 : memref<1x8x64xf32, #tpu.memory_space<hbm>> -> memref<8x64xf32, #tpu.memory_space<hbm>>
    %dma_start3A_232 = arith.constant 0 : i32
    %dma_start3A_233 = arith.constant 0 : i32
    %dma_start3A_234 = tpu.memref_slice %arg6[%dma_start3A_223, %dma_start3A_232, %dma_start3A_233] : memref<32x8x64xf32, #tpu.memory_space<vmem>> -> memref<1x8x64xf32, #tpu.memory_space<vmem>>
    %dma_start3A_235 = tpu.memref_squeeze %dma_start3A_234 : memref<1x8x64xf32, #tpu.memory_space<vmem>> -> memref<8x64xf32, #tpu.memory_space<vmem>>
    %dma_start3A_236 = arith.constant 0 : i32
    %dma_start3A_237 = arith.constant 0 : i32
    %dma_start3A_238 = tpu.memref_slice %arg3[%shift_right_arithmetic3A_222, %dma_start3A_236, %dma_start3A_237] : memref<12500x8x64xf32, #tpu.memory_space<hbm>> -> memref<1x8x64xf32, #tpu.memory_space<hbm>>
    %dma_start3A_239 = tpu.memref_squeeze %dma_start3A_238 : memref<1x8x64xf32, #tpu.memory_space<hbm>> -> memref<8x64xf32, #tpu.memory_space<hbm>>
    tpu.enqueue_dma source(%dma_start3A_239 : memref<8x64xf32, #tpu.memory_space<hbm>>) target(%dma_start3A_235 : memref<8x64xf32, #tpu.memory_space<vmem>>) target_semaphore(%arg8 : memref<!tpu.dma_semaphore, #tpu.memory_space<semaphore_mem>>)
    %get3A_240 = arith.constant 0 : index
    %get3A_241 = tpu.vector_load %arg5[%get3A_240] {strides = array<i32>} : memref<512xi32, #tpu.memory_space<vmem>>, vector<16xi32>,
    %eq3A_242 = arith.constant 7 : i32
    %eq3A_243 = vector.broadcast %eq3A_242 : i32 to vector<16xi32>
    %eq3A_244 = arith.cmpi eq, %iota3A, %eq3A_243 : vector<16xi32>
    %jit3A_245 = arith.constant -1 : i32
    %broadcast_in_dim3A_246 = vector.broadcast %jit3A_245 : i32 to vector<16xi32>
    %select_n3A_247 = arith.select %eq3A_244, %get3A_241, %broadcast_in_dim3A_246 : vector<16xi1>, vector<16xi32>
    %reduce_max3A_248 = arith.constant true
    %reduce_max3A_249 = vector.broadcast %reduce_max3A_248 : i1 to vector<16xi1>
    %reduce_max3A_250 = arith.constant -2147483648 : i32
    %reduce_max3A_251 = vector.broadcast %reduce_max3A_250 : i32 to vector<16xi32>
    %reduce_max3A_252 = arith.xori %select_n3A_247, %reduce_max3A_251 : vector<16xi32>
    %reduce_max3A_253 = tpu.scan <max>, %reduce_max3A_252 masked %reduce_max3A_249 : vector<16xi32>, vector<16xi1> -> vector<16xi32>
    %reduce_max3A_254 = arith.xori %reduce_max3A_253, %reduce_max3A_251 : vector<16xi32>
    %reduce_max3A_255 = vector.extract %reduce_max3A_254[15] : i32 from vector<16xi32>
    %shift_right_arithmetic3A_256 = arith.constant 3 : i32
    %shift_right_arithmetic3A_257 = arith.shrsi %reduce_max3A_255, %shift_right_arithmetic3A_256 : i32
    %dma_start3A_258 = arith.constant 7 : i32
    %dma_start3A_259 = arith.constant 0 : i32
    %dma_start3A_260 = arith.constant 0 : i32
    %dma_start3A_261 = tpu.memref_slice %arg6[%dma_start3A_258, %dma_start3A_259, %dma_start3A_260] : memref<32x8x64xf32, #tpu.memory_space<vmem>> -> memref<1x8x64xf32, #tpu.memory_space<vmem>>
    %dma_start3A_262 = tpu.memref_squeeze %dma_start3A_261 : memref<1x8x64xf32, #tpu.memory_space<vmem>> -> memref<8x64xf32, #tpu.memory_space<vmem>>
    %dma_start3A_263 = arith.constant 0 : i32
    %dma_start3A_264 = arith.constant 0 : i32
    %dma_start3A_265 = tpu.memref_slice %arg3[%shift_right_arithmetic3A_257, %dma_start3A_263, %dma_start3A_264] : memref<12500x8x64xf32, #tpu.memory_space<hbm>> -> memref<1x8x64xf32, #tpu.memory_space<hbm>>
    %dma_start3A_266 = tpu.memref_squeeze %dma_start3A_265 : memref<1x8x64xf32, #tpu.memory_space<hbm>> -> memref<8x64xf32, #tpu.memory_space<hbm>>
    %dma_start3A_267 = arith.constant 0 : i32
    %dma_start3A_268 = arith.constant 0 : i32
    %dma_start3A_269 = tpu.memref_slice %arg6[%dma_start3A_258, %dma_start3A_267, %dma_start3A_268] : memref<32x8x64xf32, #tpu.memory_space<vmem>> -> memref<1x8x64xf32, #tpu.memory_space<vmem>>
    %dma_start3A_270 = tpu.memref_squeeze %dma_start3A_269 : memref<1x8x64xf32, #tpu.memory_space<vmem>> -> memref<8x64xf32, #tpu.memory_space<vmem>>
    %dma_start3A_271 = arith.constant 0 : i32
    %dma_start3A_272 = arith.constant 0 : i32
    %dma_start3A_273 = tpu.memref_slice %arg3[%shift_right_arithmetic3A_257, %dma_start3A_271, %dma_start3A_272] : memref<12500x8x64xf32, #tpu.memory_space<hbm>> -> memref<1x8x64xf32, #tpu.memory_space<hbm>>
    %dma_start3A_274 = tpu.memref_squeeze %dma_start3A_273 : memref<1x8x64xf32, #tpu.memory_space<hbm>> -> memref<8x64xf32, #tpu.memory_space<hbm>>
    tpu.enqueue_dma source(%dma_start3A_274 : memref<8x64xf32, #tpu.memory_space<hbm>>) target(%dma_start3A_270 : memref<8x64xf32, #tpu.memory_space<vmem>>) target_semaphore(%arg8 : memref<!tpu.dma_semaphore, #tpu.memory_space<semaphore_mem>>)
    %get3A_275 = arith.constant 0 : index
    %get3A_276 = tpu.vector_load %arg5[%get3A_275] {strides = array<i32>} : memref<512xi32, #tpu.memory_space<vmem>>, vector<16xi32>,
    %eq3A_277 = arith.constant 8 : i32
    %eq3A_278 = vector.broadcast %eq3A_277 : i32 to vector<16xi32>
    %eq3A_279 = arith.cmpi eq, %iota3A, %eq3A_278 : vector<16xi32>
    %jit3A_280 = arith.constant -1 : i32
    %broadcast_in_dim3A_281 = vector.broadcast %jit3A_280 : i32 to vector<16xi32>
    %select_n3A_282 = arith.select %eq3A_279, %get3A_276, %broadcast_in_dim3A_281 : vector<16xi1>, vector<16xi32>
    %reduce_max3A_283 = arith.constant true
    %reduce_max3A_284 = vector.broadcast %reduce_max3A_283 : i1 to vector<16xi1>
    %reduce_max3A_285 = arith.constant -2147483648 : i32
    %reduce_max3A_286 = vector.broadcast %reduce_max3A_285 : i32 to vector<16xi32>
    %reduce_max3A_287 = arith.xori %select_n3A_282, %reduce_max3A_286 : vector<16xi32>
    %reduce_max3A_288 = tpu.scan <max>, %reduce_max3A_287 masked %reduce_max3A_284 : vector<16xi32>, vector<16xi1> -> vector<16xi32>
    %reduce_max3A_289 = arith.xori %reduce_max3A_288, %reduce_max3A_286 : vector<16xi32>
    %reduce_max3A_290 = vector.extract %reduce_max3A_289[15] : i32 from vector<16xi32>
    %shift_right_arithmetic3A_291 = arith.constant 3 : i32
    %shift_right_arithmetic3A_292 = arith.shrsi %reduce_max3A_290, %shift_right_arithmetic3A_291 : i32
    %dma_start3A_293 = arith.constant 8 : i32
    %dma_start3A_294 = arith.constant 0 : i32
    %dma_start3A_295 = arith.constant 0 : i32
    %dma_start3A_296 = tpu.memref_slice %arg6[%dma_start3A_293, %dma_start3A_294, %dma_start3A_295] : memref<32x8x64xf32, #tpu.memory_space<vmem>> -> memref<1x8x64xf32, #tpu.memory_space<vmem>>
    %dma_start3A_297 = tpu.memref_squeeze %dma_start3A_296 : memref<1x8x64xf32, #tpu.memory_space<vmem>> -> memref<8x64xf32, #tpu.memory_space<vmem>>
    %dma_start3A_298 = arith.constant 0 : i32
    %dma_start3A_299 = arith.constant 0 : i32
    %dma_start3A_300 = tpu.memref_slice %arg3[%shift_right_arithmetic3A_292, %dma_start3A_298, %dma_start3A_299] : memref<12500x8x64xf32, #tpu.memory_space<hbm>> -> memref<1x8x64xf32, #tpu.memory_space<hbm>>
    %dma_start3A_301 = tpu.memref_squeeze %dma_start3A_300 : memref<1x8x64xf32, #tpu.memory_space<hbm>> -> memref<8x64xf32, #tpu.memory_space<hbm>>
    %dma_start3A_302 = arith.constant 0 : i32
    %dma_start3A_303 = arith.constant 0 : i32
    %dma_start3A_304 = tpu.memref_slice %arg6[%dma_start3A_293, %dma_start3A_302, %dma_start3A_303] : memref<32x8x64xf32, #tpu.memory_space<vmem>> -> memref<1x8x64xf32, #tpu.memory_space<vmem>>
    %dma_start3A_305 = tpu.memref_squeeze %dma_start3A_304 : memref<1x8x64xf32, #tpu.memory_space<vmem>> -> memref<8x64xf32, #tpu.memory_space<vmem>>
    %dma_start3A_306 = arith.constant 0 : i32
    %dma_start3A_307 = arith.constant 0 : i32
    %dma_start3A_308 = tpu.memref_slice %arg3[%shift_right_arithmetic3A_292, %dma_start3A_306, %dma_start3A_307] : memref<12500x8x64xf32, #tpu.memory_space<hbm>> -> memref<1x8x64xf32, #tpu.memory_space<hbm>>
    %dma_start3A_309 = tpu.memref_squeeze %dma_start3A_308 : memref<1x8x64xf32, #tpu.memory_space<hbm>> -> memref<8x64xf32, #tpu.memory_space<hbm>>
    tpu.enqueue_dma source(%dma_start3A_309 : memref<8x64xf32, #tpu.memory_space<hbm>>) target(%dma_start3A_305 : memref<8x64xf32, #tpu.memory_space<vmem>>) target_semaphore(%arg8 : memref<!tpu.dma_semaphore, #tpu.memory_space<semaphore_mem>>)
    %get3A_310 = arith.constant 0 : index
    %get3A_311 = tpu.vector_load %arg5[%get3A_310] {strides = array<i32>} : memref<512xi32, #tpu.memory_space<vmem>>, vector<16xi32>,
    %eq3A_312 = arith.constant 9 : i32
    %eq3A_313 = vector.broadcast %eq3A_312 : i32 to vector<16xi32>
    %eq3A_314 = arith.cmpi eq, %iota3A, %eq3A_313 : vector<16xi32>
    %jit3A_315 = arith.constant -1 : i32
    %broadcast_in_dim3A_316 = vector.broadcast %jit3A_315 : i32 to vector<16xi32>
    %select_n3A_317 = arith.select %eq3A_314, %get3A_311, %broadcast_in_dim3A_316 : vector<16xi1>, vector<16xi32>
    %reduce_max3A_318 = arith.constant true
    %reduce_max3A_319 = vector.broadcast %reduce_max3A_318 : i1 to vector<16xi1>
    %reduce_max3A_320 = arith.constant -2147483648 : i32
    %reduce_max3A_321 = vector.broadcast %reduce_max3A_320 : i32 to vector<16xi32>
    %reduce_max3A_322 = arith.xori %select_n3A_317, %reduce_max3A_321 : vector<16xi32>
    %reduce_max3A_323 = tpu.scan <max>, %reduce_max3A_322 masked %reduce_max3A_319 : vector<16xi32>, vector<16xi1> -> vector<16xi32>
    %reduce_max3A_324 = arith.xori %reduce_max3A_323, %reduce_max3A_321 : vector<16xi32>
    %reduce_max3A_325 = vector.extract %reduce_max3A_324[15] : i32 from vector<16xi32>
    %shift_right_arithmetic3A_326 = arith.constant 3 : i32
    %shift_right_arithmetic3A_327 = arith.shrsi %reduce_max3A_325, %shift_right_arithmetic3A_326 : i32
    %dma_start3A_328 = arith.constant 9 : i32
    %dma_start3A_329 = arith.constant 0 : i32
    %dma_start3A_330 = arith.constant 0 : i32
    %dma_start3A_331 = tpu.memref_slice %arg6[%dma_start3A_328, %dma_start3A_329, %dma_start3A_330] : memref<32x8x64xf32, #tpu.memory_space<vmem>> -> memref<1x8x64xf32, #tpu.memory_space<vmem>>
    %dma_start3A_332 = tpu.memref_squeeze %dma_start3A_331 : memref<1x8x64xf32, #tpu.memory_space<vmem>> -> memref<8x64xf32, #tpu.memory_space<vmem>>
    %dma_start3A_333 = arith.constant 0 : i32
    %dma_start3A_334 = arith.constant 0 : i32
    %dma_start3A_335 = tpu.memref_slice %arg3[%shift_right_arithmetic3A_327, %dma_start3A_333, %dma_start3A_334] : memref<12500x8x64xf32, #tpu.memory_space<hbm>> -> memref<1x8x64xf32, #tpu.memory_space<hbm>>
    %dma_start3A_336 = tpu.memref_squeeze %dma_start3A_335 : memref<1x8x64xf32, #tpu.memory_space<hbm>> -> memref<8x64xf32, #tpu.memory_space<hbm>>
    %dma_start3A_337 = arith.constant 0 : i32
    %dma_start3A_338 = arith.constant 0 : i32
    %dma_start3A_339 = tpu.memref_slice %arg6[%dma_start3A_328, %dma_start3A_337, %dma_start3A_338] : memref<32x8x64xf32, #tpu.memory_space<vmem>> -> memref<1x8x64xf32, #tpu.memory_space<vmem>>
    %dma_start3A_340 = tpu.memref_squeeze %dma_start3A_339 : memref<1x8x64xf32, #tpu.memory_space<vmem>> -> memref<8x64xf32, #tpu.memory_space<vmem>>
    %dma_start3A_341 = arith.constant 0 : i32
    %dma_start3A_342 = arith.constant 0 : i32
    %dma_start3A_343 = tpu.memref_slice %arg3[%shift_right_arithmetic3A_327, %dma_start3A_341, %dma_start3A_342] : memref<12500x8x64xf32, #tpu.memory_space<hbm>> -> memref<1x8x64xf32, #tpu.memory_space<hbm>>
    %dma_start3A_344 = tpu.memref_squeeze %dma_start3A_343 : memref<1x8x64xf32, #tpu.memory_space<hbm>> -> memref<8x64xf32, #tpu.memory_space<hbm>>
    tpu.enqueue_dma source(%dma_start3A_344 : memref<8x64xf32, #tpu.memory_space<hbm>>) target(%dma_start3A_340 : memref<8x64xf32, #tpu.memory_space<vmem>>) target_semaphore(%arg8 : memref<!tpu.dma_semaphore, #tpu.memory_space<semaphore_mem>>)
    %get3A_345 = arith.constant 0 : index
    %get3A_346 = tpu.vector_load %arg5[%get3A_345] {strides = array<i32>} : memref<512xi32, #tpu.memory_space<vmem>>, vector<16xi32>,
    %eq3A_347 = arith.constant 10 : i32
    %eq3A_348 = vector.broadcast %eq3A_347 : i32 to vector<16xi32>
    %eq3A_349 = arith.cmpi eq, %iota3A, %eq3A_348 : vector<16xi32>
    %jit3A_350 = arith.constant -1 : i32
    %broadcast_in_dim3A_351 = vector.broadcast %jit3A_350 : i32 to vector<16xi32>
    %select_n3A_352 = arith.select %eq3A_349, %get3A_346, %broadcast_in_dim3A_351 : vector<16xi1>, vector<16xi32>
    %reduce_max3A_353 = arith.constant true
    %reduce_max3A_354 = vector.broadcast %reduce_max3A_353 : i1 to vector<16xi1>
    %reduce_max3A_355 = arith.constant -2147483648 : i32
    %reduce_max3A_356 = vector.broadcast %reduce_max3A_355 : i32 to vector<16xi32>
    %reduce_max3A_357 = arith.xori %select_n3A_352, %reduce_max3A_356 : vector<16xi32>
    %reduce_max3A_358 = tpu.scan <max>, %reduce_max3A_357 masked %reduce_max3A_354 : vector<16xi32>, vector<16xi1> -> vector<16xi32>
    %reduce_max3A_359 = arith.xori %reduce_max3A_358, %reduce_max3A_356 : vector<16xi32>
    %reduce_max3A_360 = vector.extract %reduce_max3A_359[15] : i32 from vector<16xi32>
    %shift_right_arithmetic3A_361 = arith.constant 3 : i32
    %shift_right_arithmetic3A_362 = arith.shrsi %reduce_max3A_360, %shift_right_arithmetic3A_361 : i32
    %dma_start3A_363 = arith.constant 10 : i32
    %dma_start3A_364 = arith.constant 0 : i32
    %dma_start3A_365 = arith.constant 0 : i32
    %dma_start3A_366 = tpu.memref_slice %arg6[%dma_start3A_363, %dma_start3A_364, %dma_start3A_365] : memref<32x8x64xf32, #tpu.memory_space<vmem>> -> memref<1x8x64xf32, #tpu.memory_space<vmem>>
    %dma_start3A_367 = tpu.memref_squeeze %dma_start3A_366 : memref<1x8x64xf32, #tpu.memory_space<vmem>> -> memref<8x64xf32, #tpu.memory_space<vmem>>
    %dma_start3A_368 = arith.constant 0 : i32
    %dma_start3A_369 = arith.constant 0 : i32
    %dma_start3A_370 = tpu.memref_slice %arg3[%shift_right_arithmetic3A_362, %dma_start3A_368, %dma_start3A_369] : memref<12500x8x64xf32, #tpu.memory_space<hbm>> -> memref<1x8x64xf32, #tpu.memory_space<hbm>>
    %dma_start3A_371 = tpu.memref_squeeze %dma_start3A_370 : memref<1x8x64xf32, #tpu.memory_space<hbm>> -> memref<8x64xf32, #tpu.memory_space<hbm>>
    %dma_start3A_372 = arith.constant 0 : i32
    %dma_start3A_373 = arith.constant 0 : i32
    %dma_start3A_374 = tpu.memref_slice %arg6[%dma_start3A_363, %dma_start3A_372, %dma_start3A_373] : memref<32x8x64xf32, #tpu.memory_space<vmem>> -> memref<1x8x64xf32, #tpu.memory_space<vmem>>
    %dma_start3A_375 = tpu.memref_squeeze %dma_start3A_374 : memref<1x8x64xf32, #tpu.memory_space<vmem>> -> memref<8x64xf32, #tpu.memory_space<vmem>>
    %dma_start3A_376 = arith.constant 0 : i32
    %dma_start3A_377 = arith.constant 0 : i32
    %dma_start3A_378 = tpu.memref_slice %arg3[%shift_right_arithmetic3A_362, %dma_start3A_376, %dma_start3A_377] : memref<12500x8x64xf32, #tpu.memory_space<hbm>> -> memref<1x8x64xf32, #tpu.memory_space<hbm>>
    %dma_start3A_379 = tpu.memref_squeeze %dma_start3A_378 : memref<1x8x64xf32, #tpu.memory_space<hbm>> -> memref<8x64xf32, #tpu.memory_space<hbm>>
    tpu.enqueue_dma source(%dma_start3A_379 : memref<8x64xf32, #tpu.memory_space<hbm>>) target(%dma_start3A_375 : memref<8x64xf32, #tpu.memory_space<vmem>>) target_semaphore(%arg8 : memref<!tpu.dma_semaphore, #tpu.memory_space<semaphore_mem>>)
    %get3A_380 = arith.constant 0 : index
    %get3A_381 = tpu.vector_load %arg5[%get3A_380] {strides = array<i32>} : memref<512xi32, #tpu.memory_space<vmem>>, vector<16xi32>,
    %eq3A_382 = arith.constant 11 : i32
    %eq3A_383 = vector.broadcast %eq3A_382 : i32 to vector<16xi32>
    %eq3A_384 = arith.cmpi eq, %iota3A, %eq3A_383 : vector<16xi32>
    %jit3A_385 = arith.constant -1 : i32
    %broadcast_in_dim3A_386 = vector.broadcast %jit3A_385 : i32 to vector<16xi32>
    %select_n3A_387 = arith.select %eq3A_384, %get3A_381, %broadcast_in_dim3A_386 : vector<16xi1>, vector<16xi32>
    %reduce_max3A_388 = arith.constant true
    %reduce_max3A_389 = vector.broadcast %reduce_max3A_388 : i1 to vector<16xi1>
    %reduce_max3A_390 = arith.constant -2147483648 : i32
    %reduce_max3A_391 = vector.broadcast %reduce_max3A_390 : i32 to vector<16xi32>
    %reduce_max3A_392 = arith.xori %select_n3A_387, %reduce_max3A_391 : vector<16xi32>
    %reduce_max3A_393 = tpu.scan <max>, %reduce_max3A_392 masked %reduce_max3A_389 : vector<16xi32>, vector<16xi1> -> vector<16xi32>
    %reduce_max3A_394 = arith.xori %reduce_max3A_393, %reduce_max3A_391 : vector<16xi32>
    %reduce_max3A_395 = vector.extract %reduce_max3A_394[15] : i32 from vector<16xi32>
    %shift_right_arithmetic3A_396 = arith.constant 3 : i32
    %shift_right_arithmetic3A_397 = arith.shrsi %reduce_max3A_395, %shift_right_arithmetic3A_396 : i32
    %dma_start3A_398 = arith.constant 11 : i32
    %dma_start3A_399 = arith.constant 0 : i32
    %dma_start3A_400 = arith.constant 0 : i32
    %dma_start3A_401 = tpu.memref_slice %arg6[%dma_start3A_398, %dma_start3A_399, %dma_start3A_400] : memref<32x8x64xf32, #tpu.memory_space<vmem>> -> memref<1x8x64xf32, #tpu.memory_space<vmem>>
    %dma_start3A_402 = tpu.memref_squeeze %dma_start3A_401 : memref<1x8x64xf32, #tpu.memory_space<vmem>> -> memref<8x64xf32, #tpu.memory_space<vmem>>
    %dma_start3A_403 = arith.constant 0 : i32
    %dma_start3A_404 = arith.constant 0 : i32
    %dma_start3A_405 = tpu.memref_slice %arg3[%shift_right_arithmetic3A_397, %dma_start3A_403, %dma_start3A_404] : memref<12500x8x64xf32, #tpu.memory_space<hbm>> -> memref<1x8x64xf32, #tpu.memory_space<hbm>>
    %dma_start3A_406 = tpu.memref_squeeze %dma_start3A_405 : memref<1x8x64xf32, #tpu.memory_space<hbm>> -> memref<8x64xf32, #tpu.memory_space<hbm>>
    %dma_start3A_407 = arith.constant 0 : i32
    %dma_start3A_408 = arith.constant 0 : i32
    %dma_start3A_409 = tpu.memref_slice %arg6[%dma_start3A_398, %dma_start3A_407, %dma_start3A_408] : memref<32x8x64xf32, #tpu.memory_space<vmem>> -> memref<1x8x64xf32, #tpu.memory_space<vmem>>
    %dma_start3A_410 = tpu.memref_squeeze %dma_start3A_409 : memref<1x8x64xf32, #tpu.memory_space<vmem>> -> memref<8x64xf32, #tpu.memory_space<vmem>>
    %dma_start3A_411 = arith.constant 0 : i32
    %dma_start3A_412 = arith.constant 0 : i32
    %dma_start3A_413 = tpu.memref_slice %arg3[%shift_right_arithmetic3A_397, %dma_start3A_411, %dma_start3A_412] : memref<12500x8x64xf32, #tpu.memory_space<hbm>> -> memref<1x8x64xf32, #tpu.memory_space<hbm>>
    %dma_start3A_414 = tpu.memref_squeeze %dma_start3A_413 : memref<1x8x64xf32, #tpu.memory_space<hbm>> -> memref<8x64xf32, #tpu.memory_space<hbm>>
    tpu.enqueue_dma source(%dma_start3A_414 : memref<8x64xf32, #tpu.memory_space<hbm>>) target(%dma_start3A_410 : memref<8x64xf32, #tpu.memory_space<vmem>>) target_semaphore(%arg8 : memref<!tpu.dma_semaphore, #tpu.memory_space<semaphore_mem>>)
    %get3A_415 = arith.constant 0 : index
    %get3A_416 = tpu.vector_load %arg5[%get3A_415] {strides = array<i32>} : memref<512xi32, #tpu.memory_space<vmem>>, vector<16xi32>,
    %eq3A_417 = arith.constant 12 : i32
    %eq3A_418 = vector.broadcast %eq3A_417 : i32 to vector<16xi32>
    %eq3A_419 = arith.cmpi eq, %iota3A, %eq3A_418 : vector<16xi32>
    %jit3A_420 = arith.constant -1 : i32
    %broadcast_in_dim3A_421 = vector.broadcast %jit3A_420 : i32 to vector<16xi32>
    %select_n3A_422 = arith.select %eq3A_419, %get3A_416, %broadcast_in_dim3A_421 : vector<16xi1>, vector<16xi32>
    %reduce_max3A_423 = arith.constant true
    %reduce_max3A_424 = vector.broadcast %reduce_max3A_423 : i1 to vector<16xi1>
    %reduce_max3A_425 = arith.constant -2147483648 : i32
    %reduce_max3A_426 = vector.broadcast %reduce_max3A_425 : i32 to vector<16xi32>
    %reduce_max3A_427 = arith.xori %select_n3A_422, %reduce_max3A_426 : vector<16xi32>
    %reduce_max3A_428 = tpu.scan <max>, %reduce_max3A_427 masked %reduce_max3A_424 : vector<16xi32>, vector<16xi1> -> vector<16xi32>
    %reduce_max3A_429 = arith.xori %reduce_max3A_428, %reduce_max3A_426 : vector<16xi32>
    %reduce_max3A_430 = vector.extract %reduce_max3A_429[15] : i32 from vector<16xi32>
    %shift_right_arithmetic3A_431 = arith.constant 3 : i32
    %shift_right_arithmetic3A_432 = arith.shrsi %reduce_max3A_430, %shift_right_arithmetic3A_431 : i32
    %dma_start3A_433 = arith.constant 12 : i32
    %dma_start3A_434 = arith.constant 0 : i32
    %dma_start3A_435 = arith.constant 0 : i32
    %dma_start3A_436 = tpu.memref_slice %arg6[%dma_start3A_433, %dma_start3A_434, %dma_start3A_435] : memref<32x8x64xf32, #tpu.memory_space<vmem>> -> memref<1x8x64xf32, #tpu.memory_space<vmem>>
    %dma_start3A_437 = tpu.memref_squeeze %dma_start3A_436 : memref<1x8x64xf32, #tpu.memory_space<vmem>> -> memref<8x64xf32, #tpu.memory_space<vmem>>
    %dma_start3A_438 = arith.constant 0 : i32
    %dma_start3A_439 = arith.constant 0 : i32
    %dma_start3A_440 = tpu.memref_slice %arg3[%shift_right_arithmetic3A_432, %dma_start3A_438, %dma_start3A_439] : memref<12500x8x64xf32, #tpu.memory_space<hbm>> -> memref<1x8x64xf32, #tpu.memory_space<hbm>>
    %dma_start3A_441 = tpu.memref_squeeze %dma_start3A_440 : memref<1x8x64xf32, #tpu.memory_space<hbm>> -> memref<8x64xf32, #tpu.memory_space<hbm>>
    %dma_start3A_442 = arith.constant 0 : i32
    %dma_start3A_443 = arith.constant 0 : i32
    %dma_start3A_444 = tpu.memref_slice %arg6[%dma_start3A_433, %dma_start3A_442, %dma_start3A_443] : memref<32x8x64xf32, #tpu.memory_space<vmem>> -> memref<1x8x64xf32, #tpu.memory_space<vmem>>
    %dma_start3A_445 = tpu.memref_squeeze %dma_start3A_444 : memref<1x8x64xf32, #tpu.memory_space<vmem>> -> memref<8x64xf32, #tpu.memory_space<vmem>>
    %dma_start3A_446 = arith.constant 0 : i32
    %dma_start3A_447 = arith.constant 0 : i32
    %dma_start3A_448 = tpu.memref_slice %arg3[%shift_right_arithmetic3A_432, %dma_start3A_446, %dma_start3A_447] : memref<12500x8x64xf32, #tpu.memory_space<hbm>> -> memref<1x8x64xf32, #tpu.memory_space<hbm>>
    %dma_start3A_449 = tpu.memref_squeeze %dma_start3A_448 : memref<1x8x64xf32, #tpu.memory_space<hbm>> -> memref<8x64xf32, #tpu.memory_space<hbm>>
    tpu.enqueue_dma source(%dma_start3A_449 : memref<8x64xf32, #tpu.memory_space<hbm>>) target(%dma_start3A_445 : memref<8x64xf32, #tpu.memory_space<vmem>>) target_semaphore(%arg8 : memref<!tpu.dma_semaphore, #tpu.memory_space<semaphore_mem>>)
    %get3A_450 = arith.constant 0 : index
    %get3A_451 = tpu.vector_load %arg5[%get3A_450] {strides = array<i32>} : memref<512xi32, #tpu.memory_space<vmem>>, vector<16xi32>,
    %eq3A_452 = arith.constant 13 : i32
    %eq3A_453 = vector.broadcast %eq3A_452 : i32 to vector<16xi32>
    %eq3A_454 = arith.cmpi eq, %iota3A, %eq3A_453 : vector<16xi32>
    %jit3A_455 = arith.constant -1 : i32
    %broadcast_in_dim3A_456 = vector.broadcast %jit3A_455 : i32 to vector<16xi32>
    %select_n3A_457 = arith.select %eq3A_454, %get3A_451, %broadcast_in_dim3A_456 : vector<16xi1>, vector<16xi32>
    %reduce_max3A_458 = arith.constant true
    %reduce_max3A_459 = vector.broadcast %reduce_max3A_458 : i1 to vector<16xi1>
    %reduce_max3A_460 = arith.constant -2147483648 : i32
    %reduce_max3A_461 = vector.broadcast %reduce_max3A_460 : i32 to vector<16xi32>
    %reduce_max3A_462 = arith.xori %select_n3A_457, %reduce_max3A_461 : vector<16xi32>
    %reduce_max3A_463 = tpu.scan <max>, %reduce_max3A_462 masked %reduce_max3A_459 : vector<16xi32>, vector<16xi1> -> vector<16xi32>
    %reduce_max3A_464 = arith.xori %reduce_max3A_463, %reduce_max3A_461 : vector<16xi32>
    %reduce_max3A_465 = vector.extract %reduce_max3A_464[15] : i32 from vector<16xi32>
    %shift_right_arithmetic3A_466 = arith.constant 3 : i32
    %shift_right_arithmetic3A_467 = arith.shrsi %reduce_max3A_465, %shift_right_arithmetic3A_466 : i32
    %dma_start3A_468 = arith.constant 13 : i32
    %dma_start3A_469 = arith.constant 0 : i32
    %dma_start3A_470 = arith.constant 0 : i32
    %dma_start3A_471 = tpu.memref_slice %arg6[%dma_start3A_468, %dma_start3A_469, %dma_start3A_470] : memref<32x8x64xf32, #tpu.memory_space<vmem>> -> memref<1x8x64xf32, #tpu.memory_space<vmem>>
    %dma_start3A_472 = tpu.memref_squeeze %dma_start3A_471 : memref<1x8x64xf32, #tpu.memory_space<vmem>> -> memref<8x64xf32, #tpu.memory_space<vmem>>
    %dma_start3A_473 = arith.constant 0 : i32
    %dma_start3A_474 = arith.constant 0 : i32
    %dma_start3A_475 = tpu.memref_slice %arg3[%shift_right_arithmetic3A_467, %dma_start3A_473, %dma_start3A_474] : memref<12500x8x64xf32, #tpu.memory_space<hbm>> -> memref<1x8x64xf32, #tpu.memory_space<hbm>>
    %dma_start3A_476 = tpu.memref_squeeze %dma_start3A_475 : memref<1x8x64xf32, #tpu.memory_space<hbm>> -> memref<8x64xf32, #tpu.memory_space<hbm>>
    %dma_start3A_477 = arith.constant 0 : i32
    %dma_start3A_478 = arith.constant 0 : i32
    %dma_start3A_479 = tpu.memref_slice %arg6[%dma_start3A_468, %dma_start3A_477, %dma_start3A_478] : memref<32x8x64xf32, #tpu.memory_space<vmem>> -> memref<1x8x64xf32, #tpu.memory_space<vmem>>
    %dma_start3A_480 = tpu.memref_squeeze %dma_start3A_479 : memref<1x8x64xf32, #tpu.memory_space<vmem>> -> memref<8x64xf32, #tpu.memory_space<vmem>>
    %dma_start3A_481 = arith.constant 0 : i32
    %dma_start3A_482 = arith.constant 0 : i32
    %dma_start3A_483 = tpu.memref_slice %arg3[%shift_right_arithmetic3A_467, %dma_start3A_481, %dma_start3A_482] : memref<12500x8x64xf32, #tpu.memory_space<hbm>> -> memref<1x8x64xf32, #tpu.memory_space<hbm>>
    %dma_start3A_484 = tpu.memref_squeeze %dma_start3A_483 : memref<1x8x64xf32, #tpu.memory_space<hbm>> -> memref<8x64xf32, #tpu.memory_space<hbm>>
    tpu.enqueue_dma source(%dma_start3A_484 : memref<8x64xf32, #tpu.memory_space<hbm>>) target(%dma_start3A_480 : memref<8x64xf32, #tpu.memory_space<vmem>>) target_semaphore(%arg8 : memref<!tpu.dma_semaphore, #tpu.memory_space<semaphore_mem>>)
    %get3A_485 = arith.constant 0 : index
    %get3A_486 = tpu.vector_load %arg5[%get3A_485] {strides = array<i32>} : memref<512xi32, #tpu.memory_space<vmem>>, vector<16xi32>,
    %eq3A_487 = arith.constant 14 : i32
    %eq3A_488 = vector.broadcast %eq3A_487 : i32 to vector<16xi32>
    %eq3A_489 = arith.cmpi eq, %iota3A, %eq3A_488 : vector<16xi32>
    %jit3A_490 = arith.constant -1 : i32
    %broadcast_in_dim3A_491 = vector.broadcast %jit3A_490 : i32 to vector<16xi32>
    %select_n3A_492 = arith.select %eq3A_489, %get3A_486, %broadcast_in_dim3A_491 : vector<16xi1>, vector<16xi32>
    %reduce_max3A_493 = arith.constant true
    %reduce_max3A_494 = vector.broadcast %reduce_max3A_493 : i1 to vector<16xi1>
    %reduce_max3A_495 = arith.constant -2147483648 : i32
    %reduce_max3A_496 = vector.broadcast %reduce_max3A_495 : i32 to vector<16xi32>
    %reduce_max3A_497 = arith.xori %select_n3A_492, %reduce_max3A_496 : vector<16xi32>
    %reduce_max3A_498 = tpu.scan <max>, %reduce_max3A_497 masked %reduce_max3A_494 : vector<16xi32>, vector<16xi1> -> vector<16xi32>
    %reduce_max3A_499 = arith.xori %reduce_max3A_498, %reduce_max3A_496 : vector<16xi32>
    %reduce_max3A_500 = vector.extract %reduce_max3A_499[15] : i32 from vector<16xi32>
    %shift_right_arithmetic3A_501 = arith.constant 3 : i32
    %shift_right_arithmetic3A_502 = arith.shrsi %reduce_max3A_500, %shift_right_arithmetic3A_501 : i32
    %dma_start3A_503 = arith.constant 14 : i32
    %dma_start3A_504 = arith.constant 0 : i32
    %dma_start3A_505 = arith.constant 0 : i32
    %dma_start3A_506 = tpu.memref_slice %arg6[%dma_start3A_503, %dma_start3A_504, %dma_start3A_505] : memref<32x8x64xf32, #tpu.memory_space<vmem>> -> memref<1x8x64xf32, #tpu.memory_space<vmem>>
    %dma_start3A_507 = tpu.memref_squeeze %dma_start3A_506 : memref<1x8x64xf32, #tpu.memory_space<vmem>> -> memref<8x64xf32, #tpu.memory_space<vmem>>
    %dma_start3A_508 = arith.constant 0 : i32
    %dma_start3A_509 = arith.constant 0 : i32
    %dma_start3A_510 = tpu.memref_slice %arg3[%shift_right_arithmetic3A_502, %dma_start3A_508, %dma_start3A_509] : memref<12500x8x64xf32, #tpu.memory_space<hbm>> -> memref<1x8x64xf32, #tpu.memory_space<hbm>>
    %dma_start3A_511 = tpu.memref_squeeze %dma_start3A_510 : memref<1x8x64xf32, #tpu.memory_space<hbm>> -> memref<8x64xf32, #tpu.memory_space<hbm>>
    %dma_start3A_512 = arith.constant 0 : i32
    %dma_start3A_513 = arith.constant 0 : i32
    %dma_start3A_514 = tpu.memref_slice %arg6[%dma_start3A_503, %dma_start3A_512, %dma_start3A_513] : memref<32x8x64xf32, #tpu.memory_space<vmem>> -> memref<1x8x64xf32, #tpu.memory_space<vmem>>
    %dma_start3A_515 = tpu.memref_squeeze %dma_start3A_514 : memref<1x8x64xf32, #tpu.memory_space<vmem>> -> memref<8x64xf32, #tpu.memory_space<vmem>>
    %dma_start3A_516 = arith.constant 0 : i32
    %dma_start3A_517 = arith.constant 0 : i32
    %dma_start3A_518 = tpu.memref_slice %arg3[%shift_right_arithmetic3A_502, %dma_start3A_516, %dma_start3A_517] : memref<12500x8x64xf32, #tpu.memory_space<hbm>> -> memref<1x8x64xf32, #tpu.memory_space<hbm>>
    %dma_start3A_519 = tpu.memref_squeeze %dma_start3A_518 : memref<1x8x64xf32, #tpu.memory_space<hbm>> -> memref<8x64xf32, #tpu.memory_space<hbm>>
    tpu.enqueue_dma source(%dma_start3A_519 : memref<8x64xf32, #tpu.memory_space<hbm>>) target(%dma_start3A_515 : memref<8x64xf32, #tpu.memory_space<vmem>>) target_semaphore(%arg8 : memref<!tpu.dma_semaphore, #tpu.memory_space<semaphore_mem>>)
    %get3A_520 = arith.constant 0 : index
    %get3A_521 = tpu.vector_load %arg5[%get3A_520] {strides = array<i32>} : memref<512xi32, #tpu.memory_space<vmem>>, vector<16xi32>,
    %eq3A_522 = arith.constant 15 : i32
    %eq3A_523 = vector.broadcast %eq3A_522 : i32 to vector<16xi32>
    %eq3A_524 = arith.cmpi eq, %iota3A, %eq3A_523 : vector<16xi32>
    %jit3A_525 = arith.constant -1 : i32
    %broadcast_in_dim3A_526 = vector.broadcast %jit3A_525 : i32 to vector<16xi32>
    %select_n3A_527 = arith.select %eq3A_524, %get3A_521, %broadcast_in_dim3A_526 : vector<16xi1>, vector<16xi32>
    %reduce_max3A_528 = arith.constant true
    %reduce_max3A_529 = vector.broadcast %reduce_max3A_528 : i1 to vector<16xi1>
    %reduce_max3A_530 = arith.constant -2147483648 : i32
    %reduce_max3A_531 = vector.broadcast %reduce_max3A_530 : i32 to vector<16xi32>
    %reduce_max3A_532 = arith.xori %select_n3A_527, %reduce_max3A_531 : vector<16xi32>
    %reduce_max3A_533 = tpu.scan <max>, %reduce_max3A_532 masked %reduce_max3A_529 : vector<16xi32>, vector<16xi1> -> vector<16xi32>
    %reduce_max3A_534 = arith.xori %reduce_max3A_533, %reduce_max3A_531 : vector<16xi32>
    %reduce_max3A_535 = vector.extract %reduce_max3A_534[15] : i32 from vector<16xi32>
    %shift_right_arithmetic3A_536 = arith.constant 3 : i32
    %shift_right_arithmetic3A_537 = arith.shrsi %reduce_max3A_535, %shift_right_arithmetic3A_536 : i32
    %dma_start3A_538 = arith.constant 15 : i32
    %dma_start3A_539 = arith.constant 0 : i32
    %dma_start3A_540 = arith.constant 0 : i32
    %dma_start3A_541 = tpu.memref_slice %arg6[%dma_start3A_538, %dma_start3A_539, %dma_start3A_540] : memref<32x8x64xf32, #tpu.memory_space<vmem>> -> memref<1x8x64xf32, #tpu.memory_space<vmem>>
    %dma_start3A_542 = tpu.memref_squeeze %dma_start3A_541 : memref<1x8x64xf32, #tpu.memory_space<vmem>> -> memref<8x64xf32, #tpu.memory_space<vmem>>
    %dma_start3A_543 = arith.constant 0 : i32
    %dma_start3A_544 = arith.constant 0 : i32
    %dma_start3A_545 = tpu.memref_slice %arg3[%shift_right_arithmetic3A_537, %dma_start3A_543, %dma_start3A_544] : memref<12500x8x64xf32, #tpu.memory_space<hbm>> -> memref<1x8x64xf32, #tpu.memory_space<hbm>>
    %dma_start3A_546 = tpu.memref_squeeze %dma_start3A_545 : memref<1x8x64xf32, #tpu.memory_space<hbm>> -> memref<8x64xf32, #tpu.memory_space<hbm>>
    %dma_start3A_547 = arith.constant 0 : i32
    %dma_start3A_548 = arith.constant 0 : i32
    %dma_start3A_549 = tpu.memref_slice %arg6[%dma_start3A_538, %dma_start3A_547, %dma_start3A_548] : memref<32x8x64xf32, #tpu.memory_space<vmem>> -> memref<1x8x64xf32, #tpu.memory_space<vmem>>
    %dma_start3A_550 = tpu.memref_squeeze %dma_start3A_549 : memref<1x8x64xf32, #tpu.memory_space<vmem>> -> memref<8x64xf32, #tpu.memory_space<vmem>>
    %dma_start3A_551 = arith.constant 0 : i32
    %dma_start3A_552 = arith.constant 0 : i32
    %dma_start3A_553 = tpu.memref_slice %arg3[%shift_right_arithmetic3A_537, %dma_start3A_551, %dma_start3A_552] : memref<12500x8x64xf32, #tpu.memory_space<hbm>> -> memref<1x8x64xf32, #tpu.memory_space<hbm>>
    %dma_start3A_554 = tpu.memref_squeeze %dma_start3A_553 : memref<1x8x64xf32, #tpu.memory_space<hbm>> -> memref<8x64xf32, #tpu.memory_space<hbm>>
    tpu.enqueue_dma source(%dma_start3A_554 : memref<8x64xf32, #tpu.memory_space<hbm>>) target(%dma_start3A_550 : memref<8x64xf32, #tpu.memory_space<vmem>>) target_semaphore(%arg8 : memref<!tpu.dma_semaphore, #tpu.memory_space<semaphore_mem>>)
    %get3A_555 = arith.constant 16 : index
    %get3A_556 = tpu.vector_load %arg5[%get3A_555] {strides = array<i32>} : memref<512xi32, #tpu.memory_space<vmem>>, vector<16xi32>,
    %eq3A_557 = arith.constant 0 : i32
    %eq3A_558 = vector.broadcast %eq3A_557 : i32 to vector<16xi32>
    %eq3A_559 = arith.cmpi eq, %iota3A, %eq3A_558 : vector<16xi32>
    %jit3A_560 = arith.constant -1 : i32
    %broadcast_in_dim3A_561 = vector.broadcast %jit3A_560 : i32 to vector<16xi32>
    %select_n3A_562 = arith.select %eq3A_559, %get3A_556, %broadcast_in_dim3A_561 : vector<16xi1>, vector<16xi32>
    %reduce_max3A_563 = arith.constant true
    %reduce_max3A_564 = vector.broadcast %reduce_max3A_563 : i1 to vector<16xi1>
    %reduce_max3A_565 = arith.constant -2147483648 : i32
    %reduce_max3A_566 = vector.broadcast %reduce_max3A_565 : i32 to vector<16xi32>
    %reduce_max3A_567 = arith.xori %select_n3A_562, %reduce_max3A_566 : vector<16xi32>
    %reduce_max3A_568 = tpu.scan <max>, %reduce_max3A_567 masked %reduce_max3A_564 : vector<16xi32>, vector<16xi1> -> vector<16xi32>
    %reduce_max3A_569 = arith.xori %reduce_max3A_568, %reduce_max3A_566 : vector<16xi32>
    %reduce_max3A_570 = vector.extract %reduce_max3A_569[15] : i32 from vector<16xi32>
    %shift_right_arithmetic3A_571 = arith.constant 3 : i32
    %shift_right_arithmetic3A_572 = arith.shrsi %reduce_max3A_570, %shift_right_arithmetic3A_571 : i32
    %dma_start3A_573 = arith.constant 16 : i32
    %dma_start3A_574 = arith.constant 0 : i32
    %dma_start3A_575 = arith.constant 0 : i32
    %dma_start3A_576 = tpu.memref_slice %arg6[%dma_start3A_573, %dma_start3A_574, %dma_start3A_575] : memref<32x8x64xf32, #tpu.memory_space<vmem>> -> memref<1x8x64xf32, #tpu.memory_space<vmem>>
    %dma_start3A_577 = tpu.memref_squeeze %dma_start3A_576 : memref<1x8x64xf32, #tpu.memory_space<vmem>> -> memref<8x64xf32, #tpu.memory_space<vmem>>
    %dma_start3A_578 = arith.constant 0 : i32
    %dma_start3A_579 = arith.constant 0 : i32
    %dma_start3A_580 = tpu.memref_slice %arg3[%shift_right_arithmetic3A_572, %dma_start3A_578, %dma_start3A_579] : memref<12500x8x64xf32, #tpu.memory_space<hbm>> -> memref<1x8x64xf32, #tpu.memory_space<hbm>>
    %dma_start3A_581 = tpu.memref_squeeze %dma_start3A_580 : memref<1x8x64xf32, #tpu.memory_space<hbm>> -> memref<8x64xf32, #tpu.memory_space<hbm>>
    %dma_start3A_582 = arith.constant 0 : i32
    %dma_start3A_583 = arith.constant 0 : i32
    %dma_start3A_584 = tpu.memref_slice %arg6[%dma_start3A_573, %dma_start3A_582, %dma_start3A_583] : memref<32x8x64xf32, #tpu.memory_space<vmem>> -> memref<1x8x64xf32, #tpu.memory_space<vmem>>
    %dma_start3A_585 = tpu.memref_squeeze %dma_start3A_584 : memref<1x8x64xf32, #tpu.memory_space<vmem>> -> memref<8x64xf32, #tpu.memory_space<vmem>>
    %dma_start3A_586 = arith.constant 0 : i32
    %dma_start3A_587 = arith.constant 0 : i32
    %dma_start3A_588 = tpu.memref_slice %arg3[%shift_right_arithmetic3A_572, %dma_start3A_586, %dma_start3A_587] : memref<12500x8x64xf32, #tpu.memory_space<hbm>> -> memref<1x8x64xf32, #tpu.memory_space<hbm>>
    %dma_start3A_589 = tpu.memref_squeeze %dma_start3A_588 : memref<1x8x64xf32, #tpu.memory_space<hbm>> -> memref<8x64xf32, #tpu.memory_space<hbm>>
    tpu.enqueue_dma source(%dma_start3A_589 : memref<8x64xf32, #tpu.memory_space<hbm>>) target(%dma_start3A_585 : memref<8x64xf32, #tpu.memory_space<vmem>>) target_semaphore(%arg8 : memref<!tpu.dma_semaphore, #tpu.memory_space<semaphore_mem>>)
    %get3A_590 = arith.constant 16 : index
    %get3A_591 = tpu.vector_load %arg5[%get3A_590] {strides = array<i32>} : memref<512xi32, #tpu.memory_space<vmem>>, vector<16xi32>,
    %eq3A_592 = arith.constant 1 : i32
    %eq3A_593 = vector.broadcast %eq3A_592 : i32 to vector<16xi32>
    %eq3A_594 = arith.cmpi eq, %iota3A, %eq3A_593 : vector<16xi32>
    %jit3A_595 = arith.constant -1 : i32
    %broadcast_in_dim3A_596 = vector.broadcast %jit3A_595 : i32 to vector<16xi32>
    %select_n3A_597 = arith.select %eq3A_594, %get3A_591, %broadcast_in_dim3A_596 : vector<16xi1>, vector<16xi32>
    %reduce_max3A_598 = arith.constant true
    %reduce_max3A_599 = vector.broadcast %reduce_max3A_598 : i1 to vector<16xi1>
    %reduce_max3A_600 = arith.constant -2147483648 : i32
    %reduce_max3A_601 = vector.broadcast %reduce_max3A_600 : i32 to vector<16xi32>
    %reduce_max3A_602 = arith.xori %select_n3A_597, %reduce_max3A_601 : vector<16xi32>
    %reduce_max3A_603 = tpu.scan <max>, %reduce_max3A_602 masked %reduce_max3A_599 : vector<16xi32>, vector<16xi1> -> vector<16xi32>
    %reduce_max3A_604 = arith.xori %reduce_max3A_603, %reduce_max3A_601 : vector<16xi32>
    %reduce_max3A_605 = vector.extract %reduce_max3A_604[15] : i32 from vector<16xi32>
    %shift_right_arithmetic3A_606 = arith.constant 3 : i32
    %shift_right_arithmetic3A_607 = arith.shrsi %reduce_max3A_605, %shift_right_arithmetic3A_606 : i32
    %dma_start3A_608 = arith.constant 17 : i32
    %dma_start3A_609 = arith.constant 0 : i32
    %dma_start3A_610 = arith.constant 0 : i32
    %dma_start3A_611 = tpu.memref_slice %arg6[%dma_start3A_608, %dma_start3A_609, %dma_start3A_610] : memref<32x8x64xf32, #tpu.memory_space<vmem>> -> memref<1x8x64xf32, #tpu.memory_space<vmem>>
    %dma_start3A_612 = tpu.memref_squeeze %dma_start3A_611 : memref<1x8x64xf32, #tpu.memory_space<vmem>> -> memref<8x64xf32, #tpu.memory_space<vmem>>
    %dma_start3A_613 = arith.constant 0 : i32
    %dma_start3A_614 = arith.constant 0 : i32
    %dma_start3A_615 = tpu.memref_slice %arg3[%shift_right_arithmetic3A_607, %dma_start3A_613, %dma_start3A_614] : memref<12500x8x64xf32, #tpu.memory_space<hbm>> -> memref<1x8x64xf32, #tpu.memory_space<hbm>>
    %dma_start3A_616 = tpu.memref_squeeze %dma_start3A_615 : memref<1x8x64xf32, #tpu.memory_space<hbm>> -> memref<8x64xf32, #tpu.memory_space<hbm>>
    %dma_start3A_617 = arith.constant 0 : i32
    %dma_start3A_618 = arith.constant 0 : i32
    %dma_start3A_619 = tpu.memref_slice %arg6[%dma_start3A_608, %dma_start3A_617, %dma_start3A_618] : memref<32x8x64xf32, #tpu.memory_space<vmem>> -> memref<1x8x64xf32, #tpu.memory_space<vmem>>
    %dma_start3A_620 = tpu.memref_squeeze %dma_start3A_619 : memref<1x8x64xf32, #tpu.memory_space<vmem>> -> memref<8x64xf32, #tpu.memory_space<vmem>>
    %dma_start3A_621 = arith.constant 0 : i32
    %dma_start3A_622 = arith.constant 0 : i32
    %dma_start3A_623 = tpu.memref_slice %arg3[%shift_right_arithmetic3A_607, %dma_start3A_621, %dma_start3A_622] : memref<12500x8x64xf32, #tpu.memory_space<hbm>> -> memref<1x8x64xf32, #tpu.memory_space<hbm>>
    %dma_start3A_624 = tpu.memref_squeeze %dma_start3A_623 : memref<1x8x64xf32, #tpu.memory_space<hbm>> -> memref<8x64xf32, #tpu.memory_space<hbm>>
    tpu.enqueue_dma source(%dma_start3A_624 : memref<8x64xf32, #tpu.memory_space<hbm>>) target(%dma_start3A_620 : memref<8x64xf32, #tpu.memory_space<vmem>>) target_semaphore(%arg8 : memref<!tpu.dma_semaphore, #tpu.memory_space<semaphore_mem>>)
    %get3A_625 = arith.constant 16 : index
    %get3A_626 = tpu.vector_load %arg5[%get3A_625] {strides = array<i32>} : memref<512xi32, #tpu.memory_space<vmem>>, vector<16xi32>,
    %eq3A_627 = arith.constant 2 : i32
    %eq3A_628 = vector.broadcast %eq3A_627 : i32 to vector<16xi32>
    %eq3A_629 = arith.cmpi eq, %iota3A, %eq3A_628 : vector<16xi32>
    %jit3A_630 = arith.constant -1 : i32
    %broadcast_in_dim3A_631 = vector.broadcast %jit3A_630 : i32 to vector<16xi32>
    %select_n3A_632 = arith.select %eq3A_629, %get3A_626, %broadcast_in_dim3A_631 : vector<16xi1>, vector<16xi32>
    %reduce_max3A_633 = arith.constant true
    %reduce_max3A_634 = vector.broadcast %reduce_max3A_633 : i1 to vector<16xi1>
    %reduce_max3A_635 = arith.constant -2147483648 : i32
    %reduce_max3A_636 = vector.broadcast %reduce_max3A_635 : i32 to vector<16xi32>
    %reduce_max3A_637 = arith.xori %select_n3A_632, %reduce_max3A_636 : vector<16xi32>
    %reduce_max3A_638 = tpu.scan <max>, %reduce_max3A_637 masked %reduce_max3A_634 : vector<16xi32>, vector<16xi1> -> vector<16xi32>
    %reduce_max3A_639 = arith.xori %reduce_max3A_638, %reduce_max3A_636 : vector<16xi32>
    %reduce_max3A_640 = vector.extract %reduce_max3A_639[15] : i32 from vector<16xi32>
    %shift_right_arithmetic3A_641 = arith.constant 3 : i32
    %shift_right_arithmetic3A_642 = arith.shrsi %reduce_max3A_640, %shift_right_arithmetic3A_641 : i32
    %dma_start3A_643 = arith.constant 18 : i32
    %dma_start3A_644 = arith.constant 0 : i32
    %dma_start3A_645 = arith.constant 0 : i32
    %dma_start3A_646 = tpu.memref_slice %arg6[%dma_start3A_643, %dma_start3A_644, %dma_start3A_645] : memref<32x8x64xf32, #tpu.memory_space<vmem>> -> memref<1x8x64xf32, #tpu.memory_space<vmem>>
    %dma_start3A_647 = tpu.memref_squeeze %dma_start3A_646 : memref<1x8x64xf32, #tpu.memory_space<vmem>> -> memref<8x64xf32, #tpu.memory_space<vmem>>
    %dma_start3A_648 = arith.constant 0 : i32
    %dma_start3A_649 = arith.constant 0 : i32
    %dma_start3A_650 = tpu.memref_slice %arg3[%shift_right_arithmetic3A_642, %dma_start3A_648, %dma_start3A_649] : memref<12500x8x64xf32, #tpu.memory_space<hbm>> -> memref<1x8x64xf32, #tpu.memory_space<hbm>>
    %dma_start3A_651 = tpu.memref_squeeze %dma_start3A_650 : memref<1x8x64xf32, #tpu.memory_space<hbm>> -> memref<8x64xf32, #tpu.memory_space<hbm>>
    %dma_start3A_652 = arith.constant 0 : i32
    %dma_start3A_653 = arith.constant 0 : i32
    %dma_start3A_654 = tpu.memref_slice %arg6[%dma_start3A_643, %dma_start3A_652, %dma_start3A_653] : memref<32x8x64xf32, #tpu.memory_space<vmem>> -> memref<1x8x64xf32, #tpu.memory_space<vmem>>
    %dma_start3A_655 = tpu.memref_squeeze %dma_start3A_654 : memref<1x8x64xf32, #tpu.memory_space<vmem>> -> memref<8x64xf32, #tpu.memory_space<vmem>>
    %dma_start3A_656 = arith.constant 0 : i32
    %dma_start3A_657 = arith.constant 0 : i32
    %dma_start3A_658 = tpu.memref_slice %arg3[%shift_right_arithmetic3A_642, %dma_start3A_656, %dma_start3A_657] : memref<12500x8x64xf32, #tpu.memory_space<hbm>> -> memref<1x8x64xf32, #tpu.memory_space<hbm>>
    %dma_start3A_659 = tpu.memref_squeeze %dma_start3A_658 : memref<1x8x64xf32, #tpu.memory_space<hbm>> -> memref<8x64xf32, #tpu.memory_space<hbm>>
    tpu.enqueue_dma source(%dma_start3A_659 : memref<8x64xf32, #tpu.memory_space<hbm>>) target(%dma_start3A_655 : memref<8x64xf32, #tpu.memory_space<vmem>>) target_semaphore(%arg8 : memref<!tpu.dma_semaphore, #tpu.memory_space<semaphore_mem>>)
    %get3A_660 = arith.constant 16 : index
    %get3A_661 = tpu.vector_load %arg5[%get3A_660] {strides = array<i32>} : memref<512xi32, #tpu.memory_space<vmem>>, vector<16xi32>,
    %eq3A_662 = arith.constant 3 : i32
    %eq3A_663 = vector.broadcast %eq3A_662 : i32 to vector<16xi32>
    %eq3A_664 = arith.cmpi eq, %iota3A, %eq3A_663 : vector<16xi32>
    %jit3A_665 = arith.constant -1 : i32
    %broadcast_in_dim3A_666 = vector.broadcast %jit3A_665 : i32 to vector<16xi32>
    %select_n3A_667 = arith.select %eq3A_664, %get3A_661, %broadcast_in_dim3A_666 : vector<16xi1>, vector<16xi32>
    %reduce_max3A_668 = arith.constant true
    %reduce_max3A_669 = vector.broadcast %reduce_max3A_668 : i1 to vector<16xi1>
    %reduce_max3A_670 = arith.constant -2147483648 : i32
    %reduce_max3A_671 = vector.broadcast %reduce_max3A_670 : i32 to vector<16xi32>
    %reduce_max3A_672 = arith.xori %select_n3A_667, %reduce_max3A_671 : vector<16xi32>
    %reduce_max3A_673 = tpu.scan <max>, %reduce_max3A_672 masked %reduce_max3A_669 : vector<16xi32>, vector<16xi1> -> vector<16xi32>
    %reduce_max3A_674 = arith.xori %reduce_max3A_673, %reduce_max3A_671 : vector<16xi32>
    %reduce_max3A_675 = vector.extract %reduce_max3A_674[15] : i32 from vector<16xi32>
    %shift_right_arithmetic3A_676 = arith.constant 3 : i32
    %shift_right_arithmetic3A_677 = arith.shrsi %reduce_max3A_675, %shift_right_arithmetic3A_676 : i32
    %dma_start3A_678 = arith.constant 19 : i32
    %dma_start3A_679 = arith.constant 0 : i32
    %dma_start3A_680 = arith.constant 0 : i32
    %dma_start3A_681 = tpu.memref_slice %arg6[%dma_start3A_678, %dma_start3A_679, %dma_start3A_680] : memref<32x8x64xf32, #tpu.memory_space<vmem>> -> memref<1x8x64xf32, #tpu.memory_space<vmem>>
    %dma_start3A_682 = tpu.memref_squeeze %dma_start3A_681 : memref<1x8x64xf32, #tpu.memory_space<vmem>> -> memref<8x64xf32, #tpu.memory_space<vmem>>
    %dma_start3A_683 = arith.constant 0 : i32
    %dma_start3A_684 = arith.constant 0 : i32
    %dma_start3A_685 = tpu.memref_slice %arg3[%shift_right_arithmetic3A_677, %dma_start3A_683, %dma_start3A_684] : memref<12500x8x64xf32, #tpu.memory_space<hbm>> -> memref<1x8x64xf32, #tpu.memory_space<hbm>>
    %dma_start3A_686 = tpu.memref_squeeze %dma_start3A_685 : memref<1x8x64xf32, #tpu.memory_space<hbm>> -> memref<8x64xf32, #tpu.memory_space<hbm>>
    %dma_start3A_687 = arith.constant 0 : i32
    %dma_start3A_688 = arith.constant 0 : i32
    %dma_start3A_689 = tpu.memref_slice %arg6[%dma_start3A_678, %dma_start3A_687, %dma_start3A_688] : memref<32x8x64xf32, #tpu.memory_space<vmem>> -> memref<1x8x64xf32, #tpu.memory_space<vmem>>
    %dma_start3A_690 = tpu.memref_squeeze %dma_start3A_689 : memref<1x8x64xf32, #tpu.memory_space<vmem>> -> memref<8x64xf32, #tpu.memory_space<vmem>>
    %dma_start3A_691 = arith.constant 0 : i32
    %dma_start3A_692 = arith.constant 0 : i32
    %dma_start3A_693 = tpu.memref_slice %arg3[%shift_right_arithmetic3A_677, %dma_start3A_691, %dma_start3A_692] : memref<12500x8x64xf32, #tpu.memory_space<hbm>> -> memref<1x8x64xf32, #tpu.memory_space<hbm>>
    %dma_start3A_694 = tpu.memref_squeeze %dma_start3A_693 : memref<1x8x64xf32, #tpu.memory_space<hbm>> -> memref<8x64xf32, #tpu.memory_space<hbm>>
    tpu.enqueue_dma source(%dma_start3A_694 : memref<8x64xf32, #tpu.memory_space<hbm>>) target(%dma_start3A_690 : memref<8x64xf32, #tpu.memory_space<vmem>>) target_semaphore(%arg8 : memref<!tpu.dma_semaphore, #tpu.memory_space<semaphore_mem>>)
    %get3A_695 = arith.constant 16 : index
    %get3A_696 = tpu.vector_load %arg5[%get3A_695] {strides = array<i32>} : memref<512xi32, #tpu.memory_space<vmem>>, vector<16xi32>,
    %eq3A_697 = arith.constant 4 : i32
    %eq3A_698 = vector.broadcast %eq3A_697 : i32 to vector<16xi32>
    %eq3A_699 = arith.cmpi eq, %iota3A, %eq3A_698 : vector<16xi32>
    %jit3A_700 = arith.constant -1 : i32
    %broadcast_in_dim3A_701 = vector.broadcast %jit3A_700 : i32 to vector<16xi32>
    %select_n3A_702 = arith.select %eq3A_699, %get3A_696, %broadcast_in_dim3A_701 : vector<16xi1>, vector<16xi32>
    %reduce_max3A_703 = arith.constant true
    %reduce_max3A_704 = vector.broadcast %reduce_max3A_703 : i1 to vector<16xi1>
    %reduce_max3A_705 = arith.constant -2147483648 : i32
    %reduce_max3A_706 = vector.broadcast %reduce_max3A_705 : i32 to vector<16xi32>
    %reduce_max3A_707 = arith.xori %select_n3A_702, %reduce_max3A_706 : vector<16xi32>
    %reduce_max3A_708 = tpu.scan <max>, %reduce_max3A_707 masked %reduce_max3A_704 : vector<16xi32>, vector<16xi1> -> vector<16xi32>
    %reduce_max3A_709 = arith.xori %reduce_max3A_708, %reduce_max3A_706 : vector<16xi32>
    %reduce_max3A_710 = vector.extract %reduce_max3A_709[15] : i32 from vector<16xi32>
    %shift_right_arithmetic3A_711 = arith.constant 3 : i32
    %shift_right_arithmetic3A_712 = arith.shrsi %reduce_max3A_710, %shift_right_arithmetic3A_711 : i32
    %dma_start3A_713 = arith.constant 20 : i32
    %dma_start3A_714 = arith.constant 0 : i32
    %dma_start3A_715 = arith.constant 0 : i32
    %dma_start3A_716 = tpu.memref_slice %arg6[%dma_start3A_713, %dma_start3A_714, %dma_start3A_715] : memref<32x8x64xf32, #tpu.memory_space<vmem>> -> memref<1x8x64xf32, #tpu.memory_space<vmem>>
    %dma_start3A_717 = tpu.memref_squeeze %dma_start3A_716 : memref<1x8x64xf32, #tpu.memory_space<vmem>> -> memref<8x64xf32, #tpu.memory_space<vmem>>
    %dma_start3A_718 = arith.constant 0 : i32
    %dma_start3A_719 = arith.constant 0 : i32
    %dma_start3A_720 = tpu.memref_slice %arg3[%shift_right_arithmetic3A_712, %dma_start3A_718, %dma_start3A_719] : memref<12500x8x64xf32, #tpu.memory_space<hbm>> -> memref<1x8x64xf32, #tpu.memory_space<hbm>>
    %dma_start3A_721 = tpu.memref_squeeze %dma_start3A_720 : memref<1x8x64xf32, #tpu.memory_space<hbm>> -> memref<8x64xf32, #tpu.memory_space<hbm>>
    %dma_start3A_722 = arith.constant 0 : i32
    %dma_start3A_723 = arith.constant 0 : i32
    %dma_start3A_724 = tpu.memref_slice %arg6[%dma_start3A_713, %dma_start3A_722, %dma_start3A_723] : memref<32x8x64xf32, #tpu.memory_space<vmem>> -> memref<1x8x64xf32, #tpu.memory_space<vmem>>
    %dma_start3A_725 = tpu.memref_squeeze %dma_start3A_724 : memref<1x8x64xf32, #tpu.memory_space<vmem>> -> memref<8x64xf32, #tpu.memory_space<vmem>>
    %dma_start3A_726 = arith.constant 0 : i32
    %dma_start3A_727 = arith.constant 0 : i32
    %dma_start3A_728 = tpu.memref_slice %arg3[%shift_right_arithmetic3A_712, %dma_start3A_726, %dma_start3A_727] : memref<12500x8x64xf32, #tpu.memory_space<hbm>> -> memref<1x8x64xf32, #tpu.memory_space<hbm>>
    %dma_start3A_729 = tpu.memref_squeeze %dma_start3A_728 : memref<1x8x64xf32, #tpu.memory_space<hbm>> -> memref<8x64xf32, #tpu.memory_space<hbm>>
    tpu.enqueue_dma source(%dma_start3A_729 : memref<8x64xf32, #tpu.memory_space<hbm>>) target(%dma_start3A_725 : memref<8x64xf32, #tpu.memory_space<vmem>>) target_semaphore(%arg8 : memref<!tpu.dma_semaphore, #tpu.memory_space<semaphore_mem>>)
    %get3A_730 = arith.constant 16 : index
    %get3A_731 = tpu.vector_load %arg5[%get3A_730] {strides = array<i32>} : memref<512xi32, #tpu.memory_space<vmem>>, vector<16xi32>,
    %eq3A_732 = arith.constant 5 : i32
    %eq3A_733 = vector.broadcast %eq3A_732 : i32 to vector<16xi32>
    %eq3A_734 = arith.cmpi eq, %iota3A, %eq3A_733 : vector<16xi32>
    %jit3A_735 = arith.constant -1 : i32
    %broadcast_in_dim3A_736 = vector.broadcast %jit3A_735 : i32 to vector<16xi32>
    %select_n3A_737 = arith.select %eq3A_734, %get3A_731, %broadcast_in_dim3A_736 : vector<16xi1>, vector<16xi32>
    %reduce_max3A_738 = arith.constant true
    %reduce_max3A_739 = vector.broadcast %reduce_max3A_738 : i1 to vector<16xi1>
    %reduce_max3A_740 = arith.constant -2147483648 : i32
    %reduce_max3A_741 = vector.broadcast %reduce_max3A_740 : i32 to vector<16xi32>
    %reduce_max3A_742 = arith.xori %select_n3A_737, %reduce_max3A_741 : vector<16xi32>
    %reduce_max3A_743 = tpu.scan <max>, %reduce_max3A_742 masked %reduce_max3A_739 : vector<16xi32>, vector<16xi1> -> vector<16xi32>
    %reduce_max3A_744 = arith.xori %reduce_max3A_743, %reduce_max3A_741 : vector<16xi32>
    %reduce_max3A_745 = vector.extract %reduce_max3A_744[15] : i32 from vector<16xi32>
    %shift_right_arithmetic3A_746 = arith.constant 3 : i32
    %shift_right_arithmetic3A_747 = arith.shrsi %reduce_max3A_745, %shift_right_arithmetic3A_746 : i32
    %dma_start3A_748 = arith.constant 21 : i32
    %dma_start3A_749 = arith.constant 0 : i32
    %dma_start3A_750 = arith.constant 0 : i32
    %dma_start3A_751 = tpu.memref_slice %arg6[%dma_start3A_748, %dma_start3A_749, %dma_start3A_750] : memref<32x8x64xf32, #tpu.memory_space<vmem>> -> memref<1x8x64xf32, #tpu.memory_space<vmem>>
    %dma_start3A_752 = tpu.memref_squeeze %dma_start3A_751 : memref<1x8x64xf32, #tpu.memory_space<vmem>> -> memref<8x64xf32, #tpu.memory_space<vmem>>
    %dma_start3A_753 = arith.constant 0 : i32
    %dma_start3A_754 = arith.constant 0 : i32
    %dma_start3A_755 = tpu.memref_slice %arg3[%shift_right_arithmetic3A_747, %dma_start3A_753, %dma_start3A_754] : memref<12500x8x64xf32, #tpu.memory_space<hbm>> -> memref<1x8x64xf32, #tpu.memory_space<hbm>>
    %dma_start3A_756 = tpu.memref_squeeze %dma_start3A_755 : memref<1x8x64xf32, #tpu.memory_space<hbm>> -> memref<8x64xf32, #tpu.memory_space<hbm>>
    %dma_start3A_757 = arith.constant 0 : i32
    %dma_start3A_758 = arith.constant 0 : i32
    %dma_start3A_759 = tpu.memref_slice %arg6[%dma_start3A_748, %dma_start3A_757, %dma_start3A_758] : memref<32x8x64xf32, #tpu.memory_space<vmem>> -> memref<1x8x64xf32, #tpu.memory_space<vmem>>
    %dma_start3A_760 = tpu.memref_squeeze %dma_start3A_759 : memref<1x8x64xf32, #tpu.memory_space<vmem>> -> memref<8x64xf32, #tpu.memory_space<vmem>>
    %dma_start3A_761 = arith.constant 0 : i32
    %dma_start3A_762 = arith.constant 0 : i32
    %dma_start3A_763 = tpu.memref_slice %arg3[%shift_right_arithmetic3A_747, %dma_start3A_761, %dma_start3A_762] : memref<12500x8x64xf32, #tpu.memory_space<hbm>> -> memref<1x8x64xf32, #tpu.memory_space<hbm>>
    %dma_start3A_764 = tpu.memref_squeeze %dma_start3A_763 : memref<1x8x64xf32, #tpu.memory_space<hbm>> -> memref<8x64xf32, #tpu.memory_space<hbm>>
    tpu.enqueue_dma source(%dma_start3A_764 : memref<8x64xf32, #tpu.memory_space<hbm>>) target(%dma_start3A_760 : memref<8x64xf32, #tpu.memory_space<vmem>>) target_semaphore(%arg8 : memref<!tpu.dma_semaphore, #tpu.memory_space<semaphore_mem>>)
    %get3A_765 = arith.constant 16 : index
    %get3A_766 = tpu.vector_load %arg5[%get3A_765] {strides = array<i32>} : memref<512xi32, #tpu.memory_space<vmem>>, vector<16xi32>,
    %eq3A_767 = arith.constant 6 : i32
    %eq3A_768 = vector.broadcast %eq3A_767 : i32 to vector<16xi32>
    %eq3A_769 = arith.cmpi eq, %iota3A, %eq3A_768 : vector<16xi32>
    %jit3A_770 = arith.constant -1 : i32
    %broadcast_in_dim3A_771 = vector.broadcast %jit3A_770 : i32 to vector<16xi32>
    %select_n3A_772 = arith.select %eq3A_769, %get3A_766, %broadcast_in_dim3A_771 : vector<16xi1>, vector<16xi32>
    %reduce_max3A_773 = arith.constant true
    %reduce_max3A_774 = vector.broadcast %reduce_max3A_773 : i1 to vector<16xi1>
    %reduce_max3A_775 = arith.constant -2147483648 : i32
    %reduce_max3A_776 = vector.broadcast %reduce_max3A_775 : i32 to vector<16xi32>
    %reduce_max3A_777 = arith.xori %select_n3A_772, %reduce_max3A_776 : vector<16xi32>
    %reduce_max3A_778 = tpu.scan <max>, %reduce_max3A_777 masked %reduce_max3A_774 : vector<16xi32>, vector<16xi1> -> vector<16xi32>
    %reduce_max3A_779 = arith.xori %reduce_max3A_778, %reduce_max3A_776 : vector<16xi32>
    %reduce_max3A_780 = vector.extract %reduce_max3A_779[15] : i32 from vector<16xi32>
    %shift_right_arithmetic3A_781 = arith.constant 3 : i32
    %shift_right_arithmetic3A_782 = arith.shrsi %reduce_max3A_780, %shift_right_arithmetic3A_781 : i32
    %dma_start3A_783 = arith.constant 22 : i32
    %dma_start3A_784 = arith.constant 0 : i32
    %dma_start3A_785 = arith.constant 0 : i32
    %dma_start3A_786 = tpu.memref_slice %arg6[%dma_start3A_783, %dma_start3A_784, %dma_start3A_785] : memref<32x8x64xf32, #tpu.memory_space<vmem>> -> memref<1x8x64xf32, #tpu.memory_space<vmem>>
    %dma_start3A_787 = tpu.memref_squeeze %dma_start3A_786 : memref<1x8x64xf32, #tpu.memory_space<vmem>> -> memref<8x64xf32, #tpu.memory_space<vmem>>
    %dma_start3A_788 = arith.constant 0 : i32
    %dma_start3A_789 = arith.constant 0 : i32
    %dma_start3A_790 = tpu.memref_slice %arg3[%shift_right_arithmetic3A_782, %dma_start3A_788, %dma_start3A_789] : memref<12500x8x64xf32, #tpu.memory_space<hbm>> -> memref<1x8x64xf32, #tpu.memory_space<hbm>>
    %dma_start3A_791 = tpu.memref_squeeze %dma_start3A_790 : memref<1x8x64xf32, #tpu.memory_space<hbm>> -> memref<8x64xf32, #tpu.memory_space<hbm>>
    %dma_start3A_792 = arith.constant 0 : i32
    %dma_start3A_793 = arith.constant 0 : i32
    %dma_start3A_794 = tpu.memref_slice %arg6[%dma_start3A_783, %dma_start3A_792, %dma_start3A_793] : memref<32x8x64xf32, #tpu.memory_space<vmem>> -> memref<1x8x64xf32, #tpu.memory_space<vmem>>
    %dma_start3A_795 = tpu.memref_squeeze %dma_start3A_794 : memref<1x8x64xf32, #tpu.memory_space<vmem>> -> memref<8x64xf32, #tpu.memory_space<vmem>>
    %dma_start3A_796 = arith.constant 0 : i32
    %dma_start3A_797 = arith.constant 0 : i32
    %dma_start3A_798 = tpu.memref_slice %arg3[%shift_right_arithmetic3A_782, %dma_start3A_796, %dma_start3A_797] : memref<12500x8x64xf32, #tpu.memory_space<hbm>> -> memref<1x8x64xf32, #tpu.memory_space<hbm>>
    %dma_start3A_799 = tpu.memref_squeeze %dma_start3A_798 : memref<1x8x64xf32, #tpu.memory_space<hbm>> -> memref<8x64xf32, #tpu.memory_space<hbm>>
    tpu.enqueue_dma source(%dma_start3A_799 : memref<8x64xf32, #tpu.memory_space<hbm>>) target(%dma_start3A_795 : memref<8x64xf32, #tpu.memory_space<vmem>>) target_semaphore(%arg8 : memref<!tpu.dma_semaphore, #tpu.memory_space<semaphore_mem>>)
    %get3A_800 = arith.constant 16 : index
    %get3A_801 = tpu.vector_load %arg5[%get3A_800] {strides = array<i32>} : memref<512xi32, #tpu.memory_space<vmem>>, vector<16xi32>,
    %eq3A_802 = arith.constant 7 : i32
    %eq3A_803 = vector.broadcast %eq3A_802 : i32 to vector<16xi32>
    %eq3A_804 = arith.cmpi eq, %iota3A, %eq3A_803 : vector<16xi32>
    %jit3A_805 = arith.constant -1 : i32
    %broadcast_in_dim3A_806 = vector.broadcast %jit3A_805 : i32 to vector<16xi32>
    %select_n3A_807 = arith.select %eq3A_804, %get3A_801, %broadcast_in_dim3A_806 : vector<16xi1>, vector<16xi32>
    %reduce_max3A_808 = arith.constant true
    %reduce_max3A_809 = vector.broadcast %reduce_max3A_808 : i1 to vector<16xi1>
    %reduce_max3A_810 = arith.constant -2147483648 : i32
    %reduce_max3A_811 = vector.broadcast %reduce_max3A_810 : i32 to vector<16xi32>
    %reduce_max3A_812 = arith.xori %select_n3A_807, %reduce_max3A_811 : vector<16xi32>
    %reduce_max3A_813 = tpu.scan <max>, %reduce_max3A_812 masked %reduce_max3A_809 : vector<16xi32>, vector<16xi1> -> vector<16xi32>
    %reduce_max3A_814 = arith.xori %reduce_max3A_813, %reduce_max3A_811 : vector<16xi32>
    %reduce_max3A_815 = vector.extract %reduce_max3A_814[15] : i32 from vector<16xi32>
    %shift_right_arithmetic3A_816 = arith.constant 3 : i32
    %shift_right_arithmetic3A_817 = arith.shrsi %reduce_max3A_815, %shift_right_arithmetic3A_816 : i32
    %dma_start3A_818 = arith.constant 23 : i32
    %dma_start3A_819 = arith.constant 0 : i32
    %dma_start3A_820 = arith.constant 0 : i32
    %dma_start3A_821 = tpu.memref_slice %arg6[%dma_start3A_818, %dma_start3A_819, %dma_start3A_820] : memref<32x8x64xf32, #tpu.memory_space<vmem>> -> memref<1x8x64xf32, #tpu.memory_space<vmem>>
    %dma_start3A_822 = tpu.memref_squeeze %dma_start3A_821 : memref<1x8x64xf32, #tpu.memory_space<vmem>> -> memref<8x64xf32, #tpu.memory_space<vmem>>
    %dma_start3A_823 = arith.constant 0 : i32
    %dma_start3A_824 = arith.constant 0 : i32
    %dma_start3A_825 = tpu.memref_slice %arg3[%shift_right_arithmetic3A_817, %dma_start3A_823, %dma_start3A_824] : memref<12500x8x64xf32, #tpu.memory_space<hbm>> -> memref<1x8x64xf32, #tpu.memory_space<hbm>>
    %dma_start3A_826 = tpu.memref_squeeze %dma_start3A_825 : memref<1x8x64xf32, #tpu.memory_space<hbm>> -> memref<8x64xf32, #tpu.memory_space<hbm>>
    %dma_start3A_827 = arith.constant 0 : i32
    %dma_start3A_828 = arith.constant 0 : i32
    %dma_start3A_829 = tpu.memref_slice %arg6[%dma_start3A_818, %dma_start3A_827, %dma_start3A_828] : memref<32x8x64xf32, #tpu.memory_space<vmem>> -> memref<1x8x64xf32, #tpu.memory_space<vmem>>
    %dma_start3A_830 = tpu.memref_squeeze %dma_start3A_829 : memref<1x8x64xf32, #tpu.memory_space<vmem>> -> memref<8x64xf32, #tpu.memory_space<vmem>>
    %dma_start3A_831 = arith.constant 0 : i32
    %dma_start3A_832 = arith.constant 0 : i32
    %dma_start3A_833 = tpu.memref_slice %arg3[%shift_right_arithmetic3A_817, %dma_start3A_831, %dma_start3A_832] : memref<12500x8x64xf32, #tpu.memory_space<hbm>> -> memref<1x8x64xf32, #tpu.memory_space<hbm>>
    %dma_start3A_834 = tpu.memref_squeeze %dma_start3A_833 : memref<1x8x64xf32, #tpu.memory_space<hbm>> -> memref<8x64xf32, #tpu.memory_space<hbm>>
    tpu.enqueue_dma source(%dma_start3A_834 : memref<8x64xf32, #tpu.memory_space<hbm>>) target(%dma_start3A_830 : memref<8x64xf32, #tpu.memory_space<vmem>>) target_semaphore(%arg8 : memref<!tpu.dma_semaphore, #tpu.memory_space<semaphore_mem>>)
    %get3A_835 = arith.constant 16 : index
    %get3A_836 = tpu.vector_load %arg5[%get3A_835] {strides = array<i32>} : memref<512xi32, #tpu.memory_space<vmem>>, vector<16xi32>,
    %eq3A_837 = arith.constant 8 : i32
    %eq3A_838 = vector.broadcast %eq3A_837 : i32 to vector<16xi32>
    %eq3A_839 = arith.cmpi eq, %iota3A, %eq3A_838 : vector<16xi32>
    %jit3A_840 = arith.constant -1 : i32
    %broadcast_in_dim3A_841 = vector.broadcast %jit3A_840 : i32 to vector<16xi32>
    %select_n3A_842 = arith.select %eq3A_839, %get3A_836, %broadcast_in_dim3A_841 : vector<16xi1>, vector<16xi32>
    %reduce_max3A_843 = arith.constant true
    %reduce_max3A_844 = vector.broadcast %reduce_max3A_843 : i1 to vector<16xi1>
    %reduce_max3A_845 = arith.constant -2147483648 : i32
    %reduce_max3A_846 = vector.broadcast %reduce_max3A_845 : i32 to vector<16xi32>
    %reduce_max3A_847 = arith.xori %select_n3A_842, %reduce_max3A_846 : vector<16xi32>
    %reduce_max3A_848 = tpu.scan <max>, %reduce_max3A_847 masked %reduce_max3A_844 : vector<16xi32>, vector<16xi1> -> vector<16xi32>
    %reduce_max3A_849 = arith.xori %reduce_max3A_848, %reduce_max3A_846 : vector<16xi32>
    %reduce_max3A_850 = vector.extract %reduce_max3A_849[15] : i32 from vector<16xi32>
    %shift_right_arithmetic3A_851 = arith.constant 3 : i32
    %shift_right_arithmetic3A_852 = arith.shrsi %reduce_max3A_850, %shift_right_arithmetic3A_851 : i32
    %dma_start3A_853 = arith.constant 24 : i32
    %dma_start3A_854 = arith.constant 0 : i32
    %dma_start3A_855 = arith.constant 0 : i32
    %dma_start3A_856 = tpu.memref_slice %arg6[%dma_start3A_853, %dma_start3A_854, %dma_start3A_855] : memref<32x8x64xf32, #tpu.memory_space<vmem>> -> memref<1x8x64xf32, #tpu.memory_space<vmem>>
    %dma_start3A_857 = tpu.memref_squeeze %dma_start3A_856 : memref<1x8x64xf32, #tpu.memory_space<vmem>> -> memref<8x64xf32, #tpu.memory_space<vmem>>
    %dma_start3A_858 = arith.constant 0 : i32
    %dma_start3A_859 = arith.constant 0 : i32
    %dma_start3A_860 = tpu.memref_slice %arg3[%shift_right_arithmetic3A_852, %dma_start3A_858, %dma_start3A_859] : memref<12500x8x64xf32, #tpu.memory_space<hbm>> -> memref<1x8x64xf32, #tpu.memory_space<hbm>>
    %dma_start3A_861 = tpu.memref_squeeze %dma_start3A_860 : memref<1x8x64xf32, #tpu.memory_space<hbm>> -> memref<8x64xf32, #tpu.memory_space<hbm>>
    %dma_start3A_862 = arith.constant 0 : i32
    %dma_start3A_863 = arith.constant 0 : i32
    %dma_start3A_864 = tpu.memref_slice %arg6[%dma_start3A_853, %dma_start3A_862, %dma_start3A_863] : memref<32x8x64xf32, #tpu.memory_space<vmem>> -> memref<1x8x64xf32, #tpu.memory_space<vmem>>
    %dma_start3A_865 = tpu.memref_squeeze %dma_start3A_864 : memref<1x8x64xf32, #tpu.memory_space<vmem>> -> memref<8x64xf32, #tpu.memory_space<vmem>>
    %dma_start3A_866 = arith.constant 0 : i32
    %dma_start3A_867 = arith.constant 0 : i32
    %dma_start3A_868 = tpu.memref_slice %arg3[%shift_right_arithmetic3A_852, %dma_start3A_866, %dma_start3A_867] : memref<12500x8x64xf32, #tpu.memory_space<hbm>> -> memref<1x8x64xf32, #tpu.memory_space<hbm>>
    %dma_start3A_869 = tpu.memref_squeeze %dma_start3A_868 : memref<1x8x64xf32, #tpu.memory_space<hbm>> -> memref<8x64xf32, #tpu.memory_space<hbm>>
    tpu.enqueue_dma source(%dma_start3A_869 : memref<8x64xf32, #tpu.memory_space<hbm>>) target(%dma_start3A_865 : memref<8x64xf32, #tpu.memory_space<vmem>>) target_semaphore(%arg8 : memref<!tpu.dma_semaphore, #tpu.memory_space<semaphore_mem>>)
    %get3A_870 = arith.constant 16 : index
    %get3A_871 = tpu.vector_load %arg5[%get3A_870] {strides = array<i32>} : memref<512xi32, #tpu.memory_space<vmem>>, vector<16xi32>,
    %eq3A_872 = arith.constant 9 : i32
    %eq3A_873 = vector.broadcast %eq3A_872 : i32 to vector<16xi32>
    %eq3A_874 = arith.cmpi eq, %iota3A, %eq3A_873 : vector<16xi32>
    %jit3A_875 = arith.constant -1 : i32
    %broadcast_in_dim3A_876 = vector.broadcast %jit3A_875 : i32 to vector<16xi32>
    %select_n3A_877 = arith.select %eq3A_874, %get3A_871, %broadcast_in_dim3A_876 : vector<16xi1>, vector<16xi32>
    %reduce_max3A_878 = arith.constant true
    %reduce_max3A_879 = vector.broadcast %reduce_max3A_878 : i1 to vector<16xi1>
    %reduce_max3A_880 = arith.constant -2147483648 : i32
    %reduce_max3A_881 = vector.broadcast %reduce_max3A_880 : i32 to vector<16xi32>
    %reduce_max3A_882 = arith.xori %select_n3A_877, %reduce_max3A_881 : vector<16xi32>
    %reduce_max3A_883 = tpu.scan <max>, %reduce_max3A_882 masked %reduce_max3A_879 : vector<16xi32>, vector<16xi1> -> vector<16xi32>
    %reduce_max3A_884 = arith.xori %reduce_max3A_883, %reduce_max3A_881 : vector<16xi32>
    %reduce_max3A_885 = vector.extract %reduce_max3A_884[15] : i32 from vector<16xi32>
    %shift_right_arithmetic3A_886 = arith.constant 3 : i32
    %shift_right_arithmetic3A_887 = arith.shrsi %reduce_max3A_885, %shift_right_arithmetic3A_886 : i32
    %dma_start3A_888 = arith.constant 25 : i32
    %dma_start3A_889 = arith.constant 0 : i32
    %dma_start3A_890 = arith.constant 0 : i32
    %dma_start3A_891 = tpu.memref_slice %arg6[%dma_start3A_888, %dma_start3A_889, %dma_start3A_890] : memref<32x8x64xf32, #tpu.memory_space<vmem>> -> memref<1x8x64xf32, #tpu.memory_space<vmem>>
    %dma_start3A_892 = tpu.memref_squeeze %dma_start3A_891 : memref<1x8x64xf32, #tpu.memory_space<vmem>> -> memref<8x64xf32, #tpu.memory_space<vmem>>
    %dma_start3A_893 = arith.constant 0 : i32
    %dma_start3A_894 = arith.constant 0 : i32
    %dma_start3A_895 = tpu.memref_slice %arg3[%shift_right_arithmetic3A_887, %dma_start3A_893, %dma_start3A_894] : memref<12500x8x64xf32, #tpu.memory_space<hbm>> -> memref<1x8x64xf32, #tpu.memory_space<hbm>>
    %dma_start3A_896 = tpu.memref_squeeze %dma_start3A_895 : memref<1x8x64xf32, #tpu.memory_space<hbm>> -> memref<8x64xf32, #tpu.memory_space<hbm>>
    %dma_start3A_897 = arith.constant 0 : i32
    %dma_start3A_898 = arith.constant 0 : i32
    %dma_start3A_899 = tpu.memref_slice %arg6[%dma_start3A_888, %dma_start3A_897, %dma_start3A_898] : memref<32x8x64xf32, #tpu.memory_space<vmem>> -> memref<1x8x64xf32, #tpu.memory_space<vmem>>
    %dma_start3A_900 = tpu.memref_squeeze %dma_start3A_899 : memref<1x8x64xf32, #tpu.memory_space<vmem>> -> memref<8x64xf32, #tpu.memory_space<vmem>>
    %dma_start3A_901 = arith.constant 0 : i32
    %dma_start3A_902 = arith.constant 0 : i32
    %dma_start3A_903 = tpu.memref_slice %arg3[%shift_right_arithmetic3A_887, %dma_start3A_901, %dma_start3A_902] : memref<12500x8x64xf32, #tpu.memory_space<hbm>> -> memref<1x8x64xf32, #tpu.memory_space<hbm>>
    %dma_start3A_904 = tpu.memref_squeeze %dma_start3A_903 : memref<1x8x64xf32, #tpu.memory_space<hbm>> -> memref<8x64xf32, #tpu.memory_space<hbm>>
    tpu.enqueue_dma source(%dma_start3A_904 : memref<8x64xf32, #tpu.memory_space<hbm>>) target(%dma_start3A_900 : memref<8x64xf32, #tpu.memory_space<vmem>>) target_semaphore(%arg8 : memref<!tpu.dma_semaphore, #tpu.memory_space<semaphore_mem>>)
    %get3A_905 = arith.constant 16 : index
    %get3A_906 = tpu.vector_load %arg5[%get3A_905] {strides = array<i32>} : memref<512xi32, #tpu.memory_space<vmem>>, vector<16xi32>,
    %eq3A_907 = arith.constant 10 : i32
    %eq3A_908 = vector.broadcast %eq3A_907 : i32 to vector<16xi32>
    %eq3A_909 = arith.cmpi eq, %iota3A, %eq3A_908 : vector<16xi32>
    %jit3A_910 = arith.constant -1 : i32
    %broadcast_in_dim3A_911 = vector.broadcast %jit3A_910 : i32 to vector<16xi32>
    %select_n3A_912 = arith.select %eq3A_909, %get3A_906, %broadcast_in_dim3A_911 : vector<16xi1>, vector<16xi32>
    %reduce_max3A_913 = arith.constant true
    %reduce_max3A_914 = vector.broadcast %reduce_max3A_913 : i1 to vector<16xi1>
    %reduce_max3A_915 = arith.constant -2147483648 : i32
    %reduce_max3A_916 = vector.broadcast %reduce_max3A_915 : i32 to vector<16xi32>
    %reduce_max3A_917 = arith.xori %select_n3A_912, %reduce_max3A_916 : vector<16xi32>
    %reduce_max3A_918 = tpu.scan <max>, %reduce_max3A_917 masked %reduce_max3A_914 : vector<16xi32>, vector<16xi1> -> vector<16xi32>
    %reduce_max3A_919 = arith.xori %reduce_max3A_918, %reduce_max3A_916 : vector<16xi32>
    %reduce_max3A_920 = vector.extract %reduce_max3A_919[15] : i32 from vector<16xi32>
    %shift_right_arithmetic3A_921 = arith.constant 3 : i32
    %shift_right_arithmetic3A_922 = arith.shrsi %reduce_max3A_920, %shift_right_arithmetic3A_921 : i32
    %dma_start3A_923 = arith.constant 26 : i32
    %dma_start3A_924 = arith.constant 0 : i32
    %dma_start3A_925 = arith.constant 0 : i32
    %dma_start3A_926 = tpu.memref_slice %arg6[%dma_start3A_923, %dma_start3A_924, %dma_start3A_925] : memref<32x8x64xf32, #tpu.memory_space<vmem>> -> memref<1x8x64xf32, #tpu.memory_space<vmem>>
    %dma_start3A_927 = tpu.memref_squeeze %dma_start3A_926 : memref<1x8x64xf32, #tpu.memory_space<vmem>> -> memref<8x64xf32, #tpu.memory_space<vmem>>
    %dma_start3A_928 = arith.constant 0 : i32
    %dma_start3A_929 = arith.constant 0 : i32
    %dma_start3A_930 = tpu.memref_slice %arg3[%shift_right_arithmetic3A_922, %dma_start3A_928, %dma_start3A_929] : memref<12500x8x64xf32, #tpu.memory_space<hbm>> -> memref<1x8x64xf32, #tpu.memory_space<hbm>>
    %dma_start3A_931 = tpu.memref_squeeze %dma_start3A_930 : memref<1x8x64xf32, #tpu.memory_space<hbm>> -> memref<8x64xf32, #tpu.memory_space<hbm>>
    %dma_start3A_932 = arith.constant 0 : i32
    %dma_start3A_933 = arith.constant 0 : i32
    %dma_start3A_934 = tpu.memref_slice %arg6[%dma_start3A_923, %dma_start3A_932, %dma_start3A_933] : memref<32x8x64xf32, #tpu.memory_space<vmem>> -> memref<1x8x64xf32, #tpu.memory_space<vmem>>
    %dma_start3A_935 = tpu.memref_squeeze %dma_start3A_934 : memref<1x8x64xf32, #tpu.memory_space<vmem>> -> memref<8x64xf32, #tpu.memory_space<vmem>>
    %dma_start3A_936 = arith.constant 0 : i32
    %dma_start3A_937 = arith.constant 0 : i32
    %dma_start3A_938 = tpu.memref_slice %arg3[%shift_right_arithmetic3A_922, %dma_start3A_936, %dma_start3A_937] : memref<12500x8x64xf32, #tpu.memory_space<hbm>> -> memref<1x8x64xf32, #tpu.memory_space<hbm>>
    %dma_start3A_939 = tpu.memref_squeeze %dma_start3A_938 : memref<1x8x64xf32, #tpu.memory_space<hbm>> -> memref<8x64xf32, #tpu.memory_space<hbm>>
    tpu.enqueue_dma source(%dma_start3A_939 : memref<8x64xf32, #tpu.memory_space<hbm>>) target(%dma_start3A_935 : memref<8x64xf32, #tpu.memory_space<vmem>>) target_semaphore(%arg8 : memref<!tpu.dma_semaphore, #tpu.memory_space<semaphore_mem>>)
    %get3A_940 = arith.constant 16 : index
    %get3A_941 = tpu.vector_load %arg5[%get3A_940] {strides = array<i32>} : memref<512xi32, #tpu.memory_space<vmem>>, vector<16xi32>,
    %eq3A_942 = arith.constant 11 : i32
    %eq3A_943 = vector.broadcast %eq3A_942 : i32 to vector<16xi32>
    %eq3A_944 = arith.cmpi eq, %iota3A, %eq3A_943 : vector<16xi32>
    %jit3A_945 = arith.constant -1 : i32
    %broadcast_in_dim3A_946 = vector.broadcast %jit3A_945 : i32 to vector<16xi32>
    %select_n3A_947 = arith.select %eq3A_944, %get3A_941, %broadcast_in_dim3A_946 : vector<16xi1>, vector<16xi32>
    %reduce_max3A_948 = arith.constant true
    %reduce_max3A_949 = vector.broadcast %reduce_max3A_948 : i1 to vector<16xi1>
    %reduce_max3A_950 = arith.constant -2147483648 : i32
    %reduce_max3A_951 = vector.broadcast %reduce_max3A_950 : i32 to vector<16xi32>
    %reduce_max3A_952 = arith.xori %select_n3A_947, %reduce_max3A_951 : vector<16xi32>
    %reduce_max3A_953 = tpu.scan <max>, %reduce_max3A_952 masked %reduce_max3A_949 : vector<16xi32>, vector<16xi1> -> vector<16xi32>
    %reduce_max3A_954 = arith.xori %reduce_max3A_953, %reduce_max3A_951 : vector<16xi32>
    %reduce_max3A_955 = vector.extract %reduce_max3A_954[15] : i32 from vector<16xi32>
    %shift_right_arithmetic3A_956 = arith.constant 3 : i32
    %shift_right_arithmetic3A_957 = arith.shrsi %reduce_max3A_955, %shift_right_arithmetic3A_956 : i32
    %dma_start3A_958 = arith.constant 27 : i32
    %dma_start3A_959 = arith.constant 0 : i32
    %dma_start3A_960 = arith.constant 0 : i32
    %dma_start3A_961 = tpu.memref_slice %arg6[%dma_start3A_958, %dma_start3A_959, %dma_start3A_960] : memref<32x8x64xf32, #tpu.memory_space<vmem>> -> memref<1x8x64xf32, #tpu.memory_space<vmem>>
    %dma_start3A_962 = tpu.memref_squeeze %dma_start3A_961 : memref<1x8x64xf32, #tpu.memory_space<vmem>> -> memref<8x64xf32, #tpu.memory_space<vmem>>
    %dma_start3A_963 = arith.constant 0 : i32
    %dma_start3A_964 = arith.constant 0 : i32
    %dma_start3A_965 = tpu.memref_slice %arg3[%shift_right_arithmetic3A_957, %dma_start3A_963, %dma_start3A_964] : memref<12500x8x64xf32, #tpu.memory_space<hbm>> -> memref<1x8x64xf32, #tpu.memory_space<hbm>>
    %dma_start3A_966 = tpu.memref_squeeze %dma_start3A_965 : memref<1x8x64xf32, #tpu.memory_space<hbm>> -> memref<8x64xf32, #tpu.memory_space<hbm>>
    %dma_start3A_967 = arith.constant 0 : i32
    %dma_start3A_968 = arith.constant 0 : i32
    %dma_start3A_969 = tpu.memref_slice %arg6[%dma_start3A_958, %dma_start3A_967, %dma_start3A_968] : memref<32x8x64xf32, #tpu.memory_space<vmem>> -> memref<1x8x64xf32, #tpu.memory_space<vmem>>
    %dma_start3A_970 = tpu.memref_squeeze %dma_start3A_969 : memref<1x8x64xf32, #tpu.memory_space<vmem>> -> memref<8x64xf32, #tpu.memory_space<vmem>>
    %dma_start3A_971 = arith.constant 0 : i32
    %dma_start3A_972 = arith.constant 0 : i32
    %dma_start3A_973 = tpu.memref_slice %arg3[%shift_right_arithmetic3A_957, %dma_start3A_971, %dma_start3A_972] : memref<12500x8x64xf32, #tpu.memory_space<hbm>> -> memref<1x8x64xf32, #tpu.memory_space<hbm>>
    %dma_start3A_974 = tpu.memref_squeeze %dma_start3A_973 : memref<1x8x64xf32, #tpu.memory_space<hbm>> -> memref<8x64xf32, #tpu.memory_space<hbm>>
    tpu.enqueue_dma source(%dma_start3A_974 : memref<8x64xf32, #tpu.memory_space<hbm>>) target(%dma_start3A_970 : memref<8x64xf32, #tpu.memory_space<vmem>>) target_semaphore(%arg8 : memref<!tpu.dma_semaphore, #tpu.memory_space<semaphore_mem>>)
    %get3A_975 = arith.constant 16 : index
    %get3A_976 = tpu.vector_load %arg5[%get3A_975] {strides = array<i32>} : memref<512xi32, #tpu.memory_space<vmem>>, vector<16xi32>,
    %eq3A_977 = arith.constant 12 : i32
    %eq3A_978 = vector.broadcast %eq3A_977 : i32 to vector<16xi32>
    %eq3A_979 = arith.cmpi eq, %iota3A, %eq3A_978 : vector<16xi32>
    %jit3A_980 = arith.constant -1 : i32
    %broadcast_in_dim3A_981 = vector.broadcast %jit3A_980 : i32 to vector<16xi32>
    %select_n3A_982 = arith.select %eq3A_979, %get3A_976, %broadcast_in_dim3A_981 : vector<16xi1>, vector<16xi32>
    %reduce_max3A_983 = arith.constant true
    %reduce_max3A_984 = vector.broadcast %reduce_max3A_983 : i1 to vector<16xi1>
    %reduce_max3A_985 = arith.constant -2147483648 : i32
    %reduce_max3A_986 = vector.broadcast %reduce_max3A_985 : i32 to vector<16xi32>
    %reduce_max3A_987 = arith.xori %select_n3A_982, %reduce_max3A_986 : vector<16xi32>
    %reduce_max3A_988 = tpu.scan <max>, %reduce_max3A_987 masked %reduce_max3A_984 : vector<16xi32>, vector<16xi1> -> vector<16xi32>
    %reduce_max3A_989 = arith.xori %reduce_max3A_988, %reduce_max3A_986 : vector<16xi32>
    %reduce_max3A_990 = vector.extract %reduce_max3A_989[15] : i32 from vector<16xi32>
    %shift_right_arithmetic3A_991 = arith.constant 3 : i32
    %shift_right_arithmetic3A_992 = arith.shrsi %reduce_max3A_990, %shift_right_arithmetic3A_991 : i32
    %dma_start3A_993 = arith.constant 28 : i32
    %dma_start3A_994 = arith.constant 0 : i32
    %dma_start3A_995 = arith.constant 0 : i32
    %dma_start3A_996 = tpu.memref_slice %arg6[%dma_start3A_993, %dma_start3A_994, %dma_start3A_995] : memref<32x8x64xf32, #tpu.memory_space<vmem>> -> memref<1x8x64xf32, #tpu.memory_space<vmem>>
    %dma_start3A_997 = tpu.memref_squeeze %dma_start3A_996 : memref<1x8x64xf32, #tpu.memory_space<vmem>> -> memref<8x64xf32, #tpu.memory_space<vmem>>
    %dma_start3A_998 = arith.constant 0 : i32
    %dma_start3A_999 = arith.constant 0 : i32
    %dma_start3A_1000 = tpu.memref_slice %arg3[%shift_right_arithmetic3A_992, %dma_start3A_998, %dma_start3A_999] : memref<12500x8x64xf32, #tpu.memory_space<hbm>> -> memref<1x8x64xf32, #tpu.memory_space<hbm>>
    %dma_start3A_1001 = tpu.memref_squeeze %dma_start3A_1000 : memref<1x8x64xf32, #tpu.memory_space<hbm>> -> memref<8x64xf32, #tpu.memory_space<hbm>>
    %dma_start3A_1002 = arith.constant 0 : i32
    %dma_start3A_1003 = arith.constant 0 : i32
    %dma_start3A_1004 = tpu.memref_slice %arg6[%dma_start3A_993, %dma_start3A_1002, %dma_start3A_1003] : memref<32x8x64xf32, #tpu.memory_space<vmem>> -> memref<1x8x64xf32, #tpu.memory_space<vmem>>
    %dma_start3A_1005 = tpu.memref_squeeze %dma_start3A_1004 : memref<1x8x64xf32, #tpu.memory_space<vmem>> -> memref<8x64xf32, #tpu.memory_space<vmem>>
    %dma_start3A_1006 = arith.constant 0 : i32
    %dma_start3A_1007 = arith.constant 0 : i32
    %dma_start3A_1008 = tpu.memref_slice %arg3[%shift_right_arithmetic3A_992, %dma_start3A_1006, %dma_start3A_1007] : memref<12500x8x64xf32, #tpu.memory_space<hbm>> -> memref<1x8x64xf32, #tpu.memory_space<hbm>>
    %dma_start3A_1009 = tpu.memref_squeeze %dma_start3A_1008 : memref<1x8x64xf32, #tpu.memory_space<hbm>> -> memref<8x64xf32, #tpu.memory_space<hbm>>
    tpu.enqueue_dma source(%dma_start3A_1009 : memref<8x64xf32, #tpu.memory_space<hbm>>) target(%dma_start3A_1005 : memref<8x64xf32, #tpu.memory_space<vmem>>) target_semaphore(%arg8 : memref<!tpu.dma_semaphore, #tpu.memory_space<semaphore_mem>>)
    %get3A_1010 = arith.constant 16 : index
    %get3A_1011 = tpu.vector_load %arg5[%get3A_1010] {strides = array<i32>} : memref<512xi32, #tpu.memory_space<vmem>>, vector<16xi32>,
    %eq3A_1012 = arith.constant 13 : i32
    %eq3A_1013 = vector.broadcast %eq3A_1012 : i32 to vector<16xi32>
    %eq3A_1014 = arith.cmpi eq, %iota3A, %eq3A_1013 : vector<16xi32>
    %jit3A_1015 = arith.constant -1 : i32
    %broadcast_in_dim3A_1016 = vector.broadcast %jit3A_1015 : i32 to vector<16xi32>
    %select_n3A_1017 = arith.select %eq3A_1014, %get3A_1011, %broadcast_in_dim3A_1016 : vector<16xi1>, vector<16xi32>
    %reduce_max3A_1018 = arith.constant true
    %reduce_max3A_1019 = vector.broadcast %reduce_max3A_1018 : i1 to vector<16xi1>
    %reduce_max3A_1020 = arith.constant -2147483648 : i32
    %reduce_max3A_1021 = vector.broadcast %reduce_max3A_1020 : i32 to vector<16xi32>
    %reduce_max3A_1022 = arith.xori %select_n3A_1017, %reduce_max3A_1021 : vector<16xi32>
    %reduce_max3A_1023 = tpu.scan <max>, %reduce_max3A_1022 masked %reduce_max3A_1019 : vector<16xi32>, vector<16xi1> -> vector<16xi32>
    %reduce_max3A_1024 = arith.xori %reduce_max3A_1023, %reduce_max3A_1021 : vector<16xi32>
    %reduce_max3A_1025 = vector.extract %reduce_max3A_1024[15] : i32 from vector<16xi32>
    %shift_right_arithmetic3A_1026 = arith.constant 3 : i32
    %shift_right_arithmetic3A_1027 = arith.shrsi %reduce_max3A_1025, %shift_right_arithmetic3A_1026 : i32
    %dma_start3A_1028 = arith.constant 29 : i32
    %dma_start3A_1029 = arith.constant 0 : i32
    %dma_start3A_1030 = arith.constant 0 : i32
    %dma_start3A_1031 = tpu.memref_slice %arg6[%dma_start3A_1028, %dma_start3A_1029, %dma_start3A_1030] : memref<32x8x64xf32, #tpu.memory_space<vmem>> -> memref<1x8x64xf32, #tpu.memory_space<vmem>>
    %dma_start3A_1032 = tpu.memref_squeeze %dma_start3A_1031 : memref<1x8x64xf32, #tpu.memory_space<vmem>> -> memref<8x64xf32, #tpu.memory_space<vmem>>
    %dma_start3A_1033 = arith.constant 0 : i32
    %dma_start3A_1034 = arith.constant 0 : i32
    %dma_start3A_1035 = tpu.memref_slice %arg3[%shift_right_arithmetic3A_1027, %dma_start3A_1033, %dma_start3A_1034] : memref<12500x8x64xf32, #tpu.memory_space<hbm>> -> memref<1x8x64xf32, #tpu.memory_space<hbm>>
    %dma_start3A_1036 = tpu.memref_squeeze %dma_start3A_1035 : memref<1x8x64xf32, #tpu.memory_space<hbm>> -> memref<8x64xf32, #tpu.memory_space<hbm>>
    %dma_start3A_1037 = arith.constant 0 : i32
    %dma_start3A_1038 = arith.constant 0 : i32
    %dma_start3A_1039 = tpu.memref_slice %arg6[%dma_start3A_1028, %dma_start3A_1037, %dma_start3A_1038] : memref<32x8x64xf32, #tpu.memory_space<vmem>> -> memref<1x8x64xf32, #tpu.memory_space<vmem>>
    %dma_start3A_1040 = tpu.memref_squeeze %dma_start3A_1039 : memref<1x8x64xf32, #tpu.memory_space<vmem>> -> memref<8x64xf32, #tpu.memory_space<vmem>>
    %dma_start3A_1041 = arith.constant 0 : i32
    %dma_start3A_1042 = arith.constant 0 : i32
    %dma_start3A_1043 = tpu.memref_slice %arg3[%shift_right_arithmetic3A_1027, %dma_start3A_1041, %dma_start3A_1042] : memref<12500x8x64xf32, #tpu.memory_space<hbm>> -> memref<1x8x64xf32, #tpu.memory_space<hbm>>
    %dma_start3A_1044 = tpu.memref_squeeze %dma_start3A_1043 : memref<1x8x64xf32, #tpu.memory_space<hbm>> -> memref<8x64xf32, #tpu.memory_space<hbm>>
    tpu.enqueue_dma source(%dma_start3A_1044 : memref<8x64xf32, #tpu.memory_space<hbm>>) target(%dma_start3A_1040 : memref<8x64xf32, #tpu.memory_space<vmem>>) target_semaphore(%arg8 : memref<!tpu.dma_semaphore, #tpu.memory_space<semaphore_mem>>)
    %get3A_1045 = arith.constant 16 : index
    %get3A_1046 = tpu.vector_load %arg5[%get3A_1045] {strides = array<i32>} : memref<512xi32, #tpu.memory_space<vmem>>, vector<16xi32>,
    %eq3A_1047 = arith.constant 14 : i32
    %eq3A_1048 = vector.broadcast %eq3A_1047 : i32 to vector<16xi32>
    %eq3A_1049 = arith.cmpi eq, %iota3A, %eq3A_1048 : vector<16xi32>
    %jit3A_1050 = arith.constant -1 : i32
    %broadcast_in_dim3A_1051 = vector.broadcast %jit3A_1050 : i32 to vector<16xi32>
    %select_n3A_1052 = arith.select %eq3A_1049, %get3A_1046, %broadcast_in_dim3A_1051 : vector<16xi1>, vector<16xi32>
    %reduce_max3A_1053 = arith.constant true
    %reduce_max3A_1054 = vector.broadcast %reduce_max3A_1053 : i1 to vector<16xi1>
    %reduce_max3A_1055 = arith.constant -2147483648 : i32
    %reduce_max3A_1056 = vector.broadcast %reduce_max3A_1055 : i32 to vector<16xi32>
    %reduce_max3A_1057 = arith.xori %select_n3A_1052, %reduce_max3A_1056 : vector<16xi32>
    %reduce_max3A_1058 = tpu.scan <max>, %reduce_max3A_1057 masked %reduce_max3A_1054 : vector<16xi32>, vector<16xi1> -> vector<16xi32>
    %reduce_max3A_1059 = arith.xori %reduce_max3A_1058, %reduce_max3A_1056 : vector<16xi32>
    %reduce_max3A_1060 = vector.extract %reduce_max3A_1059[15] : i32 from vector<16xi32>
    %shift_right_arithmetic3A_1061 = arith.constant 3 : i32
    %shift_right_arithmetic3A_1062 = arith.shrsi %reduce_max3A_1060, %shift_right_arithmetic3A_1061 : i32
    %dma_start3A_1063 = arith.constant 30 : i32
    %dma_start3A_1064 = arith.constant 0 : i32
    %dma_start3A_1065 = arith.constant 0 : i32
    %dma_start3A_1066 = tpu.memref_slice %arg6[%dma_start3A_1063, %dma_start3A_1064, %dma_start3A_1065] : memref<32x8x64xf32, #tpu.memory_space<vmem>> -> memref<1x8x64xf32, #tpu.memory_space<vmem>>
    %dma_start3A_1067 = tpu.memref_squeeze %dma_start3A_1066 : memref<1x8x64xf32, #tpu.memory_space<vmem>> -> memref<8x64xf32, #tpu.memory_space<vmem>>
    %dma_start3A_1068 = arith.constant 0 : i32
    %dma_start3A_1069 = arith.constant 0 : i32
    %dma_start3A_1070 = tpu.memref_slice %arg3[%shift_right_arithmetic3A_1062, %dma_start3A_1068, %dma_start3A_1069] : memref<12500x8x64xf32, #tpu.memory_space<hbm>> -> memref<1x8x64xf32, #tpu.memory_space<hbm>>
    %dma_start3A_1071 = tpu.memref_squeeze %dma_start3A_1070 : memref<1x8x64xf32, #tpu.memory_space<hbm>> -> memref<8x64xf32, #tpu.memory_space<hbm>>
    %dma_start3A_1072 = arith.constant 0 : i32
    %dma_start3A_1073 = arith.constant 0 : i32
    %dma_start3A_1074 = tpu.memref_slice %arg6[%dma_start3A_1063, %dma_start3A_1072, %dma_start3A_1073] : memref<32x8x64xf32, #tpu.memory_space<vmem>> -> memref<1x8x64xf32, #tpu.memory_space<vmem>>
    %dma_start3A_1075 = tpu.memref_squeeze %dma_start3A_1074 : memref<1x8x64xf32, #tpu.memory_space<vmem>> -> memref<8x64xf32, #tpu.memory_space<vmem>>
    %dma_start3A_1076 = arith.constant 0 : i32
    %dma_start3A_1077 = arith.constant 0 : i32
    %dma_start3A_1078 = tpu.memref_slice %arg3[%shift_right_arithmetic3A_1062, %dma_start3A_1076, %dma_start3A_1077] : memref<12500x8x64xf32, #tpu.memory_space<hbm>> -> memref<1x8x64xf32, #tpu.memory_space<hbm>>
    %dma_start3A_1079 = tpu.memref_squeeze %dma_start3A_1078 : memref<1x8x64xf32, #tpu.memory_space<hbm>> -> memref<8x64xf32, #tpu.memory_space<hbm>>
    tpu.enqueue_dma source(%dma_start3A_1079 : memref<8x64xf32, #tpu.memory_space<hbm>>) target(%dma_start3A_1075 : memref<8x64xf32, #tpu.memory_space<vmem>>) target_semaphore(%arg8 : memref<!tpu.dma_semaphore, #tpu.memory_space<semaphore_mem>>)
    %get3A_1080 = arith.constant 16 : index
    %get3A_1081 = tpu.vector_load %arg5[%get3A_1080] {strides = array<i32>} : memref<512xi32, #tpu.memory_space<vmem>>, vector<16xi32>,
    %eq3A_1082 = arith.constant 15 : i32
    %eq3A_1083 = vector.broadcast %eq3A_1082 : i32 to vector<16xi32>
    %eq3A_1084 = arith.cmpi eq, %iota3A, %eq3A_1083 : vector<16xi32>
    %jit3A_1085 = arith.constant -1 : i32
    %broadcast_in_dim3A_1086 = vector.broadcast %jit3A_1085 : i32 to vector<16xi32>
    %select_n3A_1087 = arith.select %eq3A_1084, %get3A_1081, %broadcast_in_dim3A_1086 : vector<16xi1>, vector<16xi32>
    %reduce_max3A_1088 = arith.constant true
    %reduce_max3A_1089 = vector.broadcast %reduce_max3A_1088 : i1 to vector<16xi1>
    %reduce_max3A_1090 = arith.constant -2147483648 : i32
    %reduce_max3A_1091 = vector.broadcast %reduce_max3A_1090 : i32 to vector<16xi32>
    %reduce_max3A_1092 = arith.xori %select_n3A_1087, %reduce_max3A_1091 : vector<16xi32>
    %reduce_max3A_1093 = tpu.scan <max>, %reduce_max3A_1092 masked %reduce_max3A_1089 : vector<16xi32>, vector<16xi1> -> vector<16xi32>
    %reduce_max3A_1094 = arith.xori %reduce_max3A_1093, %reduce_max3A_1091 : vector<16xi32>
    %reduce_max3A_1095 = vector.extract %reduce_max3A_1094[15] : i32 from vector<16xi32>
    %shift_right_arithmetic3A_1096 = arith.constant 3 : i32
    %shift_right_arithmetic3A_1097 = arith.shrsi %reduce_max3A_1095, %shift_right_arithmetic3A_1096 : i32
    %dma_start3A_1098 = arith.constant 31 : i32
    %dma_start3A_1099 = arith.constant 0 : i32
    %dma_start3A_1100 = arith.constant 0 : i32
    %dma_start3A_1101 = tpu.memref_slice %arg6[%dma_start3A_1098, %dma_start3A_1099, %dma_start3A_1100] : memref<32x8x64xf32, #tpu.memory_space<vmem>> -> memref<1x8x64xf32, #tpu.memory_space<vmem>>
    %dma_start3A_1102 = tpu.memref_squeeze %dma_start3A_1101 : memref<1x8x64xf32, #tpu.memory_space<vmem>> -> memref<8x64xf32, #tpu.memory_space<vmem>>
    %dma_start3A_1103 = arith.constant 0 : i32
    %dma_start3A_1104 = arith.constant 0 : i32
    %dma_start3A_1105 = tpu.memref_slice %arg3[%shift_right_arithmetic3A_1097, %dma_start3A_1103, %dma_start3A_1104] : memref<12500x8x64xf32, #tpu.memory_space<hbm>> -> memref<1x8x64xf32, #tpu.memory_space<hbm>>
    %dma_start3A_1106 = tpu.memref_squeeze %dma_start3A_1105 : memref<1x8x64xf32, #tpu.memory_space<hbm>> -> memref<8x64xf32, #tpu.memory_space<hbm>>
    %dma_start3A_1107 = arith.constant 0 : i32
    %dma_start3A_1108 = arith.constant 0 : i32
    %dma_start3A_1109 = tpu.memref_slice %arg6[%dma_start3A_1098, %dma_start3A_1107, %dma_start3A_1108] : memref<32x8x64xf32, #tpu.memory_space<vmem>> -> memref<1x8x64xf32, #tpu.memory_space<vmem>>
    %dma_start3A_1110 = tpu.memref_squeeze %dma_start3A_1109 : memref<1x8x64xf32, #tpu.memory_space<vmem>> -> memref<8x64xf32, #tpu.memory_space<vmem>>
    %dma_start3A_1111 = arith.constant 0 : i32
    %dma_start3A_1112 = arith.constant 0 : i32
    %dma_start3A_1113 = tpu.memref_slice %arg3[%shift_right_arithmetic3A_1097, %dma_start3A_1111, %dma_start3A_1112] : memref<12500x8x64xf32, #tpu.memory_space<hbm>> -> memref<1x8x64xf32, #tpu.memory_space<hbm>>
    %dma_start3A_1114 = tpu.memref_squeeze %dma_start3A_1113 : memref<1x8x64xf32, #tpu.memory_space<hbm>> -> memref<8x64xf32, #tpu.memory_space<hbm>>
    tpu.enqueue_dma source(%dma_start3A_1114 : memref<8x64xf32, #tpu.memory_space<hbm>>) target(%dma_start3A_1110 : memref<8x64xf32, #tpu.memory_space<vmem>>) target_semaphore(%arg8 : memref<!tpu.dma_semaphore, #tpu.memory_space<semaphore_mem>>)
    %scan3A = arith.constant 0 : i32
    %scan3A_1115 = arith.constant 0 : i32
    %scan3A_1116 = arith.constant 512 : i32
    %scan3A_1117 = arith.addi %scan3A_1115, %scan3A_1116 : i32
    %scan3A_1118 = arith.constant 1 : i32
    scf.for %scan3A_1120 = %scan3A_1115 to %scan3A_1117 step %scan3A_1118  : i32 {
      %dma_wait3A = arith.constant 0 : i32
      %dma_wait3A_1121 = arith.constant 0 : i32
      %dma_wait3A_1122 = arith.constant 0 : i32
      %dma_wait3A_1123 = arith.constant 0 : i32
      %dma_wait3A_1124 = tpu.memref_slice %arg6[%dma_wait3A_1121, %dma_wait3A_1122, %dma_wait3A_1123] : memref<32x8x64xf32, #tpu.memory_space<vmem>> -> memref<1x8x64xf32, #tpu.memory_space<vmem>>
      %dma_wait3A_1125 = tpu.memref_squeeze %dma_wait3A_1124 : memref<1x8x64xf32, #tpu.memory_space<vmem>> -> memref<8x64xf32, #tpu.memory_space<vmem>>
      %dma_wait3A_1126 = arith.constant 0 : i32
      %dma_wait3A_1127 = arith.constant 0 : i32
      %dma_wait3A_1128 = tpu.memref_slice %arg3[%dma_wait3A, %dma_wait3A_1126, %dma_wait3A_1127] : memref<12500x8x64xf32, #tpu.memory_space<hbm>> -> memref<1x8x64xf32, #tpu.memory_space<hbm>>
      %dma_wait3A_1129 = tpu.memref_squeeze %dma_wait3A_1128 : memref<1x8x64xf32, #tpu.memory_space<hbm>> -> memref<8x64xf32, #tpu.memory_space<hbm>>
      %dma_wait3A_1130 = arith.constant 0 : i32
      %dma_wait3A_1131 = arith.constant 0 : i32
      %dma_wait3A_1132 = tpu.memref_slice %arg6[%dma_wait3A_1121, %dma_wait3A_1130, %dma_wait3A_1131] : memref<32x8x64xf32, #tpu.memory_space<vmem>> -> memref<1x8x64xf32, #tpu.memory_space<vmem>>
      %dma_wait3A_1133 = tpu.memref_squeeze %dma_wait3A_1132 : memref<1x8x64xf32, #tpu.memory_space<vmem>> -> memref<8x64xf32, #tpu.memory_space<vmem>>
      %dma_wait3A_1134 = arith.constant 0 : i32
      %dma_wait3A_1135 = arith.constant 0 : i32
      %dma_wait3A_1136 = tpu.memref_slice %arg3[%dma_wait3A, %dma_wait3A_1134, %dma_wait3A_1135] : memref<12500x8x64xf32, #tpu.memory_space<hbm>> -> memref<1x8x64xf32, #tpu.memory_space<hbm>>
      %dma_wait3A_1137 = tpu.memref_squeeze %dma_wait3A_1136 : memref<1x8x64xf32, #tpu.memory_space<hbm>> -> memref<8x64xf32, #tpu.memory_space<hbm>>
      tpu.wait_dma2 semaphore(%arg8 : memref<!tpu.dma_semaphore, #tpu.memory_space<semaphore_mem>>) src(%dma_wait3A_1137 : memref<8x64xf32, #tpu.memory_space<hbm>>) dst(%dma_wait3A_1133 : memref<8x64xf32, #tpu.memory_space<vmem>>)
      %rem3A = arith.constant 32 : i32
      %rem3A_1138 = arith.remsi %scan3A_1120, %rem3A : i32
      %shift_right_arithmetic3A_1139 = arith.constant 4 : i32
      %shift_right_arithmetic3A_1140 = arith.shrsi %scan3A_1120, %shift_right_arithmetic3A_1139 : i32
      %shift_left3A = arith.constant 4 : i32
      %shift_left3A_1141 = arith.shli %shift_right_arithmetic3A_1140, %shift_left3A : i32
      %get3A_1142 = arith.index_cast %shift_left3A_1141 : i32 to index
      %get3A_1143 = tpu.vector_load %arg5[%get3A_1142] {strides = array<i32>} : memref<512xi32, #tpu.memory_space<vmem>>, vector<16xi32>,
      %and3A = arith.constant 15 : i32
      %and3A_1144 = arith.andi %scan3A_1120, %and3A : i32
      %eq3A_1145 = vector.broadcast %and3A_1144 : i32 to vector<16xi32>
      %eq3A_1146 = arith.cmpi eq, %iota3A, %eq3A_1145 : vector<16xi32>
      %jit3A_1147 = arith.constant -1 : i32
      %broadcast_in_dim3A_1148 = vector.broadcast %jit3A_1147 : i32 to vector<16xi32>
      %select_n3A_1149 = arith.select %eq3A_1146, %get3A_1143, %broadcast_in_dim3A_1148 : vector<16xi1>, vector<16xi32>
      %reduce_max3A_1150 = arith.constant true
      %reduce_max3A_1151 = vector.broadcast %reduce_max3A_1150 : i1 to vector<16xi1>
      %reduce_max3A_1152 = arith.constant -2147483648 : i32
      %reduce_max3A_1153 = vector.broadcast %reduce_max3A_1152 : i32 to vector<16xi32>
      %reduce_max3A_1154 = arith.xori %select_n3A_1149, %reduce_max3A_1153 : vector<16xi32>
      %reduce_max3A_1155 = tpu.scan <max>, %reduce_max3A_1154 masked %reduce_max3A_1151 : vector<16xi32>, vector<16xi1> -> vector<16xi32>
      %reduce_max3A_1156 = arith.xori %reduce_max3A_1155, %reduce_max3A_1153 : vector<16xi32>
      %reduce_max3A_1157 = vector.extract %reduce_max3A_1156[15] : i32 from vector<16xi32>
      %and3A_1158 = arith.constant 7 : i32
      %and3A_1159 = arith.andi %reduce_max3A_1157, %and3A_1158 : i32
      %get3A_1160 = arith.index_cast %rem3A_1138 : i32 to index
      %get3A_1161 = arith.index_cast %and3A_1159 : i32 to index
      %get3A_1162 = arith.constant 0 : index
      %get3A_1163 = tpu.vector_load %arg6[%get3A_1160, %get3A_1161, %get3A_1162] {strides = array<i32>} : memref<32x8x64xf32, #tpu.memory_space<vmem>>, vector<16xf32>,
      %swap3A = arith.index_cast %scan3A_1120 : i32 to index
      %swap3A_1164 = arith.constant 0 : index
      %swap3A_1165 = tpu.vector_load %arg7[%swap3A, %swap3A_1164] {strides = array<i32>} : memref<512x64xf32, #tpu.memory_space<vmem>>, vector<16xf32>,
      tpu.vector_store %arg7[%swap3A, %swap3A_1164], %get3A_1163 {strides = array<i32>} : memref<512x64xf32, #tpu.memory_space<vmem>>, vector<16xf32>,
      %get3A_1166 = arith.index_cast %rem3A_1138 : i32 to index
      %get3A_1167 = arith.index_cast %and3A_1159 : i32 to index
      %get3A_1168 = arith.constant 16 : index
      %get3A_1169 = tpu.vector_load %arg6[%get3A_1166, %get3A_1167, %get3A_1168] {strides = array<i32>} : memref<32x8x64xf32, #tpu.memory_space<vmem>>, vector<16xf32>,
      %swap3A_1170 = arith.index_cast %scan3A_1120 : i32 to index
      %swap3A_1171 = arith.constant 16 : index
      %swap3A_1172 = tpu.vector_load %arg7[%swap3A_1170, %swap3A_1171] {strides = array<i32>} : memref<512x64xf32, #tpu.memory_space<vmem>>, vector<16xf32>,
      tpu.vector_store %arg7[%swap3A_1170, %swap3A_1171], %get3A_1169 {strides = array<i32>} : memref<512x64xf32, #tpu.memory_space<vmem>>, vector<16xf32>,
      %get3A_1173 = arith.index_cast %rem3A_1138 : i32 to index
      %get3A_1174 = arith.index_cast %and3A_1159 : i32 to index
      %get3A_1175 = arith.constant 32 : index
      %get3A_1176 = tpu.vector_load %arg6[%get3A_1173, %get3A_1174, %get3A_1175] {strides = array<i32>} : memref<32x8x64xf32, #tpu.memory_space<vmem>>, vector<16xf32>,
      %swap3A_1177 = arith.index_cast %scan3A_1120 : i32 to index
      %swap3A_1178 = arith.constant 32 : index
      %swap3A_1179 = tpu.vector_load %arg7[%swap3A_1177, %swap3A_1178] {strides = array<i32>} : memref<512x64xf32, #tpu.memory_space<vmem>>, vector<16xf32>,
      tpu.vector_store %arg7[%swap3A_1177, %swap3A_1178], %get3A_1176 {strides = array<i32>} : memref<512x64xf32, #tpu.memory_space<vmem>>, vector<16xf32>,
      %get3A_1180 = arith.index_cast %rem3A_1138 : i32 to index
      %get3A_1181 = arith.index_cast %and3A_1159 : i32 to index
      %get3A_1182 = arith.constant 48 : index
      %get3A_1183 = tpu.vector_load %arg6[%get3A_1180, %get3A_1181, %get3A_1182] {strides = array<i32>} : memref<32x8x64xf32, #tpu.memory_space<vmem>>, vector<16xf32>,
      %swap3A_1184 = arith.index_cast %scan3A_1120 : i32 to index
      %swap3A_1185 = arith.constant 48 : index
      %swap3A_1186 = tpu.vector_load %arg7[%swap3A_1184, %swap3A_1185] {strides = array<i32>} : memref<512x64xf32, #tpu.memory_space<vmem>>, vector<16xf32>,
      tpu.vector_store %arg7[%swap3A_1184, %swap3A_1185], %get3A_1183 {strides = array<i32>} : memref<512x64xf32, #tpu.memory_space<vmem>>, vector<16xf32>,
      %add3A_1187 = arith.constant 32 : i32
      %add3A_1188 = arith.addi %scan3A_1120, %add3A_1187 : i32
      %lt3A = arith.constant 512 : i32
      %lt3A_1189 = arith.cmpi slt, %add3A_1188, %lt3A : i32
      %convert_element_type3A = arith.extui %lt3A_1189 : i1 to i32
      %cond3A = arith.constant 0 : i32
      %cond3A_1190 = arith.cmpi ne, %convert_element_type3A, %cond3A : i32
      scf.if %cond3A_1190 {
        %add3A_1191 = arith.constant 32 : i32
        %add3A_1192 = arith.addi %scan3A_1120, %add3A_1191 : i32
        %shift_right_arithmetic3A_1193 = arith.constant 4 : i32
        %shift_right_arithmetic3A_1194 = arith.shrsi %add3A_1192, %shift_right_arithmetic3A_1193 : i32
        %shift_left3A_1195 = arith.constant 4 : i32
        %shift_left3A_1196 = arith.shli %shift_right_arithmetic3A_1194, %shift_left3A_1195 : i32
        %get3A_1197 = arith.index_cast %shift_left3A_1196 : i32 to index
        %get3A_1198 = tpu.vector_load %arg5[%get3A_1197] {strides = array<i32>} : memref<512xi32, #tpu.memory_space<vmem>>, vector<16xi32>,
        %and3A_1199 = arith.constant 15 : i32
        %and3A_1200 = arith.andi %add3A_1192, %and3A_1199 : i32
        %eq3A_1201 = vector.broadcast %and3A_1200 : i32 to vector<16xi32>
        %eq3A_1202 = arith.cmpi eq, %iota3A, %eq3A_1201 : vector<16xi32>
        %jit3A_1203 = arith.constant -1 : i32
        %broadcast_in_dim3A_1204 = vector.broadcast %jit3A_1203 : i32 to vector<16xi32>
        %select_n3A_1205 = arith.select %eq3A_1202, %get3A_1198, %broadcast_in_dim3A_1204 : vector<16xi1>, vector<16xi32>
        %reduce_max3A_1206 = arith.constant true
        %reduce_max3A_1207 = vector.broadcast %reduce_max3A_1206 : i1 to vector<16xi1>
        %reduce_max3A_1208 = arith.constant -2147483648 : i32
        %reduce_max3A_1209 = vector.broadcast %reduce_max3A_1208 : i32 to vector<16xi32>
        %reduce_max3A_1210 = arith.xori %select_n3A_1205, %reduce_max3A_1209 : vector<16xi32>
        %reduce_max3A_1211 = tpu.scan <max>, %reduce_max3A_1210 masked %reduce_max3A_1207 : vector<16xi32>, vector<16xi1> -> vector<16xi32>
        %reduce_max3A_1212 = arith.xori %reduce_max3A_1211, %reduce_max3A_1209 : vector<16xi32>
        %reduce_max3A_1213 = vector.extract %reduce_max3A_1212[15] : i32 from vector<16xi32>
        %shift_right_arithmetic3A_1214 = arith.constant 3 : i32
        %shift_right_arithmetic3A_1215 = arith.shrsi %reduce_max3A_1213, %shift_right_arithmetic3A_1214 : i32
        %dma_start3A_1216 = arith.constant 0 : i32
        %dma_start3A_1217 = arith.constant 0 : i32
        %dma_start3A_1218 = tpu.memref_slice %arg6[%rem3A_1138, %dma_start3A_1216, %dma_start3A_1217] : memref<32x8x64xf32, #tpu.memory_space<vmem>> -> memref<1x8x64xf32, #tpu.memory_space<vmem>>
        %dma_start3A_1219 = tpu.memref_squeeze %dma_start3A_1218 : memref<1x8x64xf32, #tpu.memory_space<vmem>> -> memref<8x64xf32, #tpu.memory_space<vmem>>
        %dma_start3A_1220 = arith.constant 0 : i32
        %dma_start3A_1221 = arith.constant 0 : i32
        %dma_start3A_1222 = tpu.memref_slice %arg3[%shift_right_arithmetic3A_1215, %dma_start3A_1220, %dma_start3A_1221] : memref<12500x8x64xf32, #tpu.memory_space<hbm>> -> memref<1x8x64xf32, #tpu.memory_space<hbm>>
        %dma_start3A_1223 = tpu.memref_squeeze %dma_start3A_1222 : memref<1x8x64xf32, #tpu.memory_space<hbm>> -> memref<8x64xf32, #tpu.memory_space<hbm>>
        %dma_start3A_1224 = arith.constant 0 : i32
        %dma_start3A_1225 = arith.constant 0 : i32
        %dma_start3A_1226 = tpu.memref_slice %arg6[%rem3A_1138, %dma_start3A_1224, %dma_start3A_1225] : memref<32x8x64xf32, #tpu.memory_space<vmem>> -> memref<1x8x64xf32, #tpu.memory_space<vmem>>
        %dma_start3A_1227 = tpu.memref_squeeze %dma_start3A_1226 : memref<1x8x64xf32, #tpu.memory_space<vmem>> -> memref<8x64xf32, #tpu.memory_space<vmem>>
        %dma_start3A_1228 = arith.constant 0 : i32
        %dma_start3A_1229 = arith.constant 0 : i32
        %dma_start3A_1230 = tpu.memref_slice %arg3[%shift_right_arithmetic3A_1215, %dma_start3A_1228, %dma_start3A_1229] : memref<12500x8x64xf32, #tpu.memory_space<hbm>> -> memref<1x8x64xf32, #tpu.memory_space<hbm>>
        %dma_start3A_1231 = tpu.memref_squeeze %dma_start3A_1230 : memref<1x8x64xf32, #tpu.memory_space<hbm>> -> memref<8x64xf32, #tpu.memory_space<hbm>>
        tpu.enqueue_dma source(%dma_start3A_1231 : memref<8x64xf32, #tpu.memory_space<hbm>>) target(%dma_start3A_1227 : memref<8x64xf32, #tpu.memory_space<vmem>>) target_semaphore(%arg8 : memref<!tpu.dma_semaphore, #tpu.memory_space<semaphore_mem>>)
      } else {
      }
    }
    %scan3A_1119 = arith.constant 512 : i32
    "tpu.region"() ({
      %run_scoped3A = tpu.sem_alloc : memref<!tpu.dma_semaphore, #tpu.memory_space<semaphore_mem>>
      %dma_start3A_1120 = arith.constant 0 : i32
      %dma_start3A_1121 = tpu.memref_slice %arg4[%mul3A_2, %dma_start3A_1120] : memref<16384x64xf32, #tpu.memory_space<hbm>> -> memref<512x64xf32, #tpu.memory_space<hbm>>
      %dma_start3A_1122 = arith.constant 0 : i32
      %dma_start3A_1123 = tpu.memref_slice %arg4[%mul3A_2, %dma_start3A_1122] : memref<16384x64xf32, #tpu.memory_space<hbm>> -> memref<512x64xf32, #tpu.memory_space<hbm>>
      tpu.enqueue_dma source(%arg7 : memref<512x64xf32, #tpu.memory_space<vmem>>) target(%dma_start3A_1123 : memref<512x64xf32, #tpu.memory_space<hbm>>) target_semaphore(%run_scoped3A : memref<!tpu.dma_semaphore, #tpu.memory_space<semaphore_mem>>)
      %dma_wait3A = arith.constant 0 : i32
      %dma_wait3A_1124 = tpu.memref_slice %arg4[%mul3A_2, %dma_wait3A] : memref<16384x64xf32, #tpu.memory_space<hbm>> -> memref<512x64xf32, #tpu.memory_space<hbm>>
      %dma_wait3A_1125 = arith.constant 0 : i32
      %dma_wait3A_1126 = tpu.memref_slice %arg4[%mul3A_2, %dma_wait3A_1125] : memref<16384x64xf32, #tpu.memory_space<hbm>> -> memref<512x64xf32, #tpu.memory_space<hbm>>
      tpu.wait_dma2 semaphore(%run_scoped3A : memref<!tpu.dma_semaphore, #tpu.memory_space<semaphore_mem>>) src(%arg7 : memref<512x64xf32, #tpu.memory_space<vmem>>) dst(%dma_wait3A_1126 : memref<512x64xf32, #tpu.memory_space<hbm>>)
      tpu.yield
    }) : () -> ()
    return
  }
}

</mosaic_0001>

<sc_bundles>
// kernel: kernel.4.cloned.1.call-start
scs
__scs_entry_jumppad:
0x0: {  	(pc) =	sbr.rel $0x88, $3  }
0x1: {  	(tag) =	ssettag $0x0;
	lr =	simm.s32 $0x1  }
0x2: {  	[smem:$0x3F9D] =	sst lr;
	_ =	strace $0xD0000000  }
0x3: {  	_ = 	snop  }
0x4: {  	_ = 	snop  }
0x5: {  	_ = 	snop  }
0x6: {  	_ = 	snop  }
0x7: {  	_ = 	snop  }
__scs_overlays_trampoline_lowered:
0x8: {  	[smem:$0x3FAC] =	sst s0  }
0x9: {  	[smem:$0x3FAD] =	sst s1  }
0xa: {  	[smem:$0x3FAE] =	sst s2  }
0xb: {  	[smem:$0x3FAF] =	sst s3  }
0xc: {  	[smem:$0x3FB0] =	sst s4  }
0xd: {  	[smem:$0x3FB1] =	sst s5  }
0xe: {  	[smem:$0x3FB2] =	sst s6  }
0xf: {  	[smem:$0x3FB3] =	sst s7  }
0x10: {  	[smem:$0x3FB4] =	sst s8  }
0x11: {  	[smem:$0x3FB5] =	sst s9;
	s0 =	simm.s32 @!p0 $0x0  }
0x12: {  	s1 =	sld [smem:$0x3F9B];
	s0 =	simm.s32 @p0 $0x1  }
0x13: {  	[smem:$0x3FB6] =	sst s0;
	s0 =	simm.s32 @!p1 $0x0  }
0x14: {  	s2 =	sld [smem:$0x3F9A];
	s0 =	simm.s32 @p1 $0x1  }
0x15: {  	[smem:$0x3FB7] =	sst s0;
	s0 =	simm.s32 @!p2 $0x0  }
0x16: {  	s3 =	sld [smem:$0x3FDB];
	s0 =	simm.s32 @p2 $0x1  }
0x17: {  	s4 =	simm.s32 $0x1BF5;
	[smem:$0x3FB9] =	sst s0  }
0x18: {  	s0 =	sld [smem:$0x3F9C];
	_ =	swait.ge [sflag:s4], $0x0  }
0x19: {  	s7 =	sld [smem:$0x3F9D]  }
0x1a: {  	s8 =	sadd.s32 $0xFFFFE003, lr  }
0x1b: {  	s9 =	sadd.s32 $0xFFFFFEF7, lr;
	s5 =	simm.s32 $0xFFFFFFFF;
	p2 =	slt.u32 s8, $0xFFFFF086  }
0x1c: {  	p1 =	slt.u32 s9, $0xF7A;
	s5 =	simm.s32 @!p2 $0x0  }
0x1d: {  	s5 =	simm.s32 @p1 $0x1;
	p0 =	seq.s32 s7, s2  }
0x1e: {  	s7 =	smul.u32 @!p0 $0xF7A, s2;
	p2 =	seq.s32 @!p0 s5, $0x0  }
0x1f: {  	s9 =	smul.u32 $0xF7A, s1;
	s8 =	simm.s32 @!p0 $0x1BF5;
	p2 =	por !p2, p0  }
0x20: {  	[sflag:s8] =	ssyncset.s32 @!p0 $0xFFFFF086;
	s6 =	sadd.s32 @!p0 s3, s7;
	s7 =	simm.s32 @!p0 $0x108  }
0x21: {  	s3 =	sadd.s32 s3, s9;
	s6 =	sadd.s32 @!p0 $0x88, s6;
	s7 =	simm.s32 @p2 $0x1082  }
0x22: {  	[simem:s7], [sflag:s8] =	dma.local @!p0 [hbm:s6], $0xF7A  }
0x23: {  	s9 =	sor.u32 $0xD0000000, s2;
	s6 =	simm.s32 $0x108;
	_ =	swait.ge @!p0 [sflag:s8], $0x0  }
0x24: {  	s3 =	sadd.s32 $0x88, s3;
	s6 =	simm.s32 @!p1 $0x1082;
	[sflag:s4] =	ssyncset.s32 $0xFFFFF086  }
0x25: {  	[simem:s6], [sflag:s4] =	dma.local [hbm:s3], $0xF7A  }
0x26: {  	[smem:$0x3F9D] =	sst s1;
	(tag) =	ssettag s2;
	_ =	strace s9  }
0x27: {  	s1 =	sld [smem:$0x3FAD]  }
0x28: {  	s2 =	sld [smem:$0x3FAE]  }
0x29: {  	s4 =	sld [smem:$0x3FB0]  }
0x2a: {  	p0 =	seq.s32 s5, $0x0;
	s5 =	sld [smem:$0x3FB1]  }
0x2b: {  	s6 =	sld [smem:$0x3FB2]  }
0x2c: {  	s7 =	sld [smem:$0x3FB3]  }
0x2d: {  	s3 =	simm.s32 $0x108;
	s8 =	sld [smem:$0x3FB4]  }
0x2e: {  	s3 =	simm.s32 @!p0 $0x1082;
	s9 =	sld [smem:$0x3FB5]  }
0x2f: {  	lr =	sadd.s32 s0, s3;
	s0 =	sld [smem:$0x3FAC]  }
0x30: {  	s3 =	sld [smem:$0x3FAF]  }
0x31: {  	[smem:$0x3FB8] =	sst s10  }
0x32: {  	s10 =	sld [smem:$0x3FB6];
	_ =	sdelay $0x3  }
0x33: {  	p0 =	seq.s32 s10, $0x1;
	s10 =	sld [smem:$0x3FB8];
	_ =	sdelay $0x3  }
0x34: {  	[smem:$0x3FB8] =	sst s10  }
0x35: {  	s10 =	sld [smem:$0x3FB7];
	_ =	sdelay $0x3  }
0x36: {  	p1 =	seq.s32 s10, $0x1;
	s10 =	sld [smem:$0x3FB8];
	_ =	sdelay $0x3  }
0x37: {  	[smem:$0x3FB8] =	sst s10  }
0x38: {  	s10 =	sld [smem:$0x3FB9]  }
0x39: {  	_ = 	snop;
	(pc) =	sbr.ind lr, $3  }
0x3a: {  	_ = 	snop  }
0x3b: {  	_ = 	snop  }
0x3c: {  	p2 =	seq.s32 s10, $0x1;
	s10 =	sld [smem:$0x3FB8]  }
0x3d: {  	_ =	shalt  }
0x3e: {  	_ =	shalt  }
0x3f: {  	_ =	shalt  }
0x40: {  	_ =	shalt  }
0x41: {  	_ =	shalt  }
0x42: {  	_ =	shalt  }
0x43: {  	_ =	shalt  }
0x44: {  	_ =	shalt  }
0x45: {  	_ =	shalt  }
0x46: {  	_ =	shalt  }
0x47: {  	_ =	shalt  }
0x48: {  	_ =	shalt  }
0x49: {  	_ =	shalt  }
0x4a: {  	_ =	shalt  }
0x4b: {  	_ =	shalt  }
0x4c: {  	_ =	shalt  }
0x4d: {  	_ =	shalt  }
0x4e: {  	_ =	shalt  }
0x4f: {  	_ =	shalt  }
0x50: {  	_ =	shalt  }
0x51: {  	_ =	shalt  }
0x52: {  	_ =	shalt  }
0x53: {  	_ =	shalt  }
0x54: {  	_ =	shalt  }
0x55: {  	_ =	shalt  }
0x56: {  	_ =	shalt  }
0x57: {  	_ =	shalt  }
0x58: {  	_ =	shalt  }
0x59: {  	_ =	shalt  }
0x5a: {  	_ =	shalt  }
0x5b: {  	_ =	shalt  }
0x5c: {  	_ =	shalt  }
0x5d: {  	_ =	shalt  }
0x5e: {  	_ =	shalt  }
0x5f: {  	_ =	shalt  }
0x60: {  	_ =	shalt  }
0x61: {  	_ =	shalt  }
0x62: {  	_ =	shalt  }
0x63: {  	_ =	shalt  }
0x64: {  	_ =	shalt  }
0x65: {  	_ =	shalt  }
0x66: {  	_ =	shalt  }
0x67: {  	_ =	shalt  }
0x68: {  	_ =	shalt  }
0x69: {  	_ =	shalt  }
0x6a: {  	_ =	shalt  }
0x6b: {  	_ =	shalt  }
0x6c: {  	_ =	shalt  }
0x6d: {  	_ =	shalt  }
0x6e: {  	_ =	shalt  }
0x6f: {  	_ =	shalt  }
0x70: {  	_ =	shalt  }
0x71: {  	_ =	shalt  }
0x72: {  	_ =	shalt  }
0x73: {  	_ =	shalt  }
0x74: {  	_ =	shalt  }
0x75: {  	_ =	shalt  }
0x76: {  	_ =	shalt  }
0x77: {  	_ =	shalt  }
0x78: {  	_ =	shalt  }
0x79: {  	_ =	shalt  }
0x7a: {  	_ =	shalt  }
0x7b: {  	_ =	shalt  }
0x7c: {  	_ =	shalt  }
0x7d: {  	_ =	shalt  }
0x7e: {  	_ =	shalt  }
0x7f: {  	_ =	shalt  }
0x80: {  	_ =	shalt  }
0x81: {  	_ =	shalt  }
0x82: {  	_ =	shalt  }
0x83: {  	_ =	shalt  }
0x84: {  	_ =	shalt  }
0x85: {  	_ =	shalt  }
0x86: {  	_ =	shalt  }
0x87: {  	_ =	shalt  }
.Lfunc_end0:
.L_simem_size_0:
called_computation_lowered:
.L_overlay_start_0:
0x88: {  	s2 =	sld [smem:$0x3FD9]  }
0x89: {  	s3 =	sld [smem:$0x3FFE];
	_ =	sdelay $0x1  }
0x8a: {  	s1 =	srdreg.scid  }
0x8b: {  	s0 =	sand.u32 $0x1, s1  }
0x8c: {  	s17 =	sshll.u32 s0, $0xA;
	s2 =	sadd.s32 s3, s2  }
0x8d: {  	s2 =	sadd.s32 s2, s17  }
0x8e: {  	[smem:$0x3FC4] =	sst s2  }
0x8f: {  	_ = 	snop  }
0x90: {  	s18 =	sld [smem:$0x3FC8];
	(tm) =	ssettm $0x1  }
0x91: {  	s19 =	sld [smem:$0x3FFB];
	_ =	sdelay $0x3  }
0x92: {  	_ =	strace s19  }
0x93: {  	s2 =	sld [smem:$0x3FFC];
	_ =	sdelay $0x3  }
0x94: {  	_ =	strace s2  }
0x95: {  	s2 =	sld [smem:$0x3FFD];
	_ =	sdelay $0x3  }
0x96: {  	_ =	strace s2  }
0x97: {  	_ =	strace $0x8FFFFFFF  }
0x98: {  	s20 =	sld [smem:$0x3FDB];
	_ =	sdelay $0x1  }
0x99: {  	s4 =	simm.s32 $_scs_section_size  }
0x9a: {  	s5 =	simm.s32 $_size__tile_overlayer_lowered;
	s6 =	simm.s32 $_tile_overlayer_lowered  }
0x9b: {  	s7 =	simm.s32 $0x1BFF;
	s21 =	sshll.u32 s6, $0x1;
	s4 =	sadd.s32 s4, s20  }
0x9c: {  	s22 =	simm.s32 $0x0;
	s5 =	sshll.u32 s5, $0x1;
	s6 =	sadd.s32 s21, s4  }
0x9d: {  	[timem:s22], [sflag:s7] =	dma.local [hbm:s6], s5  }
0x9e: {  	_ =	swait.ge [sflag:s7], s5  }
0x9f: {  	s5 =	ssub.s32 $0x0, s5;
	[sflag:s7] =	ssyncset.done $0x0  }
0xa0: {  	[sflag:s7] =	ssyncadd.s32 s5;
	_ =	sdelay $0x1  }
0xa1: {  	s23 =	simm.s32 $0x1B8B  }
0xa2: {  	_ =	swait.ge [sflag:s23], $0x1  }
0xa3: {  	[sflag:s23] =	ssyncset.done $0x0  }
0xa4: {  	[sflag:s23] =	ssyncadd.s32 $0xFFFFFFFF  }
0xa5: {  	s5 =	sld [smem:$0x0]  }
0xa6: {  	s6 =	sand.u32 $0xFFFFFFFE, s1  }
0xa7: {  	p0 =	sne.s32 s1, s6  }
0xa8: {  	s6 =	sshll.u32 @p0 s6, $0xE  }
0xa9: {  	s6 =	sadd.s32 @p0 $0x11B8D, s6;
	s7 =	sshll.u32 @p0 s5, $0x11  }
0xaa: {  	s6 =	sor.u32 @p0 s7, s6  }
0xab: {  	[sflag:s6] =	ssyncadd.remote.s32 @p0 $0x1;
	_ =	sdelay $0x1  }
0xac: {  	s6 =	simm.s32 @p0 $0x1B8D  }
0xad: {  	_ =	swait.eq @p0 [sflag:s6], $0x1  }
0xae: {  	[sflag:s6] =	ssyncadd.s32 @p0 $0xFFFFFFFF  }
0xaf: {  	s7 =	sshll.u32 @!p0 s1, $0xE  }
0xb0: {  	s7 =	sor.u32 @!p0 $0x4000, s7;
	s6 =	simm.s32 @!p0 $0x1B8D  }
0xb1: {  	s5 =	sshll.u32 @!p0 s5, $0x11;
	s7 =	sadd.s32 @!p0 $0x11B8D, s7;
	_ =	swait.eq @!p0 [sflag:s6], $0x1  }
0xb2: {  	s5 =	sor.u32 @!p0 s5, s7;
	[sflag:s6] =	ssyncadd.s32 @!p0 $0xFFFFFFFF  }
0xb3: {  	s25 =	simm.s32 $0x1B8E;
	s24 =	sld [smem:$0x3FFE];
	[sflag:s5] =	ssyncadd.remote.s32 @!p0 $0x1  }
0xb4: {  	s26 =	simm.s32 $execute0_lowered;
	[smem:$0x3FD2] =	sst s25  }
0xb5: {  	s6 =	sshll.u32 s26, $0x1;
	_ =	strace $0x80000049;
	[dreg:$0x1] =	wrdreg $0xFFFFFFFF  }
0xb6: {  	s28 =	simm.s32 $_size_execute0_lowered;
	s4 =	sadd.s32 s4, s6;
	[dreg:$0x0] =	wrdreg $0x0  }
0xb7: {  	s6 =	sshll.u32 s28, $0x1;
	[dreg:$0x2] =	wrdreg s4  }
0xb8: {  	[dreg:$0x3] =	wrdreg s6  }
0xb9: {  	[dreg:$0x4] =	wrdreg $0xC0  }
0xba: {  	_ =	task [dreg:s22], $0x5FFFF  }
0xbb: {  	[dreg:$0x1] =	wrdreg $0xFFFFFFFF  }
0xbc: {  	[dreg:$0x0] =	wrdreg $0x60  }
0xbd: {  	[dreg:$0x2] =	wrdreg s18  }
0xbe: {  	[dreg:$0x3] =	wrdreg s24  }
0xbf: {  	[dreg:$0x4] =	wrdreg $0x9  }
0xc0: {  	_ =	task.clear_ibuf [dreg:s22], $0x5FFFF;
	_ =	strace $0x90000049  }
0xc1: {  	s29 =	simm.s32 $0x9;
	_ =	strace $0x8000004B  }
0xc2: {  	_ =	swait.ge [sflag:s29], $0x1  }
0xc3: {  	[sflag:s29] =	ssyncadd.s32 $0xFFFFFFFF  }
0xc4: {  	_ =	strace $0x9000004B  }
0xc5: {  	_ =	sfence  }
0xc6: {  	s30 =	sld [smem:$0x0];
	_ =	sdelay $0x2  }
0xc7: {  	s31 =	sshll.u32 s1, $0xD;
	s1 =	sshrl.u32 s1, $0x2  }
0xc8: {  	s4 =	sand.u32 $0x4000, s31;
	s1 =	sadd.s32 s1, s30  }
0xc9: {  	s0 =	sor.u32 s4, s0;
	s1 =	sshll.u32 s1, $0x11  }
0xca: {  	s0 =	sor.u32 s1, s0  }
0xcb: {  	s0 =	sadd.s32 $0x8F2B, s0  }
0xcc: {  	[sflag:s0] =	ssyncadd.remote.s32 $0x1  }
0xcd: {  	_ =	sfence.sel $0xFFFF  }
0xce: {  	[dreg:$0x0] =	wrdreg $0xFFFFFFFF;
	(pc) =	sbr.abs _section_cstart, $3  }
0xcf: {  	[dreg:$0x1] =	wrdreg $0xFFFFFFFF  }
0xd0: {  	_ =	task.clear_ibuf [dreg:s22], $0x2FFFF;
	_ =	strace $0x9FFFFFFF  }
0xd1: {  	(tm) =	ssettm $0x7FFFFFFF  }
tec
execute0_lowered:
.L_overlay_start_1:
0x0: {  	(tag) =	ssettag $0x1  }
0x1: {  	s0 =	rddreg [dreg:$0x0]  }
0x2: {  	s1 =	rddreg [dreg:$0x1];
	s3 =	srdreg.scid;
	s2 =	simm.s32 $0x0  }
0x3: {  	s4 =	stileid.u32;
	s28 =	simm.s32 $0x4E00;
	s29 =	simm.s32 $0x5200  }
0x4: {  	s30 =	simm.s32 $0x5600;
	s31 =	simm.s32 $0x5A00;
	s8 =	simm.s32 $0x6600  }
0x5: {  	s9 =	simm.s32 $0x6A00;
	s10 =	simm.s32 $0x6E00;
	s11 =	simm.s32 $0x7200  }
0x6: {  	s12 =	simm.s32 $0x7600;
	s13 =	simm.s32 $0x7A00;
	s14 =	simm.s32 $0x7E00  }
0x7: {  	s15 =	simm.s32 $0x1;
	s16 =	simm.s32 $0x8200;
	s17 =	simm.s32 $0x0  }
0x8: {  	s3 =	sand.u32 $0x1, s3;
	[smem:$0x7FF] =	sst s2;
	s4 =	sshll.u32 s4, $0xA  }
0x9: {  	vm0 =	vmmov $0x1;
	s5 =	sshll.u32 s3, $0x9;
	_ =	strace $0x8000004A;
	s25 =	ssub.s32 $0x2, s3  }
0xa: {  	vm2 =	vcmask $0x70C;
	vm3 =	vcmask $0xB10;
	vm4 =	vcmask $0xF14;
	s3 =	sadd.s32 $0xF82E00, s1;
	s4 =	sor.u32 s5, s4;
	s7 =	sshrl.u32 s25, $0x1  }
0xb: {  	vm5 =	vcmask $0x1318;
	vm6 =	vcmask $0x171C;
	vm7 =	vcmask $0x1B20;
	s6 =	sshll.u32 s4, $0x4;
	s26 =	ssub.s32 s25, s7;
	s4 =	sshrl.u32 s4, $0x3  }
0xc: {  	vm8 =	vcmask $0x1F24;
	vm9 =	vcmask $0x2328;
	vm10 =	vcmask $0x272C;
	s7 =	simm.s32 $0x2;
	s25 =	simm.s32 $0x4600;
	s1 =	sadd.s32 s6, s1  }
0xd: {  	vm11 =	vcmask $0x2B30;
	vm12 =	vcmask $0x2F34;
	vm13 =	vcmask $0x3338;
	s4 =	sadd.s32 s0, s4;
	s6 =	smax.u32 s26, $0x1;
	s26 =	simm.s32 $0x4A00  }
0xe: {  	vm14 =	vcmask $0x373C;
	vm15 =	vmmov $0x7fff;
	v0 =	vlaneseq.u32;
	s0 =	simm.s32 $0x5E00;
	s5 =	sadd.s32 $0x1109800, s1;
	s1 =	simm.s32 $0x6200  }
.LBB2_1:
0xf: {  	[tilespmem:s2], [sflag:$0x2] =	stream.linear.gather [hbm4b:s4+s2], $0x200, $0x38;
	[tilespmem:$0x18200] =	vst v63  }
0x10: {  	_ =	swait.ge [sflag:s7], $0x200  }
0x11: {  	[sflag:s7] =	ssyncset.done $0x0  }
0x12: {  	[sflag:s7] =	ssyncadd.s32 $0xFFFFFE00  }
0x13: {  	v1 =	vld [tilespmem:$0x0];
	_ =	sdelay $0x4  }
0x14: {  	v1 =	vnsel vm0, $0xFFFFFFFF, v1  }
0x15: {  	v1 =	vxor.u32 $0x80000000, v1  }
0x16: {  	(xrf0) =	vmax.scan.msk.u32 $0xffff, v1;
	_ =	sdelay $0x5  }
0x17: {  	v1, _, _ =	vpop (xrf0)  }
0x18: {  	(v2sf) =	vpush v1, $0xF;
	_ =	sdelay $0xe  }
0x19: {  	s18 =	spop (v2sf)  }
0x1a: {  	s18 =	sshll.u32 s18, $0x4  }
0x1b: {  	s18 =	sand.u32 $0x1FFFFF80, s18  }
0x1c: {  	s19 =	simm.s32 $0x200;
	s18 =	sadd.s32 s3, s18  }
0x1d: {  	[tilespmem:s19], [sflag:$0x1] =	stream.linear.gather [hbm4b:s18+s2], $0x400, $0x38;
	[tilespmem:$0x18200] =	vst v63  }
0x1e: {  	v1 =	vld [tilespmem:$0x0];
	_ =	sdelay $0x3  }
0x1f: {  	vm1 =	vcmask $0x308  }
0x20: {  	v1 =	vsel vm1, $0xFFFFFFFF, v1  }
0x21: {  	v1 =	vxor.u32 $0x80000000, v1  }
0x22: {  	(xrf0) =	vmax.scan.msk.u32 $0xffff, v1;
	_ =	sdelay $0x5  }
0x23: {  	v1, _, _ =	vpop (xrf0)  }
0x24: {  	(v2sf) =	vpush v1, $0xF;
	_ =	sdelay $0xe  }
0x25: {  	s21 =	spop (v2sf)  }
0x26: {  	s18 =	sshll.u32 s21, $0x4  }
0x27: {  	s18 =	sand.u32 $0x1FFFFF80, s18  }
0x28: {  	s22 =	simm.s32 $0x600;
	s18 =	sadd.s32 s3, s18  }
0x29: {  	[tilespmem:s22], [sflag:$0x1] =	stream.linear.gather [hbm4b:s18+s2], $0x400, $0x38;
	[tilespmem:$0x18200] =	vst v63  }
0x2a: {  	v1 =	vld [tilespmem:$0x0];
	_ =	sdelay $0x4  }
0x2b: {  	v1 =	vsel vm2, $0xFFFFFFFF, v1  }
0x2c: {  	v1 =	vxor.u32 $0x80000000, v1  }
0x2d: {  	(xrf0) =	vmax.scan.msk.u32 $0xffff, v1;
	_ =	sdelay $0x5  }
0x2e: {  	v1, _, _ =	vpop (xrf0)  }
0x2f: {  	(v2sf) =	vpush v1, $0xF;
	_ =	sdelay $0xe  }
0x30: {  	s23 =	spop (v2sf)  }
0x31: {  	s18 =	sshll.u32 s23, $0x4  }
0x32: {  	s18 =	sand.u32 $0x1FFFFF80, s18  }
0x33: {  	s24 =	simm.s32 $0xA00;
	s18 =	sadd.s32 s3, s18  }
0x34: {  	[tilespmem:s24], [sflag:$0x1] =	stream.linear.gather [hbm4b:s18+s2], $0x400, $0x38;
	[tilespmem:$0x18200] =	vst v63  }
0x35: {  	v1 =	vld [tilespmem:$0x0];
	_ =	sdelay $0x4  }
0x36: {  	v1 =	vsel vm3, $0xFFFFFFFF, v1  }
0x37: {  	v1 =	vxor.u32 $0x80000000, v1  }
0x38: {  	(xrf0) =	vmax.scan.msk.u32 $0xffff, v1;
	_ =	sdelay $0x5  }
0x39: {  	v1, _, _ =	vpop (xrf0)  }
0x3a: {  	(v2sf) =	vpush v1, $0xF;
	_ =	sdelay $0xe  }
0x3b: {  	s19 =	spop (v2sf)  }
0x3c: {  	s18 =	sshll.u32 s19, $0x4  }
0x3d: {  	s18 =	sand.u32 $0x1FFFFF80, s18  }
0x3e: {  	s20 =	simm.s32 $0xE00;
	s18 =	sadd.s32 s3, s18  }
0x3f: {  	[tilespmem:s20], [sflag:$0x1] =	stream.linear.gather [hbm4b:s18+s2], $0x400, $0x38;
	[tilespmem:$0x18200] =	vst v63  }
0x40: {  	v1 =	vld [tilespmem:$0x0];
	_ =	sdelay $0x4  }
0x41: {  	v1 =	vsel vm4, $0xFFFFFFFF, v1  }
0x42: {  	v1 =	vxor.u32 $0x80000000, v1  }
0x43: {  	(xrf0) =	vmax.scan.msk.u32 $0xffff, v1;
	_ =	sdelay $0x5  }
0x44: {  	v1, _, _ =	vpop (xrf0)  }
0x45: {  	(v2sf) =	vpush v1, $0xF;
	_ =	sdelay $0xe  }
0x46: {  	s21 =	spop (v2sf)  }
0x47: {  	s18 =	sshll.u32 s21, $0x4  }
0x48: {  	s18 =	sand.u32 $0x1FFFFF80, s18  }
0x49: {  	s22 =	simm.s32 $0x1200;
	s18 =	sadd.s32 s3, s18  }
0x4a: {  	[tilespmem:s22], [sflag:$0x1] =	stream.linear.gather [hbm4b:s18+s2], $0x400, $0x38;
	[tilespmem:$0x18200] =	vst v63  }
0x4b: {  	v1 =	vld [tilespmem:$0x0];
	_ =	sdelay $0x4  }
0x4c: {  	v1 =	vsel vm5, $0xFFFFFFFF, v1  }
0x4d: {  	v1 =	vxor.u32 $0x80000000, v1  }
0x4e: {  	(xrf0) =	vmax.scan.msk.u32 $0xffff, v1;
	_ =	sdelay $0x5  }
0x4f: {  	v1, _, _ =	vpop (xrf0)  }
0x50: {  	(v2sf) =	vpush v1, $0xF;
	_ =	sdelay $0xe  }
0x51: {  	s23 =	spop (v2sf)  }
0x52: {  	s18 =	sshll.u32 s23, $0x4  }
0x53: {  	s18 =	sand.u32 $0x1FFFFF80, s18  }
0x54: {  	s24 =	simm.s32 $0x1600;
	s18 =	sadd.s32 s3, s18  }
0x55: {  	[tilespmem:s24], [sflag:$0x1] =	stream.linear.gather [hbm4b:s18+s2], $0x400, $0x38;
	[tilespmem:$0x18200] =	vst v63  }
0x56: {  	v1 =	vld [tilespmem:$0x0];
	_ =	sdelay $0x4  }
0x57: {  	v1 =	vsel vm6, $0xFFFFFFFF, v1  }
0x58: {  	v1 =	vxor.u32 $0x80000000, v1  }
0x59: {  	(xrf0) =	vmax.scan.msk.u32 $0xffff, v1;
	_ =	sdelay $0x5  }
0x5a: {  	v1, _, _ =	vpop (xrf0)  }
0x5b: {  	(v2sf) =	vpush v1, $0xF;
	_ =	sdelay $0xe  }
0x5c: {  	s19 =	spop (v2sf)  }
0x5d: {  	s18 =	sshll.u32 s19, $0x4  }
0x5e: {  	s18 =	sand.u32 $0x1FFFFF80, s18  }
0x5f: {  	s20 =	simm.s32 $0x1A00;
	s18 =	sadd.s32 s3, s18  }
0x60: {  	[tilespmem:s20], [sflag:$0x1] =	stream.linear.gather [hbm4b:s18+s2], $0x400, $0x38;
	[tilespmem:$0x18200] =	vst v63  }
0x61: {  	v1 =	vld [tilespmem:$0x0];
	_ =	sdelay $0x4  }
0x62: {  	v1 =	vsel vm7, $0xFFFFFFFF, v1  }
0x63: {  	v1 =	vxor.u32 $0x80000000, v1  }
0x64: {  	(xrf0) =	vmax.scan.msk.u32 $0xffff, v1;
	_ =	sdelay $0x5  }
0x65: {  	v1, _, _ =	vpop (xrf0)  }
0x66: {  	(v2sf) =	vpush v1, $0xF;
	_ =	sdelay $0xe  }
0x67: {  	s21 =	spop (v2sf)  }
0x68: {  	s18 =	sshll.u32 s21, $0x4  }
0x69: {  	s18 =	sand.u32 $0x1FFFFF80, s18  }
0x6a: {  	s22 =	simm.s32 $0x1E00;
	s18 =	sadd.s32 s3, s18  }
0x6b: {  	[tilespmem:s22], [sflag:$0x1] =	stream.linear.gather [hbm4b:s18+s2], $0x400, $0x38;
	[tilespmem:$0x18200] =	vst v63  }
0x6c: {  	v1 =	vld [tilespmem:$0x0];
	_ =	sdelay $0x4  }
0x6d: {  	v1 =	vsel vm8, $0xFFFFFFFF, v1  }
0x6e: {  	v1 =	vxor.u32 $0x80000000, v1  }
0x6f: {  	(xrf0) =	vmax.scan.msk.u32 $0xffff, v1;
	_ =	sdelay $0x5  }
0x70: {  	v1, _, _ =	vpop (xrf0)  }
0x71: {  	(v2sf) =	vpush v1, $0xF;
	_ =	sdelay $0xe  }
0x72: {  	s23 =	spop (v2sf)  }
0x73: {  	s18 =	sshll.u32 s23, $0x4  }
0x74: {  	s18 =	sand.u32 $0x1FFFFF80, s18  }
0x75: {  	s24 =	simm.s32 $0x2200;
	s18 =	sadd.s32 s3, s18  }
0x76: {  	[tilespmem:s24], [sflag:$0x1] =	stream.linear.gather [hbm4b:s18+s2], $0x400, $0x38;
	[tilespmem:$0x18200] =	vst v63  }
0x77: {  	v1 =	vld [tilespmem:$0x0];
	_ =	sdelay $0x4  }
0x78: {  	v1 =	vsel vm9, $0xFFFFFFFF, v1  }
0x79: {  	v1 =	vxor.u32 $0x80000000, v1  }
0x7a: {  	(xrf0) =	vmax.scan.msk.u32 $0xffff, v1;
	_ =	sdelay $0x5  }
0x7b: {  	v1, _, _ =	vpop (xrf0)  }
0x7c: {  	(v2sf) =	vpush v1, $0xF;
	_ =	sdelay $0xe  }
0x7d: {  	s19 =	spop (v2sf)  }
0x7e: {  	s18 =	sshll.u32 s19, $0x4  }
0x7f: {  	s18 =	sand.u32 $0x1FFFFF80, s18  }
0x80: {  	s20 =	simm.s32 $0x2600;
	s18 =	sadd.s32 s3, s18  }
0x81: {  	[tilespmem:s20], [sflag:$0x1] =	stream.linear.gather [hbm4b:s18+s2], $0x400, $0x38;
	[tilespmem:$0x18200] =	vst v63  }
0x82: {  	v1 =	vld [tilespmem:$0x0];
	_ =	sdelay $0x4  }
0x83: {  	v1 =	vsel vm10, $0xFFFFFFFF, v1  }
0x84: {  	v1 =	vxor.u32 $0x80000000, v1  }
0x85: {  	(xrf0) =	vmax.scan.msk.u32 $0xffff, v1;
	_ =	sdelay $0x5  }
0x86: {  	v1, _, _ =	vpop (xrf0)  }
0x87: {  	(v2sf) =	vpush v1, $0xF;
	_ =	sdelay $0xe  }
0x88: {  	s21 =	spop (v2sf)  }
0x89: {  	s18 =	sshll.u32 s21, $0x4  }
0x8a: {  	s18 =	sand.u32 $0x1FFFFF80, s18  }
0x8b: {  	s22 =	simm.s32 $0x2A00;
	s18 =	sadd.s32 s3, s18  }
0x8c: {  	[tilespmem:s22], [sflag:$0x1] =	stream.linear.gather [hbm4b:s18+s2], $0x400, $0x38;
	[tilespmem:$0x18200] =	vst v63  }
0x8d: {  	v1 =	vld [tilespmem:$0x0];
	_ =	sdelay $0x4  }
0x8e: {  	v1 =	vsel vm11, $0xFFFFFFFF, v1  }
0x8f: {  	v1 =	vxor.u32 $0x80000000, v1  }
0x90: {  	(xrf0) =	vmax.scan.msk.u32 $0xffff, v1;
	_ =	sdelay $0x5  }
0x91: {  	v1, _, _ =	vpop (xrf0)  }
0x92: {  	(v2sf) =	vpush v1, $0xF;
	_ =	sdelay $0xe  }
0x93: {  	s23 =	spop (v2sf)  }
0x94: {  	s18 =	sshll.u32 s23, $0x4  }
0x95: {  	s18 =	sand.u32 $0x1FFFFF80, s18  }
0x96: {  	s24 =	simm.s32 $0x2E00;
	s18 =	sadd.s32 s3, s18  }
0x97: {  	[tilespmem:s24], [sflag:$0x1] =	stream.linear.gather [hbm4b:s18+s2], $0x400, $0x38;
	[tilespmem:$0x18200] =	vst v63  }
0x98: {  	v1 =	vld [tilespmem:$0x0];
	_ =	sdelay $0x4  }
0x99: {  	v1 =	vsel vm12, $0xFFFFFFFF, v1  }
0x9a: {  	v1 =	vxor.u32 $0x80000000, v1  }
0x9b: {  	(xrf0) =	vmax.scan.msk.u32 $0xffff, v1;
	_ =	sdelay $0x5  }
0x9c: {  	v1, _, _ =	vpop (xrf0)  }
0x9d: {  	(v2sf) =	vpush v1, $0xF;
	_ =	sdelay $0xe  }
0x9e: {  	s19 =	spop (v2sf)  }
0x9f: {  	s18 =	sshll.u32 s19, $0x4  }
0xa0: {  	s18 =	sand.u32 $0x1FFFFF80, s18  }
0xa1: {  	s20 =	simm.s32 $0x3200;
	s18 =	sadd.s32 s3, s18  }
0xa2: {  	[tilespmem:s20], [sflag:$0x1] =	stream.linear.gather [hbm4b:s18+s2], $0x400, $0x38;
	[tilespmem:$0x18200] =	vst v63  }
0xa3: {  	v1 =	vld [tilespmem:$0x0];
	_ =	sdelay $0x4  }
0xa4: {  	v1 =	vsel vm13, $0xFFFFFFFF, v1  }
0xa5: {  	v1 =	vxor.u32 $0x80000000, v1  }
0xa6: {  	(xrf0) =	vmax.scan.msk.u32 $0xffff, v1;
	_ =	sdelay $0x5  }
0xa7: {  	v1, _, _ =	vpop (xrf0)  }
0xa8: {  	(v2sf) =	vpush v1, $0xF;
	_ =	sdelay $0xe  }
0xa9: {  	s21 =	spop (v2sf)  }
0xaa: {  	s18 =	sshll.u32 s21, $0x4  }
0xab: {  	s18 =	sand.u32 $0x1FFFFF80, s18  }
0xac: {  	s22 =	simm.s32 $0x3600;
	s18 =	sadd.s32 s3, s18  }
0xad: {  	[tilespmem:s22], [sflag:$0x1] =	stream.linear.gather [hbm4b:s18+s2], $0x400, $0x38;
	[tilespmem:$0x18200] =	vst v63  }
0xae: {  	v1 =	vld [tilespmem:$0x0];
	_ =	sdelay $0x4  }
0xaf: {  	v1 =	vsel vm14, $0xFFFFFFFF, v1  }
0xb0: {  	v1 =	vxor.u32 $0x80000000, v1  }
0xb1: {  	(xrf0) =	vmax.scan.msk.u32 $0xffff, v1;
	_ =	sdelay $0x5  }
0xb2: {  	v1, _, _ =	vpop (xrf0)  }
0xb3: {  	(v2sf) =	vpush v1, $0xF;
	_ =	sdelay $0xe  }
0xb4: {  	s23 =	spop (v2sf)  }
0xb5: {  	s18 =	sshll.u32 s23, $0x4  }
0xb6: {  	s18 =	sand.u32 $0x1FFFFF80, s18  }
0xb7: {  	s24 =	simm.s32 $0x3A00;
	s18 =	sadd.s32 s3, s18  }
0xb8: {  	[tilespmem:s24], [sflag:$0x1] =	stream.linear.gather [hbm4b:s18+s2], $0x400, $0x38;
	[tilespmem:$0x18200] =	vst v63  }
0xb9: {  	v1 =	vld [tilespmem:$0x0];
	_ =	sdelay $0x4  }
0xba: {  	v1 =	vsel vm15, $0xFFFFFFFF, v1  }
0xbb: {  	v1 =	vxor.u32 $0x80000000, v1  }
0xbc: {  	(xrf0) =	vmax.scan.msk.u32 $0xffff, v1;
	_ =	sdelay $0x5  }
0xbd: {  	v1, _, _ =	vpop (xrf0)  }
0xbe: {  	(v2sf) =	vpush v1, $0xF;
	_ =	sdelay $0xe  }
0xbf: {  	s19 =	spop (v2sf)  }
0xc0: {  	s18 =	sshll.u32 s19, $0x4  }
0xc1: {  	s18 =	sand.u32 $0x1FFFFF80, s18  }
0xc2: {  	s20 =	simm.s32 $0x3E00;
	s18 =	sadd.s32 s3, s18  }
0xc3: {  	[tilespmem:s20], [sflag:$0x1] =	stream.linear.gather [hbm4b:s18+s2], $0x400, $0x38;
	[tilespmem:$0x18200] =	vst v63  }
0xc4: {  	v1 =	vld [tilespmem:$0x10];
	_ =	sdelay $0x4  }
0xc5: {  	v1 =	vnsel vm0, $0xFFFFFFFF, v1  }
0xc6: {  	v1 =	vxor.u32 $0x80000000, v1  }
0xc7: {  	(xrf0) =	vmax.scan.msk.u32 $0xffff, v1;
	_ =	sdelay $0x5  }
0xc8: {  	v1, _, _ =	vpop (xrf0)  }
0xc9: {  	(v2sf) =	vpush v1, $0xF;
	_ =	sdelay $0xe  }
0xca: {  	s21 =	spop (v2sf)  }
0xcb: {  	s18 =	sshll.u32 s21, $0x4  }
0xcc: {  	s18 =	sand.u32 $0x1FFFFF80, s18  }
0xcd: {  	s22 =	simm.s32 $0x4200;
	s18 =	sadd.s32 s3, s18  }
0xce: {  	[tilespmem:s22], [sflag:$0x1] =	stream.linear.gather [hbm4b:s18+s2], $0x400, $0x38;
	[tilespmem:$0x18200] =	vst v63  }
0xcf: {  	v1 =	vld [tilespmem:$0x10];
	_ =	sdelay $0x4  }
0xd0: {  	v1 =	vsel vm1, $0xFFFFFFFF, v1  }
0xd1: {  	v1 =	vxor.u32 $0x80000000, v1  }
0xd2: {  	(xrf0) =	vmax.scan.msk.u32 $0xffff, v1;
	_ =	sdelay $0x5  }
0xd3: {  	v1, _, _ =	vpop (xrf0)  }
0xd4: {  	(v2sf) =	vpush v1, $0xF;
	_ =	sdelay $0xe  }
0xd5: {  	s23 =	spop (v2sf)  }
0xd6: {  	s18 =	sshll.u32 s23, $0x4  }
0xd7: {  	s18 =	sand.u32 $0x1FFFFF80, s18  }
0xd8: {  	s18 =	sadd.s32 s3, s18  }
0xd9: {  	[tilespmem:s25], [sflag:$0x1] =	stream.linear.gather [hbm4b:s18+s2], $0x400, $0x38;
	[tilespmem:$0x18200] =	vst v63  }
0xda: {  	v1 =	vld [tilespmem:$0x10];
	_ =	sdelay $0x4  }
0xdb: {  	v1 =	vsel vm2, $0xFFFFFFFF, v1  }
0xdc: {  	v1 =	vxor.u32 $0x80000000, v1  }
0xdd: {  	(xrf0) =	vmax.scan.msk.u32 $0xffff, v1;
	_ =	sdelay $0x5  }
0xde: {  	v1, _, _ =	vpop (xrf0)  }
0xdf: {  	(v2sf) =	vpush v1, $0xF;
	_ =	sdelay $0xe  }
0xe0: {  	s24 =	spop (v2sf)  }
0xe1: {  	s18 =	sshll.u32 s24, $0x4  }
0xe2: {  	s18 =	sand.u32 $0x1FFFFF80, s18  }
0xe3: {  	s18 =	sadd.s32 s3, s18  }
0xe4: {  	[tilespmem:s26], [sflag:$0x1] =	stream.linear.gather [hbm4b:s18+s2], $0x400, $0x38;
	[tilespmem:$0x18200] =	vst v63  }
0xe5: {  	v1 =	vld [tilespmem:$0x10];
	_ =	sdelay $0x4  }
0xe6: {  	v1 =	vsel vm3, $0xFFFFFFFF, v1  }
0xe7: {  	v1 =	vxor.u32 $0x80000000, v1  }
0xe8: {  	(xrf0) =	vmax.scan.msk.u32 $0xffff, v1;
	_ =	sdelay $0x5  }
0xe9: {  	v1, _, _ =	vpop (xrf0)  }
0xea: {  	(v2sf) =	vpush v1, $0xF;
	_ =	sdelay $0xe  }
0xeb: {  	s19 =	spop (v2sf)  }
0xec: {  	s18 =	sshll.u32 s19, $0x4  }
0xed: {  	s18 =	sand.u32 $0x1FFFFF80, s18  }
0xee: {  	s18 =	sadd.s32 s3, s18  }
0xef: {  	[tilespmem:s28], [sflag:$0x1] =	stream.linear.gather [hbm4b:s18+s2], $0x400, $0x38;
	[tilespmem:$0x18200] =	vst v63  }
0xf0: {  	v1 =	vld [tilespmem:$0x10];
	_ =	sdelay $0x4  }
0xf1: {  	v1 =	vsel vm4, $0xFFFFFFFF, v1  }
0xf2: {  	v1 =	vxor.u32 $0x80000000, v1  }
0xf3: {  	(xrf0) =	vmax.scan.msk.u32 $0xffff, v1;
	_ =	sdelay $0x5  }
0xf4: {  	v1, _, _ =	vpop (xrf0)  }
0xf5: {  	(v2sf) =	vpush v1, $0xF;
	_ =	sdelay $0xe  }
0xf6: {  	s20 =	spop (v2sf)  }
0xf7: {  	s18 =	sshll.u32 s20, $0x4  }
0xf8: {  	s18 =	sand.u32 $0x1FFFFF80, s18  }
0xf9: {  	s18 =	sadd.s32 s3, s18  }
0xfa: {  	[tilespmem:s29], [sflag:$0x1] =	stream.linear.gather [hbm4b:s18+s2], $0x400, $0x38;
	[tilespmem:$0x18200] =	vst v63  }
0xfb: {  	v1 =	vld [tilespmem:$0x10];
	_ =	sdelay $0x4  }
0xfc: {  	v1 =	vsel vm5, $0xFFFFFFFF, v1  }
0xfd: {  	v1 =	vxor.u32 $0x80000000, v1  }
0xfe: {  	(xrf0) =	vmax.scan.msk.u32 $0xffff, v1;
	_ =	sdelay $0x5  }
0xff: {  	v1, _, _ =	vpop (xrf0)  }
0x100: {  	(v2sf) =	vpush v1, $0xF;
	_ =	sdelay $0xe  }
0x101: {  	s21 =	spop (v2sf)  }
0x102: {  	s18 =	sshll.u32 s21, $0x4  }
0x103: {  	s18 =	sand.u32 $0x1FFFFF80, s18  }
0x104: {  	s18 =	sadd.s32 s3, s18  }
0x105: {  	[tilespmem:s30], [sflag:$0x1] =	stream.linear.gather [hbm4b:s18+s2], $0x400, $0x38;
	[tilespmem:$0x18200] =	vst v63  }
0x106: {  	v1 =	vld [tilespmem:$0x10];
	_ =	sdelay $0x4  }
0x107: {  	v1 =	vsel vm6, $0xFFFFFFFF, v1  }
0x108: {  	v1 =	vxor.u32 $0x80000000, v1  }
0x109: {  	(xrf0) =	vmax.scan.msk.u32 $0xffff, v1;
	_ =	sdelay $0x5  }
0x10a: {  	v1, _, _ =	vpop (xrf0)  }
0x10b: {  	(v2sf) =	vpush v1, $0xF;
	_ =	sdelay $0xe  }
0x10c: {  	s22 =	spop (v2sf)  }
0x10d: {  	s18 =	sshll.u32 s22, $0x4  }
0x10e: {  	s18 =	sand.u32 $0x1FFFFF80, s18  }
0x10f: {  	s18 =	sadd.s32 s3, s18  }
0x110: {  	[tilespmem:s31], [sflag:$0x1] =	stream.linear.gather [hbm4b:s18+s2], $0x400, $0x38;
	[tilespmem:$0x18200] =	vst v63  }
0x111: {  	v1 =	vld [tilespmem:$0x10];
	_ =	sdelay $0x4  }
0x112: {  	v1 =	vsel vm7, $0xFFFFFFFF, v1  }
0x113: {  	v1 =	vxor.u32 $0x80000000, v1  }
0x114: {  	(xrf0) =	vmax.scan.msk.u32 $0xffff, v1;
	_ =	sdelay $0x5  }
0x115: {  	v1, _, _ =	vpop (xrf0)  }
0x116: {  	(v2sf) =	vpush v1, $0xF;
	_ =	sdelay $0xe  }
0x117: {  	s23 =	spop (v2sf)  }
0x118: {  	s18 =	sshll.u32 s23, $0x4  }
0x119: {  	s18 =	sand.u32 $0x1FFFFF80, s18  }
0x11a: {  	s18 =	sadd.s32 s3, s18  }
0x11b: {  	[tilespmem:s0], [sflag:$0x1] =	stream.linear.gather [hbm4b:s18+s2], $0x400, $0x38;
	[tilespmem:$0x18200] =	vst v63  }
0x11c: {  	v1 =	vld [tilespmem:$0x10];
	_ =	sdelay $0x4  }
0x11d: {  	v1 =	vsel vm8, $0xFFFFFFFF, v1  }
0x11e: {  	v1 =	vxor.u32 $0x80000000, v1  }
0x11f: {  	(xrf0) =	vmax.scan.msk.u32 $0xffff, v1;
	_ =	sdelay $0x5  }
0x120: {  	v1, _, _ =	vpop (xrf0)  }
0x121: {  	(v2sf) =	vpush v1, $0xF;
	_ =	sdelay $0xe  }
0x122: {  	s24 =	spop (v2sf)  }
0x123: {  	s18 =	sshll.u32 s24, $0x4  }
0x124: {  	s18 =	sand.u32 $0x1FFFFF80, s18  }
0x125: {  	s18 =	sadd.s32 s3, s18  }
0x126: {  	[tilespmem:s1], [sflag:$0x1] =	stream.linear.gather [hbm4b:s18+s2], $0x400, $0x38;
	[tilespmem:$0x18200] =	vst v63  }
0x127: {  	v1 =	vld [tilespmem:$0x10];
	_ =	sdelay $0x4  }
0x128: {  	v1 =	vsel vm9, $0xFFFFFFFF, v1  }
0x129: {  	v1 =	vxor.u32 $0x80000000, v1  }
0x12a: {  	(xrf0) =	vmax.scan.msk.u32 $0xffff, v1;
	_ =	sdelay $0x5  }
0x12b: {  	v1, _, _ =	vpop (xrf0)  }
0x12c: {  	(v2sf) =	vpush v1, $0xF;
	_ =	sdelay $0xe  }
0x12d: {  	s19 =	spop (v2sf)  }
0x12e: {  	s18 =	sshll.u32 s19, $0x4  }
0x12f: {  	s18 =	sand.u32 $0x1FFFFF80, s18  }
0x130: {  	s18 =	sadd.s32 s3, s18  }
0x131: {  	[tilespmem:s8], [sflag:$0x1] =	stream.linear.gather [hbm4b:s18+s2], $0x400, $0x38;
	[tilespmem:$0x18200] =	vst v63  }
0x132: {  	v1 =	vld [tilespmem:$0x10];
	_ =	sdelay $0x4  }
0x133: {  	v1 =	vsel vm10, $0xFFFFFFFF, v1  }
0x134: {  	v1 =	vxor.u32 $0x80000000, v1  }
0x135: {  	(xrf0) =	vmax.scan.msk.u32 $0xffff, v1;
	_ =	sdelay $0x5  }
0x136: {  	v1, _, _ =	vpop (xrf0)  }
0x137: {  	(v2sf) =	vpush v1, $0xF;
	_ =	sdelay $0xe  }
0x138: {  	s20 =	spop (v2sf)  }
0x139: {  	s18 =	sshll.u32 s20, $0x4  }
0x13a: {  	s18 =	sand.u32 $0x1FFFFF80, s18  }
0x13b: {  	s18 =	sadd.s32 s3, s18  }
0x13c: {  	[tilespmem:s9], [sflag:$0x1] =	stream.linear.gather [hbm4b:s18+s2], $0x400, $0x38;
	[tilespmem:$0x18200] =	vst v63  }
0x13d: {  	v1 =	vld [tilespmem:$0x10];
	_ =	sdelay $0x4  }
0x13e: {  	v1 =	vsel vm11, $0xFFFFFFFF, v1  }
0x13f: {  	v1 =	vxor.u32 $0x80000000, v1  }
0x140: {  	(xrf0) =	vmax.scan.msk.u32 $0xffff, v1;
	_ =	sdelay $0x5  }
0x141: {  	v1, _, _ =	vpop (xrf0)  }
0x142: {  	(v2sf) =	vpush v1, $0xF;
	_ =	sdelay $0xe  }
0x143: {  	s21 =	spop (v2sf)  }
0x144: {  	s18 =	sshll.u32 s21, $0x4  }
0x145: {  	s18 =	sand.u32 $0x1FFFFF80, s18  }
0x146: {  	s18 =	sadd.s32 s3, s18  }
0x147: {  	[tilespmem:s10], [sflag:$0x1] =	stream.linear.gather [hbm4b:s18+s2], $0x400, $0x38;
	[tilespmem:$0x18200] =	vst v63  }
0x148: {  	v1 =	vld [tilespmem:$0x10];
	_ =	sdelay $0x4  }
0x149: {  	v1 =	vsel vm12, $0xFFFFFFFF, v1  }
0x14a: {  	v1 =	vxor.u32 $0x80000000, v1  }
0x14b: {  	(xrf0) =	vmax.scan.msk.u32 $0xffff, v1;
	_ =	sdelay $0x5  }
0x14c: {  	v1, _, _ =	vpop (xrf0)  }
0x14d: {  	(v2sf) =	vpush v1, $0xF;
	_ =	sdelay $0xe  }
0x14e: {  	s22 =	spop (v2sf)  }
0x14f: {  	s18 =	sshll.u32 s22, $0x4  }
0x150: {  	s18 =	sand.u32 $0x1FFFFF80, s18  }
0x151: {  	s18 =	sadd.s32 s3, s18  }
0x152: {  	[tilespmem:s11], [sflag:$0x1] =	stream.linear.gather [hbm4b:s18+s2], $0x400, $0x38;
	[tilespmem:$0x18200] =	vst v63  }
0x153: {  	v1 =	vld [tilespmem:$0x10];
	_ =	sdelay $0x4  }
0x154: {  	v1 =	vsel vm13, $0xFFFFFFFF, v1  }
0x155: {  	v1 =	vxor.u32 $0x80000000, v1  }
0x156: {  	(xrf0) =	vmax.scan.msk.u32 $0xffff, v1;
	_ =	sdelay $0x5  }
0x157: {  	v1, _, _ =	vpop (xrf0)  }
0x158: {  	(v2sf) =	vpush v1, $0xF;
	_ =	sdelay $0xe  }
0x159: {  	s23 =	spop (v2sf)  }
0x15a: {  	s18 =	sshll.u32 s23, $0x4  }
0x15b: {  	s18 =	sand.u32 $0x1FFFFF80, s18  }
0x15c: {  	s18 =	sadd.s32 s3, s18  }
0x15d: {  	[tilespmem:s12], [sflag:$0x1] =	stream.linear.gather [hbm4b:s18+s2], $0x400, $0x38;
	[tilespmem:$0x18200] =	vst v63  }
0x15e: {  	v1 =	vld [tilespmem:$0x10];
	_ =	sdelay $0x4  }
0x15f: {  	v1 =	vsel vm14, $0xFFFFFFFF, v1  }
0x160: {  	v1 =	vxor.u32 $0x80000000, v1  }
0x161: {  	(xrf0) =	vmax.scan.msk.u32 $0xffff, v1;
	_ =	sdelay $0x5  }
0x162: {  	v1, _, _ =	vpop (xrf0)  }
0x163: {  	(v2sf) =	vpush v1, $0xF;
	_ =	sdelay $0xe  }
0x164: {  	s24 =	spop (v2sf)  }
0x165: {  	s18 =	sshll.u32 s24, $0x4  }
0x166: {  	s18 =	sand.u32 $0x1FFFFF80, s18  }
0x167: {  	s18 =	sadd.s32 s3, s18  }
0x168: {  	[tilespmem:s13], [sflag:$0x1] =	stream.linear.gather [hbm4b:s18+s2], $0x400, $0x38;
	[tilespmem:$0x18200] =	vst v63  }
0x169: {  	v1 =	vld [tilespmem:$0x10];
	_ =	sdelay $0x4  }
0x16a: {  	v1 =	vsel vm15, $0xFFFFFFFF, v1  }
0x16b: {  	v1 =	vxor.u32 $0x80000000, v1  }
0x16c: {  	(xrf0) =	vmax.scan.msk.u32 $0xffff, v1;
	_ =	sdelay $0x5  }
0x16d: {  	v1, _, _ =	vpop (xrf0)  }
0x16e: {  	(v2sf) =	vpush v1, $0xF;
	_ =	sdelay $0xe  }
0x16f: {  	s19 =	spop (v2sf)  }
0x170: {  	s18 =	sshll.u32 s19, $0x4  }
0x171: {  	s18 =	sand.u32 $0x1FFFFF80, s18  }
0x172: {  	s18 =	sadd.s32 s3, s18  }
0x173: {  	[tilespmem:s14], [sflag:$0x1] =	stream.linear.gather [hbm4b:s18+s2], $0x400, $0x38;
	[tilespmem:$0x18200] =	vst v63  }
0x174: {  	_ =	swait.ge [sflag:s15], $0x400  }
0x175: {  	[sflag:s15] =	ssyncset.done $0x0  }
0x176: {  	s20 =	sand.u32 $0x1F0, s2;
	[sflag:s15] =	ssyncadd.s32 $0xFFFFFC00  }
0x177: {  	v1 =	vld [tilespmem:s20+$0x0];
	_ =	sdelay $0x2  }
0x178: {  	s21 =	sand.u32 $0xF, s2  }
0x179: {  	v2 =	vmov s21  }
0x17a: {  	vm1 =	veq.s32 v2, v0;
	v1 =	vxor.u32 $0x80000000, v1  }
0x17b: {  	v1 =	vnsel vm1, $0x7FFFFFFF, v1  }
0x17c: {  	(xrf0) =	vmax.scan.msk.u32 $0xffff, v1;
	_ =	sdelay $0x5  }
0x17d: {  	v1, _, _ =	vpop (xrf0)  }
0x17e: {  	(v2sf) =	vpush v1, $0xF;
	_ =	sdelay $0xe  }
0x17f: {  	s22 =	spop (v2sf)  }
0x180: {  	s23 =	sand.u32 $0x7C00, s2;
	s18 =	sshll.u32 s22, $0x7  }
0x181: {  	s21 =	sor.u32 $0x200, s23;
	s18 =	sand.u32 $0x380, s18  }
0x182: {  	s18 =	sadd.s32 s18, s21  }
0x183: {  	v1 =	vld [tilespmem:s18+$0x0];
	_ =	sdelay $0x3  }
0x184: {  	s24 =	simm.s32 $0x8220  }
0x185: {  	[tilespmem:s24+$0xFFFFFFE0] =	vst v1  }
0x186: {  	v1 =	vld [tilespmem:s18+$0x10];
	_ =	sdelay $0x4  }
0x187: {  	[tilespmem:s24+$0xFFFFFFF0] =	vst v1  }
0x188: {  	v1 =	vld [tilespmem:s18+$0x20];
	_ =	sdelay $0x4  }
0x189: {  	[tilespmem:s24+$0x0] =	vst v1  }
0x18a: {  	v1 =	vld [tilespmem:s18+$0x30];
	_ =	sdelay $0x2  }
0x18b: {  	p1 =	por $0x0, $0x0  }
0x18c: {  	s18 =	simm.s32 @!p1 $0x20  }
0x18d: {  	s18 =	sand.u32 @!p1 $0x3F0, s18;
	[tilespmem:s24+$0x10] =	vst v1  }
0x18e: {  	v1 =	vld @!p1 [tilespmem:s18+$0x0];
	_ =	sdelay $0x3  }
0x18f: {  	v3 =	vlaneseq.u32 @!p1  }
0x190: {  	vm1 =	veq.s32 @!p1 v2, v3;
	v1 =	vxor.u32 @!p1 $0x80000000, v1  }
0x191: {  	v1 =	vnsel @!p1 vm1, $0x7FFFFFFF, v1  }
0x192: {  	(xrf0) =	vmax.scan.msk.u32 @!p1 $0xffff, v1;
	_ =	sdelay $0x5  }
0x193: {  	v1, _, _ =	vpop @!p1 (xrf0)  }
0x194: {  	(v2sf) =	vpush @!p1 v1, $0xF;
	_ =	sdelay $0xe  }
0x195: {  	s18 =	spop @!p1 (v2sf)  }
0x196: {  	s19 =	sshll.u32 @!p1 s18, $0x4  }
0x197: {  	s23 =	simm.s32 @!p1 $0x0;
	s18 =	simm.s32 $0x1;
	s20 =	sand.u32 @!p1 $0x1FFFFF80, s19  }
0x198: {  	s19 =	simm.s32 $0x82A0;
	s22 =	sadd.s32 @!p1 s3, s20;
	s20 =	simm.s32 $0x400  }
.LBB2_2:
0x199: {  	[tilespmem:s21], [sflag:$0x1] =	stream.linear.gather @!p1 [hbm4b:s22+s23], $0x400, $0x38;
	[tilespmem:$0x18200] =	vst v63  }
0x19a: {  	s22 =	smov.u32 s18;
	s18 =	sadd.s32 $0x1, s18;
	_ =	swait.ge [sflag:s15], $0x400  }
0x19b: {  	p0 =	sne.s32 s18, $0x200;
	[sflag:s15] =	ssyncset.done $0x0  }
0x19c: {  	s21 =	sand.u32 $0x1F0, s22;
	[sflag:s15] =	ssyncadd.s32 $0xFFFFFC00  }
0x19d: {  	v1 =	vld [tilespmem:s21+$0x0];
	_ =	sdelay $0x2  }
0x19e: {  	s21 =	sand.u32 $0xF, s22  }
0x19f: {  	v2 =	vmov s21  }
0x1a0: {  	vm1 =	veq.s32 v2, v0;
	v1 =	vxor.u32 $0x80000000, v1  }
0x1a1: {  	v1 =	vnsel vm1, $0x7FFFFFFF, v1  }
0x1a2: {  	(xrf0) =	vmax.scan.msk.u32 $0xffff, v1;
	_ =	sdelay $0x5  }
0x1a3: {  	v1, _, _ =	vpop (xrf0)  }
0x1a4: {  	(v2sf) =	vpush v1, $0xF;
	_ =	sdelay $0xe  }
0x1a5: {  	s21 =	spop (v2sf)  }
0x1a6: {  	s23 =	sand.u32 $0x7C00, s20;
	s21 =	sshll.u32 s21, $0x7  }
0x1a7: {  	s24 =	sand.u32 $0x380, s21;
	s21 =	sor.u32 $0x200, s23  }
0x1a8: {  	s23 =	sadd.s32 s24, s21  }
0x1a9: {  	v1 =	vld [tilespmem:s23+$0x0];
	_ =	sdelay $0x4  }
0x1aa: {  	[tilespmem:s19+$0xFFFFFFE0] =	vst v1  }
0x1ab: {  	v1 =	vld [tilespmem:s23+$0x10];
	_ =	sdelay $0x4  }
0x1ac: {  	[tilespmem:s19+$0xFFFFFFF0] =	vst v1  }
0x1ad: {  	v1 =	vld [tilespmem:s23+$0x20];
	_ =	sdelay $0x4  }
0x1ae: {  	[tilespmem:s19+$0x0] =	vst v1  }
0x1af: {  	v1 =	vld [tilespmem:s23+$0x30];
	_ =	sdelay $0x2  }
0x1b0: {  	p1 =	sgt.u32 s22, $0x1DF  }
0x1b1: {  	v3 =	vlaneseq.u32 @!p1;
	s22 =	sadd.s32 @!p1 $0x20, s22  }
0x1b2: {  	s22 =	sand.u32 @!p1 $0x3F0, s22;
	vm1 =	veq.s32 @!p1 v2, v3;
	[tilespmem:s19+$0x10] =	vst v1  }
0x1b3: {  	v1 =	vld @!p1 [tilespmem:s22+$0x0];
	_ =	sdelay $0x4  }
0x1b4: {  	v1 =	vxor.u32 @!p1 $0x80000000, v1  }
0x1b5: {  	v1 =	vnsel @!p1 vm1, $0x7FFFFFFF, v1  }
0x1b6: {  	(xrf0) =	vmax.scan.msk.u32 @!p1 $0xffff, v1;
	_ =	sdelay $0x5  }
0x1b7: {  	v1, _, _ =	vpop @!p1 (xrf0)  }
0x1b8: {  	(v2sf) =	vpush @!p1 v1, $0xF;
	_ =	sdelay $0xd  }
.Ltmp0:
0x1b9: {  	(pc) =	sbr.rel @p0 .LBB2_2-.Ltmp0, $4  }
0x1ba: {  	s22 =	spop @!p1 (v2sf)  }
0x1bb: {  	s22 =	sshll.u32 @!p1 s22, $0x4  }
0x1bc: {  	s19 =	sadd.s32 $0x80, s19;
	s22 =	sand.u32 @!p1 $0x1FFFFF80, s22  }
0x1bd: {  	s20 =	sadd.s32 $0x400, s20;
	s23 =	simm.s32 @!p1 $0x0;
	s22 =	sadd.s32 @!p1 s3, s22  }
0x1be: {  	[tilespmem:s21], [sflag:$0x1] =	stream.linear.gather @!p1 [hbm4b:s22+s23], $0x400, $0x38;
	[tilespmem:$0x18200] =	vst v63  }
0x1bf: {  	s17 =	sadd.s32 $0x1, s17  }
0x1c0: {  	p0 =	sne.s32 s17, s6  }
.Ltmp1:
0x1c1: {  	_ = 	snop;
	(pc) =	sbr.rel @p0 .LBB2_1-.Ltmp1, $4  }
0x1c2: {  	[hbm4b:s5+s2] =	stream.linear.scatter [tilespmem:s16], [sflag:$0x2], $0x10000, $0x38;
	[tilespmem:$0x18200] =	vst v63  }
0x1c3: {  	_ =	swait.ge [sflag:s7], $0x10000  }
0x1c4: {  	[sflag:s7] =	ssyncset.done $0x0  }
0x1c5: {  	[sflag:s7] =	ssyncadd.s32 $0xFFFF0000  }
0x1c6: {  	_ =	sfence.sel $0x180000  }
0x1c7: {  	[bflag:$0x0] =	sbarrier.arrive $0xFFFF  }
0x1c8: {  	_ =	strace $0x9000004A  }
0x1c9: {  	s0 =	stileid.u32;
	[bflag:$0x2] =	sbarrier.arrive $0xFFFF  }
0x1ca: {  	p0 =	sne.s32 s0, $0x0;
	s0 =	rddreg [dreg:$0x2]  }
0x1cb: {  	s0 =	sadd.s32 @!p0 $0x100000, s0  }
0x1cc: {  	[sflag:s0] =	ssyncadd.tile.s32 @!p0 $0x1;
	_ =	shalt  }
.Lfunc_end2:
_tile_overlayer_lowered:
.L_overlay_start_2:
0x1cd: {  	(tag) =	ssettag $0x2  }
0x1ce: {  	s0 =	rddreg [dreg:$0x0];
	s2 =	stileid.u32  }
0x1cf: {  	s1 =	rddreg [dreg:$0x1];
	p0 =	sne.s32 s2, $0x0  }
0x1d0: {  	s3 =	rddreg [dreg:$0x2];
	[bflag:$0x3] =	sbarrier.arrive $0xFFFF;
	s2 =	simm.s32 @!p0 $0x1C02  }
0x1d1: {  	[timem:s3], [sflag:s2] =	dma.local @!p0 [hbm:s0], s1  }
0x1d2: {  	s0 =	simm.s32 @!p0 $0x2  }
0x1d3: {  	_ =	swait.ge @!p0 [sflag:s0], s1  }
0x1d4: {  	s1 =	ssub.s32 @!p0 $0x0, s1;
	[sflag:s0] =	ssyncset.done @!p0 $0x0  }
0x1d5: {  	[sflag:s0] =	ssyncadd.s32 @!p0 s1  }
0x1d6: {  	[bflag:$0x3] =	sbarrier.arrive $0xFFFF  }
0x1d7: {  	_ =	shalt  }

// kernel: kernel.7.cloned.1.call-start
scs
__scs_entry_jumppad:
0x0: {  	(pc) =	sbr.rel $0x88, $3  }
0x1: {  	(tag) =	ssettag $0x0;
	lr =	simm.s32 $0x1  }
0x2: {  	[smem:$0x3F9D] =	sst lr;
	_ =	strace $0xD0000000  }
0x3: {  	_ = 	snop  }
0x4: {  	_ = 	snop  }
0x5: {  	_ = 	snop  }
0x6: {  	_ = 	snop  }
0x7: {  	_ = 	snop  }
__scs_overlays_trampoline_lowered:
0x8: {  	[smem:$0x3FAC] =	sst s0  }
0x9: {  	[smem:$0x3FAD] =	sst s1  }
0xa: {  	[smem:$0x3FAE] =	sst s2  }
0xb: {  	[smem:$0x3FAF] =	sst s3  }
0xc: {  	[smem:$0x3FB0] =	sst s4  }
0xd: {  	[smem:$0x3FB1] =	sst s5  }
0xe: {  	[smem:$0x3FB2] =	sst s6  }
0xf: {  	[smem:$0x3FB3] =	sst s7  }
0x10: {  	[smem:$0x3FB4] =	sst s8  }
0x11: {  	[smem:$0x3FB5] =	sst s9;
	s0 =	simm.s32 @!p0 $0x0  }
0x12: {  	s1 =	sld [smem:$0x3F9B];
	s0 =	simm.s32 @p0 $0x1  }
0x13: {  	[smem:$0x3FB6] =	sst s0;
	s0 =	simm.s32 @!p1 $0x0  }
0x14: {  	s2 =	sld [smem:$0x3F9A];
	s0 =	simm.s32 @p1 $0x1  }
0x15: {  	[smem:$0x3FB7] =	sst s0;
	s0 =	simm.s32 @!p2 $0x0  }
0x16: {  	s3 =	sld [smem:$0x3FDB];
	s0 =	simm.s32 @p2 $0x1  }
0x17: {  	s4 =	simm.s32 $0x1BF5;
	[smem:$0x3FB9] =	sst s0  }
0x18: {  	s0 =	sld [smem:$0x3F9C];
	_ =	swait.ge [sflag:s4], $0x0  }
0x19: {  	s7 =	sld [smem:$0x3F9D]  }
0x1a: {  	s8 =	sadd.s32 $0xFFFFE003, lr  }
0x1b: {  	s9 =	sadd.s32 $0xFFFFFEF7, lr;
	s5 =	simm.s32 $0xFFFFFFFF;
	p2 =	slt.u32 s8, $0xFFFFF086  }
0x1c: {  	p1 =	slt.u32 s9, $0xF7A;
	s5 =	simm.s32 @!p2 $0x0  }
0x1d: {  	s5 =	simm.s32 @p1 $0x1;
	p0 =	seq.s32 s7, s2  }
0x1e: {  	s7 =	smul.u32 @!p0 $0xF7A, s2;
	p2 =	seq.s32 @!p0 s5, $0x0  }
0x1f: {  	s9 =	smul.u32 $0xF7A, s1;
	s8 =	simm.s32 @!p0 $0x1BF5;
	p2 =	por !p2, p0  }
0x20: {  	[sflag:s8] =	ssyncset.s32 @!p0 $0xFFFFF086;
	s6 =	sadd.s32 @!p0 s3, s7;
	s7 =	simm.s32 @!p0 $0x108  }
0x21: {  	s3 =	sadd.s32 s3, s9;
	s6 =	sadd.s32 @!p0 $0x88, s6;
	s7 =	simm.s32 @p2 $0x1082  }
0x22: {  	[simem:s7], [sflag:s8] =	dma.local @!p0 [hbm:s6], $0xF7A  }
0x23: {  	s9 =	sor.u32 $0xD0000000, s2;
	s6 =	simm.s32 $0x108;
	_ =	swait.ge @!p0 [sflag:s8], $0x0  }
0x24: {  	s3 =	sadd.s32 $0x88, s3;
	s6 =	simm.s32 @!p1 $0x1082;
	[sflag:s4] =	ssyncset.s32 $0xFFFFF086  }
0x25: {  	[simem:s6], [sflag:s4] =	dma.local [hbm:s3], $0xF7A  }
0x26: {  	[smem:$0x3F9D] =	sst s1;
	(tag) =	ssettag s2;
	_ =	strace s9  }
0x27: {  	s1 =	sld [smem:$0x3FAD]  }
0x28: {  	s2 =	sld [smem:$0x3FAE]  }
0x29: {  	s4 =	sld [smem:$0x3FB0]  }
0x2a: {  	p0 =	seq.s32 s5, $0x0;
	s5 =	sld [smem:$0x3FB1]  }
0x2b: {  	s6 =	sld [smem:$0x3FB2]  }
0x2c: {  	s7 =	sld [smem:$0x3FB3]  }
0x2d: {  	s3 =	simm.s32 $0x108;
	s8 =	sld [smem:$0x3FB4]  }
0x2e: {  	s3 =	simm.s32 @!p0 $0x1082;
	s9 =	sld [smem:$0x3FB5]  }
0x2f: {  	lr =	sadd.s32 s0, s3;
	s0 =	sld [smem:$0x3FAC]  }
0x30: {  	s3 =	sld [smem:$0x3FAF]  }
0x31: {  	[smem:$0x3FB8] =	sst s10  }
0x32: {  	s10 =	sld [smem:$0x3FB6];
	_ =	sdelay $0x3  }
0x33: {  	p0 =	seq.s32 s10, $0x1;
	s10 =	sld [smem:$0x3FB8];
	_ =	sdelay $0x3  }
0x34: {  	[smem:$0x3FB8] =	sst s10  }
0x35: {  	s10 =	sld [smem:$0x3FB7];
	_ =	sdelay $0x3  }
0x36: {  	p1 =	seq.s32 s10, $0x1;
	s10 =	sld [smem:$0x3FB8];
	_ =	sdelay $0x3  }
0x37: {  	[smem:$0x3FB8] =	sst s10  }
0x38: {  	s10 =	sld [smem:$0x3FB9]  }
0x39: {  	_ = 	snop;
	(pc) =	sbr.ind lr, $3  }
0x3a: {  	_ = 	snop  }
0x3b: {  	_ = 	snop  }
0x3c: {  	p2 =	seq.s32 s10, $0x1;
	s10 =	sld [smem:$0x3FB8]  }
0x3d: {  	_ =	shalt  }
0x3e: {  	_ =	shalt  }
0x3f: {  	_ =	shalt  }
0x40: {  	_ =	shalt  }
0x41: {  	_ =	shalt  }
0x42: {  	_ =	shalt  }
0x43: {  	_ =	shalt  }
0x44: {  	_ =	shalt  }
0x45: {  	_ =	shalt  }
0x46: {  	_ =	shalt  }
0x47: {  	_ =	shalt  }
0x48: {  	_ =	shalt  }
0x49: {  	_ =	shalt  }
0x4a: {  	_ =	shalt  }
0x4b: {  	_ =	shalt  }
0x4c: {  	_ =	shalt  }
0x4d: {  	_ =	shalt  }
0x4e: {  	_ =	shalt  }
0x4f: {  	_ =	shalt  }
0x50: {  	_ =	shalt  }
0x51: {  	_ =	shalt  }
0x52: {  	_ =	shalt  }
0x53: {  	_ =	shalt  }
0x54: {  	_ =	shalt  }
0x55: {  	_ =	shalt  }
0x56: {  	_ =	shalt  }
0x57: {  	_ =	shalt  }
0x58: {  	_ =	shalt  }
0x59: {  	_ =	shalt  }
0x5a: {  	_ =	shalt  }
0x5b: {  	_ =	shalt  }
0x5c: {  	_ =	shalt  }
0x5d: {  	_ =	shalt  }
0x5e: {  	_ =	shalt  }
0x5f: {  	_ =	shalt  }
0x60: {  	_ =	shalt  }
0x61: {  	_ =	shalt  }
0x62: {  	_ =	shalt  }
0x63: {  	_ =	shalt  }
0x64: {  	_ =	shalt  }
0x65: {  	_ =	shalt  }
0x66: {  	_ =	shalt  }
0x67: {  	_ =	shalt  }
0x68: {  	_ =	shalt  }
0x69: {  	_ =	shalt  }
0x6a: {  	_ =	shalt  }
0x6b: {  	_ =	shalt  }
0x6c: {  	_ =	shalt  }
0x6d: {  	_ =	shalt  }
0x6e: {  	_ =	shalt  }
0x6f: {  	_ =	shalt  }
0x70: {  	_ =	shalt  }
0x71: {  	_ =	shalt  }
0x72: {  	_ =	shalt  }
0x73: {  	_ =	shalt  }
0x74: {  	_ =	shalt  }
0x75: {  	_ =	shalt  }
0x76: {  	_ =	shalt  }
0x77: {  	_ =	shalt  }
0x78: {  	_ =	shalt  }
0x79: {  	_ =	shalt  }
0x7a: {  	_ =	shalt  }
0x7b: {  	_ =	shalt  }
0x7c: {  	_ =	shalt  }
0x7d: {  	_ =	shalt  }
0x7e: {  	_ =	shalt  }
0x7f: {  	_ =	shalt  }
0x80: {  	_ =	shalt  }
0x81: {  	_ =	shalt  }
0x82: {  	_ =	shalt  }
0x83: {  	_ =	shalt  }
0x84: {  	_ =	shalt  }
0x85: {  	_ =	shalt  }
0x86: {  	_ =	shalt  }
0x87: {  	_ =	shalt  }
.Lfunc_end0:
.L_simem_size_0:
called_computation.1_lowered:
.L_overlay_start_0:
0x88: {  	s2 =	sld [smem:$0x3FD9]  }
0x89: {  	s3 =	sld [smem:$0x3FFE];
	_ =	sdelay $0x1  }
0x8a: {  	s1 =	srdreg.scid  }
0x8b: {  	s0 =	sand.u32 $0x1, s1  }
0x8c: {  	s17 =	sshll.u32 s0, $0xA;
	s2 =	sadd.s32 s3, s2  }
0x8d: {  	s2 =	sadd.s32 s2, s17  }
0x8e: {  	[smem:$0x3FC4] =	sst s2  }
0x8f: {  	_ = 	snop  }
0x90: {  	s2 =	sld [smem:$0x3FC9];
	(tm) =	ssettm $0x1  }
0x91: {  	s18 =	sld [smem:$0x3FFB];
	_ =	sdelay $0x3  }
0x92: {  	_ =	strace s18  }
0x93: {  	s3 =	sld [smem:$0x3FFC];
	_ =	sdelay $0x3  }
0x94: {  	_ =	strace s3  }
0x95: {  	s3 =	sld [smem:$0x3FFD];
	_ =	sdelay $0x3  }
0x96: {  	_ =	strace s3  }
0x97: {  	_ =	strace $0x8FFFFFFF  }
0x98: {  	s19 =	sld [smem:$0x3FDB];
	_ =	sdelay $0x1  }
0x99: {  	s4 =	simm.s32 $_scs_section_size  }
0x9a: {  	s5 =	simm.s32 $_size__tile_overlayer_lowered;
	s6 =	simm.s32 $_tile_overlayer_lowered  }
0x9b: {  	s22 =	simm.s32 $0x1BFF;
	s21 =	sshll.u32 s6, $0x1;
	s3 =	sadd.s32 s4, s19  }
0x9c: {  	s7 =	simm.s32 $0x0;
	s20 =	sshll.u32 s5, $0x1;
	s5 =	sadd.s32 s21, s3  }
0x9d: {  	[timem:s7], [sflag:s22] =	dma.local [hbm:s5], s20  }
0x9e: {  	_ =	swait.ge [sflag:s22], s20  }
0x9f: {  	s4 =	ssub.s32 $0x0, s20;
	[sflag:s22] =	ssyncset.done $0x0  }
0xa0: {  	[sflag:s22] =	ssyncadd.s32 s4;
	_ =	sdelay $0x1  }
0xa1: {  	s23 =	simm.s32 $0x1B8B  }
0xa2: {  	_ =	swait.ge [sflag:s23], $0x1  }
0xa3: {  	[sflag:s23] =	ssyncset.done $0x0  }
0xa4: {  	s25 =	simm.s32 $0x1B8E;
	s24 =	sld [smem:$0x3FFE];
	[sflag:s23] =	ssyncadd.s32 $0xFFFFFFFF  }
0xa5: {  	s26 =	simm.s32 $execute0_lowered;
	[smem:$0x3FD2] =	sst s25  }
0xa6: {  	s5 =	sshll.u32 s26, $0x1;
	_ =	strace $0x80000046;
	[dreg:$0x1] =	wrdreg $0xFFFFFFFF  }
0xa7: {  	s28 =	simm.s32 $_size_execute0_lowered;
	s3 =	sadd.s32 s3, s5;
	[dreg:$0x0] =	wrdreg $0x0  }
0xa8: {  	s5 =	sshll.u32 s28, $0x1;
	[dreg:$0x2] =	wrdreg s3  }
0xa9: {  	[dreg:$0x3] =	wrdreg s5  }
0xaa: {  	[dreg:$0x4] =	wrdreg $0xC0  }
0xab: {  	_ =	task [dreg:s7], $0x5FFFF  }
0xac: {  	[dreg:$0x1] =	wrdreg $0xFFFFFFFF  }
0xad: {  	[dreg:$0x0] =	wrdreg $0x60  }
0xae: {  	[dreg:$0x2] =	wrdreg s2  }
0xaf: {  	[dreg:$0x3] =	wrdreg s24  }
0xb0: {  	[dreg:$0x4] =	wrdreg $0xA  }
0xb1: {  	_ =	task.clear_ibuf [dreg:s7], $0x5FFFF;
	_ =	strace $0x90000046  }
0xb2: {  	s29 =	simm.s32 $0xA;
	_ =	strace $0x80000048  }
0xb3: {  	_ =	swait.ge [sflag:s29], $0x1  }
0xb4: {  	[sflag:s29] =	ssyncadd.s32 $0xFFFFFFFF  }
0xb5: {  	_ =	strace $0x90000048  }
0xb6: {  	_ =	sfence  }
0xb7: {  	s30 =	sld [smem:$0x0];
	_ =	sdelay $0x2  }
0xb8: {  	s31 =	sshll.u32 s1, $0xD;
	s1 =	sshrl.u32 s1, $0x2  }
0xb9: {  	s3 =	sand.u32 $0x4000, s31;
	s1 =	sadd.s32 s1, s30  }
0xba: {  	s0 =	sor.u32 s3, s0;
	s1 =	sshll.u32 s1, $0x11  }
0xbb: {  	s0 =	sor.u32 s1, s0  }
0xbc: {  	s0 =	sadd.s32 $0x8F2B, s0  }
0xbd: {  	[sflag:s0] =	ssyncadd.remote.s32 $0x1  }
0xbe: {  	_ =	sfence.sel $0xFFFF  }
0xbf: {  	[dreg:$0x0] =	wrdreg $0xFFFFFFFF;
	(pc) =	sbr.abs _section_cstart, $3  }
0xc0: {  	[dreg:$0x1] =	wrdreg $0xFFFFFFFF  }
0xc1: {  	_ =	task.clear_ibuf [dreg:s7], $0x2FFFF;
	_ =	strace $0x9FFFFFFF  }
0xc2: {  	(tm) =	ssettm $0x7FFFFFFF  }
0xc3: {  	_ =	shalt  }
tec
execute0_lowered:
.L_overlay_start_1:
0x0: {  	(tag) =	ssettag $0x1  }
0x1: {  	s0 =	rddreg [dreg:$0x0]  }
0x2: {  	s1 =	rddreg [dreg:$0x1];
	s3 =	srdreg.scid;
	s2 =	simm.s32 $0x0  }
0x3: {  	s4 =	stileid.u32;
	s28 =	simm.s32 $0x4E00;
	s29 =	simm.s32 $0x5200  }
0x4: {  	s30 =	simm.s32 $0x5600;
	s31 =	simm.s32 $0x5A00;
	s8 =	simm.s32 $0x6600  }
0x5: {  	s9 =	simm.s32 $0x6A00;
	s10 =	simm.s32 $0x6E00;
	s11 =	simm.s32 $0x7200  }
0x6: {  	s12 =	simm.s32 $0x7600;
	s13 =	simm.s32 $0x7A00;
	s14 =	simm.s32 $0x7E00  }
0x7: {  	s15 =	simm.s32 $0x1;
	s16 =	simm.s32 $0x8200;
	s17 =	simm.s32 $0x0  }
0x8: {  	s3 =	sand.u32 $0x1, s3;
	[smem:$0x7FF] =	sst s2;
	s4 =	sshll.u32 s4, $0xA  }
0x9: {  	vm0 =	vmmov $0x1;
	s5 =	sshll.u32 s3, $0x9;
	_ =	strace $0x80000047;
	s25 =	ssub.s32 $0x2, s3  }
0xa: {  	vm2 =	vcmask $0x70C;
	vm3 =	vcmask $0xB10;
	vm4 =	vcmask $0xF14;
	s3 =	sadd.s32 $0xA00, s1;
	s4 =	sor.u32 s5, s4;
	s7 =	sshrl.u32 s25, $0x1  }
0xb: {  	vm5 =	vcmask $0x1318;
	vm6 =	vcmask $0x171C;
	vm7 =	vcmask $0x1B20;
	s6 =	sshll.u32 s4, $0x4;
	s26 =	ssub.s32 s25, s7;
	s4 =	sshrl.u32 s4, $0x3  }
0xc: {  	vm8 =	vcmask $0x1F24;
	vm9 =	vcmask $0x2328;
	vm10 =	vcmask $0x272C;
	s7 =	simm.s32 $0x2;
	s25 =	simm.s32 $0x4600;
	s1 =	sadd.s32 s6, s1  }
0xd: {  	vm11 =	vcmask $0x2B30;
	vm12 =	vcmask $0x2F34;
	vm13 =	vcmask $0x3338;
	s4 =	sadd.s32 s0, s4;
	s6 =	smax.u32 s26, $0x1;
	s26 =	simm.s32 $0x4A00  }
0xe: {  	vm14 =	vcmask $0x373C;
	vm15 =	vmmov $0x7fff;
	v0 =	vlaneseq.u32;
	s0 =	simm.s32 $0x5E00;
	s5 =	sadd.s32 $0xF42E00, s1;
	s1 =	simm.s32 $0x6200  }
.LBB2_1:
0xf: {  	[tilespmem:s2], [sflag:$0x2] =	stream.linear.gather [hbm4b:s4+s2], $0x200, $0x38;
	[tilespmem:$0x18200] =	vst v63  }
0x10: {  	_ =	swait.ge [sflag:s7], $0x200  }
0x11: {  	[sflag:s7] =	ssyncset.done $0x0  }
0x12: {  	[sflag:s7] =	ssyncadd.s32 $0xFFFFFE00  }
0x13: {  	v1 =	vld [tilespmem:$0x0];
	_ =	sdelay $0x4  }
0x14: {  	v1 =	vnsel vm0, $0xFFFFFFFF, v1  }
0x15: {  	v1 =	vxor.u32 $0x80000000, v1  }
0x16: {  	(xrf0) =	vmax.scan.msk.u32 $0xffff, v1;
	_ =	sdelay $0x5  }
0x17: {  	v1, _, _ =	vpop (xrf0)  }
0x18: {  	(v2sf) =	vpush v1, $0xF;
	_ =	sdelay $0xe  }
0x19: {  	s18 =	spop (v2sf)  }
0x1a: {  	s18 =	sshll.u32 s18, $0x4  }
0x1b: {  	s18 =	sand.u32 $0x1FFFFF80, s18  }
0x1c: {  	s19 =	simm.s32 $0x200;
	s18 =	sadd.s32 s3, s18  }
0x1d: {  	[tilespmem:s19], [sflag:$0x1] =	stream.linear.gather [hbm4b:s18+s2], $0x400, $0x38;
	[tilespmem:$0x18200] =	vst v63  }
0x1e: {  	v1 =	vld [tilespmem:$0x0];
	_ =	sdelay $0x3  }
0x1f: {  	vm1 =	vcmask $0x308  }
0x20: {  	v1 =	vsel vm1, $0xFFFFFFFF, v1  }
0x21: {  	v1 =	vxor.u32 $0x80000000, v1  }
0x22: {  	(xrf0) =	vmax.scan.msk.u32 $0xffff, v1;
	_ =	sdelay $0x5  }
0x23: {  	v1, _, _ =	vpop (xrf0)  }
0x24: {  	(v2sf) =	vpush v1, $0xF;
	_ =	sdelay $0xe  }
0x25: {  	s21 =	spop (v2sf)  }
0x26: {  	s18 =	sshll.u32 s21, $0x4  }
0x27: {  	s18 =	sand.u32 $0x1FFFFF80, s18  }
0x28: {  	s22 =	simm.s32 $0x600;
	s18 =	sadd.s32 s3, s18  }
0x29: {  	[tilespmem:s22], [sflag:$0x1] =	stream.linear.gather [hbm4b:s18+s2], $0x400, $0x38;
	[tilespmem:$0x18200] =	vst v63  }
0x2a: {  	v1 =	vld [tilespmem:$0x0];
	_ =	sdelay $0x4  }
0x2b: {  	v1 =	vsel vm2, $0xFFFFFFFF, v1  }
0x2c: {  	v1 =	vxor.u32 $0x80000000, v1  }
0x2d: {  	(xrf0) =	vmax.scan.msk.u32 $0xffff, v1;
	_ =	sdelay $0x5  }
0x2e: {  	v1, _, _ =	vpop (xrf0)  }
0x2f: {  	(v2sf) =	vpush v1, $0xF;
	_ =	sdelay $0xe  }
0x30: {  	s23 =	spop (v2sf)  }
0x31: {  	s18 =	sshll.u32 s23, $0x4  }
0x32: {  	s18 =	sand.u32 $0x1FFFFF80, s18  }
0x33: {  	s24 =	simm.s32 $0xA00;
	s18 =	sadd.s32 s3, s18  }
0x34: {  	[tilespmem:s24], [sflag:$0x1] =	stream.linear.gather [hbm4b:s18+s2], $0x400, $0x38;
	[tilespmem:$0x18200] =	vst v63  }
0x35: {  	v1 =	vld [tilespmem:$0x0];
	_ =	sdelay $0x4  }
0x36: {  	v1 =	vsel vm3, $0xFFFFFFFF, v1  }
0x37: {  	v1 =	vxor.u32 $0x80000000, v1  }
0x38: {  	(xrf0) =	vmax.scan.msk.u32 $0xffff, v1;
	_ =	sdelay $0x5  }
0x39: {  	v1, _, _ =	vpop (xrf0)  }
0x3a: {  	(v2sf) =	vpush v1, $0xF;
	_ =	sdelay $0xe  }
0x3b: {  	s19 =	spop (v2sf)  }
0x3c: {  	s18 =	sshll.u32 s19, $0x4  }
0x3d: {  	s18 =	sand.u32 $0x1FFFFF80, s18  }
0x3e: {  	s20 =	simm.s32 $0xE00;
	s18 =	sadd.s32 s3, s18  }
0x3f: {  	[tilespmem:s20], [sflag:$0x1] =	stream.linear.gather [hbm4b:s18+s2], $0x400, $0x38;
	[tilespmem:$0x18200] =	vst v63  }
0x40: {  	v1 =	vld [tilespmem:$0x0];
	_ =	sdelay $0x4  }
0x41: {  	v1 =	vsel vm4, $0xFFFFFFFF, v1  }
0x42: {  	v1 =	vxor.u32 $0x80000000, v1  }
0x43: {  	(xrf0) =	vmax.scan.msk.u32 $0xffff, v1;
	_ =	sdelay $0x5  }
0x44: {  	v1, _, _ =	vpop (xrf0)  }
0x45: {  	(v2sf) =	vpush v1, $0xF;
	_ =	sdelay $0xe  }
0x46: {  	s21 =	spop (v2sf)  }
0x47: {  	s18 =	sshll.u32 s21, $0x4  }
0x48: {  	s18 =	sand.u32 $0x1FFFFF80, s18  }
0x49: {  	s22 =	simm.s32 $0x1200;
	s18 =	sadd.s32 s3, s18  }
0x4a: {  	[tilespmem:s22], [sflag:$0x1] =	stream.linear.gather [hbm4b:s18+s2], $0x400, $0x38;
	[tilespmem:$0x18200] =	vst v63  }
0x4b: {  	v1 =	vld [tilespmem:$0x0];
	_ =	sdelay $0x4  }
0x4c: {  	v1 =	vsel vm5, $0xFFFFFFFF, v1  }
0x4d: {  	v1 =	vxor.u32 $0x80000000, v1  }
0x4e: {  	(xrf0) =	vmax.scan.msk.u32 $0xffff, v1;
	_ =	sdelay $0x5  }
0x4f: {  	v1, _, _ =	vpop (xrf0)  }
0x50: {  	(v2sf) =	vpush v1, $0xF;
	_ =	sdelay $0xe  }
0x51: {  	s23 =	spop (v2sf)  }
0x52: {  	s18 =	sshll.u32 s23, $0x4  }
0x53: {  	s18 =	sand.u32 $0x1FFFFF80, s18  }
0x54: {  	s24 =	simm.s32 $0x1600;
	s18 =	sadd.s32 s3, s18  }
0x55: {  	[tilespmem:s24], [sflag:$0x1] =	stream.linear.gather [hbm4b:s18+s2], $0x400, $0x38;
	[tilespmem:$0x18200] =	vst v63  }
0x56: {  	v1 =	vld [tilespmem:$0x0];
	_ =	sdelay $0x4  }
0x57: {  	v1 =	vsel vm6, $0xFFFFFFFF, v1  }
0x58: {  	v1 =	vxor.u32 $0x80000000, v1  }
0x59: {  	(xrf0) =	vmax.scan.msk.u32 $0xffff, v1;
	_ =	sdelay $0x5  }
0x5a: {  	v1, _, _ =	vpop (xrf0)  }
0x5b: {  	(v2sf) =	vpush v1, $0xF;
	_ =	sdelay $0xe  }
0x5c: {  	s19 =	spop (v2sf)  }
0x5d: {  	s18 =	sshll.u32 s19, $0x4  }
0x5e: {  	s18 =	sand.u32 $0x1FFFFF80, s18  }
0x5f: {  	s20 =	simm.s32 $0x1A00;
	s18 =	sadd.s32 s3, s18  }
0x60: {  	[tilespmem:s20], [sflag:$0x1] =	stream.linear.gather [hbm4b:s18+s2], $0x400, $0x38;
	[tilespmem:$0x18200] =	vst v63  }
0x61: {  	v1 =	vld [tilespmem:$0x0];
	_ =	sdelay $0x4  }
0x62: {  	v1 =	vsel vm7, $0xFFFFFFFF, v1  }
0x63: {  	v1 =	vxor.u32 $0x80000000, v1  }
0x64: {  	(xrf0) =	vmax.scan.msk.u32 $0xffff, v1;
	_ =	sdelay $0x5  }
0x65: {  	v1, _, _ =	vpop (xrf0)  }
0x66: {  	(v2sf) =	vpush v1, $0xF;
	_ =	sdelay $0xe  }
0x67: {  	s21 =	spop (v2sf)  }
0x68: {  	s18 =	sshll.u32 s21, $0x4  }
0x69: {  	s18 =	sand.u32 $0x1FFFFF80, s18  }
0x6a: {  	s22 =	simm.s32 $0x1E00;
	s18 =	sadd.s32 s3, s18  }
0x6b: {  	[tilespmem:s22], [sflag:$0x1] =	stream.linear.gather [hbm4b:s18+s2], $0x400, $0x38;
	[tilespmem:$0x18200] =	vst v63  }
0x6c: {  	v1 =	vld [tilespmem:$0x0];
	_ =	sdelay $0x4  }
0x6d: {  	v1 =	vsel vm8, $0xFFFFFFFF, v1  }
0x6e: {  	v1 =	vxor.u32 $0x80000000, v1  }
0x6f: {  	(xrf0) =	vmax.scan.msk.u32 $0xffff, v1;
	_ =	sdelay $0x5  }
0x70: {  	v1, _, _ =	vpop (xrf0)  }
0x71: {  	(v2sf) =	vpush v1, $0xF;
	_ =	sdelay $0xe  }
0x72: {  	s23 =	spop (v2sf)  }
0x73: {  	s18 =	sshll.u32 s23, $0x4  }
0x74: {  	s18 =	sand.u32 $0x1FFFFF80, s18  }
0x75: {  	s24 =	simm.s32 $0x2200;
	s18 =	sadd.s32 s3, s18  }
0x76: {  	[tilespmem:s24], [sflag:$0x1] =	stream.linear.gather [hbm4b:s18+s2], $0x400, $0x38;
	[tilespmem:$0x18200] =	vst v63  }
0x77: {  	v1 =	vld [tilespmem:$0x0];
	_ =	sdelay $0x4  }
0x78: {  	v1 =	vsel vm9, $0xFFFFFFFF, v1  }
0x79: {  	v1 =	vxor.u32 $0x80000000, v1  }
0x7a: {  	(xrf0) =	vmax.scan.msk.u32 $0xffff, v1;
	_ =	sdelay $0x5  }
0x7b: {  	v1, _, _ =	vpop (xrf0)  }
0x7c: {  	(v2sf) =	vpush v1, $0xF;
	_ =	sdelay $0xe  }
0x7d: {  	s19 =	spop (v2sf)  }
0x7e: {  	s18 =	sshll.u32 s19, $0x4  }
0x7f: {  	s18 =	sand.u32 $0x1FFFFF80, s18  }
0x80: {  	s20 =	simm.s32 $0x2600;
	s18 =	sadd.s32 s3, s18  }
0x81: {  	[tilespmem:s20], [sflag:$0x1] =	stream.linear.gather [hbm4b:s18+s2], $0x400, $0x38;
	[tilespmem:$0x18200] =	vst v63  }
0x82: {  	v1 =	vld [tilespmem:$0x0];
	_ =	sdelay $0x4  }
0x83: {  	v1 =	vsel vm10, $0xFFFFFFFF, v1  }
0x84: {  	v1 =	vxor.u32 $0x80000000, v1  }
0x85: {  	(xrf0) =	vmax.scan.msk.u32 $0xffff, v1;
	_ =	sdelay $0x5  }
0x86: {  	v1, _, _ =	vpop (xrf0)  }
0x87: {  	(v2sf) =	vpush v1, $0xF;
	_ =	sdelay $0xe  }
0x88: {  	s21 =	spop (v2sf)  }
0x89: {  	s18 =	sshll.u32 s21, $0x4  }
0x8a: {  	s18 =	sand.u32 $0x1FFFFF80, s18  }
0x8b: {  	s22 =	simm.s32 $0x2A00;
	s18 =	sadd.s32 s3, s18  }
0x8c: {  	[tilespmem:s22], [sflag:$0x1] =	stream.linear.gather [hbm4b:s18+s2], $0x400, $0x38;
	[tilespmem:$0x18200] =	vst v63  }
0x8d: {  	v1 =	vld [tilespmem:$0x0];
	_ =	sdelay $0x4  }
0x8e: {  	v1 =	vsel vm11, $0xFFFFFFFF, v1  }
0x8f: {  	v1 =	vxor.u32 $0x80000000, v1  }
0x90: {  	(xrf0) =	vmax.scan.msk.u32 $0xffff, v1;
	_ =	sdelay $0x5  }
0x91: {  	v1, _, _ =	vpop (xrf0)  }
0x92: {  	(v2sf) =	vpush v1, $0xF;
	_ =	sdelay $0xe  }
0x93: {  	s23 =	spop (v2sf)  }
0x94: {  	s18 =	sshll.u32 s23, $0x4  }
0x95: {  	s18 =	sand.u32 $0x1FFFFF80, s18  }
0x96: {  	s24 =	simm.s32 $0x2E00;
	s18 =	sadd.s32 s3, s18  }
0x97: {  	[tilespmem:s24], [sflag:$0x1] =	stream.linear.gather [hbm4b:s18+s2], $0x400, $0x38;
	[tilespmem:$0x18200] =	vst v63  }
0x98: {  	v1 =	vld [tilespmem:$0x0];
	_ =	sdelay $0x4  }
0x99: {  	v1 =	vsel vm12, $0xFFFFFFFF, v1  }
0x9a: {  	v1 =	vxor.u32 $0x80000000, v1  }
0x9b: {  	(xrf0) =	vmax.scan.msk.u32 $0xffff, v1;
	_ =	sdelay $0x5  }
0x9c: {  	v1, _, _ =	vpop (xrf0)  }
0x9d: {  	(v2sf) =	vpush v1, $0xF;
	_ =	sdelay $0xe  }
0x9e: {  	s19 =	spop (v2sf)  }
0x9f: {  	s18 =	sshll.u32 s19, $0x4  }
0xa0: {  	s18 =	sand.u32 $0x1FFFFF80, s18  }
0xa1: {  	s20 =	simm.s32 $0x3200;
	s18 =	sadd.s32 s3, s18  }
0xa2: {  	[tilespmem:s20], [sflag:$0x1] =	stream.linear.gather [hbm4b:s18+s2], $0x400, $0x38;
	[tilespmem:$0x18200] =	vst v63  }
0xa3: {  	v1 =	vld [tilespmem:$0x0];
	_ =	sdelay $0x4  }
0xa4: {  	v1 =	vsel vm13, $0xFFFFFFFF, v1  }
0xa5: {  	v1 =	vxor.u32 $0x80000000, v1  }
0xa6: {  	(xrf0) =	vmax.scan.msk.u32 $0xffff, v1;
	_ =	sdelay $0x5  }
0xa7: {  	v1, _, _ =	vpop (xrf0)  }
0xa8: {  	(v2sf) =	vpush v1, $0xF;
	_ =	sdelay $0xe  }
0xa9: {  	s21 =	spop (v2sf)  }
0xaa: {  	s18 =	sshll.u32 s21, $0x4  }
0xab: {  	s18 =	sand.u32 $0x1FFFFF80, s18  }
0xac: {  	s22 =	simm.s32 $0x3600;
	s18 =	sadd.s32 s3, s18  }
0xad: {  	[tilespmem:s22], [sflag:$0x1] =	stream.linear.gather [hbm4b:s18+s2], $0x400, $0x38;
	[tilespmem:$0x18200] =	vst v63  }
0xae: {  	v1 =	vld [tilespmem:$0x0];
	_ =	sdelay $0x4  }
0xaf: {  	v1 =	vsel vm14, $0xFFFFFFFF, v1  }
0xb0: {  	v1 =	vxor.u32 $0x80000000, v1  }
0xb1: {  	(xrf0) =	vmax.scan.msk.u32 $0xffff, v1;
	_ =	sdelay $0x5  }
0xb2: {  	v1, _, _ =	vpop (xrf0)  }
0xb3: {  	(v2sf) =	vpush v1, $0xF;
	_ =	sdelay $0xe  }
0xb4: {  	s23 =	spop (v2sf)  }
0xb5: {  	s18 =	sshll.u32 s23, $0x4  }
0xb6: {  	s18 =	sand.u32 $0x1FFFFF80, s18  }
0xb7: {  	s24 =	simm.s32 $0x3A00;
	s18 =	sadd.s32 s3, s18  }
0xb8: {  	[tilespmem:s24], [sflag:$0x1] =	stream.linear.gather [hbm4b:s18+s2], $0x400, $0x38;
	[tilespmem:$0x18200] =	vst v63  }
0xb9: {  	v1 =	vld [tilespmem:$0x0];
	_ =	sdelay $0x4  }
0xba: {  	v1 =	vsel vm15, $0xFFFFFFFF, v1  }
0xbb: {  	v1 =	vxor.u32 $0x80000000, v1  }
0xbc: {  	(xrf0) =	vmax.scan.msk.u32 $0xffff, v1;
	_ =	sdelay $0x5  }
0xbd: {  	v1, _, _ =	vpop (xrf0)  }
0xbe: {  	(v2sf) =	vpush v1, $0xF;
	_ =	sdelay $0xe  }
0xbf: {  	s19 =	spop (v2sf)  }
0xc0: {  	s18 =	sshll.u32 s19, $0x4  }
0xc1: {  	s18 =	sand.u32 $0x1FFFFF80, s18  }
0xc2: {  	s20 =	simm.s32 $0x3E00;
	s18 =	sadd.s32 s3, s18  }
0xc3: {  	[tilespmem:s20], [sflag:$0x1] =	stream.linear.gather [hbm4b:s18+s2], $0x400, $0x38;
	[tilespmem:$0x18200] =	vst v63  }
0xc4: {  	v1 =	vld [tilespmem:$0x10];
	_ =	sdelay $0x4  }
0xc5: {  	v1 =	vnsel vm0, $0xFFFFFFFF, v1  }
0xc6: {  	v1 =	vxor.u32 $0x80000000, v1  }
0xc7: {  	(xrf0) =	vmax.scan.msk.u32 $0xffff, v1;
	_ =	sdelay $0x5  }
0xc8: {  	v1, _, _ =	vpop (xrf0)  }
0xc9: {  	(v2sf) =	vpush v1, $0xF;
	_ =	sdelay $0xe  }
0xca: {  	s21 =	spop (v2sf)  }
0xcb: {  	s18 =	sshll.u32 s21, $0x4  }
0xcc: {  	s18 =	sand.u32 $0x1FFFFF80, s18  }
0xcd: {  	s22 =	simm.s32 $0x4200;
	s18 =	sadd.s32 s3, s18  }
0xce: {  	[tilespmem:s22], [sflag:$0x1] =	stream.linear.gather [hbm4b:s18+s2], $0x400, $0x38;
	[tilespmem:$0x18200] =	vst v63  }
0xcf: {  	v1 =	vld [tilespmem:$0x10];
	_ =	sdelay $0x4  }
0xd0: {  	v1 =	vsel vm1, $0xFFFFFFFF, v1  }
0xd1: {  	v1 =	vxor.u32 $0x80000000, v1  }
0xd2: {  	(xrf0) =	vmax.scan.msk.u32 $0xffff, v1;
	_ =	sdelay $0x5  }
0xd3: {  	v1, _, _ =	vpop (xrf0)  }
0xd4: {  	(v2sf) =	vpush v1, $0xF;
	_ =	sdelay $0xe  }
0xd5: {  	s23 =	spop (v2sf)  }
0xd6: {  	s18 =	sshll.u32 s23, $0x4  }
0xd7: {  	s18 =	sand.u32 $0x1FFFFF80, s18  }
0xd8: {  	s18 =	sadd.s32 s3, s18  }
0xd9: {  	[tilespmem:s25], [sflag:$0x1] =	stream.linear.gather [hbm4b:s18+s2], $0x400, $0x38;
	[tilespmem:$0x18200] =	vst v63  }
0xda: {  	v1 =	vld [tilespmem:$0x10];
	_ =	sdelay $0x4  }
0xdb: {  	v1 =	vsel vm2, $0xFFFFFFFF, v1  }
0xdc: {  	v1 =	vxor.u32 $0x80000000, v1  }
0xdd: {  	(xrf0) =	vmax.scan.msk.u32 $0xffff, v1;
	_ =	sdelay $0x5  }
0xde: {  	v1, _, _ =	vpop (xrf0)  }
0xdf: {  	(v2sf) =	vpush v1, $0xF;
	_ =	sdelay $0xe  }
0xe0: {  	s24 =	spop (v2sf)  }
0xe1: {  	s18 =	sshll.u32 s24, $0x4  }
0xe2: {  	s18 =	sand.u32 $0x1FFFFF80, s18  }
0xe3: {  	s18 =	sadd.s32 s3, s18  }
0xe4: {  	[tilespmem:s26], [sflag:$0x1] =	stream.linear.gather [hbm4b:s18+s2], $0x400, $0x38;
	[tilespmem:$0x18200] =	vst v63  }
0xe5: {  	v1 =	vld [tilespmem:$0x10];
	_ =	sdelay $0x4  }
0xe6: {  	v1 =	vsel vm3, $0xFFFFFFFF, v1  }
0xe7: {  	v1 =	vxor.u32 $0x80000000, v1  }
0xe8: {  	(xrf0) =	vmax.scan.msk.u32 $0xffff, v1;
	_ =	sdelay $0x5  }
0xe9: {  	v1, _, _ =	vpop (xrf0)  }
0xea: {  	(v2sf) =	vpush v1, $0xF;
	_ =	sdelay $0xe  }
0xeb: {  	s19 =	spop (v2sf)  }
0xec: {  	s18 =	sshll.u32 s19, $0x4  }
0xed: {  	s18 =	sand.u32 $0x1FFFFF80, s18  }
0xee: {  	s18 =	sadd.s32 s3, s18  }
0xef: {  	[tilespmem:s28], [sflag:$0x1] =	stream.linear.gather [hbm4b:s18+s2], $0x400, $0x38;
	[tilespmem:$0x18200] =	vst v63  }
0xf0: {  	v1 =	vld [tilespmem:$0x10];
	_ =	sdelay $0x4  }
0xf1: {  	v1 =	vsel vm4, $0xFFFFFFFF, v1  }
0xf2: {  	v1 =	vxor.u32 $0x80000000, v1  }
0xf3: {  	(xrf0) =	vmax.scan.msk.u32 $0xffff, v1;
	_ =	sdelay $0x5  }
0xf4: {  	v1, _, _ =	vpop (xrf0)  }
0xf5: {  	(v2sf) =	vpush v1, $0xF;
	_ =	sdelay $0xe  }
0xf6: {  	s20 =	spop (v2sf)  }
0xf7: {  	s18 =	sshll.u32 s20, $0x4  }
0xf8: {  	s18 =	sand.u32 $0x1FFFFF80, s18  }
0xf9: {  	s18 =	sadd.s32 s3, s18  }
0xfa: {  	[tilespmem:s29], [sflag:$0x1] =	stream.linear.gather [hbm4b:s18+s2], $0x400, $0x38;
	[tilespmem:$0x18200] =	vst v63  }
0xfb: {  	v1 =	vld [tilespmem:$0x10];
	_ =	sdelay $0x4  }
0xfc: {  	v1 =	vsel vm5, $0xFFFFFFFF, v1  }
0xfd: {  	v1 =	vxor.u32 $0x80000000, v1  }
0xfe: {  	(xrf0) =	vmax.scan.msk.u32 $0xffff, v1;
	_ =	sdelay $0x5  }
0xff: {  	v1, _, _ =	vpop (xrf0)  }
0x100: {  	(v2sf) =	vpush v1, $0xF;
	_ =	sdelay $0xe  }
0x101: {  	s21 =	spop (v2sf)  }
0x102: {  	s18 =	sshll.u32 s21, $0x4  }
0x103: {  	s18 =	sand.u32 $0x1FFFFF80, s18  }
0x104: {  	s18 =	sadd.s32 s3, s18  }
0x105: {  	[tilespmem:s30], [sflag:$0x1] =	stream.linear.gather [hbm4b:s18+s2], $0x400, $0x38;
	[tilespmem:$0x18200] =	vst v63  }
0x106: {  	v1 =	vld [tilespmem:$0x10];
	_ =	sdelay $0x4  }
0x107: {  	v1 =	vsel vm6, $0xFFFFFFFF, v1  }
0x108: {  	v1 =	vxor.u32 $0x80000000, v1  }
0x109: {  	(xrf0) =	vmax.scan.msk.u32 $0xffff, v1;
	_ =	sdelay $0x5  }
0x10a: {  	v1, _, _ =	vpop (xrf0)  }
0x10b: {  	(v2sf) =	vpush v1, $0xF;
	_ =	sdelay $0xe  }
0x10c: {  	s22 =	spop (v2sf)  }
0x10d: {  	s18 =	sshll.u32 s22, $0x4  }
0x10e: {  	s18 =	sand.u32 $0x1FFFFF80, s18  }
0x10f: {  	s18 =	sadd.s32 s3, s18  }
0x110: {  	[tilespmem:s31], [sflag:$0x1] =	stream.linear.gather [hbm4b:s18+s2], $0x400, $0x38;
	[tilespmem:$0x18200] =	vst v63  }
0x111: {  	v1 =	vld [tilespmem:$0x10];
	_ =	sdelay $0x4  }
0x112: {  	v1 =	vsel vm7, $0xFFFFFFFF, v1  }
0x113: {  	v1 =	vxor.u32 $0x80000000, v1  }
0x114: {  	(xrf0) =	vmax.scan.msk.u32 $0xffff, v1;
	_ =	sdelay $0x5  }
0x115: {  	v1, _, _ =	vpop (xrf0)  }
0x116: {  	(v2sf) =	vpush v1, $0xF;
	_ =	sdelay $0xe  }
0x117: {  	s23 =	spop (v2sf)  }
0x118: {  	s18 =	sshll.u32 s23, $0x4  }
0x119: {  	s18 =	sand.u32 $0x1FFFFF80, s18  }
0x11a: {  	s18 =	sadd.s32 s3, s18  }
0x11b: {  	[tilespmem:s0], [sflag:$0x1] =	stream.linear.gather [hbm4b:s18+s2], $0x400, $0x38;
	[tilespmem:$0x18200] =	vst v63  }
0x11c: {  	v1 =	vld [tilespmem:$0x10];
	_ =	sdelay $0x4  }
0x11d: {  	v1 =	vsel vm8, $0xFFFFFFFF, v1  }
0x11e: {  	v1 =	vxor.u32 $0x80000000, v1  }
0x11f: {  	(xrf0) =	vmax.scan.msk.u32 $0xffff, v1;
	_ =	sdelay $0x5  }
0x120: {  	v1, _, _ =	vpop (xrf0)  }
0x121: {  	(v2sf) =	vpush v1, $0xF;
	_ =	sdelay $0xe  }
0x122: {  	s24 =	spop (v2sf)  }
0x123: {  	s18 =	sshll.u32 s24, $0x4  }
0x124: {  	s18 =	sand.u32 $0x1FFFFF80, s18  }
0x125: {  	s18 =	sadd.s32 s3, s18  }
0x126: {  	[tilespmem:s1], [sflag:$0x1] =	stream.linear.gather [hbm4b:s18+s2], $0x400, $0x38;
	[tilespmem:$0x18200] =	vst v63  }
0x127: {  	v1 =	vld [tilespmem:$0x10];
	_ =	sdelay $0x4  }
0x128: {  	v1 =	vsel vm9, $0xFFFFFFFF, v1  }
0x129: {  	v1 =	vxor.u32 $0x80000000, v1  }
0x12a: {  	(xrf0) =	vmax.scan.msk.u32 $0xffff, v1;
	_ =	sdelay $0x5  }
0x12b: {  	v1, _, _ =	vpop (xrf0)  }
0x12c: {  	(v2sf) =	vpush v1, $0xF;
	_ =	sdelay $0xe  }
0x12d: {  	s19 =	spop (v2sf)  }
0x12e: {  	s18 =	sshll.u32 s19, $0x4  }
0x12f: {  	s18 =	sand.u32 $0x1FFFFF80, s18  }
0x130: {  	s18 =	sadd.s32 s3, s18  }
0x131: {  	[tilespmem:s8], [sflag:$0x1] =	stream.linear.gather [hbm4b:s18+s2], $0x400, $0x38;
	[tilespmem:$0x18200] =	vst v63  }
0x132: {  	v1 =	vld [tilespmem:$0x10];
	_ =	sdelay $0x4  }
0x133: {  	v1 =	vsel vm10, $0xFFFFFFFF, v1  }
0x134: {  	v1 =	vxor.u32 $0x80000000, v1  }
0x135: {  	(xrf0) =	vmax.scan.msk.u32 $0xffff, v1;
	_ =	sdelay $0x5  }
0x136: {  	v1, _, _ =	vpop (xrf0)  }
0x137: {  	(v2sf) =	vpush v1, $0xF;
	_ =	sdelay $0xe  }
0x138: {  	s20 =	spop (v2sf)  }
0x139: {  	s18 =	sshll.u32 s20, $0x4  }
0x13a: {  	s18 =	sand.u32 $0x1FFFFF80, s18  }
0x13b: {  	s18 =	sadd.s32 s3, s18  }
0x13c: {  	[tilespmem:s9], [sflag:$0x1] =	stream.linear.gather [hbm4b:s18+s2], $0x400, $0x38;
	[tilespmem:$0x18200] =	vst v63  }
0x13d: {  	v1 =	vld [tilespmem:$0x10];
	_ =	sdelay $0x4  }
0x13e: {  	v1 =	vsel vm11, $0xFFFFFFFF, v1  }
0x13f: {  	v1 =	vxor.u32 $0x80000000, v1  }
0x140: {  	(xrf0) =	vmax.scan.msk.u32 $0xffff, v1;
	_ =	sdelay $0x5  }
0x141: {  	v1, _, _ =	vpop (xrf0)  }
0x142: {  	(v2sf) =	vpush v1, $0xF;
	_ =	sdelay $0xe  }
0x143: {  	s21 =	spop (v2sf)  }
0x144: {  	s18 =	sshll.u32 s21, $0x4  }
0x145: {  	s18 =	sand.u32 $0x1FFFFF80, s18  }
0x146: {  	s18 =	sadd.s32 s3, s18  }
0x147: {  	[tilespmem:s10], [sflag:$0x1] =	stream.linear.gather [hbm4b:s18+s2], $0x400, $0x38;
	[tilespmem:$0x18200] =	vst v63  }
0x148: {  	v1 =	vld [tilespmem:$0x10];
	_ =	sdelay $0x4  }
0x149: {  	v1 =	vsel vm12, $0xFFFFFFFF, v1  }
0x14a: {  	v1 =	vxor.u32 $0x80000000, v1  }
0x14b: {  	(xrf0) =	vmax.scan.msk.u32 $0xffff, v1;
	_ =	sdelay $0x5  }
0x14c: {  	v1, _, _ =	vpop (xrf0)  }
0x14d: {  	(v2sf) =	vpush v1, $0xF;
	_ =	sdelay $0xe  }
0x14e: {  	s22 =	spop (v2sf)  }
0x14f: {  	s18 =	sshll.u32 s22, $0x4  }
0x150: {  	s18 =	sand.u32 $0x1FFFFF80, s18  }
0x151: {  	s18 =	sadd.s32 s3, s18  }
0x152: {  	[tilespmem:s11], [sflag:$0x1] =	stream.linear.gather [hbm4b:s18+s2], $0x400, $0x38;
	[tilespmem:$0x18200] =	vst v63  }
0x153: {  	v1 =	vld [tilespmem:$0x10];
	_ =	sdelay $0x4  }
0x154: {  	v1 =	vsel vm13, $0xFFFFFFFF, v1  }
0x155: {  	v1 =	vxor.u32 $0x80000000, v1  }
0x156: {  	(xrf0) =	vmax.scan.msk.u32 $0xffff, v1;
	_ =	sdelay $0x5  }
0x157: {  	v1, _, _ =	vpop (xrf0)  }
0x158: {  	(v2sf) =	vpush v1, $0xF;
	_ =	sdelay $0xe  }
0x159: {  	s23 =	spop (v2sf)  }
0x15a: {  	s18 =	sshll.u32 s23, $0x4  }
0x15b: {  	s18 =	sand.u32 $0x1FFFFF80, s18  }
0x15c: {  	s18 =	sadd.s32 s3, s18  }
0x15d: {  	[tilespmem:s12], [sflag:$0x1] =	stream.linear.gather [hbm4b:s18+s2], $0x400, $0x38;
	[tilespmem:$0x18200] =	vst v63  }
0x15e: {  	v1 =	vld [tilespmem:$0x10];
	_ =	sdelay $0x4  }
0x15f: {  	v1 =	vsel vm14, $0xFFFFFFFF, v1  }
0x160: {  	v1 =	vxor.u32 $0x80000000, v1  }
0x161: {  	(xrf0) =	vmax.scan.msk.u32 $0xffff, v1;
	_ =	sdelay $0x5  }
0x162: {  	v1, _, _ =	vpop (xrf0)  }
0x163: {  	(v2sf) =	vpush v1, $0xF;
	_ =	sdelay $0xe  }
0x164: {  	s24 =	spop (v2sf)  }
0x165: {  	s18 =	sshll.u32 s24, $0x4  }
0x166: {  	s18 =	sand.u32 $0x1FFFFF80, s18  }
0x167: {  	s18 =	sadd.s32 s3, s18  }
0x168: {  	[tilespmem:s13], [sflag:$0x1] =	stream.linear.gather [hbm4b:s18+s2], $0x400, $0x38;
	[tilespmem:$0x18200] =	vst v63  }
0x169: {  	v1 =	vld [tilespmem:$0x10];
	_ =	sdelay $0x4  }
0x16a: {  	v1 =	vsel vm15, $0xFFFFFFFF, v1  }
0x16b: {  	v1 =	vxor.u32 $0x80000000, v1  }
0x16c: {  	(xrf0) =	vmax.scan.msk.u32 $0xffff, v1;
	_ =	sdelay $0x5  }
0x16d: {  	v1, _, _ =	vpop (xrf0)  }
0x16e: {  	(v2sf) =	vpush v1, $0xF;
	_ =	sdelay $0xe  }
0x16f: {  	s19 =	spop (v2sf)  }
0x170: {  	s18 =	sshll.u32 s19, $0x4  }
0x171: {  	s18 =	sand.u32 $0x1FFFFF80, s18  }
0x172: {  	s18 =	sadd.s32 s3, s18  }
0x173: {  	[tilespmem:s14], [sflag:$0x1] =	stream.linear.gather [hbm4b:s18+s2], $0x400, $0x38;
	[tilespmem:$0x18200] =	vst v63  }
0x174: {  	_ =	swait.ge [sflag:s15], $0x400  }
0x175: {  	[sflag:s15] =	ssyncset.done $0x0  }
0x176: {  	s20 =	sand.u32 $0x1F0, s2;
	[sflag:s15] =	ssyncadd.s32 $0xFFFFFC00  }
0x177: {  	v1 =	vld [tilespmem:s20+$0x0];
	_ =	sdelay $0x2  }
0x178: {  	s21 =	sand.u32 $0xF, s2  }
0x179: {  	v2 =	vmov s21  }
0x17a: {  	vm1 =	veq.s32 v2, v0;
	v1 =	vxor.u32 $0x80000000, v1  }
0x17b: {  	v1 =	vnsel vm1, $0x7FFFFFFF, v1  }
0x17c: {  	(xrf0) =	vmax.scan.msk.u32 $0xffff, v1;
	_ =	sdelay $0x5  }
0x17d: {  	v1, _, _ =	vpop (xrf0)  }
0x17e: {  	(v2sf) =	vpush v1, $0xF;
	_ =	sdelay $0xe  }
0x17f: {  	s22 =	spop (v2sf)  }
0x180: {  	s23 =	sand.u32 $0x7C00, s2;
	s18 =	sshll.u32 s22, $0x7  }
0x181: {  	s21 =	sor.u32 $0x200, s23;
	s18 =	sand.u32 $0x380, s18  }
0x182: {  	s18 =	sadd.s32 s18, s21  }
0x183: {  	v1 =	vld [tilespmem:s18+$0x0];
	_ =	sdelay $0x3  }
0x184: {  	s24 =	simm.s32 $0x8220  }
0x185: {  	[tilespmem:s24+$0xFFFFFFE0] =	vst v1  }
0x186: {  	v1 =	vld [tilespmem:s18+$0x10];
	_ =	sdelay $0x4  }
0x187: {  	[tilespmem:s24+$0xFFFFFFF0] =	vst v1  }
0x188: {  	v1 =	vld [tilespmem:s18+$0x20];
	_ =	sdelay $0x4  }
0x189: {  	[tilespmem:s24+$0x0] =	vst v1  }
0x18a: {  	v1 =	vld [tilespmem:s18+$0x30];
	_ =	sdelay $0x2  }
0x18b: {  	p1 =	por $0x0, $0x0  }
0x18c: {  	s18 =	simm.s32 @!p1 $0x20  }
0x18d: {  	s18 =	sand.u32 @!p1 $0x3F0, s18;
	[tilespmem:s24+$0x10] =	vst v1  }
0x18e: {  	v1 =	vld @!p1 [tilespmem:s18+$0x0];
	_ =	sdelay $0x3  }
0x18f: {  	v3 =	vlaneseq.u32 @!p1  }
0x190: {  	vm1 =	veq.s32 @!p1 v2, v3;
	v1 =	vxor.u32 @!p1 $0x80000000, v1  }
0x191: {  	v1 =	vnsel @!p1 vm1, $0x7FFFFFFF, v1  }
0x192: {  	(xrf0) =	vmax.scan.msk.u32 @!p1 $0xffff, v1;
	_ =	sdelay $0x5  }
0x193: {  	v1, _, _ =	vpop @!p1 (xrf0)  }
0x194: {  	(v2sf) =	vpush @!p1 v1, $0xF;
	_ =	sdelay $0xe  }
0x195: {  	s18 =	spop @!p1 (v2sf)  }
0x196: {  	s19 =	sshll.u32 @!p1 s18, $0x4  }
0x197: {  	s23 =	simm.s32 @!p1 $0x0;
	s18 =	simm.s32 $0x1;
	s20 =	sand.u32 @!p1 $0x1FFFFF80, s19  }
0x198: {  	s19 =	simm.s32 $0x82A0;
	s22 =	sadd.s32 @!p1 s3, s20;
	s20 =	simm.s32 $0x400  }
.LBB2_2:
0x199: {  	[tilespmem:s21], [sflag:$0x1] =	stream.linear.gather @!p1 [hbm4b:s22+s23], $0x400, $0x38;
	[tilespmem:$0x18200] =	vst v63  }
0x19a: {  	s22 =	smov.u32 s18;
	s18 =	sadd.s32 $0x1, s18;
	_ =	swait.ge [sflag:s15], $0x400  }
0x19b: {  	p0 =	sne.s32 s18, $0x200;
	[sflag:s15] =	ssyncset.done $0x0  }
0x19c: {  	s21 =	sand.u32 $0x1F0, s22;
	[sflag:s15] =	ssyncadd.s32 $0xFFFFFC00  }
0x19d: {  	v1 =	vld [tilespmem:s21+$0x0];
	_ =	sdelay $0x2  }
0x19e: {  	s21 =	sand.u32 $0xF, s22  }
0x19f: {  	v2 =	vmov s21  }
0x1a0: {  	vm1 =	veq.s32 v2, v0;
	v1 =	vxor.u32 $0x80000000, v1  }
0x1a1: {  	v1 =	vnsel vm1, $0x7FFFFFFF, v1  }
0x1a2: {  	(xrf0) =	vmax.scan.msk.u32 $0xffff, v1;
	_ =	sdelay $0x5  }
0x1a3: {  	v1, _, _ =	vpop (xrf0)  }
0x1a4: {  	(v2sf) =	vpush v1, $0xF;
	_ =	sdelay $0xe  }
0x1a5: {  	s21 =	spop (v2sf)  }
0x1a6: {  	s23 =	sand.u32 $0x7C00, s20;
	s21 =	sshll.u32 s21, $0x7  }
0x1a7: {  	s24 =	sand.u32 $0x380, s21;
	s21 =	sor.u32 $0x200, s23  }
0x1a8: {  	s23 =	sadd.s32 s24, s21  }
0x1a9: {  	v1 =	vld [tilespmem:s23+$0x0];
	_ =	sdelay $0x4  }
0x1aa: {  	[tilespmem:s19+$0xFFFFFFE0] =	vst v1  }
0x1ab: {  	v1 =	vld [tilespmem:s23+$0x10];
	_ =	sdelay $0x4  }
0x1ac: {  	[tilespmem:s19+$0xFFFFFFF0] =	vst v1  }
0x1ad: {  	v1 =	vld [tilespmem:s23+$0x20];
	_ =	sdelay $0x4  }
0x1ae: {  	[tilespmem:s19+$0x0] =	vst v1  }
0x1af: {  	v1 =	vld [tilespmem:s23+$0x30];
	_ =	sdelay $0x2  }
0x1b0: {  	p1 =	sgt.u32 s22, $0x1DF  }
0x1b1: {  	v3 =	vlaneseq.u32 @!p1;
	s22 =	sadd.s32 @!p1 $0x20, s22  }
0x1b2: {  	s22 =	sand.u32 @!p1 $0x3F0, s22;
	vm1 =	veq.s32 @!p1 v2, v3;
	[tilespmem:s19+$0x10] =	vst v1  }
0x1b3: {  	v1 =	vld @!p1 [tilespmem:s22+$0x0];
	_ =	sdelay $0x4  }
0x1b4: {  	v1 =	vxor.u32 @!p1 $0x80000000, v1  }
0x1b5: {  	v1 =	vnsel @!p1 vm1, $0x7FFFFFFF, v1  }
0x1b6: {  	(xrf0) =	vmax.scan.msk.u32 @!p1 $0xffff, v1;
	_ =	sdelay $0x5  }
0x1b7: {  	v1, _, _ =	vpop @!p1 (xrf0)  }
0x1b8: {  	(v2sf) =	vpush @!p1 v1, $0xF;
	_ =	sdelay $0xd  }
.Ltmp0:
0x1b9: {  	(pc) =	sbr.rel @p0 .LBB2_2-.Ltmp0, $4  }
0x1ba: {  	s22 =	spop @!p1 (v2sf)  }
0x1bb: {  	s22 =	sshll.u32 @!p1 s22, $0x4  }
0x1bc: {  	s19 =	sadd.s32 $0x80, s19;
	s22 =	sand.u32 @!p1 $0x1FFFFF80, s22  }
0x1bd: {  	s20 =	sadd.s32 $0x400, s20;
	s23 =	simm.s32 @!p1 $0x0;
	s22 =	sadd.s32 @!p1 s3, s22  }
0x1be: {  	[tilespmem:s21], [sflag:$0x1] =	stream.linear.gather @!p1 [hbm4b:s22+s23], $0x400, $0x38;
	[tilespmem:$0x18200] =	vst v63  }
0x1bf: {  	s17 =	sadd.s32 $0x1, s17  }
0x1c0: {  	p0 =	sne.s32 s17, s6  }
.Ltmp1:
0x1c1: {  	_ = 	snop;
	(pc) =	sbr.rel @p0 .LBB2_1-.Ltmp1, $4  }
0x1c2: {  	[hbm4b:s5+s2] =	stream.linear.scatter [tilespmem:s16], [sflag:$0x2], $0x10000, $0x38;
	[tilespmem:$0x18200] =	vst v63  }
0x1c3: {  	_ =	swait.ge [sflag:s7], $0x10000  }
0x1c4: {  	[sflag:s7] =	ssyncset.done $0x0  }
0x1c5: {  	[sflag:s7] =	ssyncadd.s32 $0xFFFF0000  }
0x1c6: {  	_ =	sfence.sel $0x180000  }
0x1c7: {  	[bflag:$0x0] =	sbarrier.arrive $0xFFFF  }
0x1c8: {  	_ =	strace $0x90000047  }
0x1c9: {  	s0 =	stileid.u32;
	[bflag:$0x2] =	sbarrier.arrive $0xFFFF  }
0x1ca: {  	p0 =	sne.s32 s0, $0x0;
	s0 =	rddreg [dreg:$0x2]  }
0x1cb: {  	s0 =	sadd.s32 @!p0 $0x100000, s0  }
0x1cc: {  	[sflag:s0] =	ssyncadd.tile.s32 @!p0 $0x1;
	_ =	shalt  }
.Lfunc_end2:
_tile_overlayer_lowered:
.L_overlay_start_2:
0x1cd: {  	(tag) =	ssettag $0x2  }
0x1ce: {  	s0 =	rddreg [dreg:$0x0];
	s2 =	stileid.u32  }
0x1cf: {  	s1 =	rddreg [dreg:$0x1];
	p0 =	sne.s32 s2, $0x0  }
0x1d0: {  	s3 =	rddreg [dreg:$0x2];
	[bflag:$0x3] =	sbarrier.arrive $0xFFFF;
	s2 =	simm.s32 @!p0 $0x1C02  }
0x1d1: {  	[timem:s3], [sflag:s2] =	dma.local @!p0 [hbm:s0], s1  }
0x1d2: {  	s0 =	simm.s32 @!p0 $0x2  }
0x1d3: {  	_ =	swait.ge @!p0 [sflag:s0], s1  }
0x1d4: {  	s1 =	ssub.s32 @!p0 $0x0, s1;
	[sflag:s0] =	ssyncset.done @!p0 $0x0  }
0x1d5: {  	[sflag:s0] =	ssyncadd.s32 @!p0 s1  }
0x1d6: {  	[bflag:$0x3] =	sbarrier.arrive $0xFFFF  }
0x1d7: {  	_ =	shalt  }

</sc_bundles>
